<compile_context>
chip_gen: v7x
topology: tpu7x:2x2x1
jax: 0.10.2.dev20260603
libtpu: 0.0.44.dev20260713+nightly
codegen_flags: <defaults>
</compile_context>

<pallas_src>
import functools

import jax
import jax.numpy as jnp
from jax import lax
from jax.experimental import pallas as pl
from jax.experimental.pallas import tpu as pltpu
from jax.experimental.pallas import tpu_sc as plsc

N = 10000
D = 128
E = 320000
NC, NS = 2, 16
NW = NC * NS
CPW = 80
CPH = CPW // 2
CHP = NW * CPW
N_PAD = N + 128
SL = 640
SL_LAST = N - SL * (NS - 1)

_mesh = lambda: plsc.VectorSubcoreMesh(core_axis_name="c", subcore_axis_name="s")


def _for_my_slice(s, fn):

    @pl.when(s < NS - 1)
    def _():
        def b(k, carry):
            fn(pl.multiple_of(s * SL + k * 128, 128), 128)
            return carry

        lax.fori_loop(0, SL // 128, b, 0)

    @pl.when(s == NS - 1)
    def _():
        base = (NS - 1) * SL
        for k in range(SL_LAST // 128):
            fn(base + k * 128, 128)
        fn(base + (SL_LAST // 128) * 128, SL_LAST % 128)


def _degree_partials(dst2):

    @functools.partial(
        pl.kernel,
        out_type=jax.ShapeDtypeStruct((NC, 1, N), jnp.float32),
        mesh=_mesh(),
        scratch_types=[
            pltpu.VMEM_SHARED((N_PAD,), jnp.float32),
            pltpu.VMEM((CPW, 128), jnp.int32),
            pltpu.VMEM((128,), jnp.float32),
            pltpu.VMEM((128,), jnp.float32),
            pltpu.SemaphoreType.DMA,
        ],
    )
    def k(dst_hbm, out_hbm, acc, didx_all, ones_v, stage, sem):
        c = lax.axis_index("c")
        s = lax.axis_index("s")
        w = s * NC + c
        for i in range(8):
            ones_v[pl.ds(i * 16, 16)] = jnp.ones((16,), jnp.float32)
            stage[pl.ds(i * 16, 16)] = jnp.zeros((16,), jnp.float32)

        _for_my_slice(s, lambda off, ln: pltpu.sync_copy(
            stage.at[pl.ds(0, ln)], acc.at[pl.ds(off, ln)]))
        plsc.subcore_barrier()

        base = w * CPW
        pltpu.sync_copy(dst_hbm.at[pl.ds(base, CPW)], didx_all)

        def body(j, carry):
            pltpu.async_copy(ones_v, acc.at[didx_all.at[j]], sem, add=True)
            return carry

        lax.fori_loop(0, CPW, body, 0)

        def drain(j, carry):
            pltpu.make_async_copy(ones_v, acc.at[didx_all.at[0]], sem).wait()
            return carry

        lax.fori_loop(0, CPW, drain, 0)
        plsc.subcore_barrier()

        def wb(off, ln):
            pltpu.sync_copy(acc.at[pl.ds(off, ln)], stage.at[pl.ds(0, ln)])
            pltpu.sync_copy(stage.at[pl.ds(0, ln)],
                            out_hbm.at[c].at[0].at[pl.ds(off, ln)])

        _for_my_slice(s, wb)

    return k(dst2)


def _propagate(xws, src2, dst2):

    @functools.partial(
        pl.kernel,
        out_type=jax.ShapeDtypeStruct((NC, N, D), jnp.float32),
        mesh=_mesh(),
        scratch_types=[
            pltpu.VMEM_SHARED((N_PAD, D), jnp.float32),
            pltpu.VMEM((128, D), jnp.float32),
            pltpu.VMEM((128, D), jnp.float32),
        ] + [pltpu.VMEM((128,), jnp.int32)] * 8 + [
            pltpu.SemaphoreType.DMA,
            pltpu.SemaphoreType.DMA,
            pltpu.SemaphoreType.DMA,
            pltpu.SemaphoreType.DMA,
            pltpu.SemaphoreType.DMA,
            pltpu.SemaphoreType.DMA,
        ],
    )
    def k(xws_hbm, src_hbm, dst_hbm, out_hbm, acc, rows_a, rows_b,
          sa0, sb0, da0, db0, sa1, sb1, da1, db1,
          gsem_a, gsem_b, ssem_a, ssem_b, isem0, isem1):
        c = lax.axis_index("c")
        s = lax.axis_index("s")
        w = s * NC + c

        def zrow(i, carry):
            def zcol(j, c2):
                rows_a[i, pl.ds(j * 16, 16)] = jnp.zeros((16,), jnp.float32)
                return c2

            return lax.fori_loop(0, D // 16, zcol, carry)

        lax.fori_loop(0, 128, zrow, 0)

        _for_my_slice(s, lambda off, ln: pltpu.async_copy(
            rows_a.at[pl.ds(0, ln)], acc.at[pl.ds(off, ln)], isem0))
        _for_my_slice(s, lambda off, ln: pltpu.make_async_copy(
            rows_a.at[pl.ds(0, ln)], acc.at[pl.ds(off, ln)], isem0).wait())
        plsc.subcore_barrier()

        base = w * CPW

        def gath(rows, sidx, sem):
            pltpu.async_copy(xws_hbm.at[sidx], rows, sem)

        def gath_wait(rows, sidx, sem):
            pltpu.make_async_copy(xws_hbm.at[sidx], rows, sem).wait()

        def scat(rows, didx, sem):
            pltpu.async_copy(rows, acc.at[didx], sem, add=True)

        def scat_wait(rows, didx, sem):
            pltpu.make_async_copy(rows, acc.at[didx], sem).wait()

        def idx_fetch(j0, sa, sb, da, db, isem):
            pltpu.async_copy(src_hbm.at[j0], sa, isem)
            pltpu.async_copy(dst_hbm.at[j0], da, isem)
            pltpu.async_copy(src_hbm.at[j0 + 1], sb, isem)
            pltpu.async_copy(dst_hbm.at[j0 + 1], db, isem)

        def idx_wait(sa, sb, da, db, isem):
            pltpu.make_async_copy(src_hbm.at[base], sa, isem).wait()
            pltpu.make_async_copy(dst_hbm.at[base], da, isem).wait()
            pltpu.make_async_copy(src_hbm.at[base], sb, isem).wait()
            pltpu.make_async_copy(dst_hbm.at[base], db, isem).wait()

        NPAIR = CPW // 2

        def pair_body(u, first, last, sa, sb, da, db, isem,
                      nsa, nsb, nda, ndb, nisem):
            j0 = base + 2 * u
            if first:
                @pl.when(u > 0)
                def _():
                    scat_wait(rows_b, db, ssem_b)
            else:
                scat_wait(rows_b, db, ssem_b)
            if last:
                @pl.when(u + 1 < NPAIR)
                def _():
                    idx_fetch(j0 + 2, nsa, nsb, nda, ndb, nisem)
            else:
                idx_fetch(j0 + 2, nsa, nsb, nda, ndb, nisem)
            gath_wait(rows_a, sa, gsem_a)
            scat(rows_a, da, ssem_a)
            gath(rows_b, sb, gsem_b)
            gath_wait(rows_b, sb, gsem_b)
            scat(rows_b, db, ssem_b)
            scat_wait(rows_a, da, ssem_a)
            if last:
                @pl.when(u + 1 < NPAIR)
                def _():
                    idx_wait(nsa, nsb, nda, ndb, nisem)
                    gath(rows_a, nsa, gsem_a)
            else:
                idx_wait(nsa, nsb, nda, ndb, nisem)
                gath(rows_a, nsa, gsem_a)

        idx_fetch(base, sa0, sb0, da0, db0, isem0)
        idx_wait(sa0, sb0, da0, db0, isem0)
        gath(rows_a, sa0, gsem_a)

        def outer(t2, carry):
            pair_body(2 * t2, True, False, sa0, sb0, da0, db0, isem0,
                      sa1, sb1, da1, db1, isem1)
            pair_body(2 * t2 + 1, False, True, sa1, sb1, da1, db1, isem1,
                      sa0, sb0, da0, db0, isem0)
            return carry

        lax.fori_loop(0, NPAIR // 2, outer, 0)
        scat_wait(rows_b, db1, ssem_b)
        plsc.subcore_barrier()

        def wb_chunks(chunks):
            bufs = (rows_a, rows_b)
            in_sems = (gsem_a, gsem_b)
            out_sems = (ssem_a, ssem_b)
            nch = len(chunks)
            for k, (off, ln) in enumerate(chunks):
                b, isem_k, osem_k = bufs[k % 2], in_sems[k % 2], out_sems[k % 2]
                if k >= 2:
                    off2, ln2 = chunks[k - 2]
                    pltpu.make_async_copy(
                        b.at[pl.ds(0, ln2)],
                        out_hbm.at[c].at[pl.ds(off2, ln2)], osem_k).wait()
                pltpu.async_copy(acc.at[pl.ds(off, ln)], b.at[pl.ds(0, ln)],
                                 isem_k)
                pltpu.make_async_copy(acc.at[pl.ds(off, ln)],
                                      b.at[pl.ds(0, ln)], isem_k).wait()
                pltpu.async_copy(b.at[pl.ds(0, ln)],
                                 out_hbm.at[c].at[pl.ds(off, ln)], osem_k)
            for k in range(max(nch - 2, 0), nch):
                off, ln = chunks[k]
                pltpu.make_async_copy(
                    bufs[k % 2].at[pl.ds(0, ln)],
                    out_hbm.at[c].at[pl.ds(off, ln)], out_sems[k % 2]).wait()

        @pl.when(s < NS - 1)
        def _():
            off0 = pl.multiple_of(s * SL, 128)
            wb_chunks([(off0 + k * 128, 128) for k in range(SL // 128)])

        @pl.when(s == NS - 1)
        def _():
            b15 = (NS - 1) * SL
            wb_chunks([(b15 + k * 128, 128) for k in range(SL_LAST // 128)]
                      + [(b15 + (SL_LAST // 128) * 128, SL_LAST % 128)])

    return k(xws, src2, dst2)


R = 1000


def _mm_scale_body(x_ref, w_ref, degp_ref, o_ref):
    d = degp_ref[:, 0] + degp_ref[:, 1] + 1.0
    dinv = lax.rsqrt(d)
    xw = jnp.dot(x_ref[...], w_ref[...], preferred_element_type=jnp.float32)
    o_ref[...] = dinv[:, None] * xw


def _mm_scale(x, w, degp):
    return pl.pallas_call(
        _mm_scale_body,
        grid=(N // R,),
        in_specs=[
            pl.BlockSpec((R, D), lambda i: (i, 0)),
            pl.BlockSpec((D, D), lambda i: (0, 0)),
            pl.BlockSpec((R, NC), lambda i: (i, 0)),
        ],
        out_specs=pl.BlockSpec((R, D), lambda i: (i, 0)),
        out_shape=jax.ShapeDtypeStruct((N, D), jnp.float32),
    )(x, w, degp)


def _mid_body(p_ref, xws_ref, degp_ref, b_ref, w2_ref, o_ref):
    d = degp_ref[:, 0] + degp_ref[:, 1] + 1.0
    dinv = lax.rsqrt(d)
    ssum = p_ref[0] + p_ref[1] + xws_ref[...]
    h = jnp.maximum(dinv[:, None] * ssum + b_ref[0, :][None, :], 0.0)
    hw = jnp.dot(h, w2_ref[...], preferred_element_type=jnp.float32)
    o_ref[...] = dinv[:, None] * hw


def _mid(p, xws, degp, b1, w2):
    return pl.pallas_call(
        _mid_body,
        grid=(N // R,),
        in_specs=[
            pl.BlockSpec((NC, R, D), lambda i: (0, i, 0)),
            pl.BlockSpec((R, D), lambda i: (i, 0)),
            pl.BlockSpec((R, NC), lambda i: (i, 0)),
            pl.BlockSpec((1, D), lambda i: (0, 0)),
            pl.BlockSpec((D, D), lambda i: (0, 0)),
        ],
        out_specs=pl.BlockSpec((R, D), lambda i: (i, 0)),
        out_shape=jax.ShapeDtypeStruct((N, D), jnp.float32),
    )(p, xws, degp, b1, w2)


def _final_body(q_ref, xws2_ref, degp_ref, b_ref, o_ref):
    d = degp_ref[:, 0] + degp_ref[:, 1] + 1.0
    dinv = lax.rsqrt(d)
    ssum = q_ref[0] + q_ref[1] + xws2_ref[...]
    o_ref[...] = jnp.maximum(dinv[:, None] * ssum + b_ref[0, :][None, :], 0.0)


def _final(q, xws2, degp, b2):
    return pl.pallas_call(
        _final_body,
        grid=(N // R,),
        in_specs=[
            pl.BlockSpec((NC, R, D), lambda i: (0, i, 0)),
            pl.BlockSpec((R, D), lambda i: (i, 0)),
            pl.BlockSpec((R, NC), lambda i: (i, 0)),
            pl.BlockSpec((1, D), lambda i: (0, 0)),
        ],
        out_specs=pl.BlockSpec((R, D), lambda i: (i, 0)),
        out_shape=jax.ShapeDtypeStruct((N, D), jnp.float32),
    )(q, xws2, degp, b2)


def kernel(x, edge_index, W1, b1, W2, b2):
    pad = CHP * 128 - E
    pad_src = jnp.arange(pad, dtype=jnp.int32) % N
    pad_dst = N + (jnp.arange(pad, dtype=jnp.int32) % 128)
    src2 = jnp.concatenate([edge_index[0], pad_src]).reshape(CHP, 128)
    dst2 = jnp.concatenate([edge_index[1], pad_dst]).reshape(CHP, 128)
    b1r = b1.reshape(1, D)
    b2r = b2.reshape(1, D)

    degp = _degree_partials(dst2).reshape(NC, N).T
    xws1 = _mm_scale(x, W1, degp)
    p = _propagate(xws1, src2, dst2)
    xws2 = _mid(p, xws1, degp, b1r, W2)
    q = _propagate(xws2, src2, dst2)
    return _final(q, xws2, degp, b2r)

# --- scband reference (transcript-rebuilt; emitter-appended) ---
"""Pipeline reference for scband-gnnmaterial-predictor-22694607192188 (READ-ONLY COPY).

The authoritative reference and input builder live on the scoring server;
editing this copy changes nothing except your own understanding.
"""

import jax, jax.numpy as jnp
import numpy as np

N_NODES = 10000
N_EDGES = 320000
D_IN = 128
D_HID = 128
D_OUT = 128


def setup_inputs(seed: int = 0) -> dict:
    key = jax.random.key(seed)
    k1, k2, k3, k4, k5, k6 = jax.random.split(key, 6)
    x = jax.random.normal(k1, (N_NODES, D_IN), dtype=jnp.float32)
    edge_index = jax.random.randint(k2, (2, N_EDGES), 0, N_NODES, dtype=jnp.int32)
    # Glorot-style init for GCN weights
    W1 = jax.random.normal(k3, (D_IN, D_HID), dtype=jnp.float32) * (1.0 / np.sqrt(D_IN))
    b1 = jnp.zeros((D_HID,), dtype=jnp.float32)
    W2 = jax.random.normal(k4, (D_HID, D_OUT), dtype=jnp.float32) * (1.0 / np.sqrt(D_HID))
    b2 = jnp.zeros((D_OUT,), dtype=jnp.float32)
    return {"x": x, "edge_index": edge_index, "W1": W1, "b1": b1, "W2": W2, "b2": b2}


def gcn_conv(x, edge_index, W, b):
    # GCNConv: out = D^{-1/2} (A + I) D^{-1/2} X W + b
    n = x.shape[0]
    src = edge_index[0]
    dst = edge_index[1]
    # add self loops
    loop = jnp.arange(n, dtype=src.dtype)
    src = jnp.concatenate([src, loop], axis=0)
    dst = jnp.concatenate([dst, loop], axis=0)
    # degree (in-degree on dst, matching PyG default flow source_to_target)
    ones = jnp.ones(src.shape[0], dtype=x.dtype)
    deg = jnp.zeros((n,), dtype=x.dtype).at[dst].add(ones)
    dinv_sqrt = jnp.where(deg > 0, jax.lax.rsqrt(deg), 0.0)
    norm = dinv_sqrt[src] * dinv_sqrt[dst]
    # transform then propagate (gather -> scale -> scatter-add)
    xw = x @ W
    msg = jnp.take(xw, src, axis=0) * norm[:, None]
    out = jax.ops.segment_sum(msg, dst, num_segments=n)
    return out + b


def reference(x, edge_index, W1, b1, W2, b2):
    h = jax.nn.relu(gcn_conv(x, edge_index, W1, b1))
    h = jax.nn.relu(gcn_conv(h, edge_index, W2, b2))
    return h

if __name__ == "__main__":
    import jax
    _d = setup_inputs()
    print(jax.jit(kernel)(*tuple(_d.values())))

</pallas_src>

<mosaic_0001>
#map = affine_map<(d0, d1) -> (0, 0)>
#map1 = affine_map<(d0, d1) -> (0, 0, 0)>
module attributes {stable_mosaic.version = 14 : i64} {
  func.func @k(%arg0: i32, %arg1: i32, %arg2: memref<10000x128xf32, #tpu.memory_space<hbm>>, %arg3: memref<2560x128xi32, #tpu.memory_space<hbm>>, %arg4: memref<2560x128xi32, #tpu.memory_space<hbm>>, %arg5: memref<2x10000x128xf32, #tpu.memory_space<hbm>>, %arg6: memref<10128x128xf32, #tpu.memory_space<vmem_shared>>, %arg7: memref<128x128xf32, #tpu.memory_space<vmem>>, %arg8: memref<128x128xf32, #tpu.memory_space<vmem>>, %arg9: memref<128xi32, #tpu.memory_space<vmem>>, %arg10: memref<128xi32, #tpu.memory_space<vmem>>, %arg11: memref<128xi32, #tpu.memory_space<vmem>>, %arg12: memref<128xi32, #tpu.memory_space<vmem>>, %arg13: memref<128xi32, #tpu.memory_space<vmem>>, %arg14: memref<128xi32, #tpu.memory_space<vmem>>, %arg15: memref<128xi32, #tpu.memory_space<vmem>>, %arg16: memref<128xi32, #tpu.memory_space<vmem>>, %arg17: memref<!tpu.dma_semaphore, #tpu.memory_space<semaphore_mem>>, %arg18: memref<!tpu.dma_semaphore, #tpu.memory_space<semaphore_mem>>, %arg19: memref<!tpu.dma_semaphore, #tpu.memory_space<semaphore_mem>>, %arg20: memref<!tpu.dma_semaphore, #tpu.memory_space<semaphore_mem>>, %arg21: memref<!tpu.dma_semaphore, #tpu.memory_space<semaphore_mem>>, %arg22: memref<!tpu.dma_semaphore, #tpu.memory_space<semaphore_mem>>) attributes {dimension_semantics = [#tpu.dimension_semantics<core_parallel>, #tpu.dimension_semantics<subcore_parallel>], iteration_bounds = array<i64: 2, 16>, scalar_prefetch = 0 : i64, scratch_operands = 17 : i64, tpu.core_type = #tpu.core_type<sc_vector_subcore>, window_params = [{transform_indices = #map}, {transform_indices = #map}, {transform_indices = #map}, {transform_indices = #map1}]} {
    %mul3A = arith.constant 2 : i32
    %mul3A_0 = arith.muli %arg1, %mul3A : i32
    %add3A = arith.addi %mul3A_0, %arg0 : i32
    %scan3A = arith.constant 0 : i32
    %scan3A_1 = arith.constant 0 : i32
    %scan3A_2 = arith.constant 128 : i32
    %scan3A_3 = arith.addi %scan3A_1, %scan3A_2 : i32
    %scan3A_4 = arith.constant 1 : i32
    scf.for %scan3A_97 = %scan3A_1 to %scan3A_3 step %scan3A_4  : i32 {
      %scan3A_98 = arith.constant 0 : i32
      %scan3A_99 = arith.constant 8 : i32
      %scan3A_100 = arith.addi %scan3A_98, %scan3A_99 : i32
      %scan3A_101 = arith.constant 1 : i32
      scf.for %scan3A_103 = %scan3A_98 to %scan3A_100 step %scan3A_101  : i32 {
        %broadcast_in_dim3A = arith.constant 0.000000e+00 : f32
        %broadcast_in_dim3A_104 = vector.broadcast %broadcast_in_dim3A : f32 to vector<16xf32>
        %mul3A_105 = arith.constant 16 : i32
        %mul3A_106 = arith.muli %scan3A_103, %mul3A_105 : i32
        %swap3A = arith.index_cast %scan3A_97 : i32 to index
        %swap3A_107 = arith.index_cast %mul3A_106 : i32 to index
        %swap3A_108 = tpu.vector_load %arg7[%swap3A, %swap3A_107] {strides = array<i32>} : memref<128x128xf32, #tpu.memory_space<vmem>>, vector<1x16xf32>,
        %swap3A_109 = vector.shape_cast %swap3A_108 : vector<1x16xf32> to vector<16xf32>
        %swap3A_110 = vector.shape_cast %broadcast_in_dim3A_104 : vector<16xf32> to vector<1x16xf32>
        tpu.vector_store %arg7[%swap3A, %swap3A_107], %swap3A_110 {strides = array<i32>} : memref<128x128xf32, #tpu.memory_space<vmem>>, vector<1x16xf32>,
      }
      %scan3A_102 = arith.constant 8 : i32
    }
    %scan3A_5 = arith.constant 128 : i32
    %lt3A = arith.constant 15 : i32
    %lt3A_6 = arith.cmpi slt, %arg1, %lt3A : i32
    %convert_element_type3A = arith.extui %lt3A_6 : i1 to i32
    %cond3A = arith.constant 0 : i32
    %cond3A_7 = arith.cmpi ne, %convert_element_type3A, %cond3A : i32
    scf.if %cond3A_7 {
      %scan3A_97 = arith.constant 0 : i32
      %scan3A_98 = arith.constant 0 : i32
      %scan3A_99 = arith.constant 5 : i32
      %scan3A_100 = arith.addi %scan3A_98, %scan3A_99 : i32
      %scan3A_101 = arith.constant 1 : i32
      scf.for %scan3A_103 = %scan3A_98 to %scan3A_100 step %scan3A_101  : i32 {
        %mul3A_104 = arith.constant 640 : i32
        %mul3A_105 = arith.muli %arg1, %mul3A_104 : i32
        %mul3A_106 = arith.constant 128 : i32
        %mul3A_107 = arith.muli %scan3A_103, %mul3A_106 : i32
        %add3A_108 = arith.addi %mul3A_105, %mul3A_107 : i32
        %multiple_of3A = tpu.assume_multiple %add3A_108, 128 : i32
        %dma_start3A_109 = arith.constant 0 : i32
        %dma_start3A_110 = arith.constant 0 : i32
        %dma_start3A_111 = tpu.memref_slice %arg7[%dma_start3A_109, %dma_start3A_110] : memref<128x128xf32, #tpu.memory_space<vmem>> -> memref<128x128xf32, #tpu.memory_space<vmem>>
        %dma_start3A_112 = arith.constant 0 : i32
        %dma_start3A_113 = tpu.memref_slice %arg6[%multiple_of3A, %dma_start3A_112] : memref<10128x128xf32, #tpu.memory_space<vmem_shared>> -> memref<128x128xf32, #tpu.memory_space<vmem_shared>>
        %dma_start3A_114 = arith.constant 0 : i32
        %dma_start3A_115 = tpu.memref_slice %arg6[%multiple_of3A, %dma_start3A_114] : memref<10128x128xf32, #tpu.memory_space<vmem_shared>> -> memref<128x128xf32, #tpu.memory_space<vmem_shared>>
        %dma_start3A_116 = arith.constant 0 : i32
        %dma_start3A_117 = arith.constant 0 : i32
        %dma_start3A_118 = tpu.memref_slice %arg7[%dma_start3A_116, %dma_start3A_117] : memref<128x128xf32, #tpu.memory_space<vmem>> -> memref<128x128xf32, #tpu.memory_space<vmem>>
        tpu.enqueue_dma source(%dma_start3A_118 : memref<128x128xf32, #tpu.memory_space<vmem>>) target(%dma_start3A_115 : memref<128x128xf32, #tpu.memory_space<vmem_shared>>) target_semaphore(%arg21 : memref<!tpu.dma_semaphore, #tpu.memory_space<semaphore_mem>>)
      }
      %scan3A_102 = arith.constant 5 : i32
    } else {
    }
    %eq3A = arith.constant 15 : i32
    %eq3A_8 = arith.cmpi eq, %arg1, %eq3A : i32
    %convert_element_type3A_9 = arith.extui %eq3A_8 : i1 to i32
    %cond3A_10 = arith.constant 0 : i32
    %cond3A_11 = arith.cmpi ne, %convert_element_type3A_9, %cond3A_10 : i32
    scf.if %cond3A_11 {
      %dma_start3A_97 = arith.constant 0 : i32
      %dma_start3A_98 = arith.constant 0 : i32
      %dma_start3A_99 = tpu.memref_slice %arg7[%dma_start3A_97, %dma_start3A_98] : memref<128x128xf32, #tpu.memory_space<vmem>> -> memref<128x128xf32, #tpu.memory_space<vmem>>
      %dma_start3A_100 = arith.constant 9600 : i32
      %dma_start3A_101 = arith.constant 0 : i32
      %dma_start3A_102 = tpu.memref_slice %arg6[%dma_start3A_100, %dma_start3A_101] : memref<10128x128xf32, #tpu.memory_space<vmem_shared>> -> memref<128x128xf32, #tpu.memory_space<vmem_shared>>
      %dma_start3A_103 = arith.constant 9600 : i32
      %dma_start3A_104 = arith.constant 0 : i32
      %dma_start3A_105 = tpu.memref_slice %arg6[%dma_start3A_103, %dma_start3A_104] : memref<10128x128xf32, #tpu.memory_space<vmem_shared>> -> memref<128x128xf32, #tpu.memory_space<vmem_shared>>
      %dma_start3A_106 = arith.constant 0 : i32
      %dma_start3A_107 = arith.constant 0 : i32
      %dma_start3A_108 = tpu.memref_slice %arg7[%dma_start3A_106, %dma_start3A_107] : memref<128x128xf32, #tpu.memory_space<vmem>> -> memref<128x128xf32, #tpu.memory_space<vmem>>
      tpu.enqueue_dma source(%dma_start3A_108 : memref<128x128xf32, #tpu.memory_space<vmem>>) target(%dma_start3A_105 : memref<128x128xf32, #tpu.memory_space<vmem_shared>>) target_semaphore(%arg21 : memref<!tpu.dma_semaphore, #tpu.memory_space<semaphore_mem>>)
      %dma_start3A_109 = arith.constant 0 : i32
      %dma_start3A_110 = arith.constant 0 : i32
      %dma_start3A_111 = tpu.memref_slice %arg7[%dma_start3A_109, %dma_start3A_110] : memref<128x128xf32, #tpu.memory_space<vmem>> -> memref<128x128xf32, #tpu.memory_space<vmem>>
      %dma_start3A_112 = arith.constant 9728 : i32
      %dma_start3A_113 = arith.constant 0 : i32
      %dma_start3A_114 = tpu.memref_slice %arg6[%dma_start3A_112, %dma_start3A_113] : memref<10128x128xf32, #tpu.memory_space<vmem_shared>> -> memref<128x128xf32, #tpu.memory_space<vmem_shared>>
      %dma_start3A_115 = arith.constant 9728 : i32
      %dma_start3A_116 = arith.constant 0 : i32
      %dma_start3A_117 = tpu.memref_slice %arg6[%dma_start3A_115, %dma_start3A_116] : memref<10128x128xf32, #tpu.memory_space<vmem_shared>> -> memref<128x128xf32, #tpu.memory_space<vmem_shared>>
      %dma_start3A_118 = arith.constant 0 : i32
      %dma_start3A_119 = arith.constant 0 : i32
      %dma_start3A_120 = tpu.memref_slice %arg7[%dma_start3A_118, %dma_start3A_119] : memref<128x128xf32, #tpu.memory_space<vmem>> -> memref<128x128xf32, #tpu.memory_space<vmem>>
      tpu.enqueue_dma source(%dma_start3A_120 : memref<128x128xf32, #tpu.memory_space<vmem>>) target(%dma_start3A_117 : memref<128x128xf32, #tpu.memory_space<vmem_shared>>) target_semaphore(%arg21 : memref<!tpu.dma_semaphore, #tpu.memory_space<semaphore_mem>>)
      %dma_start3A_121 = arith.constant 0 : i32
      %dma_start3A_122 = arith.constant 0 : i32
      %dma_start3A_123 = tpu.memref_slice %arg7[%dma_start3A_121, %dma_start3A_122] : memref<128x128xf32, #tpu.memory_space<vmem>> -> memref<128x128xf32, #tpu.memory_space<vmem>>
      %dma_start3A_124 = arith.constant 9856 : i32
      %dma_start3A_125 = arith.constant 0 : i32
      %dma_start3A_126 = tpu.memref_slice %arg6[%dma_start3A_124, %dma_start3A_125] : memref<10128x128xf32, #tpu.memory_space<vmem_shared>> -> memref<128x128xf32, #tpu.memory_space<vmem_shared>>
      %dma_start3A_127 = arith.constant 9856 : i32
      %dma_start3A_128 = arith.constant 0 : i32
      %dma_start3A_129 = tpu.memref_slice %arg6[%dma_start3A_127, %dma_start3A_128] : memref<10128x128xf32, #tpu.memory_space<vmem_shared>> -> memref<128x128xf32, #tpu.memory_space<vmem_shared>>
      %dma_start3A_130 = arith.constant 0 : i32
      %dma_start3A_131 = arith.constant 0 : i32
      %dma_start3A_132 = tpu.memref_slice %arg7[%dma_start3A_130, %dma_start3A_131] : memref<128x128xf32, #tpu.memory_space<vmem>> -> memref<128x128xf32, #tpu.memory_space<vmem>>
      tpu.enqueue_dma source(%dma_start3A_132 : memref<128x128xf32, #tpu.memory_space<vmem>>) target(%dma_start3A_129 : memref<128x128xf32, #tpu.memory_space<vmem_shared>>) target_semaphore(%arg21 : memref<!tpu.dma_semaphore, #tpu.memory_space<semaphore_mem>>)
      %dma_start3A_133 = arith.constant 0 : i32
      %dma_start3A_134 = arith.constant 0 : i32
      %dma_start3A_135 = tpu.memref_slice %arg7[%dma_start3A_133, %dma_start3A_134] : memref<128x128xf32, #tpu.memory_space<vmem>> -> memref<16x128xf32, #tpu.memory_space<vmem>>
      %dma_start3A_136 = arith.constant 9984 : i32
      %dma_start3A_137 = arith.constant 0 : i32
      %dma_start3A_138 = tpu.memref_slice %arg6[%dma_start3A_136, %dma_start3A_137] : memref<10128x128xf32, #tpu.memory_space<vmem_shared>> -> memref<16x128xf32, #tpu.memory_space<vmem_shared>>
      %dma_start3A_139 = arith.constant 9984 : i32
      %dma_start3A_140 = arith.constant 0 : i32
      %dma_start3A_141 = tpu.memref_slice %arg6[%dma_start3A_139, %dma_start3A_140] : memref<10128x128xf32, #tpu.memory_space<vmem_shared>> -> memref<16x128xf32, #tpu.memory_space<vmem_shared>>
      %dma_start3A_142 = arith.constant 0 : i32
      %dma_start3A_143 = arith.constant 0 : i32
      %dma_start3A_144 = tpu.memref_slice %arg7[%dma_start3A_142, %dma_start3A_143] : memref<128x128xf32, #tpu.memory_space<vmem>> -> memref<16x128xf32, #tpu.memory_space<vmem>>
      tpu.enqueue_dma source(%dma_start3A_144 : memref<16x128xf32, #tpu.memory_space<vmem>>) target(%dma_start3A_141 : memref<16x128xf32, #tpu.memory_space<vmem_shared>>) target_semaphore(%arg21 : memref<!tpu.dma_semaphore, #tpu.memory_space<semaphore_mem>>)
    } else {
    }
    %lt3A_12 = arith.constant 15 : i32
    %lt3A_13 = arith.cmpi slt, %arg1, %lt3A_12 : i32
    %convert_element_type3A_14 = arith.extui %lt3A_13 : i1 to i32
    %cond3A_15 = arith.constant 0 : i32
    %cond3A_16 = arith.cmpi ne, %convert_element_type3A_14, %cond3A_15 : i32
    scf.if %cond3A_16 {
      %scan3A_97 = arith.constant 0 : i32
      %scan3A_98 = arith.constant 0 : i32
      %scan3A_99 = arith.constant 5 : i32
      %scan3A_100 = arith.addi %scan3A_98, %scan3A_99 : i32
      %scan3A_101 = arith.constant 1 : i32
      scf.for %scan3A_103 = %scan3A_98 to %scan3A_100 step %scan3A_101  : i32 {
        %mul3A_104 = arith.constant 640 : i32
        %mul3A_105 = arith.muli %arg1, %mul3A_104 : i32
        %mul3A_106 = arith.constant 128 : i32
        %mul3A_107 = arith.muli %scan3A_103, %mul3A_106 : i32
        %add3A_108 = arith.addi %mul3A_105, %mul3A_107 : i32
        %multiple_of3A = tpu.assume_multiple %add3A_108, 128 : i32
        %dma_wait3A_109 = arith.constant 0 : i32
        %dma_wait3A_110 = arith.constant 0 : i32
        %dma_wait3A_111 = tpu.memref_slice %arg7[%dma_wait3A_109, %dma_wait3A_110] : memref<128x128xf32, #tpu.memory_space<vmem>> -> memref<128x128xf32, #tpu.memory_space<vmem>>
        %dma_wait3A_112 = arith.constant 0 : i32
        %dma_wait3A_113 = tpu.memref_slice %arg6[%multiple_of3A, %dma_wait3A_112] : memref<10128x128xf32, #tpu.memory_space<vmem_shared>> -> memref<128x128xf32, #tpu.memory_space<vmem_shared>>
        %dma_wait3A_114 = arith.constant 0 : i32
        %dma_wait3A_115 = tpu.memref_slice %arg6[%multiple_of3A, %dma_wait3A_114] : memref<10128x128xf32, #tpu.memory_space<vmem_shared>> -> memref<128x128xf32, #tpu.memory_space<vmem_shared>>
        %dma_wait3A_116 = arith.constant 0 : i32
        %dma_wait3A_117 = arith.constant 0 : i32
        %dma_wait3A_118 = tpu.memref_slice %arg7[%dma_wait3A_116, %dma_wait3A_117] : memref<128x128xf32, #tpu.memory_space<vmem>> -> memref<128x128xf32, #tpu.memory_space<vmem>>
        tpu.wait_dma2 semaphore(%arg21 : memref<!tpu.dma_semaphore, #tpu.memory_space<semaphore_mem>>) src(%dma_wait3A_118 : memref<128x128xf32, #tpu.memory_space<vmem>>) dst(%dma_wait3A_115 : memref<128x128xf32, #tpu.memory_space<vmem_shared>>)
      }
      %scan3A_102 = arith.constant 5 : i32
    } else {
    }
    %eq3A_17 = arith.constant 15 : i32
    %eq3A_18 = arith.cmpi eq, %arg1, %eq3A_17 : i32
    %convert_element_type3A_19 = arith.extui %eq3A_18 : i1 to i32
    %cond3A_20 = arith.constant 0 : i32
    %cond3A_21 = arith.cmpi ne, %convert_element_type3A_19, %cond3A_20 : i32
    scf.if %cond3A_21 {
      %dma_wait3A_97 = arith.constant 0 : i32
      %dma_wait3A_98 = arith.constant 0 : i32
      %dma_wait3A_99 = tpu.memref_slice %arg7[%dma_wait3A_97, %dma_wait3A_98] : memref<128x128xf32, #tpu.memory_space<vmem>> -> memref<128x128xf32, #tpu.memory_space<vmem>>
      %dma_wait3A_100 = arith.constant 9600 : i32
      %dma_wait3A_101 = arith.constant 0 : i32
      %dma_wait3A_102 = tpu.memref_slice %arg6[%dma_wait3A_100, %dma_wait3A_101] : memref<10128x128xf32, #tpu.memory_space<vmem_shared>> -> memref<128x128xf32, #tpu.memory_space<vmem_shared>>
      %dma_wait3A_103 = arith.constant 9600 : i32
      %dma_wait3A_104 = arith.constant 0 : i32
      %dma_wait3A_105 = tpu.memref_slice %arg6[%dma_wait3A_103, %dma_wait3A_104] : memref<10128x128xf32, #tpu.memory_space<vmem_shared>> -> memref<128x128xf32, #tpu.memory_space<vmem_shared>>
      %dma_wait3A_106 = arith.constant 0 : i32
      %dma_wait3A_107 = arith.constant 0 : i32
      %dma_wait3A_108 = tpu.memref_slice %arg7[%dma_wait3A_106, %dma_wait3A_107] : memref<128x128xf32, #tpu.memory_space<vmem>> -> memref<128x128xf32, #tpu.memory_space<vmem>>
      tpu.wait_dma2 semaphore(%arg21 : memref<!tpu.dma_semaphore, #tpu.memory_space<semaphore_mem>>) src(%dma_wait3A_108 : memref<128x128xf32, #tpu.memory_space<vmem>>) dst(%dma_wait3A_105 : memref<128x128xf32, #tpu.memory_space<vmem_shared>>)
      %dma_wait3A_109 = arith.constant 0 : i32
      %dma_wait3A_110 = arith.constant 0 : i32
      %dma_wait3A_111 = tpu.memref_slice %arg7[%dma_wait3A_109, %dma_wait3A_110] : memref<128x128xf32, #tpu.memory_space<vmem>> -> memref<128x128xf32, #tpu.memory_space<vmem>>
      %dma_wait3A_112 = arith.constant 9728 : i32
      %dma_wait3A_113 = arith.constant 0 : i32
      %dma_wait3A_114 = tpu.memref_slice %arg6[%dma_wait3A_112, %dma_wait3A_113] : memref<10128x128xf32, #tpu.memory_space<vmem_shared>> -> memref<128x128xf32, #tpu.memory_space<vmem_shared>>
      %dma_wait3A_115 = arith.constant 9728 : i32
      %dma_wait3A_116 = arith.constant 0 : i32
      %dma_wait3A_117 = tpu.memref_slice %arg6[%dma_wait3A_115, %dma_wait3A_116] : memref<10128x128xf32, #tpu.memory_space<vmem_shared>> -> memref<128x128xf32, #tpu.memory_space<vmem_shared>>
      %dma_wait3A_118 = arith.constant 0 : i32
      %dma_wait3A_119 = arith.constant 0 : i32
      %dma_wait3A_120 = tpu.memref_slice %arg7[%dma_wait3A_118, %dma_wait3A_119] : memref<128x128xf32, #tpu.memory_space<vmem>> -> memref<128x128xf32, #tpu.memory_space<vmem>>
      tpu.wait_dma2 semaphore(%arg21 : memref<!tpu.dma_semaphore, #tpu.memory_space<semaphore_mem>>) src(%dma_wait3A_120 : memref<128x128xf32, #tpu.memory_space<vmem>>) dst(%dma_wait3A_117 : memref<128x128xf32, #tpu.memory_space<vmem_shared>>)
      %dma_wait3A_121 = arith.constant 0 : i32
      %dma_wait3A_122 = arith.constant 0 : i32
      %dma_wait3A_123 = tpu.memref_slice %arg7[%dma_wait3A_121, %dma_wait3A_122] : memref<128x128xf32, #tpu.memory_space<vmem>> -> memref<128x128xf32, #tpu.memory_space<vmem>>
      %dma_wait3A_124 = arith.constant 9856 : i32
      %dma_wait3A_125 = arith.constant 0 : i32
      %dma_wait3A_126 = tpu.memref_slice %arg6[%dma_wait3A_124, %dma_wait3A_125] : memref<10128x128xf32, #tpu.memory_space<vmem_shared>> -> memref<128x128xf32, #tpu.memory_space<vmem_shared>>
      %dma_wait3A_127 = arith.constant 9856 : i32
      %dma_wait3A_128 = arith.constant 0 : i32
      %dma_wait3A_129 = tpu.memref_slice %arg6[%dma_wait3A_127, %dma_wait3A_128] : memref<10128x128xf32, #tpu.memory_space<vmem_shared>> -> memref<128x128xf32, #tpu.memory_space<vmem_shared>>
      %dma_wait3A_130 = arith.constant 0 : i32
      %dma_wait3A_131 = arith.constant 0 : i32
      %dma_wait3A_132 = tpu.memref_slice %arg7[%dma_wait3A_130, %dma_wait3A_131] : memref<128x128xf32, #tpu.memory_space<vmem>> -> memref<128x128xf32, #tpu.memory_space<vmem>>
      tpu.wait_dma2 semaphore(%arg21 : memref<!tpu.dma_semaphore, #tpu.memory_space<semaphore_mem>>) src(%dma_wait3A_132 : memref<128x128xf32, #tpu.memory_space<vmem>>) dst(%dma_wait3A_129 : memref<128x128xf32, #tpu.memory_space<vmem_shared>>)
      %dma_wait3A_133 = arith.constant 0 : i32
      %dma_wait3A_134 = arith.constant 0 : i32
      %dma_wait3A_135 = tpu.memref_slice %arg7[%dma_wait3A_133, %dma_wait3A_134] : memref<128x128xf32, #tpu.memory_space<vmem>> -> memref<16x128xf32, #tpu.memory_space<vmem>>
      %dma_wait3A_136 = arith.constant 9984 : i32
      %dma_wait3A_137 = arith.constant 0 : i32
      %dma_wait3A_138 = tpu.memref_slice %arg6[%dma_wait3A_136, %dma_wait3A_137] : memref<10128x128xf32, #tpu.memory_space<vmem_shared>> -> memref<16x128xf32, #tpu.memory_space<vmem_shared>>
      %dma_wait3A_139 = arith.constant 9984 : i32
      %dma_wait3A_140 = arith.constant 0 : i32
      %dma_wait3A_141 = tpu.memref_slice %arg6[%dma_wait3A_139, %dma_wait3A_140] : memref<10128x128xf32, #tpu.memory_space<vmem_shared>> -> memref<16x128xf32, #tpu.memory_space<vmem_shared>>
      %dma_wait3A_142 = arith.constant 0 : i32
      %dma_wait3A_143 = arith.constant 0 : i32
      %dma_wait3A_144 = tpu.memref_slice %arg7[%dma_wait3A_142, %dma_wait3A_143] : memref<128x128xf32, #tpu.memory_space<vmem>> -> memref<16x128xf32, #tpu.memory_space<vmem>>
      tpu.wait_dma2 semaphore(%arg21 : memref<!tpu.dma_semaphore, #tpu.memory_space<semaphore_mem>>) src(%dma_wait3A_144 : memref<16x128xf32, #tpu.memory_space<vmem>>) dst(%dma_wait3A_141 : memref<16x128xf32, #tpu.memory_space<vmem_shared>>)
    } else {
    }
    %barrier3A = arith.constant 0 : index
    tpu.barrier barrier_id(%barrier3A)
    %mul3A_22 = arith.constant 80 : i32
    %mul3A_23 = arith.muli %add3A, %mul3A_22 : i32
    %dma_start3A = arith.constant 0 : i32
    %dma_start3A_24 = tpu.memref_slice %arg3[%mul3A_23, %dma_start3A] : memref<2560x128xi32, #tpu.memory_space<hbm>> -> memref<1x128xi32, #tpu.memory_space<hbm>>
    %dma_start3A_25 = tpu.memref_squeeze %dma_start3A_24 : memref<1x128xi32, #tpu.memory_space<hbm>> -> memref<128xi32, #tpu.memory_space<hbm>>
    %dma_start3A_26 = arith.constant 0 : i32
    %dma_start3A_27 = tpu.memref_slice %arg3[%mul3A_23, %dma_start3A_26] : memref<2560x128xi32, #tpu.memory_space<hbm>> -> memref<1x128xi32, #tpu.memory_space<hbm>>
    %dma_start3A_28 = tpu.memref_squeeze %dma_start3A_27 : memref<1x128xi32, #tpu.memory_space<hbm>> -> memref<128xi32, #tpu.memory_space<hbm>>
    tpu.enqueue_dma source(%dma_start3A_28 : memref<128xi32, #tpu.memory_space<hbm>>) target(%arg9 : memref<128xi32, #tpu.memory_space<vmem>>) target_semaphore(%arg21 : memref<!tpu.dma_semaphore, #tpu.memory_space<semaphore_mem>>)
    %dma_start3A_29 = arith.constant 0 : i32
    %dma_start3A_30 = tpu.memref_slice %arg4[%mul3A_23, %dma_start3A_29] : memref<2560x128xi32, #tpu.memory_space<hbm>> -> memref<1x128xi32, #tpu.memory_space<hbm>>
    %dma_start3A_31 = tpu.memref_squeeze %dma_start3A_30 : memref<1x128xi32, #tpu.memory_space<hbm>> -> memref<128xi32, #tpu.memory_space<hbm>>
    %dma_start3A_32 = arith.constant 0 : i32
    %dma_start3A_33 = tpu.memref_slice %arg4[%mul3A_23, %dma_start3A_32] : memref<2560x128xi32, #tpu.memory_space<hbm>> -> memref<1x128xi32, #tpu.memory_space<hbm>>
    %dma_start3A_34 = tpu.memref_squeeze %dma_start3A_33 : memref<1x128xi32, #tpu.memory_space<hbm>> -> memref<128xi32, #tpu.memory_space<hbm>>
    tpu.enqueue_dma source(%dma_start3A_34 : memref<128xi32, #tpu.memory_space<hbm>>) target(%arg11 : memref<128xi32, #tpu.memory_space<vmem>>) target_semaphore(%arg21 : memref<!tpu.dma_semaphore, #tpu.memory_space<semaphore_mem>>)
    %add3A_35 = arith.constant 1 : i32
    %add3A_36 = arith.addi %mul3A_23, %add3A_35 : i32
    %dma_start3A_37 = arith.constant 0 : i32
    %dma_start3A_38 = tpu.memref_slice %arg3[%add3A_36, %dma_start3A_37] : memref<2560x128xi32, #tpu.memory_space<hbm>> -> memref<1x128xi32, #tpu.memory_space<hbm>>
    %dma_start3A_39 = tpu.memref_squeeze %dma_start3A_38 : memref<1x128xi32, #tpu.memory_space<hbm>> -> memref<128xi32, #tpu.memory_space<hbm>>
    %dma_start3A_40 = arith.constant 0 : i32
    %dma_start3A_41 = tpu.memref_slice %arg3[%add3A_36, %dma_start3A_40] : memref<2560x128xi32, #tpu.memory_space<hbm>> -> memref<1x128xi32, #tpu.memory_space<hbm>>
    %dma_start3A_42 = tpu.memref_squeeze %dma_start3A_41 : memref<1x128xi32, #tpu.memory_space<hbm>> -> memref<128xi32, #tpu.memory_space<hbm>>
    tpu.enqueue_dma source(%dma_start3A_42 : memref<128xi32, #tpu.memory_space<hbm>>) target(%arg10 : memref<128xi32, #tpu.memory_space<vmem>>) target_semaphore(%arg21 : memref<!tpu.dma_semaphore, #tpu.memory_space<semaphore_mem>>)
    %add3A_43 = arith.constant 1 : i32
    %add3A_44 = arith.addi %mul3A_23, %add3A_43 : i32
    %dma_start3A_45 = arith.constant 0 : i32
    %dma_start3A_46 = tpu.memref_slice %arg4[%add3A_44, %dma_start3A_45] : memref<2560x128xi32, #tpu.memory_space<hbm>> -> memref<1x128xi32, #tpu.memory_space<hbm>>
    %dma_start3A_47 = tpu.memref_squeeze %dma_start3A_46 : memref<1x128xi32, #tpu.memory_space<hbm>> -> memref<128xi32, #tpu.memory_space<hbm>>
    %dma_start3A_48 = arith.constant 0 : i32
    %dma_start3A_49 = tpu.memref_slice %arg4[%add3A_44, %dma_start3A_48] : memref<2560x128xi32, #tpu.memory_space<hbm>> -> memref<1x128xi32, #tpu.memory_space<hbm>>
    %dma_start3A_50 = tpu.memref_squeeze %dma_start3A_49 : memref<1x128xi32, #tpu.memory_space<hbm>> -> memref<128xi32, #tpu.memory_space<hbm>>
    tpu.enqueue_dma source(%dma_start3A_50 : memref<128xi32, #tpu.memory_space<hbm>>) target(%arg12 : memref<128xi32, #tpu.memory_space<vmem>>) target_semaphore(%arg21 : memref<!tpu.dma_semaphore, #tpu.memory_space<semaphore_mem>>)
    %dma_wait3A = arith.constant 0 : i32
    %dma_wait3A_51 = tpu.memref_slice %arg3[%mul3A_23, %dma_wait3A] : memref<2560x128xi32, #tpu.memory_space<hbm>> -> memref<1x128xi32, #tpu.memory_space<hbm>>
    %dma_wait3A_52 = tpu.memref_squeeze %dma_wait3A_51 : memref<1x128xi32, #tpu.memory_space<hbm>> -> memref<128xi32, #tpu.memory_space<hbm>>
    %dma_wait3A_53 = arith.constant 0 : i32
    %dma_wait3A_54 = tpu.memref_slice %arg3[%mul3A_23, %dma_wait3A_53] : memref<2560x128xi32, #tpu.memory_space<hbm>> -> memref<1x128xi32, #tpu.memory_space<hbm>>
    %dma_wait3A_55 = tpu.memref_squeeze %dma_wait3A_54 : memref<1x128xi32, #tpu.memory_space<hbm>> -> memref<128xi32, #tpu.memory_space<hbm>>
    tpu.wait_dma2 semaphore(%arg21 : memref<!tpu.dma_semaphore, #tpu.memory_space<semaphore_mem>>) src(%dma_wait3A_55 : memref<128xi32, #tpu.memory_space<hbm>>) dst(%arg9 : memref<128xi32, #tpu.memory_space<vmem>>)
    %dma_wait3A_56 = arith.constant 0 : i32
    %dma_wait3A_57 = tpu.memref_slice %arg4[%mul3A_23, %dma_wait3A_56] : memref<2560x128xi32, #tpu.memory_space<hbm>> -> memref<1x128xi32, #tpu.memory_space<hbm>>
    %dma_wait3A_58 = tpu.memref_squeeze %dma_wait3A_57 : memref<1x128xi32, #tpu.memory_space<hbm>> -> memref<128xi32, #tpu.memory_space<hbm>>
    %dma_wait3A_59 = arith.constant 0 : i32
    %dma_wait3A_60 = tpu.memref_slice %arg4[%mul3A_23, %dma_wait3A_59] : memref<2560x128xi32, #tpu.memory_space<hbm>> -> memref<1x128xi32, #tpu.memory_space<hbm>>
    %dma_wait3A_61 = tpu.memref_squeeze %dma_wait3A_60 : memref<1x128xi32, #tpu.memory_space<hbm>> -> memref<128xi32, #tpu.memory_space<hbm>>
    tpu.wait_dma2 semaphore(%arg21 : memref<!tpu.dma_semaphore, #tpu.memory_space<semaphore_mem>>) src(%dma_wait3A_61 : memref<128xi32, #tpu.memory_space<hbm>>) dst(%arg11 : memref<128xi32, #tpu.memory_space<vmem>>)
    %dma_wait3A_62 = arith.constant 0 : i32
    %dma_wait3A_63 = tpu.memref_slice %arg3[%mul3A_23, %dma_wait3A_62] : memref<2560x128xi32, #tpu.memory_space<hbm>> -> memref<1x128xi32, #tpu.memory_space<hbm>>
    %dma_wait3A_64 = tpu.memref_squeeze %dma_wait3A_63 : memref<1x128xi32, #tpu.memory_space<hbm>> -> memref<128xi32, #tpu.memory_space<hbm>>
    %dma_wait3A_65 = arith.constant 0 : i32
    %dma_wait3A_66 = tpu.memref_slice %arg3[%mul3A_23, %dma_wait3A_65] : memref<2560x128xi32, #tpu.memory_space<hbm>> -> memref<1x128xi32, #tpu.memory_space<hbm>>
    %dma_wait3A_67 = tpu.memref_squeeze %dma_wait3A_66 : memref<1x128xi32, #tpu.memory_space<hbm>> -> memref<128xi32, #tpu.memory_space<hbm>>
    tpu.wait_dma2 semaphore(%arg21 : memref<!tpu.dma_semaphore, #tpu.memory_space<semaphore_mem>>) src(%dma_wait3A_67 : memref<128xi32, #tpu.memory_space<hbm>>) dst(%arg10 : memref<128xi32, #tpu.memory_space<vmem>>)
    %dma_wait3A_68 = arith.constant 0 : i32
    %dma_wait3A_69 = tpu.memref_slice %arg4[%mul3A_23, %dma_wait3A_68] : memref<2560x128xi32, #tpu.memory_space<hbm>> -> memref<1x128xi32, #tpu.memory_space<hbm>>
    %dma_wait3A_70 = tpu.memref_squeeze %dma_wait3A_69 : memref<1x128xi32, #tpu.memory_space<hbm>> -> memref<128xi32, #tpu.memory_space<hbm>>
    %dma_wait3A_71 = arith.constant 0 : i32
    %dma_wait3A_72 = tpu.memref_slice %arg4[%mul3A_23, %dma_wait3A_71] : memref<2560x128xi32, #tpu.memory_space<hbm>> -> memref<1x128xi32, #tpu.memory_space<hbm>>
    %dma_wait3A_73 = tpu.memref_squeeze %dma_wait3A_72 : memref<1x128xi32, #tpu.memory_space<hbm>> -> memref<128xi32, #tpu.memory_space<hbm>>
    tpu.wait_dma2 semaphore(%arg21 : memref<!tpu.dma_semaphore, #tpu.memory_space<semaphore_mem>>) src(%dma_wait3A_73 : memref<128xi32, #tpu.memory_space<hbm>>) dst(%arg12 : memref<128xi32, #tpu.memory_space<vmem>>)
    %dma_start3A_74 = arith.constant 0 : i32
    %dma_start3A_75 = arith.constant 0 : i32
    %dma_start3A_76 = tpu.memref_slice %arg2[%dma_start3A_74, %dma_start3A_75] : memref<10000x128xf32, #tpu.memory_space<hbm>> -> memref<10000x128xf32, #tpu.memory_space<hbm>>
    tpu.enqueue_indirect_dma source(%dma_start3A_76 : memref<10000x128xf32, #tpu.memory_space<hbm>>) target(%arg7 : memref<128x128xf32, #tpu.memory_space<vmem>>) offsets(%arg9 : memref<128xi32, #tpu.memory_space<vmem>>) semaphore(%arg17 : memref<!tpu.dma_semaphore, #tpu.memory_space<semaphore_mem>>)
    %scan3A_77 = arith.constant 0 : i32
    %scan3A_78 = arith.constant 0 : i32
    %scan3A_79 = arith.constant 20 : i32
    %scan3A_80 = arith.addi %scan3A_78, %scan3A_79 : i32
    %scan3A_81 = arith.constant 1 : i32
    scf.for %scan3A_97 = %scan3A_78 to %scan3A_80 step %scan3A_81  : i32 {
      %mul3A_98 = arith.constant 2 : i32
      %mul3A_99 = arith.muli %mul3A_98, %scan3A_97 : i32
      %mul3A_100 = arith.constant 2 : i32
      %mul3A_101 = arith.muli %mul3A_100, %mul3A_99 : i32
      %add3A_102 = arith.addi %mul3A_23, %mul3A_101 : i32
      %gt3A = arith.constant 0 : i32
      %gt3A_103 = arith.cmpi sgt, %mul3A_99, %gt3A : i32
      %convert_element_type3A_104 = arith.extui %gt3A_103 : i1 to i32
      %cond3A_105 = arith.constant 0 : i32
      %cond3A_106 = arith.cmpi ne, %convert_element_type3A_104, %cond3A_105 : i32
      scf.if %cond3A_106 {
        %dma_wait3A_224 = arith.constant 0 : i32
        %dma_wait3A_225 = arith.constant 0 : i32
        %dma_wait3A_226 = tpu.memref_slice %arg6[%dma_wait3A_224, %dma_wait3A_225] : memref<10128x128xf32, #tpu.memory_space<vmem_shared>> -> memref<10128x128xf32, #tpu.memory_space<vmem_shared>>
        tpu.wait_indirect_dma semaphore(%arg20 : memref<!tpu.dma_semaphore, #tpu.memory_space<semaphore_mem>>) src(%arg8 : memref<128x128xf32, #tpu.memory_space<vmem>>) dst(%dma_wait3A_226 : memref<10128x128xf32, #tpu.memory_space<vmem_shared>>)
      } else {
      }
      %add3A_107 = arith.constant 2 : i32
      %add3A_108 = arith.addi %add3A_102, %add3A_107 : i32
      %dma_start3A_109 = arith.constant 0 : i32
      %dma_start3A_110 = tpu.memref_slice %arg3[%add3A_108, %dma_start3A_109] : memref<2560x128xi32, #tpu.memory_space<hbm>> -> memref<1x128xi32, #tpu.memory_space<hbm>>
      %dma_start3A_111 = tpu.memref_squeeze %dma_start3A_110 : memref<1x128xi32, #tpu.memory_space<hbm>> -> memref<128xi32, #tpu.memory_space<hbm>>
      %dma_start3A_112 = arith.constant 0 : i32
      %dma_start3A_113 = tpu.memref_slice %arg3[%add3A_108, %dma_start3A_112] : memref<2560x128xi32, #tpu.memory_space<hbm>> -> memref<1x128xi32, #tpu.memory_space<hbm>>
      %dma_start3A_114 = tpu.memref_squeeze %dma_start3A_113 : memref<1x128xi32, #tpu.memory_space<hbm>> -> memref<128xi32, #tpu.memory_space<hbm>>
      tpu.enqueue_dma source(%dma_start3A_114 : memref<128xi32, #tpu.memory_space<hbm>>) target(%arg13 : memref<128xi32, #tpu.memory_space<vmem>>) target_semaphore(%arg22 : memref<!tpu.dma_semaphore, #tpu.memory_space<semaphore_mem>>)
      %dma_start3A_115 = arith.constant 0 : i32
      %dma_start3A_116 = tpu.memref_slice %arg4[%add3A_108, %dma_start3A_115] : memref<2560x128xi32, #tpu.memory_space<hbm>> -> memref<1x128xi32, #tpu.memory_space<hbm>>
      %dma_start3A_117 = tpu.memref_squeeze %dma_start3A_116 : memref<1x128xi32, #tpu.memory_space<hbm>> -> memref<128xi32, #tpu.memory_space<hbm>>
      %dma_start3A_118 = arith.constant 0 : i32
      %dma_start3A_119 = tpu.memref_slice %arg4[%add3A_108, %dma_start3A_118] : memref<2560x128xi32, #tpu.memory_space<hbm>> -> memref<1x128xi32, #tpu.memory_space<hbm>>
      %dma_start3A_120 = tpu.memref_squeeze %dma_start3A_119 : memref<1x128xi32, #tpu.memory_space<hbm>> -> memref<128xi32, #tpu.memory_space<hbm>>
      tpu.enqueue_dma source(%dma_start3A_120 : memref<128xi32, #tpu.memory_space<hbm>>) target(%arg15 : memref<128xi32, #tpu.memory_space<vmem>>) target_semaphore(%arg22 : memref<!tpu.dma_semaphore, #tpu.memory_space<semaphore_mem>>)
      %add3A_121 = arith.constant 1 : i32
      %add3A_122 = arith.addi %add3A_108, %add3A_121 : i32
      %dma_start3A_123 = arith.constant 0 : i32
      %dma_start3A_124 = tpu.memref_slice %arg3[%add3A_122, %dma_start3A_123] : memref<2560x128xi32, #tpu.memory_space<hbm>> -> memref<1x128xi32, #tpu.memory_space<hbm>>
      %dma_start3A_125 = tpu.memref_squeeze %dma_start3A_124 : memref<1x128xi32, #tpu.memory_space<hbm>> -> memref<128xi32, #tpu.memory_space<hbm>>
      %dma_start3A_126 = arith.constant 0 : i32
      %dma_start3A_127 = tpu.memref_slice %arg3[%add3A_122, %dma_start3A_126] : memref<2560x128xi32, #tpu.memory_space<hbm>> -> memref<1x128xi32, #tpu.memory_space<hbm>>
      %dma_start3A_128 = tpu.memref_squeeze %dma_start3A_127 : memref<1x128xi32, #tpu.memory_space<hbm>> -> memref<128xi32, #tpu.memory_space<hbm>>
      tpu.enqueue_dma source(%dma_start3A_128 : memref<128xi32, #tpu.memory_space<hbm>>) target(%arg14 : memref<128xi32, #tpu.memory_space<vmem>>) target_semaphore(%arg22 : memref<!tpu.dma_semaphore, #tpu.memory_space<semaphore_mem>>)
      %add3A_129 = arith.constant 1 : i32
      %add3A_130 = arith.addi %add3A_108, %add3A_129 : i32
      %dma_start3A_131 = arith.constant 0 : i32
      %dma_start3A_132 = tpu.memref_slice %arg4[%add3A_130, %dma_start3A_131] : memref<2560x128xi32, #tpu.memory_space<hbm>> -> memref<1x128xi32, #tpu.memory_space<hbm>>
      %dma_start3A_133 = tpu.memref_squeeze %dma_start3A_132 : memref<1x128xi32, #tpu.memory_space<hbm>> -> memref<128xi32, #tpu.memory_space<hbm>>
      %dma_start3A_134 = arith.constant 0 : i32
      %dma_start3A_135 = tpu.memref_slice %arg4[%add3A_130, %dma_start3A_134] : memref<2560x128xi32, #tpu.memory_space<hbm>> -> memref<1x128xi32, #tpu.memory_space<hbm>>
      %dma_start3A_136 = tpu.memref_squeeze %dma_start3A_135 : memref<1x128xi32, #tpu.memory_space<hbm>> -> memref<128xi32, #tpu.memory_space<hbm>>
      tpu.enqueue_dma source(%dma_start3A_136 : memref<128xi32, #tpu.memory_space<hbm>>) target(%arg16 : memref<128xi32, #tpu.memory_space<vmem>>) target_semaphore(%arg22 : memref<!tpu.dma_semaphore, #tpu.memory_space<semaphore_mem>>)
      %dma_wait3A_137 = arith.constant 0 : i32
      %dma_wait3A_138 = arith.constant 0 : i32
      %dma_wait3A_139 = tpu.memref_slice %arg2[%dma_wait3A_137, %dma_wait3A_138] : memref<10000x128xf32, #tpu.memory_space<hbm>> -> memref<10000x128xf32, #tpu.memory_space<hbm>>
      tpu.wait_indirect_dma semaphore(%arg17 : memref<!tpu.dma_semaphore, #tpu.memory_space<semaphore_mem>>) src(%dma_wait3A_139 : memref<10000x128xf32, #tpu.memory_space<hbm>>) dst(%arg7 : memref<128x128xf32, #tpu.memory_space<vmem>>)
      %dma_start3A_140 = arith.constant 0 : i32
      %dma_start3A_141 = arith.constant 0 : i32
      %dma_start3A_142 = tpu.memref_slice %arg6[%dma_start3A_140, %dma_start3A_141] : memref<10128x128xf32, #tpu.memory_space<vmem_shared>> -> memref<10128x128xf32, #tpu.memory_space<vmem_shared>>
      tpu.enqueue_indirect_dma source(%arg7 : memref<128x128xf32, #tpu.memory_space<vmem>>) target(%dma_start3A_142 : memref<10128x128xf32, #tpu.memory_space<vmem_shared>>) offsets(%arg11 : memref<128xi32, #tpu.memory_space<vmem>>) semaphore(%arg19 : memref<!tpu.dma_semaphore, #tpu.memory_space<semaphore_mem>>) {add = true}
      %dma_start3A_143 = arith.constant 0 : i32
      %dma_start3A_144 = arith.constant 0 : i32
      %dma_start3A_145 = tpu.memref_slice %arg2[%dma_start3A_143, %dma_start3A_144] : memref<10000x128xf32, #tpu.memory_space<hbm>> -> memref<10000x128xf32, #tpu.memory_space<hbm>>
      tpu.enqueue_indirect_dma source(%dma_start3A_145 : memref<10000x128xf32, #tpu.memory_space<hbm>>) target(%arg8 : memref<128x128xf32, #tpu.memory_space<vmem>>) offsets(%arg10 : memref<128xi32, #tpu.memory_space<vmem>>) semaphore(%arg18 : memref<!tpu.dma_semaphore, #tpu.memory_space<semaphore_mem>>)
      %dma_wait3A_146 = arith.constant 0 : i32
      %dma_wait3A_147 = arith.constant 0 : i32
      %dma_wait3A_148 = tpu.memref_slice %arg2[%dma_wait3A_146, %dma_wait3A_147] : memref<10000x128xf32, #tpu.memory_space<hbm>> -> memref<10000x128xf32, #tpu.memory_space<hbm>>
      tpu.wait_indirect_dma semaphore(%arg18 : memref<!tpu.dma_semaphore, #tpu.memory_space<semaphore_mem>>) src(%dma_wait3A_148 : memref<10000x128xf32, #tpu.memory_space<hbm>>) dst(%arg8 : memref<128x128xf32, #tpu.memory_space<vmem>>)
      %dma_start3A_149 = arith.constant 0 : i32
      %dma_start3A_150 = arith.constant 0 : i32
      %dma_start3A_151 = tpu.memref_slice %arg6[%dma_start3A_149, %dma_start3A_150] : memref<10128x128xf32, #tpu.memory_space<vmem_shared>> -> memref<10128x128xf32, #tpu.memory_space<vmem_shared>>
      tpu.enqueue_indirect_dma source(%arg8 : memref<128x128xf32, #tpu.memory_space<vmem>>) target(%dma_start3A_151 : memref<10128x128xf32, #tpu.memory_space<vmem_shared>>) offsets(%arg12 : memref<128xi32, #tpu.memory_space<vmem>>) semaphore(%arg20 : memref<!tpu.dma_semaphore, #tpu.memory_space<semaphore_mem>>) {add = true}
      %dma_wait3A_152 = arith.constant 0 : i32
      %dma_wait3A_153 = arith.constant 0 : i32
      %dma_wait3A_154 = tpu.memref_slice %arg6[%dma_wait3A_152, %dma_wait3A_153] : memref<10128x128xf32, #tpu.memory_space<vmem_shared>> -> memref<10128x128xf32, #tpu.memory_space<vmem_shared>>
      tpu.wait_indirect_dma semaphore(%arg19 : memref<!tpu.dma_semaphore, #tpu.memory_space<semaphore_mem>>) src(%arg7 : memref<128x128xf32, #tpu.memory_space<vmem>>) dst(%dma_wait3A_154 : memref<10128x128xf32, #tpu.memory_space<vmem_shared>>)
      %dma_wait3A_155 = arith.constant 0 : i32
      %dma_wait3A_156 = tpu.memref_slice %arg3[%mul3A_23, %dma_wait3A_155] : memref<2560x128xi32, #tpu.memory_space<hbm>> -> memref<1x128xi32, #tpu.memory_space<hbm>>
      %dma_wait3A_157 = tpu.memref_squeeze %dma_wait3A_156 : memref<1x128xi32, #tpu.memory_space<hbm>> -> memref<128xi32, #tpu.memory_space<hbm>>
      %dma_wait3A_158 = arith.constant 0 : i32
      %dma_wait3A_159 = tpu.memref_slice %arg3[%mul3A_23, %dma_wait3A_158] : memref<2560x128xi32, #tpu.memory_space<hbm>> -> memref<1x128xi32, #tpu.memory_space<hbm>>
      %dma_wait3A_160 = tpu.memref_squeeze %dma_wait3A_159 : memref<1x128xi32, #tpu.memory_space<hbm>> -> memref<128xi32, #tpu.memory_space<hbm>>
      tpu.wait_dma2 semaphore(%arg22 : memref<!tpu.dma_semaphore, #tpu.memory_space<semaphore_mem>>) src(%dma_wait3A_160 : memref<128xi32, #tpu.memory_space<hbm>>) dst(%arg13 : memref<128xi32, #tpu.memory_space<vmem>>)
      %dma_wait3A_161 = arith.constant 0 : i32
      %dma_wait3A_162 = tpu.memref_slice %arg4[%mul3A_23, %dma_wait3A_161] : memref<2560x128xi32, #tpu.memory_space<hbm>> -> memref<1x128xi32, #tpu.memory_space<hbm>>
      %dma_wait3A_163 = tpu.memref_squeeze %dma_wait3A_162 : memref<1x128xi32, #tpu.memory_space<hbm>> -> memref<128xi32, #tpu.memory_space<hbm>>
      %dma_wait3A_164 = arith.constant 0 : i32
      %dma_wait3A_165 = tpu.memref_slice %arg4[%mul3A_23, %dma_wait3A_164] : memref<2560x128xi32, #tpu.memory_space<hbm>> -> memref<1x128xi32, #tpu.memory_space<hbm>>
      %dma_wait3A_166 = tpu.memref_squeeze %dma_wait3A_165 : memref<1x128xi32, #tpu.memory_space<hbm>> -> memref<128xi32, #tpu.memory_space<hbm>>
      tpu.wait_dma2 semaphore(%arg22 : memref<!tpu.dma_semaphore, #tpu.memory_space<semaphore_mem>>) src(%dma_wait3A_166 : memref<128xi32, #tpu.memory_space<hbm>>) dst(%arg15 : memref<128xi32, #tpu.memory_space<vmem>>)
      %dma_wait3A_167 = arith.constant 0 : i32
      %dma_wait3A_168 = tpu.memref_slice %arg3[%mul3A_23, %dma_wait3A_167] : memref<2560x128xi32, #tpu.memory_space<hbm>> -> memref<1x128xi32, #tpu.memory_space<hbm>>
      %dma_wait3A_169 = tpu.memref_squeeze %dma_wait3A_168 : memref<1x128xi32, #tpu.memory_space<hbm>> -> memref<128xi32, #tpu.memory_space<hbm>>
      %dma_wait3A_170 = arith.constant 0 : i32
      %dma_wait3A_171 = tpu.memref_slice %arg3[%mul3A_23, %dma_wait3A_170] : memref<2560x128xi32, #tpu.memory_space<hbm>> -> memref<1x128xi32, #tpu.memory_space<hbm>>
      %dma_wait3A_172 = tpu.memref_squeeze %dma_wait3A_171 : memref<1x128xi32, #tpu.memory_space<hbm>> -> memref<128xi32, #tpu.memory_space<hbm>>
      tpu.wait_dma2 semaphore(%arg22 : memref<!tpu.dma_semaphore, #tpu.memory_space<semaphore_mem>>) src(%dma_wait3A_172 : memref<128xi32, #tpu.memory_space<hbm>>) dst(%arg14 : memref<128xi32, #tpu.memory_space<vmem>>)
      %dma_wait3A_173 = arith.constant 0 : i32
      %dma_wait3A_174 = tpu.memref_slice %arg4[%mul3A_23, %dma_wait3A_173] : memref<2560x128xi32, #tpu.memory_space<hbm>> -> memref<1x128xi32, #tpu.memory_space<hbm>>
      %dma_wait3A_175 = tpu.memref_squeeze %dma_wait3A_174 : memref<1x128xi32, #tpu.memory_space<hbm>> -> memref<128xi32, #tpu.memory_space<hbm>>
      %dma_wait3A_176 = arith.constant 0 : i32
      %dma_wait3A_177 = tpu.memref_slice %arg4[%mul3A_23, %dma_wait3A_176] : memref<2560x128xi32, #tpu.memory_space<hbm>> -> memref<1x128xi32, #tpu.memory_space<hbm>>
      %dma_wait3A_178 = tpu.memref_squeeze %dma_wait3A_177 : memref<1x128xi32, #tpu.memory_space<hbm>> -> memref<128xi32, #tpu.memory_space<hbm>>
      tpu.wait_dma2 semaphore(%arg22 : memref<!tpu.dma_semaphore, #tpu.memory_space<semaphore_mem>>) src(%dma_wait3A_178 : memref<128xi32, #tpu.memory_space<hbm>>) dst(%arg16 : memref<128xi32, #tpu.memory_space<vmem>>)
      %dma_start3A_179 = arith.constant 0 : i32
      %dma_start3A_180 = arith.constant 0 : i32
      %dma_start3A_181 = tpu.memref_slice %arg2[%dma_start3A_179, %dma_start3A_180] : memref<10000x128xf32, #tpu.memory_space<hbm>> -> memref<10000x128xf32, #tpu.memory_space<hbm>>
      tpu.enqueue_indirect_dma source(%dma_start3A_181 : memref<10000x128xf32, #tpu.memory_space<hbm>>) target(%arg7 : memref<128x128xf32, #tpu.memory_space<vmem>>) offsets(%arg13 : memref<128xi32, #tpu.memory_space<vmem>>) semaphore(%arg17 : memref<!tpu.dma_semaphore, #tpu.memory_space<semaphore_mem>>)
      %mul3A_182 = arith.constant 2 : i32
      %mul3A_183 = arith.muli %mul3A_182, %scan3A_97 : i32
      %add3A_184 = arith.constant 1 : i32
      %add3A_185 = arith.addi %mul3A_183, %add3A_184 : i32
      %mul3A_186 = arith.constant 2 : i32
      %mul3A_187 = arith.muli %mul3A_186, %add3A_185 : i32
      %add3A_188 = arith.addi %mul3A_23, %mul3A_187 : i32
      %dma_wait3A_189 = arith.constant 0 : i32
      %dma_wait3A_190 = arith.constant 0 : i32
      %dma_wait3A_191 = tpu.memref_slice %arg6[%dma_wait3A_189, %dma_wait3A_190] : memref<10128x128xf32, #tpu.memory_space<vmem_shared>> -> memref<10128x128xf32, #tpu.memory_space<vmem_shared>>
      tpu.wait_indirect_dma semaphore(%arg20 : memref<!tpu.dma_semaphore, #tpu.memory_space<semaphore_mem>>) src(%arg8 : memref<128x128xf32, #tpu.memory_space<vmem>>) dst(%dma_wait3A_191 : memref<10128x128xf32, #tpu.memory_space<vmem_shared>>)
      %add3A_192 = arith.constant 1 : i32
      %add3A_193 = arith.addi %add3A_185, %add3A_192 : i32
      %lt3A_194 = arith.constant 40 : i32
      %lt3A_195 = arith.cmpi slt, %add3A_193, %lt3A_194 : i32
      %convert_element_type3A_196 = arith.extui %lt3A_195 : i1 to i32
      %cond3A_197 = arith.constant 0 : i32
      %cond3A_198 = arith.cmpi ne, %convert_element_type3A_196, %cond3A_197 : i32
      scf.if %cond3A_198 {
        %add3A_224 = arith.constant 2 : i32
        %add3A_225 = arith.addi %add3A_188, %add3A_224 : i32
        %dma_start3A_226 = arith.constant 0 : i32
        %dma_start3A_227 = tpu.memref_slice %arg3[%add3A_225, %dma_start3A_226] : memref<2560x128xi32, #tpu.memory_space<hbm>> -> memref<1x128xi32, #tpu.memory_space<hbm>>
        %dma_start3A_228 = tpu.memref_squeeze %dma_start3A_227 : memref<1x128xi32, #tpu.memory_space<hbm>> -> memref<128xi32, #tpu.memory_space<hbm>>
        %dma_start3A_229 = arith.constant 0 : i32
        %dma_start3A_230 = tpu.memref_slice %arg3[%add3A_225, %dma_start3A_229] : memref<2560x128xi32, #tpu.memory_space<hbm>> -> memref<1x128xi32, #tpu.memory_space<hbm>>
        %dma_start3A_231 = tpu.memref_squeeze %dma_start3A_230 : memref<1x128xi32, #tpu.memory_space<hbm>> -> memref<128xi32, #tpu.memory_space<hbm>>
        tpu.enqueue_dma source(%dma_start3A_231 : memref<128xi32, #tpu.memory_space<hbm>>) target(%arg9 : memref<128xi32, #tpu.memory_space<vmem>>) target_semaphore(%arg21 : memref<!tpu.dma_semaphore, #tpu.memory_space<semaphore_mem>>)
        %dma_start3A_232 = arith.constant 0 : i32
        %dma_start3A_233 = tpu.memref_slice %arg4[%add3A_225, %dma_start3A_232] : memref<2560x128xi32, #tpu.memory_space<hbm>> -> memref<1x128xi32, #tpu.memory_space<hbm>>
        %dma_start3A_234 = tpu.memref_squeeze %dma_start3A_233 : memref<1x128xi32, #tpu.memory_space<hbm>> -> memref<128xi32, #tpu.memory_space<hbm>>
        %dma_start3A_235 = arith.constant 0 : i32
        %dma_start3A_236 = tpu.memref_slice %arg4[%add3A_225, %dma_start3A_235] : memref<2560x128xi32, #tpu.memory_space<hbm>> -> memref<1x128xi32, #tpu.memory_space<hbm>>
        %dma_start3A_237 = tpu.memref_squeeze %dma_start3A_236 : memref<1x128xi32, #tpu.memory_space<hbm>> -> memref<128xi32, #tpu.memory_space<hbm>>
        tpu.enqueue_dma source(%dma_start3A_237 : memref<128xi32, #tpu.memory_space<hbm>>) target(%arg11 : memref<128xi32, #tpu.memory_space<vmem>>) target_semaphore(%arg21 : memref<!tpu.dma_semaphore, #tpu.memory_space<semaphore_mem>>)
        %add3A_238 = arith.constant 1 : i32
        %add3A_239 = arith.addi %add3A_225, %add3A_238 : i32
        %dma_start3A_240 = arith.constant 0 : i32
        %dma_start3A_241 = tpu.memref_slice %arg3[%add3A_239, %dma_start3A_240] : memref<2560x128xi32, #tpu.memory_space<hbm>> -> memref<1x128xi32, #tpu.memory_space<hbm>>
        %dma_start3A_242 = tpu.memref_squeeze %dma_start3A_241 : memref<1x128xi32, #tpu.memory_space<hbm>> -> memref<128xi32, #tpu.memory_space<hbm>>
        %dma_start3A_243 = arith.constant 0 : i32
        %dma_start3A_244 = tpu.memref_slice %arg3[%add3A_239, %dma_start3A_243] : memref<2560x128xi32, #tpu.memory_space<hbm>> -> memref<1x128xi32, #tpu.memory_space<hbm>>
        %dma_start3A_245 = tpu.memref_squeeze %dma_start3A_244 : memref<1x128xi32, #tpu.memory_space<hbm>> -> memref<128xi32, #tpu.memory_space<hbm>>
        tpu.enqueue_dma source(%dma_start3A_245 : memref<128xi32, #tpu.memory_space<hbm>>) target(%arg10 : memref<128xi32, #tpu.memory_space<vmem>>) target_semaphore(%arg21 : memref<!tpu.dma_semaphore, #tpu.memory_space<semaphore_mem>>)
        %add3A_246 = arith.constant 1 : i32
        %add3A_247 = arith.addi %add3A_225, %add3A_246 : i32
        %dma_start3A_248 = arith.constant 0 : i32
        %dma_start3A_249 = tpu.memref_slice %arg4[%add3A_247, %dma_start3A_248] : memref<2560x128xi32, #tpu.memory_space<hbm>> -> memref<1x128xi32, #tpu.memory_space<hbm>>
        %dma_start3A_250 = tpu.memref_squeeze %dma_start3A_249 : memref<1x128xi32, #tpu.memory_space<hbm>> -> memref<128xi32, #tpu.memory_space<hbm>>
        %dma_start3A_251 = arith.constant 0 : i32
        %dma_start3A_252 = tpu.memref_slice %arg4[%add3A_247, %dma_start3A_251] : memref<2560x128xi32, #tpu.memory_space<hbm>> -> memref<1x128xi32, #tpu.memory_space<hbm>>
        %dma_start3A_253 = tpu.memref_squeeze %dma_start3A_252 : memref<1x128xi32, #tpu.memory_space<hbm>> -> memref<128xi32, #tpu.memory_space<hbm>>
        tpu.enqueue_dma source(%dma_start3A_253 : memref<128xi32, #tpu.memory_space<hbm>>) target(%arg12 : memref<128xi32, #tpu.memory_space<vmem>>) target_semaphore(%arg21 : memref<!tpu.dma_semaphore, #tpu.memory_space<semaphore_mem>>)
      } else {
      }
      %dma_wait3A_199 = arith.constant 0 : i32
      %dma_wait3A_200 = arith.constant 0 : i32
      %dma_wait3A_201 = tpu.memref_slice %arg2[%dma_wait3A_199, %dma_wait3A_200] : memref<10000x128xf32, #tpu.memory_space<hbm>> -> memref<10000x128xf32, #tpu.memory_space<hbm>>
      tpu.wait_indirect_dma semaphore(%arg17 : memref<!tpu.dma_semaphore, #tpu.memory_space<semaphore_mem>>) src(%dma_wait3A_201 : memref<10000x128xf32, #tpu.memory_space<hbm>>) dst(%arg7 : memref<128x128xf32, #tpu.memory_space<vmem>>)
      %dma_start3A_202 = arith.constant 0 : i32
      %dma_start3A_203 = arith.constant 0 : i32
      %dma_start3A_204 = tpu.memref_slice %arg6[%dma_start3A_202, %dma_start3A_203] : memref<10128x128xf32, #tpu.memory_space<vmem_shared>> -> memref<10128x128xf32, #tpu.memory_space<vmem_shared>>
      tpu.enqueue_indirect_dma source(%arg7 : memref<128x128xf32, #tpu.memory_space<vmem>>) target(%dma_start3A_204 : memref<10128x128xf32, #tpu.memory_space<vmem_shared>>) offsets(%arg15 : memref<128xi32, #tpu.memory_space<vmem>>) semaphore(%arg19 : memref<!tpu.dma_semaphore, #tpu.memory_space<semaphore_mem>>) {add = true}
      %dma_start3A_205 = arith.constant 0 : i32
      %dma_start3A_206 = arith.constant 0 : i32
      %dma_start3A_207 = tpu.memref_slice %arg2[%dma_start3A_205, %dma_start3A_206] : memref<10000x128xf32, #tpu.memory_space<hbm>> -> memref<10000x128xf32, #tpu.memory_space<hbm>>
      tpu.enqueue_indirect_dma source(%dma_start3A_207 : memref<10000x128xf32, #tpu.memory_space<hbm>>) target(%arg8 : memref<128x128xf32, #tpu.memory_space<vmem>>) offsets(%arg14 : memref<128xi32, #tpu.memory_space<vmem>>) semaphore(%arg18 : memref<!tpu.dma_semaphore, #tpu.memory_space<semaphore_mem>>)
      %dma_wait3A_208 = arith.constant 0 : i32
      %dma_wait3A_209 = arith.constant 0 : i32
      %dma_wait3A_210 = tpu.memref_slice %arg2[%dma_wait3A_208, %dma_wait3A_209] : memref<10000x128xf32, #tpu.memory_space<hbm>> -> memref<10000x128xf32, #tpu.memory_space<hbm>>
      tpu.wait_indirect_dma semaphore(%arg18 : memref<!tpu.dma_semaphore, #tpu.memory_space<semaphore_mem>>) src(%dma_wait3A_210 : memref<10000x128xf32, #tpu.memory_space<hbm>>) dst(%arg8 : memref<128x128xf32, #tpu.memory_space<vmem>>)
      %dma_start3A_211 = arith.constant 0 : i32
      %dma_start3A_212 = arith.constant 0 : i32
      %dma_start3A_213 = tpu.memref_slice %arg6[%dma_start3A_211, %dma_start3A_212] : memref<10128x128xf32, #tpu.memory_space<vmem_shared>> -> memref<10128x128xf32, #tpu.memory_space<vmem_shared>>
      tpu.enqueue_indirect_dma source(%arg8 : memref<128x128xf32, #tpu.memory_space<vmem>>) target(%dma_start3A_213 : memref<10128x128xf32, #tpu.memory_space<vmem_shared>>) offsets(%arg16 : memref<128xi32, #tpu.memory_space<vmem>>) semaphore(%arg20 : memref<!tpu.dma_semaphore, #tpu.memory_space<semaphore_mem>>) {add = true}
      %dma_wait3A_214 = arith.constant 0 : i32
      %dma_wait3A_215 = arith.constant 0 : i32
      %dma_wait3A_216 = tpu.memref_slice %arg6[%dma_wait3A_214, %dma_wait3A_215] : memref<10128x128xf32, #tpu.memory_space<vmem_shared>> -> memref<10128x128xf32, #tpu.memory_space<vmem_shared>>
      tpu.wait_indirect_dma semaphore(%arg19 : memref<!tpu.dma_semaphore, #tpu.memory_space<semaphore_mem>>) src(%arg7 : memref<128x128xf32, #tpu.memory_space<vmem>>) dst(%dma_wait3A_216 : memref<10128x128xf32, #tpu.memory_space<vmem_shared>>)
      %add3A_217 = arith.constant 1 : i32
      %add3A_218 = arith.addi %add3A_185, %add3A_217 : i32
      %lt3A_219 = arith.constant 40 : i32
      %lt3A_220 = arith.cmpi slt, %add3A_218, %lt3A_219 : i32
      %convert_element_type3A_221 = arith.extui %lt3A_220 : i1 to i32
      %cond3A_222 = arith.constant 0 : i32
      %cond3A_223 = arith.cmpi ne, %convert_element_type3A_221, %cond3A_222 : i32
      scf.if %cond3A_223 {
        %dma_wait3A_224 = arith.constant 0 : i32
        %dma_wait3A_225 = tpu.memref_slice %arg3[%mul3A_23, %dma_wait3A_224] : memref<2560x128xi32, #tpu.memory_space<hbm>> -> memref<1x128xi32, #tpu.memory_space<hbm>>
        %dma_wait3A_226 = tpu.memref_squeeze %dma_wait3A_225 : memref<1x128xi32, #tpu.memory_space<hbm>> -> memref<128xi32, #tpu.memory_space<hbm>>
        %dma_wait3A_227 = arith.constant 0 : i32
        %dma_wait3A_228 = tpu.memref_slice %arg3[%mul3A_23, %dma_wait3A_227] : memref<2560x128xi32, #tpu.memory_space<hbm>> -> memref<1x128xi32, #tpu.memory_space<hbm>>
        %dma_wait3A_229 = tpu.memref_squeeze %dma_wait3A_228 : memref<1x128xi32, #tpu.memory_space<hbm>> -> memref<128xi32, #tpu.memory_space<hbm>>
        tpu.wait_dma2 semaphore(%arg21 : memref<!tpu.dma_semaphore, #tpu.memory_space<semaphore_mem>>) src(%dma_wait3A_229 : memref<128xi32, #tpu.memory_space<hbm>>) dst(%arg9 : memref<128xi32, #tpu.memory_space<vmem>>)
        %dma_wait3A_230 = arith.constant 0 : i32
        %dma_wait3A_231 = tpu.memref_slice %arg4[%mul3A_23, %dma_wait3A_230] : memref<2560x128xi32, #tpu.memory_space<hbm>> -> memref<1x128xi32, #tpu.memory_space<hbm>>
        %dma_wait3A_232 = tpu.memref_squeeze %dma_wait3A_231 : memref<1x128xi32, #tpu.memory_space<hbm>> -> memref<128xi32, #tpu.memory_space<hbm>>
        %dma_wait3A_233 = arith.constant 0 : i32
        %dma_wait3A_234 = tpu.memref_slice %arg4[%mul3A_23, %dma_wait3A_233] : memref<2560x128xi32, #tpu.memory_space<hbm>> -> memref<1x128xi32, #tpu.memory_space<hbm>>
        %dma_wait3A_235 = tpu.memref_squeeze %dma_wait3A_234 : memref<1x128xi32, #tpu.memory_space<hbm>> -> memref<128xi32, #tpu.memory_space<hbm>>
        tpu.wait_dma2 semaphore(%arg21 : memref<!tpu.dma_semaphore, #tpu.memory_space<semaphore_mem>>) src(%dma_wait3A_235 : memref<128xi32, #tpu.memory_space<hbm>>) dst(%arg11 : memref<128xi32, #tpu.memory_space<vmem>>)
        %dma_wait3A_236 = arith.constant 0 : i32
        %dma_wait3A_237 = tpu.memref_slice %arg3[%mul3A_23, %dma_wait3A_236] : memref<2560x128xi32, #tpu.memory_space<hbm>> -> memref<1x128xi32, #tpu.memory_space<hbm>>
        %dma_wait3A_238 = tpu.memref_squeeze %dma_wait3A_237 : memref<1x128xi32, #tpu.memory_space<hbm>> -> memref<128xi32, #tpu.memory_space<hbm>>
        %dma_wait3A_239 = arith.constant 0 : i32
        %dma_wait3A_240 = tpu.memref_slice %arg3[%mul3A_23, %dma_wait3A_239] : memref<2560x128xi32, #tpu.memory_space<hbm>> -> memref<1x128xi32, #tpu.memory_space<hbm>>
        %dma_wait3A_241 = tpu.memref_squeeze %dma_wait3A_240 : memref<1x128xi32, #tpu.memory_space<hbm>> -> memref<128xi32, #tpu.memory_space<hbm>>
        tpu.wait_dma2 semaphore(%arg21 : memref<!tpu.dma_semaphore, #tpu.memory_space<semaphore_mem>>) src(%dma_wait3A_241 : memref<128xi32, #tpu.memory_space<hbm>>) dst(%arg10 : memref<128xi32, #tpu.memory_space<vmem>>)
        %dma_wait3A_242 = arith.constant 0 : i32
        %dma_wait3A_243 = tpu.memref_slice %arg4[%mul3A_23, %dma_wait3A_242] : memref<2560x128xi32, #tpu.memory_space<hbm>> -> memref<1x128xi32, #tpu.memory_space<hbm>>
        %dma_wait3A_244 = tpu.memref_squeeze %dma_wait3A_243 : memref<1x128xi32, #tpu.memory_space<hbm>> -> memref<128xi32, #tpu.memory_space<hbm>>
        %dma_wait3A_245 = arith.constant 0 : i32
        %dma_wait3A_246 = tpu.memref_slice %arg4[%mul3A_23, %dma_wait3A_245] : memref<2560x128xi32, #tpu.memory_space<hbm>> -> memref<1x128xi32, #tpu.memory_space<hbm>>
        %dma_wait3A_247 = tpu.memref_squeeze %dma_wait3A_246 : memref<1x128xi32, #tpu.memory_space<hbm>> -> memref<128xi32, #tpu.memory_space<hbm>>
        tpu.wait_dma2 semaphore(%arg21 : memref<!tpu.dma_semaphore, #tpu.memory_space<semaphore_mem>>) src(%dma_wait3A_247 : memref<128xi32, #tpu.memory_space<hbm>>) dst(%arg12 : memref<128xi32, #tpu.memory_space<vmem>>)
        %dma_start3A_248 = arith.constant 0 : i32
        %dma_start3A_249 = arith.constant 0 : i32
        %dma_start3A_250 = tpu.memref_slice %arg2[%dma_start3A_248, %dma_start3A_249] : memref<10000x128xf32, #tpu.memory_space<hbm>> -> memref<10000x128xf32, #tpu.memory_space<hbm>>
        tpu.enqueue_indirect_dma source(%dma_start3A_250 : memref<10000x128xf32, #tpu.memory_space<hbm>>) target(%arg7 : memref<128x128xf32, #tpu.memory_space<vmem>>) offsets(%arg9 : memref<128xi32, #tpu.memory_space<vmem>>) semaphore(%arg17 : memref<!tpu.dma_semaphore, #tpu.memory_space<semaphore_mem>>)
      } else {
      }
    }
    %scan3A_82 = arith.constant 20 : i32
    %dma_wait3A_83 = arith.constant 0 : i32
    %dma_wait3A_84 = arith.constant 0 : i32
    %dma_wait3A_85 = tpu.memref_slice %arg6[%dma_wait3A_83, %dma_wait3A_84] : memref<10128x128xf32, #tpu.memory_space<vmem_shared>> -> memref<10128x128xf32, #tpu.memory_space<vmem_shared>>
    tpu.wait_indirect_dma semaphore(%arg20 : memref<!tpu.dma_semaphore, #tpu.memory_space<semaphore_mem>>) src(%arg8 : memref<128x128xf32, #tpu.memory_space<vmem>>) dst(%dma_wait3A_85 : memref<10128x128xf32, #tpu.memory_space<vmem_shared>>)
    %barrier3A_86 = arith.constant 0 : index
    tpu.barrier barrier_id(%barrier3A_86)
    %lt3A_87 = arith.constant 15 : i32
    %lt3A_88 = arith.cmpi slt, %arg1, %lt3A_87 : i32
    %convert_element_type3A_89 = arith.extui %lt3A_88 : i1 to i32
    %cond3A_90 = arith.constant 0 : i32
    %cond3A_91 = arith.cmpi ne, %convert_element_type3A_89, %cond3A_90 : i32
    scf.if %cond3A_91 {
      %mul3A_97 = arith.constant 640 : i32
      %mul3A_98 = arith.muli %arg1, %mul3A_97 : i32
      %multiple_of3A = tpu.assume_multiple %mul3A_98, 128 : i32
      %add3A_99 = arith.constant 0 : i32
      %add3A_100 = arith.addi %multiple_of3A, %add3A_99 : i32
      %add3A_101 = arith.constant 128 : i32
      %add3A_102 = arith.addi %multiple_of3A, %add3A_101 : i32
      %add3A_103 = arith.constant 256 : i32
      %add3A_104 = arith.addi %multiple_of3A, %add3A_103 : i32
      %add3A_105 = arith.constant 384 : i32
      %add3A_106 = arith.addi %multiple_of3A, %add3A_105 : i32
      %add3A_107 = arith.constant 512 : i32
      %add3A_108 = arith.addi %multiple_of3A, %add3A_107 : i32
      %dma_start3A_109 = arith.constant 0 : i32
      %dma_start3A_110 = arith.constant 0 : i32
      %dma_start3A_111 = tpu.memref_slice %arg7[%dma_start3A_109, %dma_start3A_110] : memref<128x128xf32, #tpu.memory_space<vmem>> -> memref<128x128xf32, #tpu.memory_space<vmem>>
      %dma_start3A_112 = arith.constant 0 : i32
      %dma_start3A_113 = tpu.memref_slice %arg6[%add3A_100, %dma_start3A_112] : memref<10128x128xf32, #tpu.memory_space<vmem_shared>> -> memref<128x128xf32, #tpu.memory_space<vmem_shared>>
      %dma_start3A_114 = arith.constant 0 : i32
      %dma_start3A_115 = arith.constant 0 : i32
      %dma_start3A_116 = tpu.memref_slice %arg7[%dma_start3A_114, %dma_start3A_115] : memref<128x128xf32, #tpu.memory_space<vmem>> -> memref<128x128xf32, #tpu.memory_space<vmem>>
      %dma_start3A_117 = arith.constant 0 : i32
      %dma_start3A_118 = tpu.memref_slice %arg6[%add3A_100, %dma_start3A_117] : memref<10128x128xf32, #tpu.memory_space<vmem_shared>> -> memref<128x128xf32, #tpu.memory_space<vmem_shared>>
      tpu.enqueue_dma source(%dma_start3A_118 : memref<128x128xf32, #tpu.memory_space<vmem_shared>>) target(%dma_start3A_116 : memref<128x128xf32, #tpu.memory_space<vmem>>) target_semaphore(%arg17 : memref<!tpu.dma_semaphore, #tpu.memory_space<semaphore_mem>>)
      %dma_wait3A_119 = arith.constant 0 : i32
      %dma_wait3A_120 = arith.constant 0 : i32
      %dma_wait3A_121 = tpu.memref_slice %arg7[%dma_wait3A_119, %dma_wait3A_120] : memref<128x128xf32, #tpu.memory_space<vmem>> -> memref<128x128xf32, #tpu.memory_space<vmem>>
      %dma_wait3A_122 = arith.constant 0 : i32
      %dma_wait3A_123 = tpu.memref_slice %arg6[%add3A_100, %dma_wait3A_122] : memref<10128x128xf32, #tpu.memory_space<vmem_shared>> -> memref<128x128xf32, #tpu.memory_space<vmem_shared>>
      %dma_wait3A_124 = arith.constant 0 : i32
      %dma_wait3A_125 = arith.constant 0 : i32
      %dma_wait3A_126 = tpu.memref_slice %arg7[%dma_wait3A_124, %dma_wait3A_125] : memref<128x128xf32, #tpu.memory_space<vmem>> -> memref<128x128xf32, #tpu.memory_space<vmem>>
      %dma_wait3A_127 = arith.constant 0 : i32
      %dma_wait3A_128 = tpu.memref_slice %arg6[%add3A_100, %dma_wait3A_127] : memref<10128x128xf32, #tpu.memory_space<vmem_shared>> -> memref<128x128xf32, #tpu.memory_space<vmem_shared>>
      tpu.wait_dma2 semaphore(%arg17 : memref<!tpu.dma_semaphore, #tpu.memory_space<semaphore_mem>>) src(%dma_wait3A_128 : memref<128x128xf32, #tpu.memory_space<vmem_shared>>) dst(%dma_wait3A_126 : memref<128x128xf32, #tpu.memory_space<vmem>>)
      %dma_start3A_129 = arith.constant 0 : i32
      %dma_start3A_130 = arith.constant 0 : i32
      %dma_start3A_131 = tpu.memref_slice %arg7[%dma_start3A_129, %dma_start3A_130] : memref<128x128xf32, #tpu.memory_space<vmem>> -> memref<128x128xf32, #tpu.memory_space<vmem>>
      %dma_start3A_132 = arith.constant 0 : i32
      %dma_start3A_133 = arith.constant 0 : i32
      %dma_start3A_134 = tpu.memref_slice %arg5[%arg0, %dma_start3A_132, %dma_start3A_133] : memref<2x10000x128xf32, #tpu.memory_space<hbm>> -> memref<1x10000x128xf32, #tpu.memory_space<hbm>>
      %dma_start3A_135 = tpu.memref_squeeze %dma_start3A_134 : memref<1x10000x128xf32, #tpu.memory_space<hbm>> -> memref<10000x128xf32, #tpu.memory_space<hbm>>
      %dma_start3A_136 = arith.constant 0 : i32
      %dma_start3A_137 = tpu.memref_slice %dma_start3A_135[%add3A_100, %dma_start3A_136] : memref<10000x128xf32, #tpu.memory_space<hbm>> -> memref<128x128xf32, #tpu.memory_space<hbm>>
      %dma_start3A_138 = arith.constant 0 : i32
      %dma_start3A_139 = arith.constant 0 : i32
      %dma_start3A_140 = tpu.memref_slice %arg5[%arg0, %dma_start3A_138, %dma_start3A_139] : memref<2x10000x128xf32, #tpu.memory_space<hbm>> -> memref<1x10000x128xf32, #tpu.memory_space<hbm>>
      %dma_start3A_141 = tpu.memref_squeeze %dma_start3A_140 : memref<1x10000x128xf32, #tpu.memory_space<hbm>> -> memref<10000x128xf32, #tpu.memory_space<hbm>>
      %dma_start3A_142 = arith.constant 0 : i32
      %dma_start3A_143 = tpu.memref_slice %dma_start3A_141[%add3A_100, %dma_start3A_142] : memref<10000x128xf32, #tpu.memory_space<hbm>> -> memref<128x128xf32, #tpu.memory_space<hbm>>
      %dma_start3A_144 = arith.constant 0 : i32
      %dma_start3A_145 = arith.constant 0 : i32
      %dma_start3A_146 = tpu.memref_slice %arg7[%dma_start3A_144, %dma_start3A_145] : memref<128x128xf32, #tpu.memory_space<vmem>> -> memref<128x128xf32, #tpu.memory_space<vmem>>
      tpu.enqueue_dma source(%dma_start3A_146 : memref<128x128xf32, #tpu.memory_space<vmem>>) target(%dma_start3A_143 : memref<128x128xf32, #tpu.memory_space<hbm>>) target_semaphore(%arg19 : memref<!tpu.dma_semaphore, #tpu.memory_space<semaphore_mem>>)
      %dma_start3A_147 = arith.constant 0 : i32
      %dma_start3A_148 = arith.constant 0 : i32
      %dma_start3A_149 = tpu.memref_slice %arg8[%dma_start3A_147, %dma_start3A_148] : memref<128x128xf32, #tpu.memory_space<vmem>> -> memref<128x128xf32, #tpu.memory_space<vmem>>
      %dma_start3A_150 = arith.constant 0 : i32
      %dma_start3A_151 = tpu.memref_slice %arg6[%add3A_102, %dma_start3A_150] : memref<10128x128xf32, #tpu.memory_space<vmem_shared>> -> memref<128x128xf32, #tpu.memory_space<vmem_shared>>
      %dma_start3A_152 = arith.constant 0 : i32
      %dma_start3A_153 = arith.constant 0 : i32
      %dma_start3A_154 = tpu.memref_slice %arg8[%dma_start3A_152, %dma_start3A_153] : memref<128x128xf32, #tpu.memory_space<vmem>> -> memref<128x128xf32, #tpu.memory_space<vmem>>
      %dma_start3A_155 = arith.constant 0 : i32
      %dma_start3A_156 = tpu.memref_slice %arg6[%add3A_102, %dma_start3A_155] : memref<10128x128xf32, #tpu.memory_space<vmem_shared>> -> memref<128x128xf32, #tpu.memory_space<vmem_shared>>
      tpu.enqueue_dma source(%dma_start3A_156 : memref<128x128xf32, #tpu.memory_space<vmem_shared>>) target(%dma_start3A_154 : memref<128x128xf32, #tpu.memory_space<vmem>>) target_semaphore(%arg18 : memref<!tpu.dma_semaphore, #tpu.memory_space<semaphore_mem>>)
      %dma_wait3A_157 = arith.constant 0 : i32
      %dma_wait3A_158 = arith.constant 0 : i32
      %dma_wait3A_159 = tpu.memref_slice %arg8[%dma_wait3A_157, %dma_wait3A_158] : memref<128x128xf32, #tpu.memory_space<vmem>> -> memref<128x128xf32, #tpu.memory_space<vmem>>
      %dma_wait3A_160 = arith.constant 0 : i32
      %dma_wait3A_161 = tpu.memref_slice %arg6[%add3A_102, %dma_wait3A_160] : memref<10128x128xf32, #tpu.memory_space<vmem_shared>> -> memref<128x128xf32, #tpu.memory_space<vmem_shared>>
      %dma_wait3A_162 = arith.constant 0 : i32
      %dma_wait3A_163 = arith.constant 0 : i32
      %dma_wait3A_164 = tpu.memref_slice %arg8[%dma_wait3A_162, %dma_wait3A_163] : memref<128x128xf32, #tpu.memory_space<vmem>> -> memref<128x128xf32, #tpu.memory_space<vmem>>
      %dma_wait3A_165 = arith.constant 0 : i32
      %dma_wait3A_166 = tpu.memref_slice %arg6[%add3A_102, %dma_wait3A_165] : memref<10128x128xf32, #tpu.memory_space<vmem_shared>> -> memref<128x128xf32, #tpu.memory_space<vmem_shared>>
      tpu.wait_dma2 semaphore(%arg18 : memref<!tpu.dma_semaphore, #tpu.memory_space<semaphore_mem>>) src(%dma_wait3A_166 : memref<128x128xf32, #tpu.memory_space<vmem_shared>>) dst(%dma_wait3A_164 : memref<128x128xf32, #tpu.memory_space<vmem>>)
      %dma_start3A_167 = arith.constant 0 : i32
      %dma_start3A_168 = arith.constant 0 : i32
      %dma_start3A_169 = tpu.memref_slice %arg8[%dma_start3A_167, %dma_start3A_168] : memref<128x128xf32, #tpu.memory_space<vmem>> -> memref<128x128xf32, #tpu.memory_space<vmem>>
      %dma_start3A_170 = arith.constant 0 : i32
      %dma_start3A_171 = arith.constant 0 : i32
      %dma_start3A_172 = tpu.memref_slice %arg5[%arg0, %dma_start3A_170, %dma_start3A_171] : memref<2x10000x128xf32, #tpu.memory_space<hbm>> -> memref<1x10000x128xf32, #tpu.memory_space<hbm>>
      %dma_start3A_173 = tpu.memref_squeeze %dma_start3A_172 : memref<1x10000x128xf32, #tpu.memory_space<hbm>> -> memref<10000x128xf32, #tpu.memory_space<hbm>>
      %dma_start3A_174 = arith.constant 0 : i32
      %dma_start3A_175 = tpu.memref_slice %dma_start3A_173[%add3A_102, %dma_start3A_174] : memref<10000x128xf32, #tpu.memory_space<hbm>> -> memref<128x128xf32, #tpu.memory_space<hbm>>
      %dma_start3A_176 = arith.constant 0 : i32
      %dma_start3A_177 = arith.constant 0 : i32
      %dma_start3A_178 = tpu.memref_slice %arg5[%arg0, %dma_start3A_176, %dma_start3A_177] : memref<2x10000x128xf32, #tpu.memory_space<hbm>> -> memref<1x10000x128xf32, #tpu.memory_space<hbm>>
      %dma_start3A_179 = tpu.memref_squeeze %dma_start3A_178 : memref<1x10000x128xf32, #tpu.memory_space<hbm>> -> memref<10000x128xf32, #tpu.memory_space<hbm>>
      %dma_start3A_180 = arith.constant 0 : i32
      %dma_start3A_181 = tpu.memref_slice %dma_start3A_179[%add3A_102, %dma_start3A_180] : memref<10000x128xf32, #tpu.memory_space<hbm>> -> memref<128x128xf32, #tpu.memory_space<hbm>>
      %dma_start3A_182 = arith.constant 0 : i32
      %dma_start3A_183 = arith.constant 0 : i32
      %dma_start3A_184 = tpu.memref_slice %arg8[%dma_start3A_182, %dma_start3A_183] : memref<128x128xf32, #tpu.memory_space<vmem>> -> memref<128x128xf32, #tpu.memory_space<vmem>>
      tpu.enqueue_dma source(%dma_start3A_184 : memref<128x128xf32, #tpu.memory_space<vmem>>) target(%dma_start3A_181 : memref<128x128xf32, #tpu.memory_space<hbm>>) target_semaphore(%arg20 : memref<!tpu.dma_semaphore, #tpu.memory_space<semaphore_mem>>)
      %dma_wait3A_185 = arith.constant 0 : i32
      %dma_wait3A_186 = arith.constant 0 : i32
      %dma_wait3A_187 = tpu.memref_slice %arg7[%dma_wait3A_185, %dma_wait3A_186] : memref<128x128xf32, #tpu.memory_space<vmem>> -> memref<128x128xf32, #tpu.memory_space<vmem>>
      %dma_wait3A_188 = arith.constant 0 : i32
      %dma_wait3A_189 = arith.constant 0 : i32
      %dma_wait3A_190 = tpu.memref_slice %arg5[%arg0, %dma_wait3A_188, %dma_wait3A_189] : memref<2x10000x128xf32, #tpu.memory_space<hbm>> -> memref<1x10000x128xf32, #tpu.memory_space<hbm>>
      %dma_wait3A_191 = tpu.memref_squeeze %dma_wait3A_190 : memref<1x10000x128xf32, #tpu.memory_space<hbm>> -> memref<10000x128xf32, #tpu.memory_space<hbm>>
      %dma_wait3A_192 = arith.constant 0 : i32
      %dma_wait3A_193 = tpu.memref_slice %dma_wait3A_191[%add3A_100, %dma_wait3A_192] : memref<10000x128xf32, #tpu.memory_space<hbm>> -> memref<128x128xf32, #tpu.memory_space<hbm>>
      %dma_wait3A_194 = arith.constant 0 : i32
      %dma_wait3A_195 = arith.constant 0 : i32
      %dma_wait3A_196 = tpu.memref_slice %arg5[%arg0, %dma_wait3A_194, %dma_wait3A_195] : memref<2x10000x128xf32, #tpu.memory_space<hbm>> -> memref<1x10000x128xf32, #tpu.memory_space<hbm>>
      %dma_wait3A_197 = tpu.memref_squeeze %dma_wait3A_196 : memref<1x10000x128xf32, #tpu.memory_space<hbm>> -> memref<10000x128xf32, #tpu.memory_space<hbm>>
      %dma_wait3A_198 = arith.constant 0 : i32
      %dma_wait3A_199 = tpu.memref_slice %dma_wait3A_197[%add3A_100, %dma_wait3A_198] : memref<10000x128xf32, #tpu.memory_space<hbm>> -> memref<128x128xf32, #tpu.memory_space<hbm>>
      %dma_wait3A_200 = arith.constant 0 : i32
      %dma_wait3A_201 = arith.constant 0 : i32
      %dma_wait3A_202 = tpu.memref_slice %arg7[%dma_wait3A_200, %dma_wait3A_201] : memref<128x128xf32, #tpu.memory_space<vmem>> -> memref<128x128xf32, #tpu.memory_space<vmem>>
      tpu.wait_dma2 semaphore(%arg19 : memref<!tpu.dma_semaphore, #tpu.memory_space<semaphore_mem>>) src(%dma_wait3A_202 : memref<128x128xf32, #tpu.memory_space<vmem>>) dst(%dma_wait3A_199 : memref<128x128xf32, #tpu.memory_space<hbm>>)
      %dma_start3A_203 = arith.constant 0 : i32
      %dma_start3A_204 = arith.constant 0 : i32
      %dma_start3A_205 = tpu.memref_slice %arg7[%dma_start3A_203, %dma_start3A_204] : memref<128x128xf32, #tpu.memory_space<vmem>> -> memref<128x128xf32, #tpu.memory_space<vmem>>
      %dma_start3A_206 = arith.constant 0 : i32
      %dma_start3A_207 = tpu.memref_slice %arg6[%add3A_104, %dma_start3A_206] : memref<10128x128xf32, #tpu.memory_space<vmem_shared>> -> memref<128x128xf32, #tpu.memory_space<vmem_shared>>
      %dma_start3A_208 = arith.constant 0 : i32
      %dma_start3A_209 = arith.constant 0 : i32
      %dma_start3A_210 = tpu.memref_slice %arg7[%dma_start3A_208, %dma_start3A_209] : memref<128x128xf32, #tpu.memory_space<vmem>> -> memref<128x128xf32, #tpu.memory_space<vmem>>
      %dma_start3A_211 = arith.constant 0 : i32
      %dma_start3A_212 = tpu.memref_slice %arg6[%add3A_104, %dma_start3A_211] : memref<10128x128xf32, #tpu.memory_space<vmem_shared>> -> memref<128x128xf32, #tpu.memory_space<vmem_shared>>
      tpu.enqueue_dma source(%dma_start3A_212 : memref<128x128xf32, #tpu.memory_space<vmem_shared>>) target(%dma_start3A_210 : memref<128x128xf32, #tpu.memory_space<vmem>>) target_semaphore(%arg17 : memref<!tpu.dma_semaphore, #tpu.memory_space<semaphore_mem>>)
      %dma_wait3A_213 = arith.constant 0 : i32
      %dma_wait3A_214 = arith.constant 0 : i32
      %dma_wait3A_215 = tpu.memref_slice %arg7[%dma_wait3A_213, %dma_wait3A_214] : memref<128x128xf32, #tpu.memory_space<vmem>> -> memref<128x128xf32, #tpu.memory_space<vmem>>
      %dma_wait3A_216 = arith.constant 0 : i32
      %dma_wait3A_217 = tpu.memref_slice %arg6[%add3A_104, %dma_wait3A_216] : memref<10128x128xf32, #tpu.memory_space<vmem_shared>> -> memref<128x128xf32, #tpu.memory_space<vmem_shared>>
      %dma_wait3A_218 = arith.constant 0 : i32
      %dma_wait3A_219 = arith.constant 0 : i32
      %dma_wait3A_220 = tpu.memref_slice %arg7[%dma_wait3A_218, %dma_wait3A_219] : memref<128x128xf32, #tpu.memory_space<vmem>> -> memref<128x128xf32, #tpu.memory_space<vmem>>
      %dma_wait3A_221 = arith.constant 0 : i32
      %dma_wait3A_222 = tpu.memref_slice %arg6[%add3A_104, %dma_wait3A_221] : memref<10128x128xf32, #tpu.memory_space<vmem_shared>> -> memref<128x128xf32, #tpu.memory_space<vmem_shared>>
      tpu.wait_dma2 semaphore(%arg17 : memref<!tpu.dma_semaphore, #tpu.memory_space<semaphore_mem>>) src(%dma_wait3A_222 : memref<128x128xf32, #tpu.memory_space<vmem_shared>>) dst(%dma_wait3A_220 : memref<128x128xf32, #tpu.memory_space<vmem>>)
      %dma_start3A_223 = arith.constant 0 : i32
      %dma_start3A_224 = arith.constant 0 : i32
      %dma_start3A_225 = tpu.memref_slice %arg7[%dma_start3A_223, %dma_start3A_224] : memref<128x128xf32, #tpu.memory_space<vmem>> -> memref<128x128xf32, #tpu.memory_space<vmem>>
      %dma_start3A_226 = arith.constant 0 : i32
      %dma_start3A_227 = arith.constant 0 : i32
      %dma_start3A_228 = tpu.memref_slice %arg5[%arg0, %dma_start3A_226, %dma_start3A_227] : memref<2x10000x128xf32, #tpu.memory_space<hbm>> -> memref<1x10000x128xf32, #tpu.memory_space<hbm>>
      %dma_start3A_229 = tpu.memref_squeeze %dma_start3A_228 : memref<1x10000x128xf32, #tpu.memory_space<hbm>> -> memref<10000x128xf32, #tpu.memory_space<hbm>>
      %dma_start3A_230 = arith.constant 0 : i32
      %dma_start3A_231 = tpu.memref_slice %dma_start3A_229[%add3A_104, %dma_start3A_230] : memref<10000x128xf32, #tpu.memory_space<hbm>> -> memref<128x128xf32, #tpu.memory_space<hbm>>
      %dma_start3A_232 = arith.constant 0 : i32
      %dma_start3A_233 = arith.constant 0 : i32
      %dma_start3A_234 = tpu.memref_slice %arg5[%arg0, %dma_start3A_232, %dma_start3A_233] : memref<2x10000x128xf32, #tpu.memory_space<hbm>> -> memref<1x10000x128xf32, #tpu.memory_space<hbm>>
      %dma_start3A_235 = tpu.memref_squeeze %dma_start3A_234 : memref<1x10000x128xf32, #tpu.memory_space<hbm>> -> memref<10000x128xf32, #tpu.memory_space<hbm>>
      %dma_start3A_236 = arith.constant 0 : i32
      %dma_start3A_237 = tpu.memref_slice %dma_start3A_235[%add3A_104, %dma_start3A_236] : memref<10000x128xf32, #tpu.memory_space<hbm>> -> memref<128x128xf32, #tpu.memory_space<hbm>>
      %dma_start3A_238 = arith.constant 0 : i32
      %dma_start3A_239 = arith.constant 0 : i32
      %dma_start3A_240 = tpu.memref_slice %arg7[%dma_start3A_238, %dma_start3A_239] : memref<128x128xf32, #tpu.memory_space<vmem>> -> memref<128x128xf32, #tpu.memory_space<vmem>>
      tpu.enqueue_dma source(%dma_start3A_240 : memref<128x128xf32, #tpu.memory_space<vmem>>) target(%dma_start3A_237 : memref<128x128xf32, #tpu.memory_space<hbm>>) target_semaphore(%arg19 : memref<!tpu.dma_semaphore, #tpu.memory_space<semaphore_mem>>)
      %dma_wait3A_241 = arith.constant 0 : i32
      %dma_wait3A_242 = arith.constant 0 : i32
      %dma_wait3A_243 = tpu.memref_slice %arg8[%dma_wait3A_241, %dma_wait3A_242] : memref<128x128xf32, #tpu.memory_space<vmem>> -> memref<128x128xf32, #tpu.memory_space<vmem>>
      %dma_wait3A_244 = arith.constant 0 : i32
      %dma_wait3A_245 = arith.constant 0 : i32
      %dma_wait3A_246 = tpu.memref_slice %arg5[%arg0, %dma_wait3A_244, %dma_wait3A_245] : memref<2x10000x128xf32, #tpu.memory_space<hbm>> -> memref<1x10000x128xf32, #tpu.memory_space<hbm>>
      %dma_wait3A_247 = tpu.memref_squeeze %dma_wait3A_246 : memref<1x10000x128xf32, #tpu.memory_space<hbm>> -> memref<10000x128xf32, #tpu.memory_space<hbm>>
      %dma_wait3A_248 = arith.constant 0 : i32
      %dma_wait3A_249 = tpu.memref_slice %dma_wait3A_247[%add3A_102, %dma_wait3A_248] : memref<10000x128xf32, #tpu.memory_space<hbm>> -> memref<128x128xf32, #tpu.memory_space<hbm>>
      %dma_wait3A_250 = arith.constant 0 : i32
      %dma_wait3A_251 = arith.constant 0 : i32
      %dma_wait3A_252 = tpu.memref_slice %arg5[%arg0, %dma_wait3A_250, %dma_wait3A_251] : memref<2x10000x128xf32, #tpu.memory_space<hbm>> -> memref<1x10000x128xf32, #tpu.memory_space<hbm>>
      %dma_wait3A_253 = tpu.memref_squeeze %dma_wait3A_252 : memref<1x10000x128xf32, #tpu.memory_space<hbm>> -> memref<10000x128xf32, #tpu.memory_space<hbm>>
      %dma_wait3A_254 = arith.constant 0 : i32
      %dma_wait3A_255 = tpu.memref_slice %dma_wait3A_253[%add3A_102, %dma_wait3A_254] : memref<10000x128xf32, #tpu.memory_space<hbm>> -> memref<128x128xf32, #tpu.memory_space<hbm>>
      %dma_wait3A_256 = arith.constant 0 : i32
      %dma_wait3A_257 = arith.constant 0 : i32
      %dma_wait3A_258 = tpu.memref_slice %arg8[%dma_wait3A_256, %dma_wait3A_257] : memref<128x128xf32, #tpu.memory_space<vmem>> -> memref<128x128xf32, #tpu.memory_space<vmem>>
      tpu.wait_dma2 semaphore(%arg20 : memref<!tpu.dma_semaphore, #tpu.memory_space<semaphore_mem>>) src(%dma_wait3A_258 : memref<128x128xf32, #tpu.memory_space<vmem>>) dst(%dma_wait3A_255 : memref<128x128xf32, #tpu.memory_space<hbm>>)
      %dma_start3A_259 = arith.constant 0 : i32
      %dma_start3A_260 = arith.constant 0 : i32
      %dma_start3A_261 = tpu.memref_slice %arg8[%dma_start3A_259, %dma_start3A_260] : memref<128x128xf32, #tpu.memory_space<vmem>> -> memref<128x128xf32, #tpu.memory_space<vmem>>
      %dma_start3A_262 = arith.constant 0 : i32
      %dma_start3A_263 = tpu.memref_slice %arg6[%add3A_106, %dma_start3A_262] : memref<10128x128xf32, #tpu.memory_space<vmem_shared>> -> memref<128x128xf32, #tpu.memory_space<vmem_shared>>
      %dma_start3A_264 = arith.constant 0 : i32
      %dma_start3A_265 = arith.constant 0 : i32
      %dma_start3A_266 = tpu.memref_slice %arg8[%dma_start3A_264, %dma_start3A_265] : memref<128x128xf32, #tpu.memory_space<vmem>> -> memref<128x128xf32, #tpu.memory_space<vmem>>
      %dma_start3A_267 = arith.constant 0 : i32
      %dma_start3A_268 = tpu.memref_slice %arg6[%add3A_106, %dma_start3A_267] : memref<10128x128xf32, #tpu.memory_space<vmem_shared>> -> memref<128x128xf32, #tpu.memory_space<vmem_shared>>
      tpu.enqueue_dma source(%dma_start3A_268 : memref<128x128xf32, #tpu.memory_space<vmem_shared>>) target(%dma_start3A_266 : memref<128x128xf32, #tpu.memory_space<vmem>>) target_semaphore(%arg18 : memref<!tpu.dma_semaphore, #tpu.memory_space<semaphore_mem>>)
      %dma_wait3A_269 = arith.constant 0 : i32
      %dma_wait3A_270 = arith.constant 0 : i32
      %dma_wait3A_271 = tpu.memref_slice %arg8[%dma_wait3A_269, %dma_wait3A_270] : memref<128x128xf32, #tpu.memory_space<vmem>> -> memref<128x128xf32, #tpu.memory_space<vmem>>
      %dma_wait3A_272 = arith.constant 0 : i32
      %dma_wait3A_273 = tpu.memref_slice %arg6[%add3A_106, %dma_wait3A_272] : memref<10128x128xf32, #tpu.memory_space<vmem_shared>> -> memref<128x128xf32, #tpu.memory_space<vmem_shared>>
      %dma_wait3A_274 = arith.constant 0 : i32
      %dma_wait3A_275 = arith.constant 0 : i32
      %dma_wait3A_276 = tpu.memref_slice %arg8[%dma_wait3A_274, %dma_wait3A_275] : memref<128x128xf32, #tpu.memory_space<vmem>> -> memref<128x128xf32, #tpu.memory_space<vmem>>
      %dma_wait3A_277 = arith.constant 0 : i32
      %dma_wait3A_278 = tpu.memref_slice %arg6[%add3A_106, %dma_wait3A_277] : memref<10128x128xf32, #tpu.memory_space<vmem_shared>> -> memref<128x128xf32, #tpu.memory_space<vmem_shared>>
      tpu.wait_dma2 semaphore(%arg18 : memref<!tpu.dma_semaphore, #tpu.memory_space<semaphore_mem>>) src(%dma_wait3A_278 : memref<128x128xf32, #tpu.memory_space<vmem_shared>>) dst(%dma_wait3A_276 : memref<128x128xf32, #tpu.memory_space<vmem>>)
      %dma_start3A_279 = arith.constant 0 : i32
      %dma_start3A_280 = arith.constant 0 : i32
      %dma_start3A_281 = tpu.memref_slice %arg8[%dma_start3A_279, %dma_start3A_280] : memref<128x128xf32, #tpu.memory_space<vmem>> -> memref<128x128xf32, #tpu.memory_space<vmem>>
      %dma_start3A_282 = arith.constant 0 : i32
      %dma_start3A_283 = arith.constant 0 : i32
      %dma_start3A_284 = tpu.memref_slice %arg5[%arg0, %dma_start3A_282, %dma_start3A_283] : memref<2x10000x128xf32, #tpu.memory_space<hbm>> -> memref<1x10000x128xf32, #tpu.memory_space<hbm>>
      %dma_start3A_285 = tpu.memref_squeeze %dma_start3A_284 : memref<1x10000x128xf32, #tpu.memory_space<hbm>> -> memref<10000x128xf32, #tpu.memory_space<hbm>>
      %dma_start3A_286 = arith.constant 0 : i32
      %dma_start3A_287 = tpu.memref_slice %dma_start3A_285[%add3A_106, %dma_start3A_286] : memref<10000x128xf32, #tpu.memory_space<hbm>> -> memref<128x128xf32, #tpu.memory_space<hbm>>
      %dma_start3A_288 = arith.constant 0 : i32
      %dma_start3A_289 = arith.constant 0 : i32
      %dma_start3A_290 = tpu.memref_slice %arg5[%arg0, %dma_start3A_288, %dma_start3A_289] : memref<2x10000x128xf32, #tpu.memory_space<hbm>> -> memref<1x10000x128xf32, #tpu.memory_space<hbm>>
      %dma_start3A_291 = tpu.memref_squeeze %dma_start3A_290 : memref<1x10000x128xf32, #tpu.memory_space<hbm>> -> memref<10000x128xf32, #tpu.memory_space<hbm>>
      %dma_start3A_292 = arith.constant 0 : i32
      %dma_start3A_293 = tpu.memref_slice %dma_start3A_291[%add3A_106, %dma_start3A_292] : memref<10000x128xf32, #tpu.memory_space<hbm>> -> memref<128x128xf32, #tpu.memory_space<hbm>>
      %dma_start3A_294 = arith.constant 0 : i32
      %dma_start3A_295 = arith.constant 0 : i32
      %dma_start3A_296 = tpu.memref_slice %arg8[%dma_start3A_294, %dma_start3A_295] : memref<128x128xf32, #tpu.memory_space<vmem>> -> memref<128x128xf32, #tpu.memory_space<vmem>>
      tpu.enqueue_dma source(%dma_start3A_296 : memref<128x128xf32, #tpu.memory_space<vmem>>) target(%dma_start3A_293 : memref<128x128xf32, #tpu.memory_space<hbm>>) target_semaphore(%arg20 : memref<!tpu.dma_semaphore, #tpu.memory_space<semaphore_mem>>)
      %dma_wait3A_297 = arith.constant 0 : i32
      %dma_wait3A_298 = arith.constant 0 : i32
      %dma_wait3A_299 = tpu.memref_slice %arg7[%dma_wait3A_297, %dma_wait3A_298] : memref<128x128xf32, #tpu.memory_space<vmem>> -> memref<128x128xf32, #tpu.memory_space<vmem>>
      %dma_wait3A_300 = arith.constant 0 : i32
      %dma_wait3A_301 = arith.constant 0 : i32
      %dma_wait3A_302 = tpu.memref_slice %arg5[%arg0, %dma_wait3A_300, %dma_wait3A_301] : memref<2x10000x128xf32, #tpu.memory_space<hbm>> -> memref<1x10000x128xf32, #tpu.memory_space<hbm>>
      %dma_wait3A_303 = tpu.memref_squeeze %dma_wait3A_302 : memref<1x10000x128xf32, #tpu.memory_space<hbm>> -> memref<10000x128xf32, #tpu.memory_space<hbm>>
      %dma_wait3A_304 = arith.constant 0 : i32
      %dma_wait3A_305 = tpu.memref_slice %dma_wait3A_303[%add3A_104, %dma_wait3A_304] : memref<10000x128xf32, #tpu.memory_space<hbm>> -> memref<128x128xf32, #tpu.memory_space<hbm>>
      %dma_wait3A_306 = arith.constant 0 : i32
      %dma_wait3A_307 = arith.constant 0 : i32
      %dma_wait3A_308 = tpu.memref_slice %arg5[%arg0, %dma_wait3A_306, %dma_wait3A_307] : memref<2x10000x128xf32, #tpu.memory_space<hbm>> -> memref<1x10000x128xf32, #tpu.memory_space<hbm>>
      %dma_wait3A_309 = tpu.memref_squeeze %dma_wait3A_308 : memref<1x10000x128xf32, #tpu.memory_space<hbm>> -> memref<10000x128xf32, #tpu.memory_space<hbm>>
      %dma_wait3A_310 = arith.constant 0 : i32
      %dma_wait3A_311 = tpu.memref_slice %dma_wait3A_309[%add3A_104, %dma_wait3A_310] : memref<10000x128xf32, #tpu.memory_space<hbm>> -> memref<128x128xf32, #tpu.memory_space<hbm>>
      %dma_wait3A_312 = arith.constant 0 : i32
      %dma_wait3A_313 = arith.constant 0 : i32
      %dma_wait3A_314 = tpu.memref_slice %arg7[%dma_wait3A_312, %dma_wait3A_313] : memref<128x128xf32, #tpu.memory_space<vmem>> -> memref<128x128xf32, #tpu.memory_space<vmem>>
      tpu.wait_dma2 semaphore(%arg19 : memref<!tpu.dma_semaphore, #tpu.memory_space<semaphore_mem>>) src(%dma_wait3A_314 : memref<128x128xf32, #tpu.memory_space<vmem>>) dst(%dma_wait3A_311 : memref<128x128xf32, #tpu.memory_space<hbm>>)
      %dma_start3A_315 = arith.constant 0 : i32
      %dma_start3A_316 = arith.constant 0 : i32
      %dma_start3A_317 = tpu.memref_slice %arg7[%dma_start3A_315, %dma_start3A_316] : memref<128x128xf32, #tpu.memory_space<vmem>> -> memref<128x128xf32, #tpu.memory_space<vmem>>
      %dma_start3A_318 = arith.constant 0 : i32
      %dma_start3A_319 = tpu.memref_slice %arg6[%add3A_108, %dma_start3A_318] : memref<10128x128xf32, #tpu.memory_space<vmem_shared>> -> memref<128x128xf32, #tpu.memory_space<vmem_shared>>
      %dma_start3A_320 = arith.constant 0 : i32
      %dma_start3A_321 = arith.constant 0 : i32
      %dma_start3A_322 = tpu.memref_slice %arg7[%dma_start3A_320, %dma_start3A_321] : memref<128x128xf32, #tpu.memory_space<vmem>> -> memref<128x128xf32, #tpu.memory_space<vmem>>
      %dma_start3A_323 = arith.constant 0 : i32
      %dma_start3A_324 = tpu.memref_slice %arg6[%add3A_108, %dma_start3A_323] : memref<10128x128xf32, #tpu.memory_space<vmem_shared>> -> memref<128x128xf32, #tpu.memory_space<vmem_shared>>
      tpu.enqueue_dma source(%dma_start3A_324 : memref<128x128xf32, #tpu.memory_space<vmem_shared>>) target(%dma_start3A_322 : memref<128x128xf32, #tpu.memory_space<vmem>>) target_semaphore(%arg17 : memref<!tpu.dma_semaphore, #tpu.memory_space<semaphore_mem>>)
      %dma_wait3A_325 = arith.constant 0 : i32
      %dma_wait3A_326 = arith.constant 0 : i32
      %dma_wait3A_327 = tpu.memref_slice %arg7[%dma_wait3A_325, %dma_wait3A_326] : memref<128x128xf32, #tpu.memory_space<vmem>> -> memref<128x128xf32, #tpu.memory_space<vmem>>
      %dma_wait3A_328 = arith.constant 0 : i32
      %dma_wait3A_329 = tpu.memref_slice %arg6[%add3A_108, %dma_wait3A_328] : memref<10128x128xf32, #tpu.memory_space<vmem_shared>> -> memref<128x128xf32, #tpu.memory_space<vmem_shared>>
      %dma_wait3A_330 = arith.constant 0 : i32
      %dma_wait3A_331 = arith.constant 0 : i32
      %dma_wait3A_332 = tpu.memref_slice %arg7[%dma_wait3A_330, %dma_wait3A_331] : memref<128x128xf32, #tpu.memory_space<vmem>> -> memref<128x128xf32, #tpu.memory_space<vmem>>
      %dma_wait3A_333 = arith.constant 0 : i32
      %dma_wait3A_334 = tpu.memref_slice %arg6[%add3A_108, %dma_wait3A_333] : memref<10128x128xf32, #tpu.memory_space<vmem_shared>> -> memref<128x128xf32, #tpu.memory_space<vmem_shared>>
      tpu.wait_dma2 semaphore(%arg17 : memref<!tpu.dma_semaphore, #tpu.memory_space<semaphore_mem>>) src(%dma_wait3A_334 : memref<128x128xf32, #tpu.memory_space<vmem_shared>>) dst(%dma_wait3A_332 : memref<128x128xf32, #tpu.memory_space<vmem>>)
      %dma_start3A_335 = arith.constant 0 : i32
      %dma_start3A_336 = arith.constant 0 : i32
      %dma_start3A_337 = tpu.memref_slice %arg7[%dma_start3A_335, %dma_start3A_336] : memref<128x128xf32, #tpu.memory_space<vmem>> -> memref<128x128xf32, #tpu.memory_space<vmem>>
      %dma_start3A_338 = arith.constant 0 : i32
      %dma_start3A_339 = arith.constant 0 : i32
      %dma_start3A_340 = tpu.memref_slice %arg5[%arg0, %dma_start3A_338, %dma_start3A_339] : memref<2x10000x128xf32, #tpu.memory_space<hbm>> -> memref<1x10000x128xf32, #tpu.memory_space<hbm>>
      %dma_start3A_341 = tpu.memref_squeeze %dma_start3A_340 : memref<1x10000x128xf32, #tpu.memory_space<hbm>> -> memref<10000x128xf32, #tpu.memory_space<hbm>>
      %dma_start3A_342 = arith.constant 0 : i32
      %dma_start3A_343 = tpu.memref_slice %dma_start3A_341[%add3A_108, %dma_start3A_342] : memref<10000x128xf32, #tpu.memory_space<hbm>> -> memref<128x128xf32, #tpu.memory_space<hbm>>
      %dma_start3A_344 = arith.constant 0 : i32
      %dma_start3A_345 = arith.constant 0 : i32
      %dma_start3A_346 = tpu.memref_slice %arg5[%arg0, %dma_start3A_344, %dma_start3A_345] : memref<2x10000x128xf32, #tpu.memory_space<hbm>> -> memref<1x10000x128xf32, #tpu.memory_space<hbm>>
      %dma_start3A_347 = tpu.memref_squeeze %dma_start3A_346 : memref<1x10000x128xf32, #tpu.memory_space<hbm>> -> memref<10000x128xf32, #tpu.memory_space<hbm>>
      %dma_start3A_348 = arith.constant 0 : i32
      %dma_start3A_349 = tpu.memref_slice %dma_start3A_347[%add3A_108, %dma_start3A_348] : memref<10000x128xf32, #tpu.memory_space<hbm>> -> memref<128x128xf32, #tpu.memory_space<hbm>>
      %dma_start3A_350 = arith.constant 0 : i32
      %dma_start3A_351 = arith.constant 0 : i32
      %dma_start3A_352 = tpu.memref_slice %arg7[%dma_start3A_350, %dma_start3A_351] : memref<128x128xf32, #tpu.memory_space<vmem>> -> memref<128x128xf32, #tpu.memory_space<vmem>>
      tpu.enqueue_dma source(%dma_start3A_352 : memref<128x128xf32, #tpu.memory_space<vmem>>) target(%dma_start3A_349 : memref<128x128xf32, #tpu.memory_space<hbm>>) target_semaphore(%arg19 : memref<!tpu.dma_semaphore, #tpu.memory_space<semaphore_mem>>)
      %dma_wait3A_353 = arith.constant 0 : i32
      %dma_wait3A_354 = arith.constant 0 : i32
      %dma_wait3A_355 = tpu.memref_slice %arg8[%dma_wait3A_353, %dma_wait3A_354] : memref<128x128xf32, #tpu.memory_space<vmem>> -> memref<128x128xf32, #tpu.memory_space<vmem>>
      %dma_wait3A_356 = arith.constant 0 : i32
      %dma_wait3A_357 = arith.constant 0 : i32
      %dma_wait3A_358 = tpu.memref_slice %arg5[%arg0, %dma_wait3A_356, %dma_wait3A_357] : memref<2x10000x128xf32, #tpu.memory_space<hbm>> -> memref<1x10000x128xf32, #tpu.memory_space<hbm>>
      %dma_wait3A_359 = tpu.memref_squeeze %dma_wait3A_358 : memref<1x10000x128xf32, #tpu.memory_space<hbm>> -> memref<10000x128xf32, #tpu.memory_space<hbm>>
      %dma_wait3A_360 = arith.constant 0 : i32
      %dma_wait3A_361 = tpu.memref_slice %dma_wait3A_359[%add3A_106, %dma_wait3A_360] : memref<10000x128xf32, #tpu.memory_space<hbm>> -> memref<128x128xf32, #tpu.memory_space<hbm>>
      %dma_wait3A_362 = arith.constant 0 : i32
      %dma_wait3A_363 = arith.constant 0 : i32
      %dma_wait3A_364 = tpu.memref_slice %arg5[%arg0, %dma_wait3A_362, %dma_wait3A_363] : memref<2x10000x128xf32, #tpu.memory_space<hbm>> -> memref<1x10000x128xf32, #tpu.memory_space<hbm>>
      %dma_wait3A_365 = tpu.memref_squeeze %dma_wait3A_364 : memref<1x10000x128xf32, #tpu.memory_space<hbm>> -> memref<10000x128xf32, #tpu.memory_space<hbm>>
      %dma_wait3A_366 = arith.constant 0 : i32
      %dma_wait3A_367 = tpu.memref_slice %dma_wait3A_365[%add3A_106, %dma_wait3A_366] : memref<10000x128xf32, #tpu.memory_space<hbm>> -> memref<128x128xf32, #tpu.memory_space<hbm>>
      %dma_wait3A_368 = arith.constant 0 : i32
      %dma_wait3A_369 = arith.constant 0 : i32
      %dma_wait3A_370 = tpu.memref_slice %arg8[%dma_wait3A_368, %dma_wait3A_369] : memref<128x128xf32, #tpu.memory_space<vmem>> -> memref<128x128xf32, #tpu.memory_space<vmem>>
      tpu.wait_dma2 semaphore(%arg20 : memref<!tpu.dma_semaphore, #tpu.memory_space<semaphore_mem>>) src(%dma_wait3A_370 : memref<128x128xf32, #tpu.memory_space<vmem>>) dst(%dma_wait3A_367 : memref<128x128xf32, #tpu.memory_space<hbm>>)
      %dma_wait3A_371 = arith.constant 0 : i32
      %dma_wait3A_372 = arith.constant 0 : i32
      %dma_wait3A_373 = tpu.memref_slice %arg7[%dma_wait3A_371, %dma_wait3A_372] : memref<128x128xf32, #tpu.memory_space<vmem>> -> memref<128x128xf32, #tpu.memory_space<vmem>>
      %dma_wait3A_374 = arith.constant 0 : i32
      %dma_wait3A_375 = arith.constant 0 : i32
      %dma_wait3A_376 = tpu.memref_slice %arg5[%arg0, %dma_wait3A_374, %dma_wait3A_375] : memref<2x10000x128xf32, #tpu.memory_space<hbm>> -> memref<1x10000x128xf32, #tpu.memory_space<hbm>>
      %dma_wait3A_377 = tpu.memref_squeeze %dma_wait3A_376 : memref<1x10000x128xf32, #tpu.memory_space<hbm>> -> memref<10000x128xf32, #tpu.memory_space<hbm>>
      %dma_wait3A_378 = arith.constant 0 : i32
      %dma_wait3A_379 = tpu.memref_slice %dma_wait3A_377[%add3A_108, %dma_wait3A_378] : memref<10000x128xf32, #tpu.memory_space<hbm>> -> memref<128x128xf32, #tpu.memory_space<hbm>>
      %dma_wait3A_380 = arith.constant 0 : i32
      %dma_wait3A_381 = arith.constant 0 : i32
      %dma_wait3A_382 = tpu.memref_slice %arg5[%arg0, %dma_wait3A_380, %dma_wait3A_381] : memref<2x10000x128xf32, #tpu.memory_space<hbm>> -> memref<1x10000x128xf32, #tpu.memory_space<hbm>>
      %dma_wait3A_383 = tpu.memref_squeeze %dma_wait3A_382 : memref<1x10000x128xf32, #tpu.memory_space<hbm>> -> memref<10000x128xf32, #tpu.memory_space<hbm>>
      %dma_wait3A_384 = arith.constant 0 : i32
      %dma_wait3A_385 = tpu.memref_slice %dma_wait3A_383[%add3A_108, %dma_wait3A_384] : memref<10000x128xf32, #tpu.memory_space<hbm>> -> memref<128x128xf32, #tpu.memory_space<hbm>>
      %dma_wait3A_386 = arith.constant 0 : i32
      %dma_wait3A_387 = arith.constant 0 : i32
      %dma_wait3A_388 = tpu.memref_slice %arg7[%dma_wait3A_386, %dma_wait3A_387] : memref<128x128xf32, #tpu.memory_space<vmem>> -> memref<128x128xf32, #tpu.memory_space<vmem>>
      tpu.wait_dma2 semaphore(%arg19 : memref<!tpu.dma_semaphore, #tpu.memory_space<semaphore_mem>>) src(%dma_wait3A_388 : memref<128x128xf32, #tpu.memory_space<vmem>>) dst(%dma_wait3A_385 : memref<128x128xf32, #tpu.memory_space<hbm>>)
    } else {
    }
    %eq3A_92 = arith.constant 15 : i32
    %eq3A_93 = arith.cmpi eq, %arg1, %eq3A_92 : i32
    %convert_element_type3A_94 = arith.extui %eq3A_93 : i1 to i32
    %cond3A_95 = arith.constant 0 : i32
    %cond3A_96 = arith.cmpi ne, %convert_element_type3A_94, %cond3A_95 : i32
    scf.if %cond3A_96 {
      %dma_start3A_97 = arith.constant 0 : i32
      %dma_start3A_98 = arith.constant 0 : i32
      %dma_start3A_99 = tpu.memref_slice %arg7[%dma_start3A_97, %dma_start3A_98] : memref<128x128xf32, #tpu.memory_space<vmem>> -> memref<128x128xf32, #tpu.memory_space<vmem>>
      %dma_start3A_100 = arith.constant 9600 : i32
      %dma_start3A_101 = arith.constant 0 : i32
      %dma_start3A_102 = tpu.memref_slice %arg6[%dma_start3A_100, %dma_start3A_101] : memref<10128x128xf32, #tpu.memory_space<vmem_shared>> -> memref<128x128xf32, #tpu.memory_space<vmem_shared>>
      %dma_start3A_103 = arith.constant 0 : i32
      %dma_start3A_104 = arith.constant 0 : i32
      %dma_start3A_105 = tpu.memref_slice %arg7[%dma_start3A_103, %dma_start3A_104] : memref<128x128xf32, #tpu.memory_space<vmem>> -> memref<128x128xf32, #tpu.memory_space<vmem>>
      %dma_start3A_106 = arith.constant 9600 : i32
      %dma_start3A_107 = arith.constant 0 : i32
      %dma_start3A_108 = tpu.memref_slice %arg6[%dma_start3A_106, %dma_start3A_107] : memref<10128x128xf32, #tpu.memory_space<vmem_shared>> -> memref<128x128xf32, #tpu.memory_space<vmem_shared>>
      tpu.enqueue_dma source(%dma_start3A_108 : memref<128x128xf32, #tpu.memory_space<vmem_shared>>) target(%dma_start3A_105 : memref<128x128xf32, #tpu.memory_space<vmem>>) target_semaphore(%arg17 : memref<!tpu.dma_semaphore, #tpu.memory_space<semaphore_mem>>)
      %dma_wait3A_109 = arith.constant 0 : i32
      %dma_wait3A_110 = arith.constant 0 : i32
      %dma_wait3A_111 = tpu.memref_slice %arg7[%dma_wait3A_109, %dma_wait3A_110] : memref<128x128xf32, #tpu.memory_space<vmem>> -> memref<128x128xf32, #tpu.memory_space<vmem>>
      %dma_wait3A_112 = arith.constant 9600 : i32
      %dma_wait3A_113 = arith.constant 0 : i32
      %dma_wait3A_114 = tpu.memref_slice %arg6[%dma_wait3A_112, %dma_wait3A_113] : memref<10128x128xf32, #tpu.memory_space<vmem_shared>> -> memref<128x128xf32, #tpu.memory_space<vmem_shared>>
      %dma_wait3A_115 = arith.constant 0 : i32
      %dma_wait3A_116 = arith.constant 0 : i32
      %dma_wait3A_117 = tpu.memref_slice %arg7[%dma_wait3A_115, %dma_wait3A_116] : memref<128x128xf32, #tpu.memory_space<vmem>> -> memref<128x128xf32, #tpu.memory_space<vmem>>
      %dma_wait3A_118 = arith.constant 9600 : i32
      %dma_wait3A_119 = arith.constant 0 : i32
      %dma_wait3A_120 = tpu.memref_slice %arg6[%dma_wait3A_118, %dma_wait3A_119] : memref<10128x128xf32, #tpu.memory_space<vmem_shared>> -> memref<128x128xf32, #tpu.memory_space<vmem_shared>>
      tpu.wait_dma2 semaphore(%arg17 : memref<!tpu.dma_semaphore, #tpu.memory_space<semaphore_mem>>) src(%dma_wait3A_120 : memref<128x128xf32, #tpu.memory_space<vmem_shared>>) dst(%dma_wait3A_117 : memref<128x128xf32, #tpu.memory_space<vmem>>)
      %dma_start3A_121 = arith.constant 0 : i32
      %dma_start3A_122 = arith.constant 0 : i32
      %dma_start3A_123 = tpu.memref_slice %arg7[%dma_start3A_121, %dma_start3A_122] : memref<128x128xf32, #tpu.memory_space<vmem>> -> memref<128x128xf32, #tpu.memory_space<vmem>>
      %dma_start3A_124 = arith.constant 0 : i32
      %dma_start3A_125 = arith.constant 0 : i32
      %dma_start3A_126 = tpu.memref_slice %arg5[%arg0, %dma_start3A_124, %dma_start3A_125] : memref<2x10000x128xf32, #tpu.memory_space<hbm>> -> memref<1x10000x128xf32, #tpu.memory_space<hbm>>
      %dma_start3A_127 = tpu.memref_squeeze %dma_start3A_126 : memref<1x10000x128xf32, #tpu.memory_space<hbm>> -> memref<10000x128xf32, #tpu.memory_space<hbm>>
      %dma_start3A_128 = arith.constant 9600 : i32
      %dma_start3A_129 = arith.constant 0 : i32
      %dma_start3A_130 = tpu.memref_slice %dma_start3A_127[%dma_start3A_128, %dma_start3A_129] : memref<10000x128xf32, #tpu.memory_space<hbm>> -> memref<128x128xf32, #tpu.memory_space<hbm>>
      %dma_start3A_131 = arith.constant 0 : i32
      %dma_start3A_132 = arith.constant 0 : i32
      %dma_start3A_133 = tpu.memref_slice %arg5[%arg0, %dma_start3A_131, %dma_start3A_132] : memref<2x10000x128xf32, #tpu.memory_space<hbm>> -> memref<1x10000x128xf32, #tpu.memory_space<hbm>>
      %dma_start3A_134 = tpu.memref_squeeze %dma_start3A_133 : memref<1x10000x128xf32, #tpu.memory_space<hbm>> -> memref<10000x128xf32, #tpu.memory_space<hbm>>
      %dma_start3A_135 = arith.constant 9600 : i32
      %dma_start3A_136 = arith.constant 0 : i32
      %dma_start3A_137 = tpu.memref_slice %dma_start3A_134[%dma_start3A_135, %dma_start3A_136] : memref<10000x128xf32, #tpu.memory_space<hbm>> -> memref<128x128xf32, #tpu.memory_space<hbm>>
      %dma_start3A_138 = arith.constant 0 : i32
      %dma_start3A_139 = arith.constant 0 : i32
      %dma_start3A_140 = tpu.memref_slice %arg7[%dma_start3A_138, %dma_start3A_139] : memref<128x128xf32, #tpu.memory_space<vmem>> -> memref<128x128xf32, #tpu.memory_space<vmem>>
      tpu.enqueue_dma source(%dma_start3A_140 : memref<128x128xf32, #tpu.memory_space<vmem>>) target(%dma_start3A_137 : memref<128x128xf32, #tpu.memory_space<hbm>>) target_semaphore(%arg19 : memref<!tpu.dma_semaphore, #tpu.memory_space<semaphore_mem>>)
      %dma_start3A_141 = arith.constant 0 : i32
      %dma_start3A_142 = arith.constant 0 : i32
      %dma_start3A_143 = tpu.memref_slice %arg8[%dma_start3A_141, %dma_start3A_142] : memref<128x128xf32, #tpu.memory_space<vmem>> -> memref<128x128xf32, #tpu.memory_space<vmem>>
      %dma_start3A_144 = arith.constant 9728 : i32
      %dma_start3A_145 = arith.constant 0 : i32
      %dma_start3A_146 = tpu.memref_slice %arg6[%dma_start3A_144, %dma_start3A_145] : memref<10128x128xf32, #tpu.memory_space<vmem_shared>> -> memref<128x128xf32, #tpu.memory_space<vmem_shared>>
      %dma_start3A_147 = arith.constant 0 : i32
      %dma_start3A_148 = arith.constant 0 : i32
      %dma_start3A_149 = tpu.memref_slice %arg8[%dma_start3A_147, %dma_start3A_148] : memref<128x128xf32, #tpu.memory_space<vmem>> -> memref<128x128xf32, #tpu.memory_space<vmem>>
      %dma_start3A_150 = arith.constant 9728 : i32
      %dma_start3A_151 = arith.constant 0 : i32
      %dma_start3A_152 = tpu.memref_slice %arg6[%dma_start3A_150, %dma_start3A_151] : memref<10128x128xf32, #tpu.memory_space<vmem_shared>> -> memref<128x128xf32, #tpu.memory_space<vmem_shared>>
      tpu.enqueue_dma source(%dma_start3A_152 : memref<128x128xf32, #tpu.memory_space<vmem_shared>>) target(%dma_start3A_149 : memref<128x128xf32, #tpu.memory_space<vmem>>) target_semaphore(%arg18 : memref<!tpu.dma_semaphore, #tpu.memory_space<semaphore_mem>>)
      %dma_wait3A_153 = arith.constant 0 : i32
      %dma_wait3A_154 = arith.constant 0 : i32
      %dma_wait3A_155 = tpu.memref_slice %arg8[%dma_wait3A_153, %dma_wait3A_154] : memref<128x128xf32, #tpu.memory_space<vmem>> -> memref<128x128xf32, #tpu.memory_space<vmem>>
      %dma_wait3A_156 = arith.constant 9728 : i32
      %dma_wait3A_157 = arith.constant 0 : i32
      %dma_wait3A_158 = tpu.memref_slice %arg6[%dma_wait3A_156, %dma_wait3A_157] : memref<10128x128xf32, #tpu.memory_space<vmem_shared>> -> memref<128x128xf32, #tpu.memory_space<vmem_shared>>
      %dma_wait3A_159 = arith.constant 0 : i32
      %dma_wait3A_160 = arith.constant 0 : i32
      %dma_wait3A_161 = tpu.memref_slice %arg8[%dma_wait3A_159, %dma_wait3A_160] : memref<128x128xf32, #tpu.memory_space<vmem>> -> memref<128x128xf32, #tpu.memory_space<vmem>>
      %dma_wait3A_162 = arith.constant 9728 : i32
      %dma_wait3A_163 = arith.constant 0 : i32
      %dma_wait3A_164 = tpu.memref_slice %arg6[%dma_wait3A_162, %dma_wait3A_163] : memref<10128x128xf32, #tpu.memory_space<vmem_shared>> -> memref<128x128xf32, #tpu.memory_space<vmem_shared>>
      tpu.wait_dma2 semaphore(%arg18 : memref<!tpu.dma_semaphore, #tpu.memory_space<semaphore_mem>>) src(%dma_wait3A_164 : memref<128x128xf32, #tpu.memory_space<vmem_shared>>) dst(%dma_wait3A_161 : memref<128x128xf32, #tpu.memory_space<vmem>>)
      %dma_start3A_165 = arith.constant 0 : i32
      %dma_start3A_166 = arith.constant 0 : i32
      %dma_start3A_167 = tpu.memref_slice %arg8[%dma_start3A_165, %dma_start3A_166] : memref<128x128xf32, #tpu.memory_space<vmem>> -> memref<128x128xf32, #tpu.memory_space<vmem>>
      %dma_start3A_168 = arith.constant 0 : i32
      %dma_start3A_169 = arith.constant 0 : i32
      %dma_start3A_170 = tpu.memref_slice %arg5[%arg0, %dma_start3A_168, %dma_start3A_169] : memref<2x10000x128xf32, #tpu.memory_space<hbm>> -> memref<1x10000x128xf32, #tpu.memory_space<hbm>>
      %dma_start3A_171 = tpu.memref_squeeze %dma_start3A_170 : memref<1x10000x128xf32, #tpu.memory_space<hbm>> -> memref<10000x128xf32, #tpu.memory_space<hbm>>
      %dma_start3A_172 = arith.constant 9728 : i32
      %dma_start3A_173 = arith.constant 0 : i32
      %dma_start3A_174 = tpu.memref_slice %dma_start3A_171[%dma_start3A_172, %dma_start3A_173] : memref<10000x128xf32, #tpu.memory_space<hbm>> -> memref<128x128xf32, #tpu.memory_space<hbm>>
      %dma_start3A_175 = arith.constant 0 : i32
      %dma_start3A_176 = arith.constant 0 : i32
      %dma_start3A_177 = tpu.memref_slice %arg5[%arg0, %dma_start3A_175, %dma_start3A_176] : memref<2x10000x128xf32, #tpu.memory_space<hbm>> -> memref<1x10000x128xf32, #tpu.memory_space<hbm>>
      %dma_start3A_178 = tpu.memref_squeeze %dma_start3A_177 : memref<1x10000x128xf32, #tpu.memory_space<hbm>> -> memref<10000x128xf32, #tpu.memory_space<hbm>>
      %dma_start3A_179 = arith.constant 9728 : i32
      %dma_start3A_180 = arith.constant 0 : i32
      %dma_start3A_181 = tpu.memref_slice %dma_start3A_178[%dma_start3A_179, %dma_start3A_180] : memref<10000x128xf32, #tpu.memory_space<hbm>> -> memref<128x128xf32, #tpu.memory_space<hbm>>
      %dma_start3A_182 = arith.constant 0 : i32
      %dma_start3A_183 = arith.constant 0 : i32
      %dma_start3A_184 = tpu.memref_slice %arg8[%dma_start3A_182, %dma_start3A_183] : memref<128x128xf32, #tpu.memory_space<vmem>> -> memref<128x128xf32, #tpu.memory_space<vmem>>
      tpu.enqueue_dma source(%dma_start3A_184 : memref<128x128xf32, #tpu.memory_space<vmem>>) target(%dma_start3A_181 : memref<128x128xf32, #tpu.memory_space<hbm>>) target_semaphore(%arg20 : memref<!tpu.dma_semaphore, #tpu.memory_space<semaphore_mem>>)
      %dma_wait3A_185 = arith.constant 0 : i32
      %dma_wait3A_186 = arith.constant 0 : i32
      %dma_wait3A_187 = tpu.memref_slice %arg7[%dma_wait3A_185, %dma_wait3A_186] : memref<128x128xf32, #tpu.memory_space<vmem>> -> memref<128x128xf32, #tpu.memory_space<vmem>>
      %dma_wait3A_188 = arith.constant 0 : i32
      %dma_wait3A_189 = arith.constant 0 : i32
      %dma_wait3A_190 = tpu.memref_slice %arg5[%arg0, %dma_wait3A_188, %dma_wait3A_189] : memref<2x10000x128xf32, #tpu.memory_space<hbm>> -> memref<1x10000x128xf32, #tpu.memory_space<hbm>>
      %dma_wait3A_191 = tpu.memref_squeeze %dma_wait3A_190 : memref<1x10000x128xf32, #tpu.memory_space<hbm>> -> memref<10000x128xf32, #tpu.memory_space<hbm>>
      %dma_wait3A_192 = arith.constant 9600 : i32
      %dma_wait3A_193 = arith.constant 0 : i32
      %dma_wait3A_194 = tpu.memref_slice %dma_wait3A_191[%dma_wait3A_192, %dma_wait3A_193] : memref<10000x128xf32, #tpu.memory_space<hbm>> -> memref<128x128xf32, #tpu.memory_space<hbm>>
      %dma_wait3A_195 = arith.constant 0 : i32
      %dma_wait3A_196 = arith.constant 0 : i32
      %dma_wait3A_197 = tpu.memref_slice %arg5[%arg0, %dma_wait3A_195, %dma_wait3A_196] : memref<2x10000x128xf32, #tpu.memory_space<hbm>> -> memref<1x10000x128xf32, #tpu.memory_space<hbm>>
      %dma_wait3A_198 = tpu.memref_squeeze %dma_wait3A_197 : memref<1x10000x128xf32, #tpu.memory_space<hbm>> -> memref<10000x128xf32, #tpu.memory_space<hbm>>
      %dma_wait3A_199 = arith.constant 9600 : i32
      %dma_wait3A_200 = arith.constant 0 : i32
      %dma_wait3A_201 = tpu.memref_slice %dma_wait3A_198[%dma_wait3A_199, %dma_wait3A_200] : memref<10000x128xf32, #tpu.memory_space<hbm>> -> memref<128x128xf32, #tpu.memory_space<hbm>>
      %dma_wait3A_202 = arith.constant 0 : i32
      %dma_wait3A_203 = arith.constant 0 : i32
      %dma_wait3A_204 = tpu.memref_slice %arg7[%dma_wait3A_202, %dma_wait3A_203] : memref<128x128xf32, #tpu.memory_space<vmem>> -> memref<128x128xf32, #tpu.memory_space<vmem>>
      tpu.wait_dma2 semaphore(%arg19 : memref<!tpu.dma_semaphore, #tpu.memory_space<semaphore_mem>>) src(%dma_wait3A_204 : memref<128x128xf32, #tpu.memory_space<vmem>>) dst(%dma_wait3A_201 : memref<128x128xf32, #tpu.memory_space<hbm>>)
      %dma_start3A_205 = arith.constant 0 : i32
      %dma_start3A_206 = arith.constant 0 : i32
      %dma_start3A_207 = tpu.memref_slice %arg7[%dma_start3A_205, %dma_start3A_206] : memref<128x128xf32, #tpu.memory_space<vmem>> -> memref<128x128xf32, #tpu.memory_space<vmem>>
      %dma_start3A_208 = arith.constant 9856 : i32
      %dma_start3A_209 = arith.constant 0 : i32
      %dma_start3A_210 = tpu.memref_slice %arg6[%dma_start3A_208, %dma_start3A_209] : memref<10128x128xf32, #tpu.memory_space<vmem_shared>> -> memref<128x128xf32, #tpu.memory_space<vmem_shared>>
      %dma_start3A_211 = arith.constant 0 : i32
      %dma_start3A_212 = arith.constant 0 : i32
      %dma_start3A_213 = tpu.memref_slice %arg7[%dma_start3A_211, %dma_start3A_212] : memref<128x128xf32, #tpu.memory_space<vmem>> -> memref<128x128xf32, #tpu.memory_space<vmem>>
      %dma_start3A_214 = arith.constant 9856 : i32
      %dma_start3A_215 = arith.constant 0 : i32
      %dma_start3A_216 = tpu.memref_slice %arg6[%dma_start3A_214, %dma_start3A_215] : memref<10128x128xf32, #tpu.memory_space<vmem_shared>> -> memref<128x128xf32, #tpu.memory_space<vmem_shared>>
      tpu.enqueue_dma source(%dma_start3A_216 : memref<128x128xf32, #tpu.memory_space<vmem_shared>>) target(%dma_start3A_213 : memref<128x128xf32, #tpu.memory_space<vmem>>) target_semaphore(%arg17 : memref<!tpu.dma_semaphore, #tpu.memory_space<semaphore_mem>>)
      %dma_wait3A_217 = arith.constant 0 : i32
      %dma_wait3A_218 = arith.constant 0 : i32
      %dma_wait3A_219 = tpu.memref_slice %arg7[%dma_wait3A_217, %dma_wait3A_218] : memref<128x128xf32, #tpu.memory_space<vmem>> -> memref<128x128xf32, #tpu.memory_space<vmem>>
      %dma_wait3A_220 = arith.constant 9856 : i32
      %dma_wait3A_221 = arith.constant 0 : i32
      %dma_wait3A_222 = tpu.memref_slice %arg6[%dma_wait3A_220, %dma_wait3A_221] : memref<10128x128xf32, #tpu.memory_space<vmem_shared>> -> memref<128x128xf32, #tpu.memory_space<vmem_shared>>
      %dma_wait3A_223 = arith.constant 0 : i32
      %dma_wait3A_224 = arith.constant 0 : i32
      %dma_wait3A_225 = tpu.memref_slice %arg7[%dma_wait3A_223, %dma_wait3A_224] : memref<128x128xf32, #tpu.memory_space<vmem>> -> memref<128x128xf32, #tpu.memory_space<vmem>>
      %dma_wait3A_226 = arith.constant 9856 : i32
      %dma_wait3A_227 = arith.constant 0 : i32
      %dma_wait3A_228 = tpu.memref_slice %arg6[%dma_wait3A_226, %dma_wait3A_227] : memref<10128x128xf32, #tpu.memory_space<vmem_shared>> -> memref<128x128xf32, #tpu.memory_space<vmem_shared>>
      tpu.wait_dma2 semaphore(%arg17 : memref<!tpu.dma_semaphore, #tpu.memory_space<semaphore_mem>>) src(%dma_wait3A_228 : memref<128x128xf32, #tpu.memory_space<vmem_shared>>) dst(%dma_wait3A_225 : memref<128x128xf32, #tpu.memory_space<vmem>>)
      %dma_start3A_229 = arith.constant 0 : i32
      %dma_start3A_230 = arith.constant 0 : i32
      %dma_start3A_231 = tpu.memref_slice %arg7[%dma_start3A_229, %dma_start3A_230] : memref<128x128xf32, #tpu.memory_space<vmem>> -> memref<128x128xf32, #tpu.memory_space<vmem>>
      %dma_start3A_232 = arith.constant 0 : i32
      %dma_start3A_233 = arith.constant 0 : i32
      %dma_start3A_234 = tpu.memref_slice %arg5[%arg0, %dma_start3A_232, %dma_start3A_233] : memref<2x10000x128xf32, #tpu.memory_space<hbm>> -> memref<1x10000x128xf32, #tpu.memory_space<hbm>>
      %dma_start3A_235 = tpu.memref_squeeze %dma_start3A_234 : memref<1x10000x128xf32, #tpu.memory_space<hbm>> -> memref<10000x128xf32, #tpu.memory_space<hbm>>
      %dma_start3A_236 = arith.constant 9856 : i32
      %dma_start3A_237 = arith.constant 0 : i32
      %dma_start3A_238 = tpu.memref_slice %dma_start3A_235[%dma_start3A_236, %dma_start3A_237] : memref<10000x128xf32, #tpu.memory_space<hbm>> -> memref<128x128xf32, #tpu.memory_space<hbm>>
      %dma_start3A_239 = arith.constant 0 : i32
      %dma_start3A_240 = arith.constant 0 : i32
      %dma_start3A_241 = tpu.memref_slice %arg5[%arg0, %dma_start3A_239, %dma_start3A_240] : memref<2x10000x128xf32, #tpu.memory_space<hbm>> -> memref<1x10000x128xf32, #tpu.memory_space<hbm>>
      %dma_start3A_242 = tpu.memref_squeeze %dma_start3A_241 : memref<1x10000x128xf32, #tpu.memory_space<hbm>> -> memref<10000x128xf32, #tpu.memory_space<hbm>>
      %dma_start3A_243 = arith.constant 9856 : i32
      %dma_start3A_244 = arith.constant 0 : i32
      %dma_start3A_245 = tpu.memref_slice %dma_start3A_242[%dma_start3A_243, %dma_start3A_244] : memref<10000x128xf32, #tpu.memory_space<hbm>> -> memref<128x128xf32, #tpu.memory_space<hbm>>
      %dma_start3A_246 = arith.constant 0 : i32
      %dma_start3A_247 = arith.constant 0 : i32
      %dma_start3A_248 = tpu.memref_slice %arg7[%dma_start3A_246, %dma_start3A_247] : memref<128x128xf32, #tpu.memory_space<vmem>> -> memref<128x128xf32, #tpu.memory_space<vmem>>
      tpu.enqueue_dma source(%dma_start3A_248 : memref<128x128xf32, #tpu.memory_space<vmem>>) target(%dma_start3A_245 : memref<128x128xf32, #tpu.memory_space<hbm>>) target_semaphore(%arg19 : memref<!tpu.dma_semaphore, #tpu.memory_space<semaphore_mem>>)
      %dma_wait3A_249 = arith.constant 0 : i32
      %dma_wait3A_250 = arith.constant 0 : i32
      %dma_wait3A_251 = tpu.memref_slice %arg8[%dma_wait3A_249, %dma_wait3A_250] : memref<128x128xf32, #tpu.memory_space<vmem>> -> memref<128x128xf32, #tpu.memory_space<vmem>>
      %dma_wait3A_252 = arith.constant 0 : i32
      %dma_wait3A_253 = arith.constant 0 : i32
      %dma_wait3A_254 = tpu.memref_slice %arg5[%arg0, %dma_wait3A_252, %dma_wait3A_253] : memref<2x10000x128xf32, #tpu.memory_space<hbm>> -> memref<1x10000x128xf32, #tpu.memory_space<hbm>>
      %dma_wait3A_255 = tpu.memref_squeeze %dma_wait3A_254 : memref<1x10000x128xf32, #tpu.memory_space<hbm>> -> memref<10000x128xf32, #tpu.memory_space<hbm>>
      %dma_wait3A_256 = arith.constant 9728 : i32
      %dma_wait3A_257 = arith.constant 0 : i32
      %dma_wait3A_258 = tpu.memref_slice %dma_wait3A_255[%dma_wait3A_256, %dma_wait3A_257] : memref<10000x128xf32, #tpu.memory_space<hbm>> -> memref<128x128xf32, #tpu.memory_space<hbm>>
      %dma_wait3A_259 = arith.constant 0 : i32
      %dma_wait3A_260 = arith.constant 0 : i32
      %dma_wait3A_261 = tpu.memref_slice %arg5[%arg0, %dma_wait3A_259, %dma_wait3A_260] : memref<2x10000x128xf32, #tpu.memory_space<hbm>> -> memref<1x10000x128xf32, #tpu.memory_space<hbm>>
      %dma_wait3A_262 = tpu.memref_squeeze %dma_wait3A_261 : memref<1x10000x128xf32, #tpu.memory_space<hbm>> -> memref<10000x128xf32, #tpu.memory_space<hbm>>
      %dma_wait3A_263 = arith.constant 9728 : i32
      %dma_wait3A_264 = arith.constant 0 : i32
      %dma_wait3A_265 = tpu.memref_slice %dma_wait3A_262[%dma_wait3A_263, %dma_wait3A_264] : memref<10000x128xf32, #tpu.memory_space<hbm>> -> memref<128x128xf32, #tpu.memory_space<hbm>>
      %dma_wait3A_266 = arith.constant 0 : i32
      %dma_wait3A_267 = arith.constant 0 : i32
      %dma_wait3A_268 = tpu.memref_slice %arg8[%dma_wait3A_266, %dma_wait3A_267] : memref<128x128xf32, #tpu.memory_space<vmem>> -> memref<128x128xf32, #tpu.memory_space<vmem>>
      tpu.wait_dma2 semaphore(%arg20 : memref<!tpu.dma_semaphore, #tpu.memory_space<semaphore_mem>>) src(%dma_wait3A_268 : memref<128x128xf32, #tpu.memory_space<vmem>>) dst(%dma_wait3A_265 : memref<128x128xf32, #tpu.memory_space<hbm>>)
      %dma_start3A_269 = arith.constant 0 : i32
      %dma_start3A_270 = arith.constant 0 : i32
      %dma_start3A_271 = tpu.memref_slice %arg8[%dma_start3A_269, %dma_start3A_270] : memref<128x128xf32, #tpu.memory_space<vmem>> -> memref<16x128xf32, #tpu.memory_space<vmem>>
      %dma_start3A_272 = arith.constant 9984 : i32
      %dma_start3A_273 = arith.constant 0 : i32
      %dma_start3A_274 = tpu.memref_slice %arg6[%dma_start3A_272, %dma_start3A_273] : memref<10128x128xf32, #tpu.memory_space<vmem_shared>> -> memref<16x128xf32, #tpu.memory_space<vmem_shared>>
      %dma_start3A_275 = arith.constant 0 : i32
      %dma_start3A_276 = arith.constant 0 : i32
      %dma_start3A_277 = tpu.memref_slice %arg8[%dma_start3A_275, %dma_start3A_276] : memref<128x128xf32, #tpu.memory_space<vmem>> -> memref<16x128xf32, #tpu.memory_space<vmem>>
      %dma_start3A_278 = arith.constant 9984 : i32
      %dma_start3A_279 = arith.constant 0 : i32
      %dma_start3A_280 = tpu.memref_slice %arg6[%dma_start3A_278, %dma_start3A_279] : memref<10128x128xf32, #tpu.memory_space<vmem_shared>> -> memref<16x128xf32, #tpu.memory_space<vmem_shared>>
      tpu.enqueue_dma source(%dma_start3A_280 : memref<16x128xf32, #tpu.memory_space<vmem_shared>>) target(%dma_start3A_277 : memref<16x128xf32, #tpu.memory_space<vmem>>) target_semaphore(%arg18 : memref<!tpu.dma_semaphore, #tpu.memory_space<semaphore_mem>>)
      %dma_wait3A_281 = arith.constant 0 : i32
      %dma_wait3A_282 = arith.constant 0 : i32
      %dma_wait3A_283 = tpu.memref_slice %arg8[%dma_wait3A_281, %dma_wait3A_282] : memref<128x128xf32, #tpu.memory_space<vmem>> -> memref<16x128xf32, #tpu.memory_space<vmem>>
      %dma_wait3A_284 = arith.constant 9984 : i32
      %dma_wait3A_285 = arith.constant 0 : i32
      %dma_wait3A_286 = tpu.memref_slice %arg6[%dma_wait3A_284, %dma_wait3A_285] : memref<10128x128xf32, #tpu.memory_space<vmem_shared>> -> memref<16x128xf32, #tpu.memory_space<vmem_shared>>
      %dma_wait3A_287 = arith.constant 0 : i32
      %dma_wait3A_288 = arith.constant 0 : i32
      %dma_wait3A_289 = tpu.memref_slice %arg8[%dma_wait3A_287, %dma_wait3A_288] : memref<128x128xf32, #tpu.memory_space<vmem>> -> memref<16x128xf32, #tpu.memory_space<vmem>>
      %dma_wait3A_290 = arith.constant 9984 : i32
      %dma_wait3A_291 = arith.constant 0 : i32
      %dma_wait3A_292 = tpu.memref_slice %arg6[%dma_wait3A_290, %dma_wait3A_291] : memref<10128x128xf32, #tpu.memory_space<vmem_shared>> -> memref<16x128xf32, #tpu.memory_space<vmem_shared>>
      tpu.wait_dma2 semaphore(%arg18 : memref<!tpu.dma_semaphore, #tpu.memory_space<semaphore_mem>>) src(%dma_wait3A_292 : memref<16x128xf32, #tpu.memory_space<vmem_shared>>) dst(%dma_wait3A_289 : memref<16x128xf32, #tpu.memory_space<vmem>>)
      %dma_start3A_293 = arith.constant 0 : i32
      %dma_start3A_294 = arith.constant 0 : i32
      %dma_start3A_295 = tpu.memref_slice %arg8[%dma_start3A_293, %dma_start3A_294] : memref<128x128xf32, #tpu.memory_space<vmem>> -> memref<16x128xf32, #tpu.memory_space<vmem>>
      %dma_start3A_296 = arith.constant 0 : i32
      %dma_start3A_297 = arith.constant 0 : i32
      %dma_start3A_298 = tpu.memref_slice %arg5[%arg0, %dma_start3A_296, %dma_start3A_297] : memref<2x10000x128xf32, #tpu.memory_space<hbm>> -> memref<1x10000x128xf32, #tpu.memory_space<hbm>>
      %dma_start3A_299 = tpu.memref_squeeze %dma_start3A_298 : memref<1x10000x128xf32, #tpu.memory_space<hbm>> -> memref<10000x128xf32, #tpu.memory_space<hbm>>
      %dma_start3A_300 = arith.constant 9984 : i32
      %dma_start3A_301 = arith.constant 0 : i32
      %dma_start3A_302 = tpu.memref_slice %dma_start3A_299[%dma_start3A_300, %dma_start3A_301] : memref<10000x128xf32, #tpu.memory_space<hbm>> -> memref<16x128xf32, #tpu.memory_space<hbm>>
      %dma_start3A_303 = arith.constant 0 : i32
      %dma_start3A_304 = arith.constant 0 : i32
      %dma_start3A_305 = tpu.memref_slice %arg5[%arg0, %dma_start3A_303, %dma_start3A_304] : memref<2x10000x128xf32, #tpu.memory_space<hbm>> -> memref<1x10000x128xf32, #tpu.memory_space<hbm>>
      %dma_start3A_306 = tpu.memref_squeeze %dma_start3A_305 : memref<1x10000x128xf32, #tpu.memory_space<hbm>> -> memref<10000x128xf32, #tpu.memory_space<hbm>>
      %dma_start3A_307 = arith.constant 9984 : i32
      %dma_start3A_308 = arith.constant 0 : i32
      %dma_start3A_309 = tpu.memref_slice %dma_start3A_306[%dma_start3A_307, %dma_start3A_308] : memref<10000x128xf32, #tpu.memory_space<hbm>> -> memref<16x128xf32, #tpu.memory_space<hbm>>
      %dma_start3A_310 = arith.constant 0 : i32
      %dma_start3A_311 = arith.constant 0 : i32
      %dma_start3A_312 = tpu.memref_slice %arg8[%dma_start3A_310, %dma_start3A_311] : memref<128x128xf32, #tpu.memory_space<vmem>> -> memref<16x128xf32, #tpu.memory_space<vmem>>
      tpu.enqueue_dma source(%dma_start3A_312 : memref<16x128xf32, #tpu.memory_space<vmem>>) target(%dma_start3A_309 : memref<16x128xf32, #tpu.memory_space<hbm>>) target_semaphore(%arg20 : memref<!tpu.dma_semaphore, #tpu.memory_space<semaphore_mem>>)
      %dma_wait3A_313 = arith.constant 0 : i32
      %dma_wait3A_314 = arith.constant 0 : i32
      %dma_wait3A_315 = tpu.memref_slice %arg7[%dma_wait3A_313, %dma_wait3A_314] : memref<128x128xf32, #tpu.memory_space<vmem>> -> memref<128x128xf32, #tpu.memory_space<vmem>>
      %dma_wait3A_316 = arith.constant 0 : i32
      %dma_wait3A_317 = arith.constant 0 : i32
      %dma_wait3A_318 = tpu.memref_slice %arg5[%arg0, %dma_wait3A_316, %dma_wait3A_317] : memref<2x10000x128xf32, #tpu.memory_space<hbm>> -> memref<1x10000x128xf32, #tpu.memory_space<hbm>>
      %dma_wait3A_319 = tpu.memref_squeeze %dma_wait3A_318 : memref<1x10000x128xf32, #tpu.memory_space<hbm>> -> memref<10000x128xf32, #tpu.memory_space<hbm>>
      %dma_wait3A_320 = arith.constant 9856 : i32
      %dma_wait3A_321 = arith.constant 0 : i32
      %dma_wait3A_322 = tpu.memref_slice %dma_wait3A_319[%dma_wait3A_320, %dma_wait3A_321] : memref<10000x128xf32, #tpu.memory_space<hbm>> -> memref<128x128xf32, #tpu.memory_space<hbm>>
      %dma_wait3A_323 = arith.constant 0 : i32
      %dma_wait3A_324 = arith.constant 0 : i32
      %dma_wait3A_325 = tpu.memref_slice %arg5[%arg0, %dma_wait3A_323, %dma_wait3A_324] : memref<2x10000x128xf32, #tpu.memory_space<hbm>> -> memref<1x10000x128xf32, #tpu.memory_space<hbm>>
      %dma_wait3A_326 = tpu.memref_squeeze %dma_wait3A_325 : memref<1x10000x128xf32, #tpu.memory_space<hbm>> -> memref<10000x128xf32, #tpu.memory_space<hbm>>
      %dma_wait3A_327 = arith.constant 9856 : i32
      %dma_wait3A_328 = arith.constant 0 : i32
      %dma_wait3A_329 = tpu.memref_slice %dma_wait3A_326[%dma_wait3A_327, %dma_wait3A_328] : memref<10000x128xf32, #tpu.memory_space<hbm>> -> memref<128x128xf32, #tpu.memory_space<hbm>>
      %dma_wait3A_330 = arith.constant 0 : i32
      %dma_wait3A_331 = arith.constant 0 : i32
      %dma_wait3A_332 = tpu.memref_slice %arg7[%dma_wait3A_330, %dma_wait3A_331] : memref<128x128xf32, #tpu.memory_space<vmem>> -> memref<128x128xf32, #tpu.memory_space<vmem>>
      tpu.wait_dma2 semaphore(%arg19 : memref<!tpu.dma_semaphore, #tpu.memory_space<semaphore_mem>>) src(%dma_wait3A_332 : memref<128x128xf32, #tpu.memory_space<vmem>>) dst(%dma_wait3A_329 : memref<128x128xf32, #tpu.memory_space<hbm>>)
      %dma_wait3A_333 = arith.constant 0 : i32
      %dma_wait3A_334 = arith.constant 0 : i32
      %dma_wait3A_335 = tpu.memref_slice %arg8[%dma_wait3A_333, %dma_wait3A_334] : memref<128x128xf32, #tpu.memory_space<vmem>> -> memref<16x128xf32, #tpu.memory_space<vmem>>
      %dma_wait3A_336 = arith.constant 0 : i32
      %dma_wait3A_337 = arith.constant 0 : i32
      %dma_wait3A_338 = tpu.memref_slice %arg5[%arg0, %dma_wait3A_336, %dma_wait3A_337] : memref<2x10000x128xf32, #tpu.memory_space<hbm>> -> memref<1x10000x128xf32, #tpu.memory_space<hbm>>
      %dma_wait3A_339 = tpu.memref_squeeze %dma_wait3A_338 : memref<1x10000x128xf32, #tpu.memory_space<hbm>> -> memref<10000x128xf32, #tpu.memory_space<hbm>>
      %dma_wait3A_340 = arith.constant 9984 : i32
      %dma_wait3A_341 = arith.constant 0 : i32
      %dma_wait3A_342 = tpu.memref_slice %dma_wait3A_339[%dma_wait3A_340, %dma_wait3A_341] : memref<10000x128xf32, #tpu.memory_space<hbm>> -> memref<16x128xf32, #tpu.memory_space<hbm>>
      %dma_wait3A_343 = arith.constant 0 : i32
      %dma_wait3A_344 = arith.constant 0 : i32
      %dma_wait3A_345 = tpu.memref_slice %arg5[%arg0, %dma_wait3A_343, %dma_wait3A_344] : memref<2x10000x128xf32, #tpu.memory_space<hbm>> -> memref<1x10000x128xf32, #tpu.memory_space<hbm>>
      %dma_wait3A_346 = tpu.memref_squeeze %dma_wait3A_345 : memref<1x10000x128xf32, #tpu.memory_space<hbm>> -> memref<10000x128xf32, #tpu.memory_space<hbm>>
      %dma_wait3A_347 = arith.constant 9984 : i32
      %dma_wait3A_348 = arith.constant 0 : i32
      %dma_wait3A_349 = tpu.memref_slice %dma_wait3A_346[%dma_wait3A_347, %dma_wait3A_348] : memref<10000x128xf32, #tpu.memory_space<hbm>> -> memref<16x128xf32, #tpu.memory_space<hbm>>
      %dma_wait3A_350 = arith.constant 0 : i32
      %dma_wait3A_351 = arith.constant 0 : i32
      %dma_wait3A_352 = tpu.memref_slice %arg8[%dma_wait3A_350, %dma_wait3A_351] : memref<128x128xf32, #tpu.memory_space<vmem>> -> memref<16x128xf32, #tpu.memory_space<vmem>>
      tpu.wait_dma2 semaphore(%arg20 : memref<!tpu.dma_semaphore, #tpu.memory_space<semaphore_mem>>) src(%dma_wait3A_352 : memref<16x128xf32, #tpu.memory_space<vmem>>) dst(%dma_wait3A_349 : memref<16x128xf32, #tpu.memory_space<hbm>>)
    } else {
    }
    return
  }
}

#map = affine_map<(d0, d1) -> (0, 0)>
#map1 = affine_map<(d0, d1) -> (0, 0, 0)>
module attributes {stable_mosaic.version = 14 : i64} {
  func.func @k(%arg0: i32, %arg1: i32, %arg2: memref<2560x128xi32, #tpu.memory_space<hbm>>, %arg3: memref<2x1x10000xf32, #tpu.memory_space<hbm>>, %arg4: memref<10128xf32, #tpu.memory_space<vmem_shared>>, %arg5: memref<80x128xi32, #tpu.memory_space<vmem>>, %arg6: memref<128xf32, #tpu.memory_space<vmem>>, %arg7: memref<128xf32, #tpu.memory_space<vmem>>, %arg8: memref<!tpu.dma_semaphore, #tpu.memory_space<semaphore_mem>>) attributes {dimension_semantics = [#tpu.dimension_semantics<core_parallel>, #tpu.dimension_semantics<subcore_parallel>], iteration_bounds = array<i64: 2, 16>, scalar_prefetch = 0 : i64, scratch_operands = 5 : i64, tpu.core_type = #tpu.core_type<sc_vector_subcore>, window_params = [{transform_indices = #map}, {transform_indices = #map1}]} {
    %mul3A = arith.constant 2 : i32
    %mul3A_0 = arith.muli %arg1, %mul3A : i32
    %add3A = arith.addi %mul3A_0, %arg0 : i32
    %broadcast_in_dim3A = arith.constant 1.000000e+00 : f32
    %broadcast_in_dim3A_1 = vector.broadcast %broadcast_in_dim3A : f32 to vector<16xf32>
    %swap3A = arith.constant 0 : index
    %swap3A_2 = tpu.vector_load %arg6[%swap3A] {strides = array<i32>} : memref<128xf32, #tpu.memory_space<vmem>>, vector<16xf32>,
    %swap3A_3 = vector.shape_cast %swap3A_2 : vector<16xf32> to vector<16xf32>
    %swap3A_4 = vector.shape_cast %broadcast_in_dim3A_1 : vector<16xf32> to vector<16xf32>
    tpu.vector_store %arg6[%swap3A], %swap3A_4 {strides = array<i32>} : memref<128xf32, #tpu.memory_space<vmem>>, vector<16xf32>,
    %broadcast_in_dim3A_5 = arith.constant 0.000000e+00 : f32
    %broadcast_in_dim3A_6 = vector.broadcast %broadcast_in_dim3A_5 : f32 to vector<16xf32>
    %swap3A_7 = arith.constant 0 : index
    %swap3A_8 = tpu.vector_load %arg7[%swap3A_7] {strides = array<i32>} : memref<128xf32, #tpu.memory_space<vmem>>, vector<16xf32>,
    %swap3A_9 = vector.shape_cast %swap3A_8 : vector<16xf32> to vector<16xf32>
    %swap3A_10 = vector.shape_cast %broadcast_in_dim3A_6 : vector<16xf32> to vector<16xf32>
    tpu.vector_store %arg7[%swap3A_7], %swap3A_10 {strides = array<i32>} : memref<128xf32, #tpu.memory_space<vmem>>, vector<16xf32>,
    %broadcast_in_dim3A_11 = arith.constant 1.000000e+00 : f32
    %broadcast_in_dim3A_12 = vector.broadcast %broadcast_in_dim3A_11 : f32 to vector<16xf32>
    %swap3A_13 = arith.constant 16 : index
    %swap3A_14 = tpu.vector_load %arg6[%swap3A_13] {strides = array<i32>} : memref<128xf32, #tpu.memory_space<vmem>>, vector<16xf32>,
    %swap3A_15 = vector.shape_cast %swap3A_14 : vector<16xf32> to vector<16xf32>
    %swap3A_16 = vector.shape_cast %broadcast_in_dim3A_12 : vector<16xf32> to vector<16xf32>
    tpu.vector_store %arg6[%swap3A_13], %swap3A_16 {strides = array<i32>} : memref<128xf32, #tpu.memory_space<vmem>>, vector<16xf32>,
    %broadcast_in_dim3A_17 = arith.constant 0.000000e+00 : f32
    %broadcast_in_dim3A_18 = vector.broadcast %broadcast_in_dim3A_17 : f32 to vector<16xf32>
    %swap3A_19 = arith.constant 16 : index
    %swap3A_20 = tpu.vector_load %arg7[%swap3A_19] {strides = array<i32>} : memref<128xf32, #tpu.memory_space<vmem>>, vector<16xf32>,
    %swap3A_21 = vector.shape_cast %swap3A_20 : vector<16xf32> to vector<16xf32>
    %swap3A_22 = vector.shape_cast %broadcast_in_dim3A_18 : vector<16xf32> to vector<16xf32>
    tpu.vector_store %arg7[%swap3A_19], %swap3A_22 {strides = array<i32>} : memref<128xf32, #tpu.memory_space<vmem>>, vector<16xf32>,
    %broadcast_in_dim3A_23 = arith.constant 1.000000e+00 : f32
    %broadcast_in_dim3A_24 = vector.broadcast %broadcast_in_dim3A_23 : f32 to vector<16xf32>
    %swap3A_25 = arith.constant 32 : index
    %swap3A_26 = tpu.vector_load %arg6[%swap3A_25] {strides = array<i32>} : memref<128xf32, #tpu.memory_space<vmem>>, vector<16xf32>,
    %swap3A_27 = vector.shape_cast %swap3A_26 : vector<16xf32> to vector<16xf32>
    %swap3A_28 = vector.shape_cast %broadcast_in_dim3A_24 : vector<16xf32> to vector<16xf32>
    tpu.vector_store %arg6[%swap3A_25], %swap3A_28 {strides = array<i32>} : memref<128xf32, #tpu.memory_space<vmem>>, vector<16xf32>,
    %broadcast_in_dim3A_29 = arith.constant 0.000000e+00 : f32
    %broadcast_in_dim3A_30 = vector.broadcast %broadcast_in_dim3A_29 : f32 to vector<16xf32>
    %swap3A_31 = arith.constant 32 : index
    %swap3A_32 = tpu.vector_load %arg7[%swap3A_31] {strides = array<i32>} : memref<128xf32, #tpu.memory_space<vmem>>, vector<16xf32>,
    %swap3A_33 = vector.shape_cast %swap3A_32 : vector<16xf32> to vector<16xf32>
    %swap3A_34 = vector.shape_cast %broadcast_in_dim3A_30 : vector<16xf32> to vector<16xf32>
    tpu.vector_store %arg7[%swap3A_31], %swap3A_34 {strides = array<i32>} : memref<128xf32, #tpu.memory_space<vmem>>, vector<16xf32>,
    %broadcast_in_dim3A_35 = arith.constant 1.000000e+00 : f32
    %broadcast_in_dim3A_36 = vector.broadcast %broadcast_in_dim3A_35 : f32 to vector<16xf32>
    %swap3A_37 = arith.constant 48 : index
    %swap3A_38 = tpu.vector_load %arg6[%swap3A_37] {strides = array<i32>} : memref<128xf32, #tpu.memory_space<vmem>>, vector<16xf32>,
    %swap3A_39 = vector.shape_cast %swap3A_38 : vector<16xf32> to vector<16xf32>
    %swap3A_40 = vector.shape_cast %broadcast_in_dim3A_36 : vector<16xf32> to vector<16xf32>
    tpu.vector_store %arg6[%swap3A_37], %swap3A_40 {strides = array<i32>} : memref<128xf32, #tpu.memory_space<vmem>>, vector<16xf32>,
    %broadcast_in_dim3A_41 = arith.constant 0.000000e+00 : f32
    %broadcast_in_dim3A_42 = vector.broadcast %broadcast_in_dim3A_41 : f32 to vector<16xf32>
    %swap3A_43 = arith.constant 48 : index
    %swap3A_44 = tpu.vector_load %arg7[%swap3A_43] {strides = array<i32>} : memref<128xf32, #tpu.memory_space<vmem>>, vector<16xf32>,
    %swap3A_45 = vector.shape_cast %swap3A_44 : vector<16xf32> to vector<16xf32>
    %swap3A_46 = vector.shape_cast %broadcast_in_dim3A_42 : vector<16xf32> to vector<16xf32>
    tpu.vector_store %arg7[%swap3A_43], %swap3A_46 {strides = array<i32>} : memref<128xf32, #tpu.memory_space<vmem>>, vector<16xf32>,
    %broadcast_in_dim3A_47 = arith.constant 1.000000e+00 : f32
    %broadcast_in_dim3A_48 = vector.broadcast %broadcast_in_dim3A_47 : f32 to vector<16xf32>
    %swap3A_49 = arith.constant 64 : index
    %swap3A_50 = tpu.vector_load %arg6[%swap3A_49] {strides = array<i32>} : memref<128xf32, #tpu.memory_space<vmem>>, vector<16xf32>,
    %swap3A_51 = vector.shape_cast %swap3A_50 : vector<16xf32> to vector<16xf32>
    %swap3A_52 = vector.shape_cast %broadcast_in_dim3A_48 : vector<16xf32> to vector<16xf32>
    tpu.vector_store %arg6[%swap3A_49], %swap3A_52 {strides = array<i32>} : memref<128xf32, #tpu.memory_space<vmem>>, vector<16xf32>,
    %broadcast_in_dim3A_53 = arith.constant 0.000000e+00 : f32
    %broadcast_in_dim3A_54 = vector.broadcast %broadcast_in_dim3A_53 : f32 to vector<16xf32>
    %swap3A_55 = arith.constant 64 : index
    %swap3A_56 = tpu.vector_load %arg7[%swap3A_55] {strides = array<i32>} : memref<128xf32, #tpu.memory_space<vmem>>, vector<16xf32>,
    %swap3A_57 = vector.shape_cast %swap3A_56 : vector<16xf32> to vector<16xf32>
    %swap3A_58 = vector.shape_cast %broadcast_in_dim3A_54 : vector<16xf32> to vector<16xf32>
    tpu.vector_store %arg7[%swap3A_55], %swap3A_58 {strides = array<i32>} : memref<128xf32, #tpu.memory_space<vmem>>, vector<16xf32>,
    %broadcast_in_dim3A_59 = arith.constant 1.000000e+00 : f32
    %broadcast_in_dim3A_60 = vector.broadcast %broadcast_in_dim3A_59 : f32 to vector<16xf32>
    %swap3A_61 = arith.constant 80 : index
    %swap3A_62 = tpu.vector_load %arg6[%swap3A_61] {strides = array<i32>} : memref<128xf32, #tpu.memory_space<vmem>>, vector<16xf32>,
    %swap3A_63 = vector.shape_cast %swap3A_62 : vector<16xf32> to vector<16xf32>
    %swap3A_64 = vector.shape_cast %broadcast_in_dim3A_60 : vector<16xf32> to vector<16xf32>
    tpu.vector_store %arg6[%swap3A_61], %swap3A_64 {strides = array<i32>} : memref<128xf32, #tpu.memory_space<vmem>>, vector<16xf32>,
    %broadcast_in_dim3A_65 = arith.constant 0.000000e+00 : f32
    %broadcast_in_dim3A_66 = vector.broadcast %broadcast_in_dim3A_65 : f32 to vector<16xf32>
    %swap3A_67 = arith.constant 80 : index
    %swap3A_68 = tpu.vector_load %arg7[%swap3A_67] {strides = array<i32>} : memref<128xf32, #tpu.memory_space<vmem>>, vector<16xf32>,
    %swap3A_69 = vector.shape_cast %swap3A_68 : vector<16xf32> to vector<16xf32>
    %swap3A_70 = vector.shape_cast %broadcast_in_dim3A_66 : vector<16xf32> to vector<16xf32>
    tpu.vector_store %arg7[%swap3A_67], %swap3A_70 {strides = array<i32>} : memref<128xf32, #tpu.memory_space<vmem>>, vector<16xf32>,
    %broadcast_in_dim3A_71 = arith.constant 1.000000e+00 : f32
    %broadcast_in_dim3A_72 = vector.broadcast %broadcast_in_dim3A_71 : f32 to vector<16xf32>
    %swap3A_73 = arith.constant 96 : index
    %swap3A_74 = tpu.vector_load %arg6[%swap3A_73] {strides = array<i32>} : memref<128xf32, #tpu.memory_space<vmem>>, vector<16xf32>,
    %swap3A_75 = vector.shape_cast %swap3A_74 : vector<16xf32> to vector<16xf32>
    %swap3A_76 = vector.shape_cast %broadcast_in_dim3A_72 : vector<16xf32> to vector<16xf32>
    tpu.vector_store %arg6[%swap3A_73], %swap3A_76 {strides = array<i32>} : memref<128xf32, #tpu.memory_space<vmem>>, vector<16xf32>,
    %broadcast_in_dim3A_77 = arith.constant 0.000000e+00 : f32
    %broadcast_in_dim3A_78 = vector.broadcast %broadcast_in_dim3A_77 : f32 to vector<16xf32>
    %swap3A_79 = arith.constant 96 : index
    %swap3A_80 = tpu.vector_load %arg7[%swap3A_79] {strides = array<i32>} : memref<128xf32, #tpu.memory_space<vmem>>, vector<16xf32>,
    %swap3A_81 = vector.shape_cast %swap3A_80 : vector<16xf32> to vector<16xf32>
    %swap3A_82 = vector.shape_cast %broadcast_in_dim3A_78 : vector<16xf32> to vector<16xf32>
    tpu.vector_store %arg7[%swap3A_79], %swap3A_82 {strides = array<i32>} : memref<128xf32, #tpu.memory_space<vmem>>, vector<16xf32>,
    %broadcast_in_dim3A_83 = arith.constant 1.000000e+00 : f32
    %broadcast_in_dim3A_84 = vector.broadcast %broadcast_in_dim3A_83 : f32 to vector<16xf32>
    %swap3A_85 = arith.constant 112 : index
    %swap3A_86 = tpu.vector_load %arg6[%swap3A_85] {strides = array<i32>} : memref<128xf32, #tpu.memory_space<vmem>>, vector<16xf32>,
    %swap3A_87 = vector.shape_cast %swap3A_86 : vector<16xf32> to vector<16xf32>
    %swap3A_88 = vector.shape_cast %broadcast_in_dim3A_84 : vector<16xf32> to vector<16xf32>
    tpu.vector_store %arg6[%swap3A_85], %swap3A_88 {strides = array<i32>} : memref<128xf32, #tpu.memory_space<vmem>>, vector<16xf32>,
    %broadcast_in_dim3A_89 = arith.constant 0.000000e+00 : f32
    %broadcast_in_dim3A_90 = vector.broadcast %broadcast_in_dim3A_89 : f32 to vector<16xf32>
    %swap3A_91 = arith.constant 112 : index
    %swap3A_92 = tpu.vector_load %arg7[%swap3A_91] {strides = array<i32>} : memref<128xf32, #tpu.memory_space<vmem>>, vector<16xf32>,
    %swap3A_93 = vector.shape_cast %swap3A_92 : vector<16xf32> to vector<16xf32>
    %swap3A_94 = vector.shape_cast %broadcast_in_dim3A_90 : vector<16xf32> to vector<16xf32>
    tpu.vector_store %arg7[%swap3A_91], %swap3A_94 {strides = array<i32>} : memref<128xf32, #tpu.memory_space<vmem>>, vector<16xf32>,
    %lt3A = arith.constant 15 : i32
    %lt3A_95 = arith.cmpi slt, %arg1, %lt3A : i32
    %convert_element_type3A = arith.extui %lt3A_95 : i1 to i32
    %cond3A = arith.constant 0 : i32
    %cond3A_96 = arith.cmpi ne, %convert_element_type3A, %cond3A : i32
    scf.if %cond3A_96 {
      %scan3A_125 = arith.constant 0 : i32
      %scan3A_126 = arith.constant 0 : i32
      %scan3A_127 = arith.constant 5 : i32
      %scan3A_128 = arith.addi %scan3A_126, %scan3A_127 : i32
      %scan3A_129 = arith.constant 1 : i32
      scf.for %scan3A_131 = %scan3A_126 to %scan3A_128 step %scan3A_129  : i32 {
        %mul3A_132 = arith.constant 640 : i32
        %mul3A_133 = arith.muli %arg1, %mul3A_132 : i32
        %mul3A_134 = arith.constant 128 : i32
        %mul3A_135 = arith.muli %scan3A_131, %mul3A_134 : i32
        %add3A_136 = arith.addi %mul3A_133, %mul3A_135 : i32
        %multiple_of3A = tpu.assume_multiple %add3A_136, 128 : i32
        "tpu.region"() ({
          %run_scoped3A = tpu.sem_alloc : memref<!tpu.dma_semaphore, #tpu.memory_space<semaphore_mem>>
          %dma_start3A = arith.constant 0 : i32
          %dma_start3A_137 = tpu.memref_slice %arg7[%dma_start3A] : memref<128xf32, #tpu.memory_space<vmem>> -> memref<128xf32, #tpu.memory_space<vmem>>
          %dma_start3A_138 = tpu.memref_slice %arg4[%multiple_of3A] : memref<10128xf32, #tpu.memory_space<vmem_shared>> -> memref<128xf32, #tpu.memory_space<vmem_shared>>
          %dma_start3A_139 = tpu.memref_slice %arg4[%multiple_of3A] : memref<10128xf32, #tpu.memory_space<vmem_shared>> -> memref<128xf32, #tpu.memory_space<vmem_shared>>
          %dma_start3A_140 = arith.constant 0 : i32
          %dma_start3A_141 = tpu.memref_slice %arg7[%dma_start3A_140] : memref<128xf32, #tpu.memory_space<vmem>> -> memref<128xf32, #tpu.memory_space<vmem>>
          tpu.enqueue_dma source(%dma_start3A_141 : memref<128xf32, #tpu.memory_space<vmem>>) target(%dma_start3A_139 : memref<128xf32, #tpu.memory_space<vmem_shared>>) target_semaphore(%run_scoped3A : memref<!tpu.dma_semaphore, #tpu.memory_space<semaphore_mem>>)
          %dma_wait3A = arith.constant 0 : i32
          %dma_wait3A_142 = tpu.memref_slice %arg7[%dma_wait3A] : memref<128xf32, #tpu.memory_space<vmem>> -> memref<128xf32, #tpu.memory_space<vmem>>
          %dma_wait3A_143 = tpu.memref_slice %arg4[%multiple_of3A] : memref<10128xf32, #tpu.memory_space<vmem_shared>> -> memref<128xf32, #tpu.memory_space<vmem_shared>>
          %dma_wait3A_144 = tpu.memref_slice %arg4[%multiple_of3A] : memref<10128xf32, #tpu.memory_space<vmem_shared>> -> memref<128xf32, #tpu.memory_space<vmem_shared>>
          %dma_wait3A_145 = arith.constant 0 : i32
          %dma_wait3A_146 = tpu.memref_slice %arg7[%dma_wait3A_145] : memref<128xf32, #tpu.memory_space<vmem>> -> memref<128xf32, #tpu.memory_space<vmem>>
          tpu.wait_dma2 semaphore(%run_scoped3A : memref<!tpu.dma_semaphore, #tpu.memory_space<semaphore_mem>>) src(%dma_wait3A_146 : memref<128xf32, #tpu.memory_space<vmem>>) dst(%dma_wait3A_144 : memref<128xf32, #tpu.memory_space<vmem_shared>>)
          tpu.yield
        }) : () -> ()
      }
      %scan3A_130 = arith.constant 5 : i32
    } else {
    }
    %eq3A = arith.constant 15 : i32
    %eq3A_97 = arith.cmpi eq, %arg1, %eq3A : i32
    %convert_element_type3A_98 = arith.extui %eq3A_97 : i1 to i32
    %cond3A_99 = arith.constant 0 : i32
    %cond3A_100 = arith.cmpi ne, %convert_element_type3A_98, %cond3A_99 : i32
    scf.if %cond3A_100 {
      "tpu.region"() ({
        %run_scoped3A = tpu.sem_alloc : memref<!tpu.dma_semaphore, #tpu.memory_space<semaphore_mem>>
        %dma_start3A = arith.constant 0 : i32
        %dma_start3A_125 = tpu.memref_slice %arg7[%dma_start3A] : memref<128xf32, #tpu.memory_space<vmem>> -> memref<128xf32, #tpu.memory_space<vmem>>
        %dma_start3A_126 = arith.constant 9600 : i32
        %dma_start3A_127 = tpu.memref_slice %arg4[%dma_start3A_126] : memref<10128xf32, #tpu.memory_space<vmem_shared>> -> memref<128xf32, #tpu.memory_space<vmem_shared>>
        %dma_start3A_128 = arith.constant 9600 : i32
        %dma_start3A_129 = tpu.memref_slice %arg4[%dma_start3A_128] : memref<10128xf32, #tpu.memory_space<vmem_shared>> -> memref<128xf32, #tpu.memory_space<vmem_shared>>
        %dma_start3A_130 = arith.constant 0 : i32
        %dma_start3A_131 = tpu.memref_slice %arg7[%dma_start3A_130] : memref<128xf32, #tpu.memory_space<vmem>> -> memref<128xf32, #tpu.memory_space<vmem>>
        tpu.enqueue_dma source(%dma_start3A_131 : memref<128xf32, #tpu.memory_space<vmem>>) target(%dma_start3A_129 : memref<128xf32, #tpu.memory_space<vmem_shared>>) target_semaphore(%run_scoped3A : memref<!tpu.dma_semaphore, #tpu.memory_space<semaphore_mem>>)
        %dma_wait3A = arith.constant 0 : i32
        %dma_wait3A_132 = tpu.memref_slice %arg7[%dma_wait3A] : memref<128xf32, #tpu.memory_space<vmem>> -> memref<128xf32, #tpu.memory_space<vmem>>
        %dma_wait3A_133 = arith.constant 9600 : i32
        %dma_wait3A_134 = tpu.memref_slice %arg4[%dma_wait3A_133] : memref<10128xf32, #tpu.memory_space<vmem_shared>> -> memref<128xf32, #tpu.memory_space<vmem_shared>>
        %dma_wait3A_135 = arith.constant 9600 : i32
        %dma_wait3A_136 = tpu.memref_slice %arg4[%dma_wait3A_135] : memref<10128xf32, #tpu.memory_space<vmem_shared>> -> memref<128xf32, #tpu.memory_space<vmem_shared>>
        %dma_wait3A_137 = arith.constant 0 : i32
        %dma_wait3A_138 = tpu.memref_slice %arg7[%dma_wait3A_137] : memref<128xf32, #tpu.memory_space<vmem>> -> memref<128xf32, #tpu.memory_space<vmem>>
        tpu.wait_dma2 semaphore(%run_scoped3A : memref<!tpu.dma_semaphore, #tpu.memory_space<semaphore_mem>>) src(%dma_wait3A_138 : memref<128xf32, #tpu.memory_space<vmem>>) dst(%dma_wait3A_136 : memref<128xf32, #tpu.memory_space<vmem_shared>>)
        tpu.yield
      }) : () -> ()
      "tpu.region"() ({
        %run_scoped3A = tpu.sem_alloc : memref<!tpu.dma_semaphore, #tpu.memory_space<semaphore_mem>>
        %dma_start3A = arith.constant 0 : i32
        %dma_start3A_125 = tpu.memref_slice %arg7[%dma_start3A] : memref<128xf32, #tpu.memory_space<vmem>> -> memref<128xf32, #tpu.memory_space<vmem>>
        %dma_start3A_126 = arith.constant 9728 : i32
        %dma_start3A_127 = tpu.memref_slice %arg4[%dma_start3A_126] : memref<10128xf32, #tpu.memory_space<vmem_shared>> -> memref<128xf32, #tpu.memory_space<vmem_shared>>
        %dma_start3A_128 = arith.constant 9728 : i32
        %dma_start3A_129 = tpu.memref_slice %arg4[%dma_start3A_128] : memref<10128xf32, #tpu.memory_space<vmem_shared>> -> memref<128xf32, #tpu.memory_space<vmem_shared>>
        %dma_start3A_130 = arith.constant 0 : i32
        %dma_start3A_131 = tpu.memref_slice %arg7[%dma_start3A_130] : memref<128xf32, #tpu.memory_space<vmem>> -> memref<128xf32, #tpu.memory_space<vmem>>
        tpu.enqueue_dma source(%dma_start3A_131 : memref<128xf32, #tpu.memory_space<vmem>>) target(%dma_start3A_129 : memref<128xf32, #tpu.memory_space<vmem_shared>>) target_semaphore(%run_scoped3A : memref<!tpu.dma_semaphore, #tpu.memory_space<semaphore_mem>>)
        %dma_wait3A = arith.constant 0 : i32
        %dma_wait3A_132 = tpu.memref_slice %arg7[%dma_wait3A] : memref<128xf32, #tpu.memory_space<vmem>> -> memref<128xf32, #tpu.memory_space<vmem>>
        %dma_wait3A_133 = arith.constant 9728 : i32
        %dma_wait3A_134 = tpu.memref_slice %arg4[%dma_wait3A_133] : memref<10128xf32, #tpu.memory_space<vmem_shared>> -> memref<128xf32, #tpu.memory_space<vmem_shared>>
        %dma_wait3A_135 = arith.constant 9728 : i32
        %dma_wait3A_136 = tpu.memref_slice %arg4[%dma_wait3A_135] : memref<10128xf32, #tpu.memory_space<vmem_shared>> -> memref<128xf32, #tpu.memory_space<vmem_shared>>
        %dma_wait3A_137 = arith.constant 0 : i32
        %dma_wait3A_138 = tpu.memref_slice %arg7[%dma_wait3A_137] : memref<128xf32, #tpu.memory_space<vmem>> -> memref<128xf32, #tpu.memory_space<vmem>>
        tpu.wait_dma2 semaphore(%run_scoped3A : memref<!tpu.dma_semaphore, #tpu.memory_space<semaphore_mem>>) src(%dma_wait3A_138 : memref<128xf32, #tpu.memory_space<vmem>>) dst(%dma_wait3A_136 : memref<128xf32, #tpu.memory_space<vmem_shared>>)
        tpu.yield
      }) : () -> ()
      "tpu.region"() ({
        %run_scoped3A = tpu.sem_alloc : memref<!tpu.dma_semaphore, #tpu.memory_space<semaphore_mem>>
        %dma_start3A = arith.constant 0 : i32
        %dma_start3A_125 = tpu.memref_slice %arg7[%dma_start3A] : memref<128xf32, #tpu.memory_space<vmem>> -> memref<128xf32, #tpu.memory_space<vmem>>
        %dma_start3A_126 = arith.constant 9856 : i32
        %dma_start3A_127 = tpu.memref_slice %arg4[%dma_start3A_126] : memref<10128xf32, #tpu.memory_space<vmem_shared>> -> memref<128xf32, #tpu.memory_space<vmem_shared>>
        %dma_start3A_128 = arith.constant 9856 : i32
        %dma_start3A_129 = tpu.memref_slice %arg4[%dma_start3A_128] : memref<10128xf32, #tpu.memory_space<vmem_shared>> -> memref<128xf32, #tpu.memory_space<vmem_shared>>
        %dma_start3A_130 = arith.constant 0 : i32
        %dma_start3A_131 = tpu.memref_slice %arg7[%dma_start3A_130] : memref<128xf32, #tpu.memory_space<vmem>> -> memref<128xf32, #tpu.memory_space<vmem>>
        tpu.enqueue_dma source(%dma_start3A_131 : memref<128xf32, #tpu.memory_space<vmem>>) target(%dma_start3A_129 : memref<128xf32, #tpu.memory_space<vmem_shared>>) target_semaphore(%run_scoped3A : memref<!tpu.dma_semaphore, #tpu.memory_space<semaphore_mem>>)
        %dma_wait3A = arith.constant 0 : i32
        %dma_wait3A_132 = tpu.memref_slice %arg7[%dma_wait3A] : memref<128xf32, #tpu.memory_space<vmem>> -> memref<128xf32, #tpu.memory_space<vmem>>
        %dma_wait3A_133 = arith.constant 9856 : i32
        %dma_wait3A_134 = tpu.memref_slice %arg4[%dma_wait3A_133] : memref<10128xf32, #tpu.memory_space<vmem_shared>> -> memref<128xf32, #tpu.memory_space<vmem_shared>>
        %dma_wait3A_135 = arith.constant 9856 : i32
        %dma_wait3A_136 = tpu.memref_slice %arg4[%dma_wait3A_135] : memref<10128xf32, #tpu.memory_space<vmem_shared>> -> memref<128xf32, #tpu.memory_space<vmem_shared>>
        %dma_wait3A_137 = arith.constant 0 : i32
        %dma_wait3A_138 = tpu.memref_slice %arg7[%dma_wait3A_137] : memref<128xf32, #tpu.memory_space<vmem>> -> memref<128xf32, #tpu.memory_space<vmem>>
        tpu.wait_dma2 semaphore(%run_scoped3A : memref<!tpu.dma_semaphore, #tpu.memory_space<semaphore_mem>>) src(%dma_wait3A_138 : memref<128xf32, #tpu.memory_space<vmem>>) dst(%dma_wait3A_136 : memref<128xf32, #tpu.memory_space<vmem_shared>>)
        tpu.yield
      }) : () -> ()
      "tpu.region"() ({
        %run_scoped3A = tpu.sem_alloc : memref<!tpu.dma_semaphore, #tpu.memory_space<semaphore_mem>>
        %dma_start3A = arith.constant 0 : i32
        %dma_start3A_125 = tpu.memref_slice %arg7[%dma_start3A] : memref<128xf32, #tpu.memory_space<vmem>> -> memref<16xf32, #tpu.memory_space<vmem>>
        %dma_start3A_126 = arith.constant 9984 : i32
        %dma_start3A_127 = tpu.memref_slice %arg4[%dma_start3A_126] : memref<10128xf32, #tpu.memory_space<vmem_shared>> -> memref<16xf32, #tpu.memory_space<vmem_shared>>
        %dma_start3A_128 = arith.constant 9984 : i32
        %dma_start3A_129 = tpu.memref_slice %arg4[%dma_start3A_128] : memref<10128xf32, #tpu.memory_space<vmem_shared>> -> memref<16xf32, #tpu.memory_space<vmem_shared>>
        %dma_start3A_130 = arith.constant 0 : i32
        %dma_start3A_131 = tpu.memref_slice %arg7[%dma_start3A_130] : memref<128xf32, #tpu.memory_space<vmem>> -> memref<16xf32, #tpu.memory_space<vmem>>
        tpu.enqueue_dma source(%dma_start3A_131 : memref<16xf32, #tpu.memory_space<vmem>>) target(%dma_start3A_129 : memref<16xf32, #tpu.memory_space<vmem_shared>>) target_semaphore(%run_scoped3A : memref<!tpu.dma_semaphore, #tpu.memory_space<semaphore_mem>>)
        %dma_wait3A = arith.constant 0 : i32
        %dma_wait3A_132 = tpu.memref_slice %arg7[%dma_wait3A] : memref<128xf32, #tpu.memory_space<vmem>> -> memref<16xf32, #tpu.memory_space<vmem>>
        %dma_wait3A_133 = arith.constant 9984 : i32
        %dma_wait3A_134 = tpu.memref_slice %arg4[%dma_wait3A_133] : memref<10128xf32, #tpu.memory_space<vmem_shared>> -> memref<16xf32, #tpu.memory_space<vmem_shared>>
        %dma_wait3A_135 = arith.constant 9984 : i32
        %dma_wait3A_136 = tpu.memref_slice %arg4[%dma_wait3A_135] : memref<10128xf32, #tpu.memory_space<vmem_shared>> -> memref<16xf32, #tpu.memory_space<vmem_shared>>
        %dma_wait3A_137 = arith.constant 0 : i32
        %dma_wait3A_138 = tpu.memref_slice %arg7[%dma_wait3A_137] : memref<128xf32, #tpu.memory_space<vmem>> -> memref<16xf32, #tpu.memory_space<vmem>>
        tpu.wait_dma2 semaphore(%run_scoped3A : memref<!tpu.dma_semaphore, #tpu.memory_space<semaphore_mem>>) src(%dma_wait3A_138 : memref<16xf32, #tpu.memory_space<vmem>>) dst(%dma_wait3A_136 : memref<16xf32, #tpu.memory_space<vmem_shared>>)
        tpu.yield
      }) : () -> ()
    } else {
    }
    %barrier3A = arith.constant 0 : index
    tpu.barrier barrier_id(%barrier3A)
    %mul3A_101 = arith.constant 80 : i32
    %mul3A_102 = arith.muli %add3A, %mul3A_101 : i32
    "tpu.region"() ({
      %run_scoped3A = tpu.sem_alloc : memref<!tpu.dma_semaphore, #tpu.memory_space<semaphore_mem>>
      %dma_start3A = arith.constant 0 : i32
      %dma_start3A_125 = tpu.memref_slice %arg2[%mul3A_102, %dma_start3A] : memref<2560x128xi32, #tpu.memory_space<hbm>> -> memref<80x128xi32, #tpu.memory_space<hbm>>
      %dma_start3A_126 = arith.constant 0 : i32
      %dma_start3A_127 = tpu.memref_slice %arg2[%mul3A_102, %dma_start3A_126] : memref<2560x128xi32, #tpu.memory_space<hbm>> -> memref<80x128xi32, #tpu.memory_space<hbm>>
      tpu.enqueue_dma source(%dma_start3A_127 : memref<80x128xi32, #tpu.memory_space<hbm>>) target(%arg5 : memref<80x128xi32, #tpu.memory_space<vmem>>) target_semaphore(%run_scoped3A : memref<!tpu.dma_semaphore, #tpu.memory_space<semaphore_mem>>)
      %dma_wait3A = arith.constant 0 : i32
      %dma_wait3A_128 = tpu.memref_slice %arg2[%mul3A_102, %dma_wait3A] : memref<2560x128xi32, #tpu.memory_space<hbm>> -> memref<80x128xi32, #tpu.memory_space<hbm>>
      %dma_wait3A_129 = arith.constant 0 : i32
      %dma_wait3A_130 = tpu.memref_slice %arg2[%mul3A_102, %dma_wait3A_129] : memref<2560x128xi32, #tpu.memory_space<hbm>> -> memref<80x128xi32, #tpu.memory_space<hbm>>
      tpu.wait_dma2 semaphore(%run_scoped3A : memref<!tpu.dma_semaphore, #tpu.memory_space<semaphore_mem>>) src(%dma_wait3A_130 : memref<80x128xi32, #tpu.memory_space<hbm>>) dst(%arg5 : memref<80x128xi32, #tpu.memory_space<vmem>>)
      tpu.yield
    }) : () -> ()
    %scan3A = arith.constant 0 : i32
    %scan3A_103 = arith.constant 0 : i32
    %scan3A_104 = arith.constant 80 : i32
    %scan3A_105 = arith.addi %scan3A_103, %scan3A_104 : i32
    %scan3A_106 = arith.constant 1 : i32
    scf.for %scan3A_125 = %scan3A_103 to %scan3A_105 step %scan3A_106  : i32 {
      %dma_start3A = arith.constant 0 : i32
      %dma_start3A_126 = tpu.memref_slice %arg5[%scan3A_125, %dma_start3A] : memref<80x128xi32, #tpu.memory_space<vmem>> -> memref<1x128xi32, #tpu.memory_space<vmem>>
      %dma_start3A_127 = tpu.memref_squeeze %dma_start3A_126 : memref<1x128xi32, #tpu.memory_space<vmem>> -> memref<128xi32, #tpu.memory_space<vmem>>
      %dma_start3A_128 = arith.constant 0 : i32
      %dma_start3A_129 = tpu.memref_slice %arg4[%dma_start3A_128] : memref<10128xf32, #tpu.memory_space<vmem_shared>> -> memref<10128xf32, #tpu.memory_space<vmem_shared>>
      tpu.enqueue_indirect_dma source(%arg6 : memref<128xf32, #tpu.memory_space<vmem>>) target(%dma_start3A_129 : memref<10128xf32, #tpu.memory_space<vmem_shared>>) offsets(%dma_start3A_127 : memref<128xi32, #tpu.memory_space<vmem>>) semaphore(%arg8 : memref<!tpu.dma_semaphore, #tpu.memory_space<semaphore_mem>>) {add = true}
    }
    %scan3A_107 = arith.constant 80 : i32
    %scan3A_108 = arith.constant 0 : i32
    %scan3A_109 = arith.constant 0 : i32
    %scan3A_110 = arith.constant 80 : i32
    %scan3A_111 = arith.addi %scan3A_109, %scan3A_110 : i32
    %scan3A_112 = arith.constant 1 : i32
    scf.for %scan3A_125 = %scan3A_109 to %scan3A_111 step %scan3A_112  : i32 {
      %dma_wait3A = arith.constant 0 : i32
      %dma_wait3A_126 = arith.constant 0 : i32
      %dma_wait3A_127 = tpu.memref_slice %arg5[%dma_wait3A, %dma_wait3A_126] : memref<80x128xi32, #tpu.memory_space<vmem>> -> memref<1x128xi32, #tpu.memory_space<vmem>>
      %dma_wait3A_128 = tpu.memref_squeeze %dma_wait3A_127 : memref<1x128xi32, #tpu.memory_space<vmem>> -> memref<128xi32, #tpu.memory_space<vmem>>
      %dma_wait3A_129 = arith.constant 0 : i32
      %dma_wait3A_130 = tpu.memref_slice %arg4[%dma_wait3A_129] : memref<10128xf32, #tpu.memory_space<vmem_shared>> -> memref<10128xf32, #tpu.memory_space<vmem_shared>>
      tpu.wait_indirect_dma semaphore(%arg8 : memref<!tpu.dma_semaphore, #tpu.memory_space<semaphore_mem>>) src(%arg6 : memref<128xf32, #tpu.memory_space<vmem>>) dst(%dma_wait3A_130 : memref<10128xf32, #tpu.memory_space<vmem_shared>>)
    }
    %scan3A_113 = arith.constant 80 : i32
    %barrier3A_114 = arith.constant 0 : index
    tpu.barrier barrier_id(%barrier3A_114)
    %lt3A_115 = arith.constant 15 : i32
    %lt3A_116 = arith.cmpi slt, %arg1, %lt3A_115 : i32
    %convert_element_type3A_117 = arith.extui %lt3A_116 : i1 to i32
    %cond3A_118 = arith.constant 0 : i32
    %cond3A_119 = arith.cmpi ne, %convert_element_type3A_117, %cond3A_118 : i32
    scf.if %cond3A_119 {
      %scan3A_125 = arith.constant 0 : i32
      %scan3A_126 = arith.constant 0 : i32
      %scan3A_127 = arith.constant 5 : i32
      %scan3A_128 = arith.addi %scan3A_126, %scan3A_127 : i32
      %scan3A_129 = arith.constant 1 : i32
      scf.for %scan3A_131 = %scan3A_126 to %scan3A_128 step %scan3A_129  : i32 {
        %mul3A_132 = arith.constant 640 : i32
        %mul3A_133 = arith.muli %arg1, %mul3A_132 : i32
        %mul3A_134 = arith.constant 128 : i32
        %mul3A_135 = arith.muli %scan3A_131, %mul3A_134 : i32
        %add3A_136 = arith.addi %mul3A_133, %mul3A_135 : i32
        %multiple_of3A = tpu.assume_multiple %add3A_136, 128 : i32
        "tpu.region"() ({
          %run_scoped3A_137 = tpu.sem_alloc : memref<!tpu.dma_semaphore, #tpu.memory_space<semaphore_mem>>
          %dma_start3A = arith.constant 0 : i32
          %dma_start3A_138 = tpu.memref_slice %arg7[%dma_start3A] : memref<128xf32, #tpu.memory_space<vmem>> -> memref<128xf32, #tpu.memory_space<vmem>>
          %dma_start3A_139 = tpu.memref_slice %arg4[%multiple_of3A] : memref<10128xf32, #tpu.memory_space<vmem_shared>> -> memref<128xf32, #tpu.memory_space<vmem_shared>>
          %dma_start3A_140 = arith.constant 0 : i32
          %dma_start3A_141 = tpu.memref_slice %arg7[%dma_start3A_140] : memref<128xf32, #tpu.memory_space<vmem>> -> memref<128xf32, #tpu.memory_space<vmem>>
          %dma_start3A_142 = tpu.memref_slice %arg4[%multiple_of3A] : memref<10128xf32, #tpu.memory_space<vmem_shared>> -> memref<128xf32, #tpu.memory_space<vmem_shared>>
          tpu.enqueue_dma source(%dma_start3A_142 : memref<128xf32, #tpu.memory_space<vmem_shared>>) target(%dma_start3A_141 : memref<128xf32, #tpu.memory_space<vmem>>) target_semaphore(%run_scoped3A_137 : memref<!tpu.dma_semaphore, #tpu.memory_space<semaphore_mem>>)
          %dma_wait3A = arith.constant 0 : i32
          %dma_wait3A_143 = tpu.memref_slice %arg7[%dma_wait3A] : memref<128xf32, #tpu.memory_space<vmem>> -> memref<128xf32, #tpu.memory_space<vmem>>
          %dma_wait3A_144 = tpu.memref_slice %arg4[%multiple_of3A] : memref<10128xf32, #tpu.memory_space<vmem_shared>> -> memref<128xf32, #tpu.memory_space<vmem_shared>>
          %dma_wait3A_145 = arith.constant 0 : i32
          %dma_wait3A_146 = tpu.memref_slice %arg7[%dma_wait3A_145] : memref<128xf32, #tpu.memory_space<vmem>> -> memref<128xf32, #tpu.memory_space<vmem>>
          %dma_wait3A_147 = tpu.memref_slice %arg4[%multiple_of3A] : memref<10128xf32, #tpu.memory_space<vmem_shared>> -> memref<128xf32, #tpu.memory_space<vmem_shared>>
          tpu.wait_dma2 semaphore(%run_scoped3A_137 : memref<!tpu.dma_semaphore, #tpu.memory_space<semaphore_mem>>) src(%dma_wait3A_147 : memref<128xf32, #tpu.memory_space<vmem_shared>>) dst(%dma_wait3A_146 : memref<128xf32, #tpu.memory_space<vmem>>)
          tpu.yield
        }) : () -> ()
        %run_scoped3A = arith.constant 0 : i32
        "tpu.region"() ({
          %run_scoped3A_137 = tpu.sem_alloc : memref<!tpu.dma_semaphore, #tpu.memory_space<semaphore_mem>>
          %dma_start3A = arith.constant 0 : i32
          %dma_start3A_138 = tpu.memref_slice %arg7[%dma_start3A] : memref<128xf32, #tpu.memory_space<vmem>> -> memref<128xf32, #tpu.memory_space<vmem>>
          %dma_start3A_139 = arith.constant 0 : i32
          %dma_start3A_140 = arith.constant 0 : i32
          %dma_start3A_141 = tpu.memref_slice %arg3[%arg0, %dma_start3A_139, %dma_start3A_140] : memref<2x1x10000xf32, #tpu.memory_space<hbm>> -> memref<1x1x10000xf32, #tpu.memory_space<hbm>>
          %dma_start3A_142 = tpu.memref_squeeze %dma_start3A_141 : memref<1x1x10000xf32, #tpu.memory_space<hbm>> -> memref<1x10000xf32, #tpu.memory_space<hbm>>
          %dma_start3A_143 = arith.constant 0 : i32
          %dma_start3A_144 = tpu.memref_slice %dma_start3A_142[%run_scoped3A, %dma_start3A_143] : memref<1x10000xf32, #tpu.memory_space<hbm>> -> memref<1x10000xf32, #tpu.memory_space<hbm>>
          %dma_start3A_145 = tpu.memref_squeeze %dma_start3A_144 : memref<1x10000xf32, #tpu.memory_space<hbm>> -> memref<10000xf32, #tpu.memory_space<hbm>>
          %dma_start3A_146 = tpu.memref_slice %dma_start3A_145[%multiple_of3A] : memref<10000xf32, #tpu.memory_space<hbm>> -> memref<128xf32, #tpu.memory_space<hbm>>
          %dma_start3A_147 = arith.constant 0 : i32
          %dma_start3A_148 = arith.constant 0 : i32
          %dma_start3A_149 = tpu.memref_slice %arg3[%arg0, %dma_start3A_147, %dma_start3A_148] : memref<2x1x10000xf32, #tpu.memory_space<hbm>> -> memref<1x1x10000xf32, #tpu.memory_space<hbm>>
          %dma_start3A_150 = tpu.memref_squeeze %dma_start3A_149 : memref<1x1x10000xf32, #tpu.memory_space<hbm>> -> memref<1x10000xf32, #tpu.memory_space<hbm>>
          %dma_start3A_151 = arith.constant 0 : i32
          %dma_start3A_152 = tpu.memref_slice %dma_start3A_150[%run_scoped3A, %dma_start3A_151] : memref<1x10000xf32, #tpu.memory_space<hbm>> -> memref<1x10000xf32, #tpu.memory_space<hbm>>
          %dma_start3A_153 = tpu.memref_squeeze %dma_start3A_152 : memref<1x10000xf32, #tpu.memory_space<hbm>> -> memref<10000xf32, #tpu.memory_space<hbm>>
          %dma_start3A_154 = tpu.memref_slice %dma_start3A_153[%multiple_of3A] : memref<10000xf32, #tpu.memory_space<hbm>> -> memref<128xf32, #tpu.memory_space<hbm>>
          %dma_start3A_155 = arith.constant 0 : i32
          %dma_start3A_156 = tpu.memref_slice %arg7[%dma_start3A_155] : memref<128xf32, #tpu.memory_space<vmem>> -> memref<128xf32, #tpu.memory_space<vmem>>
          tpu.enqueue_dma source(%dma_start3A_156 : memref<128xf32, #tpu.memory_space<vmem>>) target(%dma_start3A_154 : memref<128xf32, #tpu.memory_space<hbm>>) target_semaphore(%run_scoped3A_137 : memref<!tpu.dma_semaphore, #tpu.memory_space<semaphore_mem>>)
          %dma_wait3A = arith.constant 0 : i32
          %dma_wait3A_157 = tpu.memref_slice %arg7[%dma_wait3A] : memref<128xf32, #tpu.memory_space<vmem>> -> memref<128xf32, #tpu.memory_space<vmem>>
          %dma_wait3A_158 = arith.constant 0 : i32
          %dma_wait3A_159 = arith.constant 0 : i32
          %dma_wait3A_160 = tpu.memref_slice %arg3[%arg0, %dma_wait3A_158, %dma_wait3A_159] : memref<2x1x10000xf32, #tpu.memory_space<hbm>> -> memref<1x1x10000xf32, #tpu.memory_space<hbm>>
          %dma_wait3A_161 = tpu.memref_squeeze %dma_wait3A_160 : memref<1x1x10000xf32, #tpu.memory_space<hbm>> -> memref<1x10000xf32, #tpu.memory_space<hbm>>
          %dma_wait3A_162 = arith.constant 0 : i32
          %dma_wait3A_163 = tpu.memref_slice %dma_wait3A_161[%run_scoped3A, %dma_wait3A_162] : memref<1x10000xf32, #tpu.memory_space<hbm>> -> memref<1x10000xf32, #tpu.memory_space<hbm>>
          %dma_wait3A_164 = tpu.memref_squeeze %dma_wait3A_163 : memref<1x10000xf32, #tpu.memory_space<hbm>> -> memref<10000xf32, #tpu.memory_space<hbm>>
          %dma_wait3A_165 = tpu.memref_slice %dma_wait3A_164[%multiple_of3A] : memref<10000xf32, #tpu.memory_space<hbm>> -> memref<128xf32, #tpu.memory_space<hbm>>
          %dma_wait3A_166 = arith.constant 0 : i32
          %dma_wait3A_167 = arith.constant 0 : i32
          %dma_wait3A_168 = tpu.memref_slice %arg3[%arg0, %dma_wait3A_166, %dma_wait3A_167] : memref<2x1x10000xf32, #tpu.memory_space<hbm>> -> memref<1x1x10000xf32, #tpu.memory_space<hbm>>
          %dma_wait3A_169 = tpu.memref_squeeze %dma_wait3A_168 : memref<1x1x10000xf32, #tpu.memory_space<hbm>> -> memref<1x10000xf32, #tpu.memory_space<hbm>>
          %dma_wait3A_170 = arith.constant 0 : i32
          %dma_wait3A_171 = tpu.memref_slice %dma_wait3A_169[%run_scoped3A, %dma_wait3A_170] : memref<1x10000xf32, #tpu.memory_space<hbm>> -> memref<1x10000xf32, #tpu.memory_space<hbm>>
          %dma_wait3A_172 = tpu.memref_squeeze %dma_wait3A_171 : memref<1x10000xf32, #tpu.memory_space<hbm>> -> memref<10000xf32, #tpu.memory_space<hbm>>
          %dma_wait3A_173 = tpu.memref_slice %dma_wait3A_172[%multiple_of3A] : memref<10000xf32, #tpu.memory_space<hbm>> -> memref<128xf32, #tpu.memory_space<hbm>>
          %dma_wait3A_174 = arith.constant 0 : i32
          %dma_wait3A_175 = tpu.memref_slice %arg7[%dma_wait3A_174] : memref<128xf32, #tpu.memory_space<vmem>> -> memref<128xf32, #tpu.memory_space<vmem>>
          tpu.wait_dma2 semaphore(%run_scoped3A_137 : memref<!tpu.dma_semaphore, #tpu.memory_space<semaphore_mem>>) src(%dma_wait3A_175 : memref<128xf32, #tpu.memory_space<vmem>>) dst(%dma_wait3A_173 : memref<128xf32, #tpu.memory_space<hbm>>)
          tpu.yield
        }) : () -> ()
      }
      %scan3A_130 = arith.constant 5 : i32
    } else {
    }
    %eq3A_120 = arith.constant 15 : i32
    %eq3A_121 = arith.cmpi eq, %arg1, %eq3A_120 : i32
    %convert_element_type3A_122 = arith.extui %eq3A_121 : i1 to i32
    %cond3A_123 = arith.constant 0 : i32
    %cond3A_124 = arith.cmpi ne, %convert_element_type3A_122, %cond3A_123 : i32
    scf.if %cond3A_124 {
      "tpu.region"() ({
        %run_scoped3A_128 = tpu.sem_alloc : memref<!tpu.dma_semaphore, #tpu.memory_space<semaphore_mem>>
        %dma_start3A = arith.constant 0 : i32
        %dma_start3A_129 = tpu.memref_slice %arg7[%dma_start3A] : memref<128xf32, #tpu.memory_space<vmem>> -> memref<128xf32, #tpu.memory_space<vmem>>
        %dma_start3A_130 = arith.constant 9600 : i32
        %dma_start3A_131 = tpu.memref_slice %arg4[%dma_start3A_130] : memref<10128xf32, #tpu.memory_space<vmem_shared>> -> memref<128xf32, #tpu.memory_space<vmem_shared>>
        %dma_start3A_132 = arith.constant 0 : i32
        %dma_start3A_133 = tpu.memref_slice %arg7[%dma_start3A_132] : memref<128xf32, #tpu.memory_space<vmem>> -> memref<128xf32, #tpu.memory_space<vmem>>
        %dma_start3A_134 = arith.constant 9600 : i32
        %dma_start3A_135 = tpu.memref_slice %arg4[%dma_start3A_134] : memref<10128xf32, #tpu.memory_space<vmem_shared>> -> memref<128xf32, #tpu.memory_space<vmem_shared>>
        tpu.enqueue_dma source(%dma_start3A_135 : memref<128xf32, #tpu.memory_space<vmem_shared>>) target(%dma_start3A_133 : memref<128xf32, #tpu.memory_space<vmem>>) target_semaphore(%run_scoped3A_128 : memref<!tpu.dma_semaphore, #tpu.memory_space<semaphore_mem>>)
        %dma_wait3A = arith.constant 0 : i32
        %dma_wait3A_136 = tpu.memref_slice %arg7[%dma_wait3A] : memref<128xf32, #tpu.memory_space<vmem>> -> memref<128xf32, #tpu.memory_space<vmem>>
        %dma_wait3A_137 = arith.constant 9600 : i32
        %dma_wait3A_138 = tpu.memref_slice %arg4[%dma_wait3A_137] : memref<10128xf32, #tpu.memory_space<vmem_shared>> -> memref<128xf32, #tpu.memory_space<vmem_shared>>
        %dma_wait3A_139 = arith.constant 0 : i32
        %dma_wait3A_140 = tpu.memref_slice %arg7[%dma_wait3A_139] : memref<128xf32, #tpu.memory_space<vmem>> -> memref<128xf32, #tpu.memory_space<vmem>>
        %dma_wait3A_141 = arith.constant 9600 : i32
        %dma_wait3A_142 = tpu.memref_slice %arg4[%dma_wait3A_141] : memref<10128xf32, #tpu.memory_space<vmem_shared>> -> memref<128xf32, #tpu.memory_space<vmem_shared>>
        tpu.wait_dma2 semaphore(%run_scoped3A_128 : memref<!tpu.dma_semaphore, #tpu.memory_space<semaphore_mem>>) src(%dma_wait3A_142 : memref<128xf32, #tpu.memory_space<vmem_shared>>) dst(%dma_wait3A_140 : memref<128xf32, #tpu.memory_space<vmem>>)
        tpu.yield
      }) : () -> ()
      %run_scoped3A = arith.constant 0 : i32
      "tpu.region"() ({
        %run_scoped3A_128 = tpu.sem_alloc : memref<!tpu.dma_semaphore, #tpu.memory_space<semaphore_mem>>
        %dma_start3A = arith.constant 0 : i32
        %dma_start3A_129 = tpu.memref_slice %arg7[%dma_start3A] : memref<128xf32, #tpu.memory_space<vmem>> -> memref<128xf32, #tpu.memory_space<vmem>>
        %dma_start3A_130 = arith.constant 0 : i32
        %dma_start3A_131 = arith.constant 0 : i32
        %dma_start3A_132 = tpu.memref_slice %arg3[%arg0, %dma_start3A_130, %dma_start3A_131] : memref<2x1x10000xf32, #tpu.memory_space<hbm>> -> memref<1x1x10000xf32, #tpu.memory_space<hbm>>
        %dma_start3A_133 = tpu.memref_squeeze %dma_start3A_132 : memref<1x1x10000xf32, #tpu.memory_space<hbm>> -> memref<1x10000xf32, #tpu.memory_space<hbm>>
        %dma_start3A_134 = arith.constant 0 : i32
        %dma_start3A_135 = tpu.memref_slice %dma_start3A_133[%run_scoped3A, %dma_start3A_134] : memref<1x10000xf32, #tpu.memory_space<hbm>> -> memref<1x10000xf32, #tpu.memory_space<hbm>>
        %dma_start3A_136 = tpu.memref_squeeze %dma_start3A_135 : memref<1x10000xf32, #tpu.memory_space<hbm>> -> memref<10000xf32, #tpu.memory_space<hbm>>
        %dma_start3A_137 = arith.constant 9600 : i32
        %dma_start3A_138 = tpu.memref_slice %dma_start3A_136[%dma_start3A_137] : memref<10000xf32, #tpu.memory_space<hbm>> -> memref<128xf32, #tpu.memory_space<hbm>>
        %dma_start3A_139 = arith.constant 0 : i32
        %dma_start3A_140 = arith.constant 0 : i32
        %dma_start3A_141 = tpu.memref_slice %arg3[%arg0, %dma_start3A_139, %dma_start3A_140] : memref<2x1x10000xf32, #tpu.memory_space<hbm>> -> memref<1x1x10000xf32, #tpu.memory_space<hbm>>
        %dma_start3A_142 = tpu.memref_squeeze %dma_start3A_141 : memref<1x1x10000xf32, #tpu.memory_space<hbm>> -> memref<1x10000xf32, #tpu.memory_space<hbm>>
        %dma_start3A_143 = arith.constant 0 : i32
        %dma_start3A_144 = tpu.memref_slice %dma_start3A_142[%run_scoped3A, %dma_start3A_143] : memref<1x10000xf32, #tpu.memory_space<hbm>> -> memref<1x10000xf32, #tpu.memory_space<hbm>>
        %dma_start3A_145 = tpu.memref_squeeze %dma_start3A_144 : memref<1x10000xf32, #tpu.memory_space<hbm>> -> memref<10000xf32, #tpu.memory_space<hbm>>
        %dma_start3A_146 = arith.constant 9600 : i32
        %dma_start3A_147 = tpu.memref_slice %dma_start3A_145[%dma_start3A_146] : memref<10000xf32, #tpu.memory_space<hbm>> -> memref<128xf32, #tpu.memory_space<hbm>>
        %dma_start3A_148 = arith.constant 0 : i32
        %dma_start3A_149 = tpu.memref_slice %arg7[%dma_start3A_148] : memref<128xf32, #tpu.memory_space<vmem>> -> memref<128xf32, #tpu.memory_space<vmem>>
        tpu.enqueue_dma source(%dma_start3A_149 : memref<128xf32, #tpu.memory_space<vmem>>) target(%dma_start3A_147 : memref<128xf32, #tpu.memory_space<hbm>>) target_semaphore(%run_scoped3A_128 : memref<!tpu.dma_semaphore, #tpu.memory_space<semaphore_mem>>)
        %dma_wait3A = arith.constant 0 : i32
        %dma_wait3A_150 = tpu.memref_slice %arg7[%dma_wait3A] : memref<128xf32, #tpu.memory_space<vmem>> -> memref<128xf32, #tpu.memory_space<vmem>>
        %dma_wait3A_151 = arith.constant 0 : i32
        %dma_wait3A_152 = arith.constant 0 : i32
        %dma_wait3A_153 = tpu.memref_slice %arg3[%arg0, %dma_wait3A_151, %dma_wait3A_152] : memref<2x1x10000xf32, #tpu.memory_space<hbm>> -> memref<1x1x10000xf32, #tpu.memory_space<hbm>>
        %dma_wait3A_154 = tpu.memref_squeeze %dma_wait3A_153 : memref<1x1x10000xf32, #tpu.memory_space<hbm>> -> memref<1x10000xf32, #tpu.memory_space<hbm>>
        %dma_wait3A_155 = arith.constant 0 : i32
        %dma_wait3A_156 = tpu.memref_slice %dma_wait3A_154[%run_scoped3A, %dma_wait3A_155] : memref<1x10000xf32, #tpu.memory_space<hbm>> -> memref<1x10000xf32, #tpu.memory_space<hbm>>
        %dma_wait3A_157 = tpu.memref_squeeze %dma_wait3A_156 : memref<1x10000xf32, #tpu.memory_space<hbm>> -> memref<10000xf32, #tpu.memory_space<hbm>>
        %dma_wait3A_158 = arith.constant 9600 : i32
        %dma_wait3A_159 = tpu.memref_slice %dma_wait3A_157[%dma_wait3A_158] : memref<10000xf32, #tpu.memory_space<hbm>> -> memref<128xf32, #tpu.memory_space<hbm>>
        %dma_wait3A_160 = arith.constant 0 : i32
        %dma_wait3A_161 = arith.constant 0 : i32
        %dma_wait3A_162 = tpu.memref_slice %arg3[%arg0, %dma_wait3A_160, %dma_wait3A_161] : memref<2x1x10000xf32, #tpu.memory_space<hbm>> -> memref<1x1x10000xf32, #tpu.memory_space<hbm>>
        %dma_wait3A_163 = tpu.memref_squeeze %dma_wait3A_162 : memref<1x1x10000xf32, #tpu.memory_space<hbm>> -> memref<1x10000xf32, #tpu.memory_space<hbm>>
        %dma_wait3A_164 = arith.constant 0 : i32
        %dma_wait3A_165 = tpu.memref_slice %dma_wait3A_163[%run_scoped3A, %dma_wait3A_164] : memref<1x10000xf32, #tpu.memory_space<hbm>> -> memref<1x10000xf32, #tpu.memory_space<hbm>>
        %dma_wait3A_166 = tpu.memref_squeeze %dma_wait3A_165 : memref<1x10000xf32, #tpu.memory_space<hbm>> -> memref<10000xf32, #tpu.memory_space<hbm>>
        %dma_wait3A_167 = arith.constant 9600 : i32
        %dma_wait3A_168 = tpu.memref_slice %dma_wait3A_166[%dma_wait3A_167] : memref<10000xf32, #tpu.memory_space<hbm>> -> memref<128xf32, #tpu.memory_space<hbm>>
        %dma_wait3A_169 = arith.constant 0 : i32
        %dma_wait3A_170 = tpu.memref_slice %arg7[%dma_wait3A_169] : memref<128xf32, #tpu.memory_space<vmem>> -> memref<128xf32, #tpu.memory_space<vmem>>
        tpu.wait_dma2 semaphore(%run_scoped3A_128 : memref<!tpu.dma_semaphore, #tpu.memory_space<semaphore_mem>>) src(%dma_wait3A_170 : memref<128xf32, #tpu.memory_space<vmem>>) dst(%dma_wait3A_168 : memref<128xf32, #tpu.memory_space<hbm>>)
        tpu.yield
      }) : () -> ()
      "tpu.region"() ({
        %run_scoped3A_128 = tpu.sem_alloc : memref<!tpu.dma_semaphore, #tpu.memory_space<semaphore_mem>>
        %dma_start3A = arith.constant 0 : i32
        %dma_start3A_129 = tpu.memref_slice %arg7[%dma_start3A] : memref<128xf32, #tpu.memory_space<vmem>> -> memref<128xf32, #tpu.memory_space<vmem>>
        %dma_start3A_130 = arith.constant 9728 : i32
        %dma_start3A_131 = tpu.memref_slice %arg4[%dma_start3A_130] : memref<10128xf32, #tpu.memory_space<vmem_shared>> -> memref<128xf32, #tpu.memory_space<vmem_shared>>
        %dma_start3A_132 = arith.constant 0 : i32
        %dma_start3A_133 = tpu.memref_slice %arg7[%dma_start3A_132] : memref<128xf32, #tpu.memory_space<vmem>> -> memref<128xf32, #tpu.memory_space<vmem>>
        %dma_start3A_134 = arith.constant 9728 : i32
        %dma_start3A_135 = tpu.memref_slice %arg4[%dma_start3A_134] : memref<10128xf32, #tpu.memory_space<vmem_shared>> -> memref<128xf32, #tpu.memory_space<vmem_shared>>
        tpu.enqueue_dma source(%dma_start3A_135 : memref<128xf32, #tpu.memory_space<vmem_shared>>) target(%dma_start3A_133 : memref<128xf32, #tpu.memory_space<vmem>>) target_semaphore(%run_scoped3A_128 : memref<!tpu.dma_semaphore, #tpu.memory_space<semaphore_mem>>)
        %dma_wait3A = arith.constant 0 : i32
        %dma_wait3A_136 = tpu.memref_slice %arg7[%dma_wait3A] : memref<128xf32, #tpu.memory_space<vmem>> -> memref<128xf32, #tpu.memory_space<vmem>>
        %dma_wait3A_137 = arith.constant 9728 : i32
        %dma_wait3A_138 = tpu.memref_slice %arg4[%dma_wait3A_137] : memref<10128xf32, #tpu.memory_space<vmem_shared>> -> memref<128xf32, #tpu.memory_space<vmem_shared>>
        %dma_wait3A_139 = arith.constant 0 : i32
        %dma_wait3A_140 = tpu.memref_slice %arg7[%dma_wait3A_139] : memref<128xf32, #tpu.memory_space<vmem>> -> memref<128xf32, #tpu.memory_space<vmem>>
        %dma_wait3A_141 = arith.constant 9728 : i32
        %dma_wait3A_142 = tpu.memref_slice %arg4[%dma_wait3A_141] : memref<10128xf32, #tpu.memory_space<vmem_shared>> -> memref<128xf32, #tpu.memory_space<vmem_shared>>
        tpu.wait_dma2 semaphore(%run_scoped3A_128 : memref<!tpu.dma_semaphore, #tpu.memory_space<semaphore_mem>>) src(%dma_wait3A_142 : memref<128xf32, #tpu.memory_space<vmem_shared>>) dst(%dma_wait3A_140 : memref<128xf32, #tpu.memory_space<vmem>>)
        tpu.yield
      }) : () -> ()
      %run_scoped3A_125 = arith.constant 0 : i32
      "tpu.region"() ({
        %run_scoped3A_128 = tpu.sem_alloc : memref<!tpu.dma_semaphore, #tpu.memory_space<semaphore_mem>>
        %dma_start3A = arith.constant 0 : i32
        %dma_start3A_129 = tpu.memref_slice %arg7[%dma_start3A] : memref<128xf32, #tpu.memory_space<vmem>> -> memref<128xf32, #tpu.memory_space<vmem>>
        %dma_start3A_130 = arith.constant 0 : i32
        %dma_start3A_131 = arith.constant 0 : i32
        %dma_start3A_132 = tpu.memref_slice %arg3[%arg0, %dma_start3A_130, %dma_start3A_131] : memref<2x1x10000xf32, #tpu.memory_space<hbm>> -> memref<1x1x10000xf32, #tpu.memory_space<hbm>>
        %dma_start3A_133 = tpu.memref_squeeze %dma_start3A_132 : memref<1x1x10000xf32, #tpu.memory_space<hbm>> -> memref<1x10000xf32, #tpu.memory_space<hbm>>
        %dma_start3A_134 = arith.constant 0 : i32
        %dma_start3A_135 = tpu.memref_slice %dma_start3A_133[%run_scoped3A_125, %dma_start3A_134] : memref<1x10000xf32, #tpu.memory_space<hbm>> -> memref<1x10000xf32, #tpu.memory_space<hbm>>
        %dma_start3A_136 = tpu.memref_squeeze %dma_start3A_135 : memref<1x10000xf32, #tpu.memory_space<hbm>> -> memref<10000xf32, #tpu.memory_space<hbm>>
        %dma_start3A_137 = arith.constant 9728 : i32
        %dma_start3A_138 = tpu.memref_slice %dma_start3A_136[%dma_start3A_137] : memref<10000xf32, #tpu.memory_space<hbm>> -> memref<128xf32, #tpu.memory_space<hbm>>
        %dma_start3A_139 = arith.constant 0 : i32
        %dma_start3A_140 = arith.constant 0 : i32
        %dma_start3A_141 = tpu.memref_slice %arg3[%arg0, %dma_start3A_139, %dma_start3A_140] : memref<2x1x10000xf32, #tpu.memory_space<hbm>> -> memref<1x1x10000xf32, #tpu.memory_space<hbm>>
        %dma_start3A_142 = tpu.memref_squeeze %dma_start3A_141 : memref<1x1x10000xf32, #tpu.memory_space<hbm>> -> memref<1x10000xf32, #tpu.memory_space<hbm>>
        %dma_start3A_143 = arith.constant 0 : i32
        %dma_start3A_144 = tpu.memref_slice %dma_start3A_142[%run_scoped3A_125, %dma_start3A_143] : memref<1x10000xf32, #tpu.memory_space<hbm>> -> memref<1x10000xf32, #tpu.memory_space<hbm>>
        %dma_start3A_145 = tpu.memref_squeeze %dma_start3A_144 : memref<1x10000xf32, #tpu.memory_space<hbm>> -> memref<10000xf32, #tpu.memory_space<hbm>>
        %dma_start3A_146 = arith.constant 9728 : i32
        %dma_start3A_147 = tpu.memref_slice %dma_start3A_145[%dma_start3A_146] : memref<10000xf32, #tpu.memory_space<hbm>> -> memref<128xf32, #tpu.memory_space<hbm>>
        %dma_start3A_148 = arith.constant 0 : i32
        %dma_start3A_149 = tpu.memref_slice %arg7[%dma_start3A_148] : memref<128xf32, #tpu.memory_space<vmem>> -> memref<128xf32, #tpu.memory_space<vmem>>
        tpu.enqueue_dma source(%dma_start3A_149 : memref<128xf32, #tpu.memory_space<vmem>>) target(%dma_start3A_147 : memref<128xf32, #tpu.memory_space<hbm>>) target_semaphore(%run_scoped3A_128 : memref<!tpu.dma_semaphore, #tpu.memory_space<semaphore_mem>>)
        %dma_wait3A = arith.constant 0 : i32
        %dma_wait3A_150 = tpu.memref_slice %arg7[%dma_wait3A] : memref<128xf32, #tpu.memory_space<vmem>> -> memref<128xf32, #tpu.memory_space<vmem>>
        %dma_wait3A_151 = arith.constant 0 : i32
        %dma_wait3A_152 = arith.constant 0 : i32
        %dma_wait3A_153 = tpu.memref_slice %arg3[%arg0, %dma_wait3A_151, %dma_wait3A_152] : memref<2x1x10000xf32, #tpu.memory_space<hbm>> -> memref<1x1x10000xf32, #tpu.memory_space<hbm>>
        %dma_wait3A_154 = tpu.memref_squeeze %dma_wait3A_153 : memref<1x1x10000xf32, #tpu.memory_space<hbm>> -> memref<1x10000xf32, #tpu.memory_space<hbm>>
        %dma_wait3A_155 = arith.constant 0 : i32
        %dma_wait3A_156 = tpu.memref_slice %dma_wait3A_154[%run_scoped3A_125, %dma_wait3A_155] : memref<1x10000xf32, #tpu.memory_space<hbm>> -> memref<1x10000xf32, #tpu.memory_space<hbm>>
        %dma_wait3A_157 = tpu.memref_squeeze %dma_wait3A_156 : memref<1x10000xf32, #tpu.memory_space<hbm>> -> memref<10000xf32, #tpu.memory_space<hbm>>
        %dma_wait3A_158 = arith.constant 9728 : i32
        %dma_wait3A_159 = tpu.memref_slice %dma_wait3A_157[%dma_wait3A_158] : memref<10000xf32, #tpu.memory_space<hbm>> -> memref<128xf32, #tpu.memory_space<hbm>>
        %dma_wait3A_160 = arith.constant 0 : i32
        %dma_wait3A_161 = arith.constant 0 : i32
        %dma_wait3A_162 = tpu.memref_slice %arg3[%arg0, %dma_wait3A_160, %dma_wait3A_161] : memref<2x1x10000xf32, #tpu.memory_space<hbm>> -> memref<1x1x10000xf32, #tpu.memory_space<hbm>>
        %dma_wait3A_163 = tpu.memref_squeeze %dma_wait3A_162 : memref<1x1x10000xf32, #tpu.memory_space<hbm>> -> memref<1x10000xf32, #tpu.memory_space<hbm>>
        %dma_wait3A_164 = arith.constant 0 : i32
        %dma_wait3A_165 = tpu.memref_slice %dma_wait3A_163[%run_scoped3A_125, %dma_wait3A_164] : memref<1x10000xf32, #tpu.memory_space<hbm>> -> memref<1x10000xf32, #tpu.memory_space<hbm>>
        %dma_wait3A_166 = tpu.memref_squeeze %dma_wait3A_165 : memref<1x10000xf32, #tpu.memory_space<hbm>> -> memref<10000xf32, #tpu.memory_space<hbm>>
        %dma_wait3A_167 = arith.constant 9728 : i32
        %dma_wait3A_168 = tpu.memref_slice %dma_wait3A_166[%dma_wait3A_167] : memref<10000xf32, #tpu.memory_space<hbm>> -> memref<128xf32, #tpu.memory_space<hbm>>
        %dma_wait3A_169 = arith.constant 0 : i32
        %dma_wait3A_170 = tpu.memref_slice %arg7[%dma_wait3A_169] : memref<128xf32, #tpu.memory_space<vmem>> -> memref<128xf32, #tpu.memory_space<vmem>>
        tpu.wait_dma2 semaphore(%run_scoped3A_128 : memref<!tpu.dma_semaphore, #tpu.memory_space<semaphore_mem>>) src(%dma_wait3A_170 : memref<128xf32, #tpu.memory_space<vmem>>) dst(%dma_wait3A_168 : memref<128xf32, #tpu.memory_space<hbm>>)
        tpu.yield
      }) : () -> ()
      "tpu.region"() ({
        %run_scoped3A_128 = tpu.sem_alloc : memref<!tpu.dma_semaphore, #tpu.memory_space<semaphore_mem>>
        %dma_start3A = arith.constant 0 : i32
        %dma_start3A_129 = tpu.memref_slice %arg7[%dma_start3A] : memref<128xf32, #tpu.memory_space<vmem>> -> memref<128xf32, #tpu.memory_space<vmem>>
        %dma_start3A_130 = arith.constant 9856 : i32
        %dma_start3A_131 = tpu.memref_slice %arg4[%dma_start3A_130] : memref<10128xf32, #tpu.memory_space<vmem_shared>> -> memref<128xf32, #tpu.memory_space<vmem_shared>>
        %dma_start3A_132 = arith.constant 0 : i32
        %dma_start3A_133 = tpu.memref_slice %arg7[%dma_start3A_132] : memref<128xf32, #tpu.memory_space<vmem>> -> memref<128xf32, #tpu.memory_space<vmem>>
        %dma_start3A_134 = arith.constant 9856 : i32
        %dma_start3A_135 = tpu.memref_slice %arg4[%dma_start3A_134] : memref<10128xf32, #tpu.memory_space<vmem_shared>> -> memref<128xf32, #tpu.memory_space<vmem_shared>>
        tpu.enqueue_dma source(%dma_start3A_135 : memref<128xf32, #tpu.memory_space<vmem_shared>>) target(%dma_start3A_133 : memref<128xf32, #tpu.memory_space<vmem>>) target_semaphore(%run_scoped3A_128 : memref<!tpu.dma_semaphore, #tpu.memory_space<semaphore_mem>>)
        %dma_wait3A = arith.constant 0 : i32
        %dma_wait3A_136 = tpu.memref_slice %arg7[%dma_wait3A] : memref<128xf32, #tpu.memory_space<vmem>> -> memref<128xf32, #tpu.memory_space<vmem>>
        %dma_wait3A_137 = arith.constant 9856 : i32
        %dma_wait3A_138 = tpu.memref_slice %arg4[%dma_wait3A_137] : memref<10128xf32, #tpu.memory_space<vmem_shared>> -> memref<128xf32, #tpu.memory_space<vmem_shared>>
        %dma_wait3A_139 = arith.constant 0 : i32
        %dma_wait3A_140 = tpu.memref_slice %arg7[%dma_wait3A_139] : memref<128xf32, #tpu.memory_space<vmem>> -> memref<128xf32, #tpu.memory_space<vmem>>
        %dma_wait3A_141 = arith.constant 9856 : i32
        %dma_wait3A_142 = tpu.memref_slice %arg4[%dma_wait3A_141] : memref<10128xf32, #tpu.memory_space<vmem_shared>> -> memref<128xf32, #tpu.memory_space<vmem_shared>>
        tpu.wait_dma2 semaphore(%run_scoped3A_128 : memref<!tpu.dma_semaphore, #tpu.memory_space<semaphore_mem>>) src(%dma_wait3A_142 : memref<128xf32, #tpu.memory_space<vmem_shared>>) dst(%dma_wait3A_140 : memref<128xf32, #tpu.memory_space<vmem>>)
        tpu.yield
      }) : () -> ()
      %run_scoped3A_126 = arith.constant 0 : i32
      "tpu.region"() ({
        %run_scoped3A_128 = tpu.sem_alloc : memref<!tpu.dma_semaphore, #tpu.memory_space<semaphore_mem>>
        %dma_start3A = arith.constant 0 : i32
        %dma_start3A_129 = tpu.memref_slice %arg7[%dma_start3A] : memref<128xf32, #tpu.memory_space<vmem>> -> memref<128xf32, #tpu.memory_space<vmem>>
        %dma_start3A_130 = arith.constant 0 : i32
        %dma_start3A_131 = arith.constant 0 : i32
        %dma_start3A_132 = tpu.memref_slice %arg3[%arg0, %dma_start3A_130, %dma_start3A_131] : memref<2x1x10000xf32, #tpu.memory_space<hbm>> -> memref<1x1x10000xf32, #tpu.memory_space<hbm>>
        %dma_start3A_133 = tpu.memref_squeeze %dma_start3A_132 : memref<1x1x10000xf32, #tpu.memory_space<hbm>> -> memref<1x10000xf32, #tpu.memory_space<hbm>>
        %dma_start3A_134 = arith.constant 0 : i32
        %dma_start3A_135 = tpu.memref_slice %dma_start3A_133[%run_scoped3A_126, %dma_start3A_134] : memref<1x10000xf32, #tpu.memory_space<hbm>> -> memref<1x10000xf32, #tpu.memory_space<hbm>>
        %dma_start3A_136 = tpu.memref_squeeze %dma_start3A_135 : memref<1x10000xf32, #tpu.memory_space<hbm>> -> memref<10000xf32, #tpu.memory_space<hbm>>
        %dma_start3A_137 = arith.constant 9856 : i32
        %dma_start3A_138 = tpu.memref_slice %dma_start3A_136[%dma_start3A_137] : memref<10000xf32, #tpu.memory_space<hbm>> -> memref<128xf32, #tpu.memory_space<hbm>>
        %dma_start3A_139 = arith.constant 0 : i32
        %dma_start3A_140 = arith.constant 0 : i32
        %dma_start3A_141 = tpu.memref_slice %arg3[%arg0, %dma_start3A_139, %dma_start3A_140] : memref<2x1x10000xf32, #tpu.memory_space<hbm>> -> memref<1x1x10000xf32, #tpu.memory_space<hbm>>
        %dma_start3A_142 = tpu.memref_squeeze %dma_start3A_141 : memref<1x1x10000xf32, #tpu.memory_space<hbm>> -> memref<1x10000xf32, #tpu.memory_space<hbm>>
        %dma_start3A_143 = arith.constant 0 : i32
        %dma_start3A_144 = tpu.memref_slice %dma_start3A_142[%run_scoped3A_126, %dma_start3A_143] : memref<1x10000xf32, #tpu.memory_space<hbm>> -> memref<1x10000xf32, #tpu.memory_space<hbm>>
        %dma_start3A_145 = tpu.memref_squeeze %dma_start3A_144 : memref<1x10000xf32, #tpu.memory_space<hbm>> -> memref<10000xf32, #tpu.memory_space<hbm>>
        %dma_start3A_146 = arith.constant 9856 : i32
        %dma_start3A_147 = tpu.memref_slice %dma_start3A_145[%dma_start3A_146] : memref<10000xf32, #tpu.memory_space<hbm>> -> memref<128xf32, #tpu.memory_space<hbm>>
        %dma_start3A_148 = arith.constant 0 : i32
        %dma_start3A_149 = tpu.memref_slice %arg7[%dma_start3A_148] : memref<128xf32, #tpu.memory_space<vmem>> -> memref<128xf32, #tpu.memory_space<vmem>>
        tpu.enqueue_dma source(%dma_start3A_149 : memref<128xf32, #tpu.memory_space<vmem>>) target(%dma_start3A_147 : memref<128xf32, #tpu.memory_space<hbm>>) target_semaphore(%run_scoped3A_128 : memref<!tpu.dma_semaphore, #tpu.memory_space<semaphore_mem>>)
        %dma_wait3A = arith.constant 0 : i32
        %dma_wait3A_150 = tpu.memref_slice %arg7[%dma_wait3A] : memref<128xf32, #tpu.memory_space<vmem>> -> memref<128xf32, #tpu.memory_space<vmem>>
        %dma_wait3A_151 = arith.constant 0 : i32
        %dma_wait3A_152 = arith.constant 0 : i32
        %dma_wait3A_153 = tpu.memref_slice %arg3[%arg0, %dma_wait3A_151, %dma_wait3A_152] : memref<2x1x10000xf32, #tpu.memory_space<hbm>> -> memref<1x1x10000xf32, #tpu.memory_space<hbm>>
        %dma_wait3A_154 = tpu.memref_squeeze %dma_wait3A_153 : memref<1x1x10000xf32, #tpu.memory_space<hbm>> -> memref<1x10000xf32, #tpu.memory_space<hbm>>
        %dma_wait3A_155 = arith.constant 0 : i32
        %dma_wait3A_156 = tpu.memref_slice %dma_wait3A_154[%run_scoped3A_126, %dma_wait3A_155] : memref<1x10000xf32, #tpu.memory_space<hbm>> -> memref<1x10000xf32, #tpu.memory_space<hbm>>
        %dma_wait3A_157 = tpu.memref_squeeze %dma_wait3A_156 : memref<1x10000xf32, #tpu.memory_space<hbm>> -> memref<10000xf32, #tpu.memory_space<hbm>>
        %dma_wait3A_158 = arith.constant 9856 : i32
        %dma_wait3A_159 = tpu.memref_slice %dma_wait3A_157[%dma_wait3A_158] : memref<10000xf32, #tpu.memory_space<hbm>> -> memref<128xf32, #tpu.memory_space<hbm>>
        %dma_wait3A_160 = arith.constant 0 : i32
        %dma_wait3A_161 = arith.constant 0 : i32
        %dma_wait3A_162 = tpu.memref_slice %arg3[%arg0, %dma_wait3A_160, %dma_wait3A_161] : memref<2x1x10000xf32, #tpu.memory_space<hbm>> -> memref<1x1x10000xf32, #tpu.memory_space<hbm>>
        %dma_wait3A_163 = tpu.memref_squeeze %dma_wait3A_162 : memref<1x1x10000xf32, #tpu.memory_space<hbm>> -> memref<1x10000xf32, #tpu.memory_space<hbm>>
        %dma_wait3A_164 = arith.constant 0 : i32
        %dma_wait3A_165 = tpu.memref_slice %dma_wait3A_163[%run_scoped3A_126, %dma_wait3A_164] : memref<1x10000xf32, #tpu.memory_space<hbm>> -> memref<1x10000xf32, #tpu.memory_space<hbm>>
        %dma_wait3A_166 = tpu.memref_squeeze %dma_wait3A_165 : memref<1x10000xf32, #tpu.memory_space<hbm>> -> memref<10000xf32, #tpu.memory_space<hbm>>
        %dma_wait3A_167 = arith.constant 9856 : i32
        %dma_wait3A_168 = tpu.memref_slice %dma_wait3A_166[%dma_wait3A_167] : memref<10000xf32, #tpu.memory_space<hbm>> -> memref<128xf32, #tpu.memory_space<hbm>>
        %dma_wait3A_169 = arith.constant 0 : i32
        %dma_wait3A_170 = tpu.memref_slice %arg7[%dma_wait3A_169] : memref<128xf32, #tpu.memory_space<vmem>> -> memref<128xf32, #tpu.memory_space<vmem>>
        tpu.wait_dma2 semaphore(%run_scoped3A_128 : memref<!tpu.dma_semaphore, #tpu.memory_space<semaphore_mem>>) src(%dma_wait3A_170 : memref<128xf32, #tpu.memory_space<vmem>>) dst(%dma_wait3A_168 : memref<128xf32, #tpu.memory_space<hbm>>)
        tpu.yield
      }) : () -> ()
      "tpu.region"() ({
        %run_scoped3A_128 = tpu.sem_alloc : memref<!tpu.dma_semaphore, #tpu.memory_space<semaphore_mem>>
        %dma_start3A = arith.constant 0 : i32
        %dma_start3A_129 = tpu.memref_slice %arg7[%dma_start3A] : memref<128xf32, #tpu.memory_space<vmem>> -> memref<16xf32, #tpu.memory_space<vmem>>
        %dma_start3A_130 = arith.constant 9984 : i32
        %dma_start3A_131 = tpu.memref_slice %arg4[%dma_start3A_130] : memref<10128xf32, #tpu.memory_space<vmem_shared>> -> memref<16xf32, #tpu.memory_space<vmem_shared>>
        %dma_start3A_132 = arith.constant 0 : i32
        %dma_start3A_133 = tpu.memref_slice %arg7[%dma_start3A_132] : memref<128xf32, #tpu.memory_space<vmem>> -> memref<16xf32, #tpu.memory_space<vmem>>
        %dma_start3A_134 = arith.constant 9984 : i32
        %dma_start3A_135 = tpu.memref_slice %arg4[%dma_start3A_134] : memref<10128xf32, #tpu.memory_space<vmem_shared>> -> memref<16xf32, #tpu.memory_space<vmem_shared>>
        tpu.enqueue_dma source(%dma_start3A_135 : memref<16xf32, #tpu.memory_space<vmem_shared>>) target(%dma_start3A_133 : memref<16xf32, #tpu.memory_space<vmem>>) target_semaphore(%run_scoped3A_128 : memref<!tpu.dma_semaphore, #tpu.memory_space<semaphore_mem>>)
        %dma_wait3A = arith.constant 0 : i32
        %dma_wait3A_136 = tpu.memref_slice %arg7[%dma_wait3A] : memref<128xf32, #tpu.memory_space<vmem>> -> memref<16xf32, #tpu.memory_space<vmem>>
        %dma_wait3A_137 = arith.constant 9984 : i32
        %dma_wait3A_138 = tpu.memref_slice %arg4[%dma_wait3A_137] : memref<10128xf32, #tpu.memory_space<vmem_shared>> -> memref<16xf32, #tpu.memory_space<vmem_shared>>
        %dma_wait3A_139 = arith.constant 0 : i32
        %dma_wait3A_140 = tpu.memref_slice %arg7[%dma_wait3A_139] : memref<128xf32, #tpu.memory_space<vmem>> -> memref<16xf32, #tpu.memory_space<vmem>>
        %dma_wait3A_141 = arith.constant 9984 : i32
        %dma_wait3A_142 = tpu.memref_slice %arg4[%dma_wait3A_141] : memref<10128xf32, #tpu.memory_space<vmem_shared>> -> memref<16xf32, #tpu.memory_space<vmem_shared>>
        tpu.wait_dma2 semaphore(%run_scoped3A_128 : memref<!tpu.dma_semaphore, #tpu.memory_space<semaphore_mem>>) src(%dma_wait3A_142 : memref<16xf32, #tpu.memory_space<vmem_shared>>) dst(%dma_wait3A_140 : memref<16xf32, #tpu.memory_space<vmem>>)
        tpu.yield
      }) : () -> ()
      %run_scoped3A_127 = arith.constant 0 : i32
      "tpu.region"() ({
        %run_scoped3A_128 = tpu.sem_alloc : memref<!tpu.dma_semaphore, #tpu.memory_space<semaphore_mem>>
        %dma_start3A = arith.constant 0 : i32
        %dma_start3A_129 = tpu.memref_slice %arg7[%dma_start3A] : memref<128xf32, #tpu.memory_space<vmem>> -> memref<16xf32, #tpu.memory_space<vmem>>
        %dma_start3A_130 = arith.constant 0 : i32
        %dma_start3A_131 = arith.constant 0 : i32
        %dma_start3A_132 = tpu.memref_slice %arg3[%arg0, %dma_start3A_130, %dma_start3A_131] : memref<2x1x10000xf32, #tpu.memory_space<hbm>> -> memref<1x1x10000xf32, #tpu.memory_space<hbm>>
        %dma_start3A_133 = tpu.memref_squeeze %dma_start3A_132 : memref<1x1x10000xf32, #tpu.memory_space<hbm>> -> memref<1x10000xf32, #tpu.memory_space<hbm>>
        %dma_start3A_134 = arith.constant 0 : i32
        %dma_start3A_135 = tpu.memref_slice %dma_start3A_133[%run_scoped3A_127, %dma_start3A_134] : memref<1x10000xf32, #tpu.memory_space<hbm>> -> memref<1x10000xf32, #tpu.memory_space<hbm>>
        %dma_start3A_136 = tpu.memref_squeeze %dma_start3A_135 : memref<1x10000xf32, #tpu.memory_space<hbm>> -> memref<10000xf32, #tpu.memory_space<hbm>>
        %dma_start3A_137 = arith.constant 9984 : i32
        %dma_start3A_138 = tpu.memref_slice %dma_start3A_136[%dma_start3A_137] : memref<10000xf32, #tpu.memory_space<hbm>> -> memref<16xf32, #tpu.memory_space<hbm>>
        %dma_start3A_139 = arith.constant 0 : i32
        %dma_start3A_140 = arith.constant 0 : i32
        %dma_start3A_141 = tpu.memref_slice %arg3[%arg0, %dma_start3A_139, %dma_start3A_140] : memref<2x1x10000xf32, #tpu.memory_space<hbm>> -> memref<1x1x10000xf32, #tpu.memory_space<hbm>>
        %dma_start3A_142 = tpu.memref_squeeze %dma_start3A_141 : memref<1x1x10000xf32, #tpu.memory_space<hbm>> -> memref<1x10000xf32, #tpu.memory_space<hbm>>
        %dma_start3A_143 = arith.constant 0 : i32
        %dma_start3A_144 = tpu.memref_slice %dma_start3A_142[%run_scoped3A_127, %dma_start3A_143] : memref<1x10000xf32, #tpu.memory_space<hbm>> -> memref<1x10000xf32, #tpu.memory_space<hbm>>
        %dma_start3A_145 = tpu.memref_squeeze %dma_start3A_144 : memref<1x10000xf32, #tpu.memory_space<hbm>> -> memref<10000xf32, #tpu.memory_space<hbm>>
        %dma_start3A_146 = arith.constant 9984 : i32
        %dma_start3A_147 = tpu.memref_slice %dma_start3A_145[%dma_start3A_146] : memref<10000xf32, #tpu.memory_space<hbm>> -> memref<16xf32, #tpu.memory_space<hbm>>
        %dma_start3A_148 = arith.constant 0 : i32
        %dma_start3A_149 = tpu.memref_slice %arg7[%dma_start3A_148] : memref<128xf32, #tpu.memory_space<vmem>> -> memref<16xf32, #tpu.memory_space<vmem>>
        tpu.enqueue_dma source(%dma_start3A_149 : memref<16xf32, #tpu.memory_space<vmem>>) target(%dma_start3A_147 : memref<16xf32, #tpu.memory_space<hbm>>) target_semaphore(%run_scoped3A_128 : memref<!tpu.dma_semaphore, #tpu.memory_space<semaphore_mem>>)
        %dma_wait3A = arith.constant 0 : i32
        %dma_wait3A_150 = tpu.memref_slice %arg7[%dma_wait3A] : memref<128xf32, #tpu.memory_space<vmem>> -> memref<16xf32, #tpu.memory_space<vmem>>
        %dma_wait3A_151 = arith.constant 0 : i32
        %dma_wait3A_152 = arith.constant 0 : i32
        %dma_wait3A_153 = tpu.memref_slice %arg3[%arg0, %dma_wait3A_151, %dma_wait3A_152] : memref<2x1x10000xf32, #tpu.memory_space<hbm>> -> memref<1x1x10000xf32, #tpu.memory_space<hbm>>
        %dma_wait3A_154 = tpu.memref_squeeze %dma_wait3A_153 : memref<1x1x10000xf32, #tpu.memory_space<hbm>> -> memref<1x10000xf32, #tpu.memory_space<hbm>>
        %dma_wait3A_155 = arith.constant 0 : i32
        %dma_wait3A_156 = tpu.memref_slice %dma_wait3A_154[%run_scoped3A_127, %dma_wait3A_155] : memref<1x10000xf32, #tpu.memory_space<hbm>> -> memref<1x10000xf32, #tpu.memory_space<hbm>>
        %dma_wait3A_157 = tpu.memref_squeeze %dma_wait3A_156 : memref<1x10000xf32, #tpu.memory_space<hbm>> -> memref<10000xf32, #tpu.memory_space<hbm>>
        %dma_wait3A_158 = arith.constant 9984 : i32
        %dma_wait3A_159 = tpu.memref_slice %dma_wait3A_157[%dma_wait3A_158] : memref<10000xf32, #tpu.memory_space<hbm>> -> memref<16xf32, #tpu.memory_space<hbm>>
        %dma_wait3A_160 = arith.constant 0 : i32
        %dma_wait3A_161 = arith.constant 0 : i32
        %dma_wait3A_162 = tpu.memref_slice %arg3[%arg0, %dma_wait3A_160, %dma_wait3A_161] : memref<2x1x10000xf32, #tpu.memory_space<hbm>> -> memref<1x1x10000xf32, #tpu.memory_space<hbm>>
        %dma_wait3A_163 = tpu.memref_squeeze %dma_wait3A_162 : memref<1x1x10000xf32, #tpu.memory_space<hbm>> -> memref<1x10000xf32, #tpu.memory_space<hbm>>
        %dma_wait3A_164 = arith.constant 0 : i32
        %dma_wait3A_165 = tpu.memref_slice %dma_wait3A_163[%run_scoped3A_127, %dma_wait3A_164] : memref<1x10000xf32, #tpu.memory_space<hbm>> -> memref<1x10000xf32, #tpu.memory_space<hbm>>
        %dma_wait3A_166 = tpu.memref_squeeze %dma_wait3A_165 : memref<1x10000xf32, #tpu.memory_space<hbm>> -> memref<10000xf32, #tpu.memory_space<hbm>>
        %dma_wait3A_167 = arith.constant 9984 : i32
        %dma_wait3A_168 = tpu.memref_slice %dma_wait3A_166[%dma_wait3A_167] : memref<10000xf32, #tpu.memory_space<hbm>> -> memref<16xf32, #tpu.memory_space<hbm>>
        %dma_wait3A_169 = arith.constant 0 : i32
        %dma_wait3A_170 = tpu.memref_slice %arg7[%dma_wait3A_169] : memref<128xf32, #tpu.memory_space<vmem>> -> memref<16xf32, #tpu.memory_space<vmem>>
        tpu.wait_dma2 semaphore(%run_scoped3A_128 : memref<!tpu.dma_semaphore, #tpu.memory_space<semaphore_mem>>) src(%dma_wait3A_170 : memref<16xf32, #tpu.memory_space<vmem>>) dst(%dma_wait3A_168 : memref<16xf32, #tpu.memory_space<hbm>>)
        tpu.yield
      }) : () -> ()
    } else {
    }
    return
  }
}

#map = affine_map<(d0, d1) -> (0, 0)>
#map1 = affine_map<(d0, d1) -> (0, 0, 0)>
module attributes {stable_mosaic.version = 14 : i64} {
  func.func @k(%arg0: i32, %arg1: i32, %arg2: memref<10000x128xf32, #tpu.memory_space<hbm>>, %arg3: memref<2560x128xi32, #tpu.memory_space<hbm>>, %arg4: memref<2560x128xi32, #tpu.memory_space<hbm>>, %arg5: memref<2x10000x128xf32, #tpu.memory_space<hbm>>, %arg6: memref<10128x128xf32, #tpu.memory_space<vmem_shared>>, %arg7: memref<128x128xf32, #tpu.memory_space<vmem>>, %arg8: memref<128x128xf32, #tpu.memory_space<vmem>>, %arg9: memref<128xi32, #tpu.memory_space<vmem>>, %arg10: memref<128xi32, #tpu.memory_space<vmem>>, %arg11: memref<128xi32, #tpu.memory_space<vmem>>, %arg12: memref<128xi32, #tpu.memory_space<vmem>>, %arg13: memref<128xi32, #tpu.memory_space<vmem>>, %arg14: memref<128xi32, #tpu.memory_space<vmem>>, %arg15: memref<128xi32, #tpu.memory_space<vmem>>, %arg16: memref<128xi32, #tpu.memory_space<vmem>>, %arg17: memref<!tpu.dma_semaphore, #tpu.memory_space<semaphore_mem>>, %arg18: memref<!tpu.dma_semaphore, #tpu.memory_space<semaphore_mem>>, %arg19: memref<!tpu.dma_semaphore, #tpu.memory_space<semaphore_mem>>, %arg20: memref<!tpu.dma_semaphore, #tpu.memory_space<semaphore_mem>>, %arg21: memref<!tpu.dma_semaphore, #tpu.memory_space<semaphore_mem>>, %arg22: memref<!tpu.dma_semaphore, #tpu.memory_space<semaphore_mem>>) attributes {dimension_semantics = [#tpu.dimension_semantics<core_parallel>, #tpu.dimension_semantics<subcore_parallel>], iteration_bounds = array<i64: 2, 16>, scalar_prefetch = 0 : i64, scratch_operands = 17 : i64, tpu.core_type = #tpu.core_type<sc_vector_subcore>, window_params = [{transform_indices = #map}, {transform_indices = #map}, {transform_indices = #map}, {transform_indices = #map1}]} {
    %mul3A = arith.constant 2 : i32
    %mul3A_0 = arith.muli %arg1, %mul3A : i32
    %add3A = arith.addi %mul3A_0, %arg0 : i32
    %scan3A = arith.constant 0 : i32
    %scan3A_1 = arith.constant 0 : i32
    %scan3A_2 = arith.constant 128 : i32
    %scan3A_3 = arith.addi %scan3A_1, %scan3A_2 : i32
    %scan3A_4 = arith.constant 1 : i32
    scf.for %scan3A_97 = %scan3A_1 to %scan3A_3 step %scan3A_4  : i32 {
      %scan3A_98 = arith.constant 0 : i32
      %scan3A_99 = arith.constant 8 : i32
      %scan3A_100 = arith.addi %scan3A_98, %scan3A_99 : i32
      %scan3A_101 = arith.constant 1 : i32
      scf.for %scan3A_103 = %scan3A_98 to %scan3A_100 step %scan3A_101  : i32 {
        %broadcast_in_dim3A = arith.constant 0.000000e+00 : f32
        %broadcast_in_dim3A_104 = vector.broadcast %broadcast_in_dim3A : f32 to vector<16xf32>
        %mul3A_105 = arith.constant 16 : i32
        %mul3A_106 = arith.muli %scan3A_103, %mul3A_105 : i32
        %swap3A = arith.index_cast %scan3A_97 : i32 to index
        %swap3A_107 = arith.index_cast %mul3A_106 : i32 to index
        %swap3A_108 = tpu.vector_load %arg7[%swap3A, %swap3A_107] {strides = array<i32>} : memref<128x128xf32, #tpu.memory_space<vmem>>, vector<1x16xf32>,
        %swap3A_109 = vector.shape_cast %swap3A_108 : vector<1x16xf32> to vector<16xf32>
        %swap3A_110 = vector.shape_cast %broadcast_in_dim3A_104 : vector<16xf32> to vector<1x16xf32>
        tpu.vector_store %arg7[%swap3A, %swap3A_107], %swap3A_110 {strides = array<i32>} : memref<128x128xf32, #tpu.memory_space<vmem>>, vector<1x16xf32>,
      }
      %scan3A_102 = arith.constant 8 : i32
    }
    %scan3A_5 = arith.constant 128 : i32
    %lt3A = arith.constant 15 : i32
    %lt3A_6 = arith.cmpi slt, %arg1, %lt3A : i32
    %convert_element_type3A = arith.extui %lt3A_6 : i1 to i32
    %cond3A = arith.constant 0 : i32
    %cond3A_7 = arith.cmpi ne, %convert_element_type3A, %cond3A : i32
    scf.if %cond3A_7 {
      %scan3A_97 = arith.constant 0 : i32
      %scan3A_98 = arith.constant 0 : i32
      %scan3A_99 = arith.constant 5 : i32
      %scan3A_100 = arith.addi %scan3A_98, %scan3A_99 : i32
      %scan3A_101 = arith.constant 1 : i32
      scf.for %scan3A_103 = %scan3A_98 to %scan3A_100 step %scan3A_101  : i32 {
        %mul3A_104 = arith.constant 640 : i32
        %mul3A_105 = arith.muli %arg1, %mul3A_104 : i32
        %mul3A_106 = arith.constant 128 : i32
        %mul3A_107 = arith.muli %scan3A_103, %mul3A_106 : i32
        %add3A_108 = arith.addi %mul3A_105, %mul3A_107 : i32
        %multiple_of3A = tpu.assume_multiple %add3A_108, 128 : i32
        %dma_start3A_109 = arith.constant 0 : i32
        %dma_start3A_110 = arith.constant 0 : i32
        %dma_start3A_111 = tpu.memref_slice %arg7[%dma_start3A_109, %dma_start3A_110] : memref<128x128xf32, #tpu.memory_space<vmem>> -> memref<128x128xf32, #tpu.memory_space<vmem>>
        %dma_start3A_112 = arith.constant 0 : i32
        %dma_start3A_113 = tpu.memref_slice %arg6[%multiple_of3A, %dma_start3A_112] : memref<10128x128xf32, #tpu.memory_space<vmem_shared>> -> memref<128x128xf32, #tpu.memory_space<vmem_shared>>
        %dma_start3A_114 = arith.constant 0 : i32
        %dma_start3A_115 = tpu.memref_slice %arg6[%multiple_of3A, %dma_start3A_114] : memref<10128x128xf32, #tpu.memory_space<vmem_shared>> -> memref<128x128xf32, #tpu.memory_space<vmem_shared>>
        %dma_start3A_116 = arith.constant 0 : i32
        %dma_start3A_117 = arith.constant 0 : i32
        %dma_start3A_118 = tpu.memref_slice %arg7[%dma_start3A_116, %dma_start3A_117] : memref<128x128xf32, #tpu.memory_space<vmem>> -> memref<128x128xf32, #tpu.memory_space<vmem>>
        tpu.enqueue_dma source(%dma_start3A_118 : memref<128x128xf32, #tpu.memory_space<vmem>>) target(%dma_start3A_115 : memref<128x128xf32, #tpu.memory_space<vmem_shared>>) target_semaphore(%arg21 : memref<!tpu.dma_semaphore, #tpu.memory_space<semaphore_mem>>)
      }
      %scan3A_102 = arith.constant 5 : i32
    } else {
    }
    %eq3A = arith.constant 15 : i32
    %eq3A_8 = arith.cmpi eq, %arg1, %eq3A : i32
    %convert_element_type3A_9 = arith.extui %eq3A_8 : i1 to i32
    %cond3A_10 = arith.constant 0 : i32
    %cond3A_11 = arith.cmpi ne, %convert_element_type3A_9, %cond3A_10 : i32
    scf.if %cond3A_11 {
      %dma_start3A_97 = arith.constant 0 : i32
      %dma_start3A_98 = arith.constant 0 : i32
      %dma_start3A_99 = tpu.memref_slice %arg7[%dma_start3A_97, %dma_start3A_98] : memref<128x128xf32, #tpu.memory_space<vmem>> -> memref<128x128xf32, #tpu.memory_space<vmem>>
      %dma_start3A_100 = arith.constant 9600 : i32
      %dma_start3A_101 = arith.constant 0 : i32
      %dma_start3A_102 = tpu.memref_slice %arg6[%dma_start3A_100, %dma_start3A_101] : memref<10128x128xf32, #tpu.memory_space<vmem_shared>> -> memref<128x128xf32, #tpu.memory_space<vmem_shared>>
      %dma_start3A_103 = arith.constant 9600 : i32
      %dma_start3A_104 = arith.constant 0 : i32
      %dma_start3A_105 = tpu.memref_slice %arg6[%dma_start3A_103, %dma_start3A_104] : memref<10128x128xf32, #tpu.memory_space<vmem_shared>> -> memref<128x128xf32, #tpu.memory_space<vmem_shared>>
      %dma_start3A_106 = arith.constant 0 : i32
      %dma_start3A_107 = arith.constant 0 : i32
      %dma_start3A_108 = tpu.memref_slice %arg7[%dma_start3A_106, %dma_start3A_107] : memref<128x128xf32, #tpu.memory_space<vmem>> -> memref<128x128xf32, #tpu.memory_space<vmem>>
      tpu.enqueue_dma source(%dma_start3A_108 : memref<128x128xf32, #tpu.memory_space<vmem>>) target(%dma_start3A_105 : memref<128x128xf32, #tpu.memory_space<vmem_shared>>) target_semaphore(%arg21 : memref<!tpu.dma_semaphore, #tpu.memory_space<semaphore_mem>>)
      %dma_start3A_109 = arith.constant 0 : i32
      %dma_start3A_110 = arith.constant 0 : i32
      %dma_start3A_111 = tpu.memref_slice %arg7[%dma_start3A_109, %dma_start3A_110] : memref<128x128xf32, #tpu.memory_space<vmem>> -> memref<128x128xf32, #tpu.memory_space<vmem>>
      %dma_start3A_112 = arith.constant 9728 : i32
      %dma_start3A_113 = arith.constant 0 : i32
      %dma_start3A_114 = tpu.memref_slice %arg6[%dma_start3A_112, %dma_start3A_113] : memref<10128x128xf32, #tpu.memory_space<vmem_shared>> -> memref<128x128xf32, #tpu.memory_space<vmem_shared>>
      %dma_start3A_115 = arith.constant 9728 : i32
      %dma_start3A_116 = arith.constant 0 : i32
      %dma_start3A_117 = tpu.memref_slice %arg6[%dma_start3A_115, %dma_start3A_116] : memref<10128x128xf32, #tpu.memory_space<vmem_shared>> -> memref<128x128xf32, #tpu.memory_space<vmem_shared>>
      %dma_start3A_118 = arith.constant 0 : i32
      %dma_start3A_119 = arith.constant 0 : i32
      %dma_start3A_120 = tpu.memref_slice %arg7[%dma_start3A_118, %dma_start3A_119] : memref<128x128xf32, #tpu.memory_space<vmem>> -> memref<128x128xf32, #tpu.memory_space<vmem>>
      tpu.enqueue_dma source(%dma_start3A_120 : memref<128x128xf32, #tpu.memory_space<vmem>>) target(%dma_start3A_117 : memref<128x128xf32, #tpu.memory_space<vmem_shared>>) target_semaphore(%arg21 : memref<!tpu.dma_semaphore, #tpu.memory_space<semaphore_mem>>)
      %dma_start3A_121 = arith.constant 0 : i32
      %dma_start3A_122 = arith.constant 0 : i32
      %dma_start3A_123 = tpu.memref_slice %arg7[%dma_start3A_121, %dma_start3A_122] : memref<128x128xf32, #tpu.memory_space<vmem>> -> memref<128x128xf32, #tpu.memory_space<vmem>>
      %dma_start3A_124 = arith.constant 9856 : i32
      %dma_start3A_125 = arith.constant 0 : i32
      %dma_start3A_126 = tpu.memref_slice %arg6[%dma_start3A_124, %dma_start3A_125] : memref<10128x128xf32, #tpu.memory_space<vmem_shared>> -> memref<128x128xf32, #tpu.memory_space<vmem_shared>>
      %dma_start3A_127 = arith.constant 9856 : i32
      %dma_start3A_128 = arith.constant 0 : i32
      %dma_start3A_129 = tpu.memref_slice %arg6[%dma_start3A_127, %dma_start3A_128] : memref<10128x128xf32, #tpu.memory_space<vmem_shared>> -> memref<128x128xf32, #tpu.memory_space<vmem_shared>>
      %dma_start3A_130 = arith.constant 0 : i32
      %dma_start3A_131 = arith.constant 0 : i32
      %dma_start3A_132 = tpu.memref_slice %arg7[%dma_start3A_130, %dma_start3A_131] : memref<128x128xf32, #tpu.memory_space<vmem>> -> memref<128x128xf32, #tpu.memory_space<vmem>>
      tpu.enqueue_dma source(%dma_start3A_132 : memref<128x128xf32, #tpu.memory_space<vmem>>) target(%dma_start3A_129 : memref<128x128xf32, #tpu.memory_space<vmem_shared>>) target_semaphore(%arg21 : memref<!tpu.dma_semaphore, #tpu.memory_space<semaphore_mem>>)
      %dma_start3A_133 = arith.constant 0 : i32
      %dma_start3A_134 = arith.constant 0 : i32
      %dma_start3A_135 = tpu.memref_slice %arg7[%dma_start3A_133, %dma_start3A_134] : memref<128x128xf32, #tpu.memory_space<vmem>> -> memref<16x128xf32, #tpu.memory_space<vmem>>
      %dma_start3A_136 = arith.constant 9984 : i32
      %dma_start3A_137 = arith.constant 0 : i32
      %dma_start3A_138 = tpu.memref_slice %arg6[%dma_start3A_136, %dma_start3A_137] : memref<10128x128xf32, #tpu.memory_space<vmem_shared>> -> memref<16x128xf32, #tpu.memory_space<vmem_shared>>
      %dma_start3A_139 = arith.constant 9984 : i32
      %dma_start3A_140 = arith.constant 0 : i32
      %dma_start3A_141 = tpu.memref_slice %arg6[%dma_start3A_139, %dma_start3A_140] : memref<10128x128xf32, #tpu.memory_space<vmem_shared>> -> memref<16x128xf32, #tpu.memory_space<vmem_shared>>
      %dma_start3A_142 = arith.constant 0 : i32
      %dma_start3A_143 = arith.constant 0 : i32
      %dma_start3A_144 = tpu.memref_slice %arg7[%dma_start3A_142, %dma_start3A_143] : memref<128x128xf32, #tpu.memory_space<vmem>> -> memref<16x128xf32, #tpu.memory_space<vmem>>
      tpu.enqueue_dma source(%dma_start3A_144 : memref<16x128xf32, #tpu.memory_space<vmem>>) target(%dma_start3A_141 : memref<16x128xf32, #tpu.memory_space<vmem_shared>>) target_semaphore(%arg21 : memref<!tpu.dma_semaphore, #tpu.memory_space<semaphore_mem>>)
    } else {
    }
    %lt3A_12 = arith.constant 15 : i32
    %lt3A_13 = arith.cmpi slt, %arg1, %lt3A_12 : i32
    %convert_element_type3A_14 = arith.extui %lt3A_13 : i1 to i32
    %cond3A_15 = arith.constant 0 : i32
    %cond3A_16 = arith.cmpi ne, %convert_element_type3A_14, %cond3A_15 : i32
    scf.if %cond3A_16 {
      %scan3A_97 = arith.constant 0 : i32
      %scan3A_98 = arith.constant 0 : i32
      %scan3A_99 = arith.constant 5 : i32
      %scan3A_100 = arith.addi %scan3A_98, %scan3A_99 : i32
      %scan3A_101 = arith.constant 1 : i32
      scf.for %scan3A_103 = %scan3A_98 to %scan3A_100 step %scan3A_101  : i32 {
        %mul3A_104 = arith.constant 640 : i32
        %mul3A_105 = arith.muli %arg1, %mul3A_104 : i32
        %mul3A_106 = arith.constant 128 : i32
        %mul3A_107 = arith.muli %scan3A_103, %mul3A_106 : i32
        %add3A_108 = arith.addi %mul3A_105, %mul3A_107 : i32
        %multiple_of3A = tpu.assume_multiple %add3A_108, 128 : i32
        %dma_wait3A_109 = arith.constant 0 : i32
        %dma_wait3A_110 = arith.constant 0 : i32
        %dma_wait3A_111 = tpu.memref_slice %arg7[%dma_wait3A_109, %dma_wait3A_110] : memref<128x128xf32, #tpu.memory_space<vmem>> -> memref<128x128xf32, #tpu.memory_space<vmem>>
        %dma_wait3A_112 = arith.constant 0 : i32
        %dma_wait3A_113 = tpu.memref_slice %arg6[%multiple_of3A, %dma_wait3A_112] : memref<10128x128xf32, #tpu.memory_space<vmem_shared>> -> memref<128x128xf32, #tpu.memory_space<vmem_shared>>
        %dma_wait3A_114 = arith.constant 0 : i32
        %dma_wait3A_115 = tpu.memref_slice %arg6[%multiple_of3A, %dma_wait3A_114] : memref<10128x128xf32, #tpu.memory_space<vmem_shared>> -> memref<128x128xf32, #tpu.memory_space<vmem_shared>>
        %dma_wait3A_116 = arith.constant 0 : i32
        %dma_wait3A_117 = arith.constant 0 : i32
        %dma_wait3A_118 = tpu.memref_slice %arg7[%dma_wait3A_116, %dma_wait3A_117] : memref<128x128xf32, #tpu.memory_space<vmem>> -> memref<128x128xf32, #tpu.memory_space<vmem>>
        tpu.wait_dma2 semaphore(%arg21 : memref<!tpu.dma_semaphore, #tpu.memory_space<semaphore_mem>>) src(%dma_wait3A_118 : memref<128x128xf32, #tpu.memory_space<vmem>>) dst(%dma_wait3A_115 : memref<128x128xf32, #tpu.memory_space<vmem_shared>>)
      }
      %scan3A_102 = arith.constant 5 : i32
    } else {
    }
    %eq3A_17 = arith.constant 15 : i32
    %eq3A_18 = arith.cmpi eq, %arg1, %eq3A_17 : i32
    %convert_element_type3A_19 = arith.extui %eq3A_18 : i1 to i32
    %cond3A_20 = arith.constant 0 : i32
    %cond3A_21 = arith.cmpi ne, %convert_element_type3A_19, %cond3A_20 : i32
    scf.if %cond3A_21 {
      %dma_wait3A_97 = arith.constant 0 : i32
      %dma_wait3A_98 = arith.constant 0 : i32
      %dma_wait3A_99 = tpu.memref_slice %arg7[%dma_wait3A_97, %dma_wait3A_98] : memref<128x128xf32, #tpu.memory_space<vmem>> -> memref<128x128xf32, #tpu.memory_space<vmem>>
      %dma_wait3A_100 = arith.constant 9600 : i32
      %dma_wait3A_101 = arith.constant 0 : i32
      %dma_wait3A_102 = tpu.memref_slice %arg6[%dma_wait3A_100, %dma_wait3A_101] : memref<10128x128xf32, #tpu.memory_space<vmem_shared>> -> memref<128x128xf32, #tpu.memory_space<vmem_shared>>
      %dma_wait3A_103 = arith.constant 9600 : i32
      %dma_wait3A_104 = arith.constant 0 : i32
      %dma_wait3A_105 = tpu.memref_slice %arg6[%dma_wait3A_103, %dma_wait3A_104] : memref<10128x128xf32, #tpu.memory_space<vmem_shared>> -> memref<128x128xf32, #tpu.memory_space<vmem_shared>>
      %dma_wait3A_106 = arith.constant 0 : i32
      %dma_wait3A_107 = arith.constant 0 : i32
      %dma_wait3A_108 = tpu.memref_slice %arg7[%dma_wait3A_106, %dma_wait3A_107] : memref<128x128xf32, #tpu.memory_space<vmem>> -> memref<128x128xf32, #tpu.memory_space<vmem>>
      tpu.wait_dma2 semaphore(%arg21 : memref<!tpu.dma_semaphore, #tpu.memory_space<semaphore_mem>>) src(%dma_wait3A_108 : memref<128x128xf32, #tpu.memory_space<vmem>>) dst(%dma_wait3A_105 : memref<128x128xf32, #tpu.memory_space<vmem_shared>>)
      %dma_wait3A_109 = arith.constant 0 : i32
      %dma_wait3A_110 = arith.constant 0 : i32
      %dma_wait3A_111 = tpu.memref_slice %arg7[%dma_wait3A_109, %dma_wait3A_110] : memref<128x128xf32, #tpu.memory_space<vmem>> -> memref<128x128xf32, #tpu.memory_space<vmem>>
      %dma_wait3A_112 = arith.constant 9728 : i32
      %dma_wait3A_113 = arith.constant 0 : i32
      %dma_wait3A_114 = tpu.memref_slice %arg6[%dma_wait3A_112, %dma_wait3A_113] : memref<10128x128xf32, #tpu.memory_space<vmem_shared>> -> memref<128x128xf32, #tpu.memory_space<vmem_shared>>
      %dma_wait3A_115 = arith.constant 9728 : i32
      %dma_wait3A_116 = arith.constant 0 : i32
      %dma_wait3A_117 = tpu.memref_slice %arg6[%dma_wait3A_115, %dma_wait3A_116] : memref<10128x128xf32, #tpu.memory_space<vmem_shared>> -> memref<128x128xf32, #tpu.memory_space<vmem_shared>>
      %dma_wait3A_118 = arith.constant 0 : i32
      %dma_wait3A_119 = arith.constant 0 : i32
      %dma_wait3A_120 = tpu.memref_slice %arg7[%dma_wait3A_118, %dma_wait3A_119] : memref<128x128xf32, #tpu.memory_space<vmem>> -> memref<128x128xf32, #tpu.memory_space<vmem>>
      tpu.wait_dma2 semaphore(%arg21 : memref<!tpu.dma_semaphore, #tpu.memory_space<semaphore_mem>>) src(%dma_wait3A_120 : memref<128x128xf32, #tpu.memory_space<vmem>>) dst(%dma_wait3A_117 : memref<128x128xf32, #tpu.memory_space<vmem_shared>>)
      %dma_wait3A_121 = arith.constant 0 : i32
      %dma_wait3A_122 = arith.constant 0 : i32
      %dma_wait3A_123 = tpu.memref_slice %arg7[%dma_wait3A_121, %dma_wait3A_122] : memref<128x128xf32, #tpu.memory_space<vmem>> -> memref<128x128xf32, #tpu.memory_space<vmem>>
      %dma_wait3A_124 = arith.constant 9856 : i32
      %dma_wait3A_125 = arith.constant 0 : i32
      %dma_wait3A_126 = tpu.memref_slice %arg6[%dma_wait3A_124, %dma_wait3A_125] : memref<10128x128xf32, #tpu.memory_space<vmem_shared>> -> memref<128x128xf32, #tpu.memory_space<vmem_shared>>
      %dma_wait3A_127 = arith.constant 9856 : i32
      %dma_wait3A_128 = arith.constant 0 : i32
      %dma_wait3A_129 = tpu.memref_slice %arg6[%dma_wait3A_127, %dma_wait3A_128] : memref<10128x128xf32, #tpu.memory_space<vmem_shared>> -> memref<128x128xf32, #tpu.memory_space<vmem_shared>>
      %dma_wait3A_130 = arith.constant 0 : i32
      %dma_wait3A_131 = arith.constant 0 : i32
      %dma_wait3A_132 = tpu.memref_slice %arg7[%dma_wait3A_130, %dma_wait3A_131] : memref<128x128xf32, #tpu.memory_space<vmem>> -> memref<128x128xf32, #tpu.memory_space<vmem>>
      tpu.wait_dma2 semaphore(%arg21 : memref<!tpu.dma_semaphore, #tpu.memory_space<semaphore_mem>>) src(%dma_wait3A_132 : memref<128x128xf32, #tpu.memory_space<vmem>>) dst(%dma_wait3A_129 : memref<128x128xf32, #tpu.memory_space<vmem_shared>>)
      %dma_wait3A_133 = arith.constant 0 : i32
      %dma_wait3A_134 = arith.constant 0 : i32
      %dma_wait3A_135 = tpu.memref_slice %arg7[%dma_wait3A_133, %dma_wait3A_134] : memref<128x128xf32, #tpu.memory_space<vmem>> -> memref<16x128xf32, #tpu.memory_space<vmem>>
      %dma_wait3A_136 = arith.constant 9984 : i32
      %dma_wait3A_137 = arith.constant 0 : i32
      %dma_wait3A_138 = tpu.memref_slice %arg6[%dma_wait3A_136, %dma_wait3A_137] : memref<10128x128xf32, #tpu.memory_space<vmem_shared>> -> memref<16x128xf32, #tpu.memory_space<vmem_shared>>
      %dma_wait3A_139 = arith.constant 9984 : i32
      %dma_wait3A_140 = arith.constant 0 : i32
      %dma_wait3A_141 = tpu.memref_slice %arg6[%dma_wait3A_139, %dma_wait3A_140] : memref<10128x128xf32, #tpu.memory_space<vmem_shared>> -> memref<16x128xf32, #tpu.memory_space<vmem_shared>>
      %dma_wait3A_142 = arith.constant 0 : i32
      %dma_wait3A_143 = arith.constant 0 : i32
      %dma_wait3A_144 = tpu.memref_slice %arg7[%dma_wait3A_142, %dma_wait3A_143] : memref<128x128xf32, #tpu.memory_space<vmem>> -> memref<16x128xf32, #tpu.memory_space<vmem>>
      tpu.wait_dma2 semaphore(%arg21 : memref<!tpu.dma_semaphore, #tpu.memory_space<semaphore_mem>>) src(%dma_wait3A_144 : memref<16x128xf32, #tpu.memory_space<vmem>>) dst(%dma_wait3A_141 : memref<16x128xf32, #tpu.memory_space<vmem_shared>>)
    } else {
    }
    %barrier3A = arith.constant 0 : index
    tpu.barrier barrier_id(%barrier3A)
    %mul3A_22 = arith.constant 80 : i32
    %mul3A_23 = arith.muli %add3A, %mul3A_22 : i32
    %dma_start3A = arith.constant 0 : i32
    %dma_start3A_24 = tpu.memref_slice %arg3[%mul3A_23, %dma_start3A] : memref<2560x128xi32, #tpu.memory_space<hbm>> -> memref<1x128xi32, #tpu.memory_space<hbm>>
    %dma_start3A_25 = tpu.memref_squeeze %dma_start3A_24 : memref<1x128xi32, #tpu.memory_space<hbm>> -> memref<128xi32, #tpu.memory_space<hbm>>
    %dma_start3A_26 = arith.constant 0 : i32
    %dma_start3A_27 = tpu.memref_slice %arg3[%mul3A_23, %dma_start3A_26] : memref<2560x128xi32, #tpu.memory_space<hbm>> -> memref<1x128xi32, #tpu.memory_space<hbm>>
    %dma_start3A_28 = tpu.memref_squeeze %dma_start3A_27 : memref<1x128xi32, #tpu.memory_space<hbm>> -> memref<128xi32, #tpu.memory_space<hbm>>
    tpu.enqueue_dma source(%dma_start3A_28 : memref<128xi32, #tpu.memory_space<hbm>>) target(%arg9 : memref<128xi32, #tpu.memory_space<vmem>>) target_semaphore(%arg21 : memref<!tpu.dma_semaphore, #tpu.memory_space<semaphore_mem>>)
    %dma_start3A_29 = arith.constant 0 : i32
    %dma_start3A_30 = tpu.memref_slice %arg4[%mul3A_23, %dma_start3A_29] : memref<2560x128xi32, #tpu.memory_space<hbm>> -> memref<1x128xi32, #tpu.memory_space<hbm>>
    %dma_start3A_31 = tpu.memref_squeeze %dma_start3A_30 : memref<1x128xi32, #tpu.memory_space<hbm>> -> memref<128xi32, #tpu.memory_space<hbm>>
    %dma_start3A_32 = arith.constant 0 : i32
    %dma_start3A_33 = tpu.memref_slice %arg4[%mul3A_23, %dma_start3A_32] : memref<2560x128xi32, #tpu.memory_space<hbm>> -> memref<1x128xi32, #tpu.memory_space<hbm>>
    %dma_start3A_34 = tpu.memref_squeeze %dma_start3A_33 : memref<1x128xi32, #tpu.memory_space<hbm>> -> memref<128xi32, #tpu.memory_space<hbm>>
    tpu.enqueue_dma source(%dma_start3A_34 : memref<128xi32, #tpu.memory_space<hbm>>) target(%arg11 : memref<128xi32, #tpu.memory_space<vmem>>) target_semaphore(%arg21 : memref<!tpu.dma_semaphore, #tpu.memory_space<semaphore_mem>>)
    %add3A_35 = arith.constant 1 : i32
    %add3A_36 = arith.addi %mul3A_23, %add3A_35 : i32
    %dma_start3A_37 = arith.constant 0 : i32
    %dma_start3A_38 = tpu.memref_slice %arg3[%add3A_36, %dma_start3A_37] : memref<2560x128xi32, #tpu.memory_space<hbm>> -> memref<1x128xi32, #tpu.memory_space<hbm>>
    %dma_start3A_39 = tpu.memref_squeeze %dma_start3A_38 : memref<1x128xi32, #tpu.memory_space<hbm>> -> memref<128xi32, #tpu.memory_space<hbm>>
    %dma_start3A_40 = arith.constant 0 : i32
    %dma_start3A_41 = tpu.memref_slice %arg3[%add3A_36, %dma_start3A_40] : memref<2560x128xi32, #tpu.memory_space<hbm>> -> memref<1x128xi32, #tpu.memory_space<hbm>>
    %dma_start3A_42 = tpu.memref_squeeze %dma_start3A_41 : memref<1x128xi32, #tpu.memory_space<hbm>> -> memref<128xi32, #tpu.memory_space<hbm>>
    tpu.enqueue_dma source(%dma_start3A_42 : memref<128xi32, #tpu.memory_space<hbm>>) target(%arg10 : memref<128xi32, #tpu.memory_space<vmem>>) target_semaphore(%arg21 : memref<!tpu.dma_semaphore, #tpu.memory_space<semaphore_mem>>)
    %add3A_43 = arith.constant 1 : i32
    %add3A_44 = arith.addi %mul3A_23, %add3A_43 : i32
    %dma_start3A_45 = arith.constant 0 : i32
    %dma_start3A_46 = tpu.memref_slice %arg4[%add3A_44, %dma_start3A_45] : memref<2560x128xi32, #tpu.memory_space<hbm>> -> memref<1x128xi32, #tpu.memory_space<hbm>>
    %dma_start3A_47 = tpu.memref_squeeze %dma_start3A_46 : memref<1x128xi32, #tpu.memory_space<hbm>> -> memref<128xi32, #tpu.memory_space<hbm>>
    %dma_start3A_48 = arith.constant 0 : i32
    %dma_start3A_49 = tpu.memref_slice %arg4[%add3A_44, %dma_start3A_48] : memref<2560x128xi32, #tpu.memory_space<hbm>> -> memref<1x128xi32, #tpu.memory_space<hbm>>
    %dma_start3A_50 = tpu.memref_squeeze %dma_start3A_49 : memref<1x128xi32, #tpu.memory_space<hbm>> -> memref<128xi32, #tpu.memory_space<hbm>>
    tpu.enqueue_dma source(%dma_start3A_50 : memref<128xi32, #tpu.memory_space<hbm>>) target(%arg12 : memref<128xi32, #tpu.memory_space<vmem>>) target_semaphore(%arg21 : memref<!tpu.dma_semaphore, #tpu.memory_space<semaphore_mem>>)
    %dma_wait3A = arith.constant 0 : i32
    %dma_wait3A_51 = tpu.memref_slice %arg3[%mul3A_23, %dma_wait3A] : memref<2560x128xi32, #tpu.memory_space<hbm>> -> memref<1x128xi32, #tpu.memory_space<hbm>>
    %dma_wait3A_52 = tpu.memref_squeeze %dma_wait3A_51 : memref<1x128xi32, #tpu.memory_space<hbm>> -> memref<128xi32, #tpu.memory_space<hbm>>
    %dma_wait3A_53 = arith.constant 0 : i32
    %dma_wait3A_54 = tpu.memref_slice %arg3[%mul3A_23, %dma_wait3A_53] : memref<2560x128xi32, #tpu.memory_space<hbm>> -> memref<1x128xi32, #tpu.memory_space<hbm>>
    %dma_wait3A_55 = tpu.memref_squeeze %dma_wait3A_54 : memref<1x128xi32, #tpu.memory_space<hbm>> -> memref<128xi32, #tpu.memory_space<hbm>>
    tpu.wait_dma2 semaphore(%arg21 : memref<!tpu.dma_semaphore, #tpu.memory_space<semaphore_mem>>) src(%dma_wait3A_55 : memref<128xi32, #tpu.memory_space<hbm>>) dst(%arg9 : memref<128xi32, #tpu.memory_space<vmem>>)
    %dma_wait3A_56 = arith.constant 0 : i32
    %dma_wait3A_57 = tpu.memref_slice %arg4[%mul3A_23, %dma_wait3A_56] : memref<2560x128xi32, #tpu.memory_space<hbm>> -> memref<1x128xi32, #tpu.memory_space<hbm>>
    %dma_wait3A_58 = tpu.memref_squeeze %dma_wait3A_57 : memref<1x128xi32, #tpu.memory_space<hbm>> -> memref<128xi32, #tpu.memory_space<hbm>>
    %dma_wait3A_59 = arith.constant 0 : i32
    %dma_wait3A_60 = tpu.memref_slice %arg4[%mul3A_23, %dma_wait3A_59] : memref<2560x128xi32, #tpu.memory_space<hbm>> -> memref<1x128xi32, #tpu.memory_space<hbm>>
    %dma_wait3A_61 = tpu.memref_squeeze %dma_wait3A_60 : memref<1x128xi32, #tpu.memory_space<hbm>> -> memref<128xi32, #tpu.memory_space<hbm>>
    tpu.wait_dma2 semaphore(%arg21 : memref<!tpu.dma_semaphore, #tpu.memory_space<semaphore_mem>>) src(%dma_wait3A_61 : memref<128xi32, #tpu.memory_space<hbm>>) dst(%arg11 : memref<128xi32, #tpu.memory_space<vmem>>)
    %dma_wait3A_62 = arith.constant 0 : i32
    %dma_wait3A_63 = tpu.memref_slice %arg3[%mul3A_23, %dma_wait3A_62] : memref<2560x128xi32, #tpu.memory_space<hbm>> -> memref<1x128xi32, #tpu.memory_space<hbm>>
    %dma_wait3A_64 = tpu.memref_squeeze %dma_wait3A_63 : memref<1x128xi32, #tpu.memory_space<hbm>> -> memref<128xi32, #tpu.memory_space<hbm>>
    %dma_wait3A_65 = arith.constant 0 : i32
    %dma_wait3A_66 = tpu.memref_slice %arg3[%mul3A_23, %dma_wait3A_65] : memref<2560x128xi32, #tpu.memory_space<hbm>> -> memref<1x128xi32, #tpu.memory_space<hbm>>
    %dma_wait3A_67 = tpu.memref_squeeze %dma_wait3A_66 : memref<1x128xi32, #tpu.memory_space<hbm>> -> memref<128xi32, #tpu.memory_space<hbm>>
    tpu.wait_dma2 semaphore(%arg21 : memref<!tpu.dma_semaphore, #tpu.memory_space<semaphore_mem>>) src(%dma_wait3A_67 : memref<128xi32, #tpu.memory_space<hbm>>) dst(%arg10 : memref<128xi32, #tpu.memory_space<vmem>>)
    %dma_wait3A_68 = arith.constant 0 : i32
    %dma_wait3A_69 = tpu.memref_slice %arg4[%mul3A_23, %dma_wait3A_68] : memref<2560x128xi32, #tpu.memory_space<hbm>> -> memref<1x128xi32, #tpu.memory_space<hbm>>
    %dma_wait3A_70 = tpu.memref_squeeze %dma_wait3A_69 : memref<1x128xi32, #tpu.memory_space<hbm>> -> memref<128xi32, #tpu.memory_space<hbm>>
    %dma_wait3A_71 = arith.constant 0 : i32
    %dma_wait3A_72 = tpu.memref_slice %arg4[%mul3A_23, %dma_wait3A_71] : memref<2560x128xi32, #tpu.memory_space<hbm>> -> memref<1x128xi32, #tpu.memory_space<hbm>>
    %dma_wait3A_73 = tpu.memref_squeeze %dma_wait3A_72 : memref<1x128xi32, #tpu.memory_space<hbm>> -> memref<128xi32, #tpu.memory_space<hbm>>
    tpu.wait_dma2 semaphore(%arg21 : memref<!tpu.dma_semaphore, #tpu.memory_space<semaphore_mem>>) src(%dma_wait3A_73 : memref<128xi32, #tpu.memory_space<hbm>>) dst(%arg12 : memref<128xi32, #tpu.memory_space<vmem>>)
    %dma_start3A_74 = arith.constant 0 : i32
    %dma_start3A_75 = arith.constant 0 : i32
    %dma_start3A_76 = tpu.memref_slice %arg2[%dma_start3A_74, %dma_start3A_75] : memref<10000x128xf32, #tpu.memory_space<hbm>> -> memref<10000x128xf32, #tpu.memory_space<hbm>>
    tpu.enqueue_indirect_dma source(%dma_start3A_76 : memref<10000x128xf32, #tpu.memory_space<hbm>>) target(%arg7 : memref<128x128xf32, #tpu.memory_space<vmem>>) offsets(%arg9 : memref<128xi32, #tpu.memory_space<vmem>>) semaphore(%arg17 : memref<!tpu.dma_semaphore, #tpu.memory_space<semaphore_mem>>)
    %scan3A_77 = arith.constant 0 : i32
    %scan3A_78 = arith.constant 0 : i32
    %scan3A_79 = arith.constant 20 : i32
    %scan3A_80 = arith.addi %scan3A_78, %scan3A_79 : i32
    %scan3A_81 = arith.constant 1 : i32
    scf.for %scan3A_97 = %scan3A_78 to %scan3A_80 step %scan3A_81  : i32 {
      %mul3A_98 = arith.constant 2 : i32
      %mul3A_99 = arith.muli %mul3A_98, %scan3A_97 : i32
      %mul3A_100 = arith.constant 2 : i32
      %mul3A_101 = arith.muli %mul3A_100, %mul3A_99 : i32
      %add3A_102 = arith.addi %mul3A_23, %mul3A_101 : i32
      %gt3A = arith.constant 0 : i32
      %gt3A_103 = arith.cmpi sgt, %mul3A_99, %gt3A : i32
      %convert_element_type3A_104 = arith.extui %gt3A_103 : i1 to i32
      %cond3A_105 = arith.constant 0 : i32
      %cond3A_106 = arith.cmpi ne, %convert_element_type3A_104, %cond3A_105 : i32
      scf.if %cond3A_106 {
        %dma_wait3A_224 = arith.constant 0 : i32
        %dma_wait3A_225 = arith.constant 0 : i32
        %dma_wait3A_226 = tpu.memref_slice %arg6[%dma_wait3A_224, %dma_wait3A_225] : memref<10128x128xf32, #tpu.memory_space<vmem_shared>> -> memref<10128x128xf32, #tpu.memory_space<vmem_shared>>
        tpu.wait_indirect_dma semaphore(%arg20 : memref<!tpu.dma_semaphore, #tpu.memory_space<semaphore_mem>>) src(%arg8 : memref<128x128xf32, #tpu.memory_space<vmem>>) dst(%dma_wait3A_226 : memref<10128x128xf32, #tpu.memory_space<vmem_shared>>)
      } else {
      }
      %add3A_107 = arith.constant 2 : i32
      %add3A_108 = arith.addi %add3A_102, %add3A_107 : i32
      %dma_start3A_109 = arith.constant 0 : i32
      %dma_start3A_110 = tpu.memref_slice %arg3[%add3A_108, %dma_start3A_109] : memref<2560x128xi32, #tpu.memory_space<hbm>> -> memref<1x128xi32, #tpu.memory_space<hbm>>
      %dma_start3A_111 = tpu.memref_squeeze %dma_start3A_110 : memref<1x128xi32, #tpu.memory_space<hbm>> -> memref<128xi32, #tpu.memory_space<hbm>>
      %dma_start3A_112 = arith.constant 0 : i32
      %dma_start3A_113 = tpu.memref_slice %arg3[%add3A_108, %dma_start3A_112] : memref<2560x128xi32, #tpu.memory_space<hbm>> -> memref<1x128xi32, #tpu.memory_space<hbm>>
      %dma_start3A_114 = tpu.memref_squeeze %dma_start3A_113 : memref<1x128xi32, #tpu.memory_space<hbm>> -> memref<128xi32, #tpu.memory_space<hbm>>
      tpu.enqueue_dma source(%dma_start3A_114 : memref<128xi32, #tpu.memory_space<hbm>>) target(%arg13 : memref<128xi32, #tpu.memory_space<vmem>>) target_semaphore(%arg22 : memref<!tpu.dma_semaphore, #tpu.memory_space<semaphore_mem>>)
      %dma_start3A_115 = arith.constant 0 : i32
      %dma_start3A_116 = tpu.memref_slice %arg4[%add3A_108, %dma_start3A_115] : memref<2560x128xi32, #tpu.memory_space<hbm>> -> memref<1x128xi32, #tpu.memory_space<hbm>>
      %dma_start3A_117 = tpu.memref_squeeze %dma_start3A_116 : memref<1x128xi32, #tpu.memory_space<hbm>> -> memref<128xi32, #tpu.memory_space<hbm>>
      %dma_start3A_118 = arith.constant 0 : i32
      %dma_start3A_119 = tpu.memref_slice %arg4[%add3A_108, %dma_start3A_118] : memref<2560x128xi32, #tpu.memory_space<hbm>> -> memref<1x128xi32, #tpu.memory_space<hbm>>
      %dma_start3A_120 = tpu.memref_squeeze %dma_start3A_119 : memref<1x128xi32, #tpu.memory_space<hbm>> -> memref<128xi32, #tpu.memory_space<hbm>>
      tpu.enqueue_dma source(%dma_start3A_120 : memref<128xi32, #tpu.memory_space<hbm>>) target(%arg15 : memref<128xi32, #tpu.memory_space<vmem>>) target_semaphore(%arg22 : memref<!tpu.dma_semaphore, #tpu.memory_space<semaphore_mem>>)
      %add3A_121 = arith.constant 1 : i32
      %add3A_122 = arith.addi %add3A_108, %add3A_121 : i32
      %dma_start3A_123 = arith.constant 0 : i32
      %dma_start3A_124 = tpu.memref_slice %arg3[%add3A_122, %dma_start3A_123] : memref<2560x128xi32, #tpu.memory_space<hbm>> -> memref<1x128xi32, #tpu.memory_space<hbm>>
      %dma_start3A_125 = tpu.memref_squeeze %dma_start3A_124 : memref<1x128xi32, #tpu.memory_space<hbm>> -> memref<128xi32, #tpu.memory_space<hbm>>
      %dma_start3A_126 = arith.constant 0 : i32
      %dma_start3A_127 = tpu.memref_slice %arg3[%add3A_122, %dma_start3A_126] : memref<2560x128xi32, #tpu.memory_space<hbm>> -> memref<1x128xi32, #tpu.memory_space<hbm>>
      %dma_start3A_128 = tpu.memref_squeeze %dma_start3A_127 : memref<1x128xi32, #tpu.memory_space<hbm>> -> memref<128xi32, #tpu.memory_space<hbm>>
      tpu.enqueue_dma source(%dma_start3A_128 : memref<128xi32, #tpu.memory_space<hbm>>) target(%arg14 : memref<128xi32, #tpu.memory_space<vmem>>) target_semaphore(%arg22 : memref<!tpu.dma_semaphore, #tpu.memory_space<semaphore_mem>>)
      %add3A_129 = arith.constant 1 : i32
      %add3A_130 = arith.addi %add3A_108, %add3A_129 : i32
      %dma_start3A_131 = arith.constant 0 : i32
      %dma_start3A_132 = tpu.memref_slice %arg4[%add3A_130, %dma_start3A_131] : memref<2560x128xi32, #tpu.memory_space<hbm>> -> memref<1x128xi32, #tpu.memory_space<hbm>>
      %dma_start3A_133 = tpu.memref_squeeze %dma_start3A_132 : memref<1x128xi32, #tpu.memory_space<hbm>> -> memref<128xi32, #tpu.memory_space<hbm>>
      %dma_start3A_134 = arith.constant 0 : i32
      %dma_start3A_135 = tpu.memref_slice %arg4[%add3A_130, %dma_start3A_134] : memref<2560x128xi32, #tpu.memory_space<hbm>> -> memref<1x128xi32, #tpu.memory_space<hbm>>
      %dma_start3A_136 = tpu.memref_squeeze %dma_start3A_135 : memref<1x128xi32, #tpu.memory_space<hbm>> -> memref<128xi32, #tpu.memory_space<hbm>>
      tpu.enqueue_dma source(%dma_start3A_136 : memref<128xi32, #tpu.memory_space<hbm>>) target(%arg16 : memref<128xi32, #tpu.memory_space<vmem>>) target_semaphore(%arg22 : memref<!tpu.dma_semaphore, #tpu.memory_space<semaphore_mem>>)
      %dma_wait3A_137 = arith.constant 0 : i32
      %dma_wait3A_138 = arith.constant 0 : i32
      %dma_wait3A_139 = tpu.memref_slice %arg2[%dma_wait3A_137, %dma_wait3A_138] : memref<10000x128xf32, #tpu.memory_space<hbm>> -> memref<10000x128xf32, #tpu.memory_space<hbm>>
      tpu.wait_indirect_dma semaphore(%arg17 : memref<!tpu.dma_semaphore, #tpu.memory_space<semaphore_mem>>) src(%dma_wait3A_139 : memref<10000x128xf32, #tpu.memory_space<hbm>>) dst(%arg7 : memref<128x128xf32, #tpu.memory_space<vmem>>)
      %dma_start3A_140 = arith.constant 0 : i32
      %dma_start3A_141 = arith.constant 0 : i32
      %dma_start3A_142 = tpu.memref_slice %arg6[%dma_start3A_140, %dma_start3A_141] : memref<10128x128xf32, #tpu.memory_space<vmem_shared>> -> memref<10128x128xf32, #tpu.memory_space<vmem_shared>>
      tpu.enqueue_indirect_dma source(%arg7 : memref<128x128xf32, #tpu.memory_space<vmem>>) target(%dma_start3A_142 : memref<10128x128xf32, #tpu.memory_space<vmem_shared>>) offsets(%arg11 : memref<128xi32, #tpu.memory_space<vmem>>) semaphore(%arg19 : memref<!tpu.dma_semaphore, #tpu.memory_space<semaphore_mem>>) {add = true}
      %dma_start3A_143 = arith.constant 0 : i32
      %dma_start3A_144 = arith.constant 0 : i32
      %dma_start3A_145 = tpu.memref_slice %arg2[%dma_start3A_143, %dma_start3A_144] : memref<10000x128xf32, #tpu.memory_space<hbm>> -> memref<10000x128xf32, #tpu.memory_space<hbm>>
      tpu.enqueue_indirect_dma source(%dma_start3A_145 : memref<10000x128xf32, #tpu.memory_space<hbm>>) target(%arg8 : memref<128x128xf32, #tpu.memory_space<vmem>>) offsets(%arg10 : memref<128xi32, #tpu.memory_space<vmem>>) semaphore(%arg18 : memref<!tpu.dma_semaphore, #tpu.memory_space<semaphore_mem>>)
      %dma_wait3A_146 = arith.constant 0 : i32
      %dma_wait3A_147 = arith.constant 0 : i32
      %dma_wait3A_148 = tpu.memref_slice %arg2[%dma_wait3A_146, %dma_wait3A_147] : memref<10000x128xf32, #tpu.memory_space<hbm>> -> memref<10000x128xf32, #tpu.memory_space<hbm>>
      tpu.wait_indirect_dma semaphore(%arg18 : memref<!tpu.dma_semaphore, #tpu.memory_space<semaphore_mem>>) src(%dma_wait3A_148 : memref<10000x128xf32, #tpu.memory_space<hbm>>) dst(%arg8 : memref<128x128xf32, #tpu.memory_space<vmem>>)
      %dma_start3A_149 = arith.constant 0 : i32
      %dma_start3A_150 = arith.constant 0 : i32
      %dma_start3A_151 = tpu.memref_slice %arg6[%dma_start3A_149, %dma_start3A_150] : memref<10128x128xf32, #tpu.memory_space<vmem_shared>> -> memref<10128x128xf32, #tpu.memory_space<vmem_shared>>
      tpu.enqueue_indirect_dma source(%arg8 : memref<128x128xf32, #tpu.memory_space<vmem>>) target(%dma_start3A_151 : memref<10128x128xf32, #tpu.memory_space<vmem_shared>>) offsets(%arg12 : memref<128xi32, #tpu.memory_space<vmem>>) semaphore(%arg20 : memref<!tpu.dma_semaphore, #tpu.memory_space<semaphore_mem>>) {add = true}
      %dma_wait3A_152 = arith.constant 0 : i32
      %dma_wait3A_153 = arith.constant 0 : i32
      %dma_wait3A_154 = tpu.memref_slice %arg6[%dma_wait3A_152, %dma_wait3A_153] : memref<10128x128xf32, #tpu.memory_space<vmem_shared>> -> memref<10128x128xf32, #tpu.memory_space<vmem_shared>>
      tpu.wait_indirect_dma semaphore(%arg19 : memref<!tpu.dma_semaphore, #tpu.memory_space<semaphore_mem>>) src(%arg7 : memref<128x128xf32, #tpu.memory_space<vmem>>) dst(%dma_wait3A_154 : memref<10128x128xf32, #tpu.memory_space<vmem_shared>>)
      %dma_wait3A_155 = arith.constant 0 : i32
      %dma_wait3A_156 = tpu.memref_slice %arg3[%mul3A_23, %dma_wait3A_155] : memref<2560x128xi32, #tpu.memory_space<hbm>> -> memref<1x128xi32, #tpu.memory_space<hbm>>
      %dma_wait3A_157 = tpu.memref_squeeze %dma_wait3A_156 : memref<1x128xi32, #tpu.memory_space<hbm>> -> memref<128xi32, #tpu.memory_space<hbm>>
      %dma_wait3A_158 = arith.constant 0 : i32
      %dma_wait3A_159 = tpu.memref_slice %arg3[%mul3A_23, %dma_wait3A_158] : memref<2560x128xi32, #tpu.memory_space<hbm>> -> memref<1x128xi32, #tpu.memory_space<hbm>>
      %dma_wait3A_160 = tpu.memref_squeeze %dma_wait3A_159 : memref<1x128xi32, #tpu.memory_space<hbm>> -> memref<128xi32, #tpu.memory_space<hbm>>
      tpu.wait_dma2 semaphore(%arg22 : memref<!tpu.dma_semaphore, #tpu.memory_space<semaphore_mem>>) src(%dma_wait3A_160 : memref<128xi32, #tpu.memory_space<hbm>>) dst(%arg13 : memref<128xi32, #tpu.memory_space<vmem>>)
      %dma_wait3A_161 = arith.constant 0 : i32
      %dma_wait3A_162 = tpu.memref_slice %arg4[%mul3A_23, %dma_wait3A_161] : memref<2560x128xi32, #tpu.memory_space<hbm>> -> memref<1x128xi32, #tpu.memory_space<hbm>>
      %dma_wait3A_163 = tpu.memref_squeeze %dma_wait3A_162 : memref<1x128xi32, #tpu.memory_space<hbm>> -> memref<128xi32, #tpu.memory_space<hbm>>
      %dma_wait3A_164 = arith.constant 0 : i32
      %dma_wait3A_165 = tpu.memref_slice %arg4[%mul3A_23, %dma_wait3A_164] : memref<2560x128xi32, #tpu.memory_space<hbm>> -> memref<1x128xi32, #tpu.memory_space<hbm>>
      %dma_wait3A_166 = tpu.memref_squeeze %dma_wait3A_165 : memref<1x128xi32, #tpu.memory_space<hbm>> -> memref<128xi32, #tpu.memory_space<hbm>>
      tpu.wait_dma2 semaphore(%arg22 : memref<!tpu.dma_semaphore, #tpu.memory_space<semaphore_mem>>) src(%dma_wait3A_166 : memref<128xi32, #tpu.memory_space<hbm>>) dst(%arg15 : memref<128xi32, #tpu.memory_space<vmem>>)
      %dma_wait3A_167 = arith.constant 0 : i32
      %dma_wait3A_168 = tpu.memref_slice %arg3[%mul3A_23, %dma_wait3A_167] : memref<2560x128xi32, #tpu.memory_space<hbm>> -> memref<1x128xi32, #tpu.memory_space<hbm>>
      %dma_wait3A_169 = tpu.memref_squeeze %dma_wait3A_168 : memref<1x128xi32, #tpu.memory_space<hbm>> -> memref<128xi32, #tpu.memory_space<hbm>>
      %dma_wait3A_170 = arith.constant 0 : i32
      %dma_wait3A_171 = tpu.memref_slice %arg3[%mul3A_23, %dma_wait3A_170] : memref<2560x128xi32, #tpu.memory_space<hbm>> -> memref<1x128xi32, #tpu.memory_space<hbm>>
      %dma_wait3A_172 = tpu.memref_squeeze %dma_wait3A_171 : memref<1x128xi32, #tpu.memory_space<hbm>> -> memref<128xi32, #tpu.memory_space<hbm>>
      tpu.wait_dma2 semaphore(%arg22 : memref<!tpu.dma_semaphore, #tpu.memory_space<semaphore_mem>>) src(%dma_wait3A_172 : memref<128xi32, #tpu.memory_space<hbm>>) dst(%arg14 : memref<128xi32, #tpu.memory_space<vmem>>)
      %dma_wait3A_173 = arith.constant 0 : i32
      %dma_wait3A_174 = tpu.memref_slice %arg4[%mul3A_23, %dma_wait3A_173] : memref<2560x128xi32, #tpu.memory_space<hbm>> -> memref<1x128xi32, #tpu.memory_space<hbm>>
      %dma_wait3A_175 = tpu.memref_squeeze %dma_wait3A_174 : memref<1x128xi32, #tpu.memory_space<hbm>> -> memref<128xi32, #tpu.memory_space<hbm>>
      %dma_wait3A_176 = arith.constant 0 : i32
      %dma_wait3A_177 = tpu.memref_slice %arg4[%mul3A_23, %dma_wait3A_176] : memref<2560x128xi32, #tpu.memory_space<hbm>> -> memref<1x128xi32, #tpu.memory_space<hbm>>
      %dma_wait3A_178 = tpu.memref_squeeze %dma_wait3A_177 : memref<1x128xi32, #tpu.memory_space<hbm>> -> memref<128xi32, #tpu.memory_space<hbm>>
      tpu.wait_dma2 semaphore(%arg22 : memref<!tpu.dma_semaphore, #tpu.memory_space<semaphore_mem>>) src(%dma_wait3A_178 : memref<128xi32, #tpu.memory_space<hbm>>) dst(%arg16 : memref<128xi32, #tpu.memory_space<vmem>>)
      %dma_start3A_179 = arith.constant 0 : i32
      %dma_start3A_180 = arith.constant 0 : i32
      %dma_start3A_181 = tpu.memref_slice %arg2[%dma_start3A_179, %dma_start3A_180] : memref<10000x128xf32, #tpu.memory_space<hbm>> -> memref<10000x128xf32, #tpu.memory_space<hbm>>
      tpu.enqueue_indirect_dma source(%dma_start3A_181 : memref<10000x128xf32, #tpu.memory_space<hbm>>) target(%arg7 : memref<128x128xf32, #tpu.memory_space<vmem>>) offsets(%arg13 : memref<128xi32, #tpu.memory_space<vmem>>) semaphore(%arg17 : memref<!tpu.dma_semaphore, #tpu.memory_space<semaphore_mem>>)
      %mul3A_182 = arith.constant 2 : i32
      %mul3A_183 = arith.muli %mul3A_182, %scan3A_97 : i32
      %add3A_184 = arith.constant 1 : i32
      %add3A_185 = arith.addi %mul3A_183, %add3A_184 : i32
      %mul3A_186 = arith.constant 2 : i32
      %mul3A_187 = arith.muli %mul3A_186, %add3A_185 : i32
      %add3A_188 = arith.addi %mul3A_23, %mul3A_187 : i32
      %dma_wait3A_189 = arith.constant 0 : i32
      %dma_wait3A_190 = arith.constant 0 : i32
      %dma_wait3A_191 = tpu.memref_slice %arg6[%dma_wait3A_189, %dma_wait3A_190] : memref<10128x128xf32, #tpu.memory_space<vmem_shared>> -> memref<10128x128xf32, #tpu.memory_space<vmem_shared>>
      tpu.wait_indirect_dma semaphore(%arg20 : memref<!tpu.dma_semaphore, #tpu.memory_space<semaphore_mem>>) src(%arg8 : memref<128x128xf32, #tpu.memory_space<vmem>>) dst(%dma_wait3A_191 : memref<10128x128xf32, #tpu.memory_space<vmem_shared>>)
      %add3A_192 = arith.constant 1 : i32
      %add3A_193 = arith.addi %add3A_185, %add3A_192 : i32
      %lt3A_194 = arith.constant 40 : i32
      %lt3A_195 = arith.cmpi slt, %add3A_193, %lt3A_194 : i32
      %convert_element_type3A_196 = arith.extui %lt3A_195 : i1 to i32
      %cond3A_197 = arith.constant 0 : i32
      %cond3A_198 = arith.cmpi ne, %convert_element_type3A_196, %cond3A_197 : i32
      scf.if %cond3A_198 {
        %add3A_224 = arith.constant 2 : i32
        %add3A_225 = arith.addi %add3A_188, %add3A_224 : i32
        %dma_start3A_226 = arith.constant 0 : i32
        %dma_start3A_227 = tpu.memref_slice %arg3[%add3A_225, %dma_start3A_226] : memref<2560x128xi32, #tpu.memory_space<hbm>> -> memref<1x128xi32, #tpu.memory_space<hbm>>
        %dma_start3A_228 = tpu.memref_squeeze %dma_start3A_227 : memref<1x128xi32, #tpu.memory_space<hbm>> -> memref<128xi32, #tpu.memory_space<hbm>>
        %dma_start3A_229 = arith.constant 0 : i32
        %dma_start3A_230 = tpu.memref_slice %arg3[%add3A_225, %dma_start3A_229] : memref<2560x128xi32, #tpu.memory_space<hbm>> -> memref<1x128xi32, #tpu.memory_space<hbm>>
        %dma_start3A_231 = tpu.memref_squeeze %dma_start3A_230 : memref<1x128xi32, #tpu.memory_space<hbm>> -> memref<128xi32, #tpu.memory_space<hbm>>
        tpu.enqueue_dma source(%dma_start3A_231 : memref<128xi32, #tpu.memory_space<hbm>>) target(%arg9 : memref<128xi32, #tpu.memory_space<vmem>>) target_semaphore(%arg21 : memref<!tpu.dma_semaphore, #tpu.memory_space<semaphore_mem>>)
        %dma_start3A_232 = arith.constant 0 : i32
        %dma_start3A_233 = tpu.memref_slice %arg4[%add3A_225, %dma_start3A_232] : memref<2560x128xi32, #tpu.memory_space<hbm>> -> memref<1x128xi32, #tpu.memory_space<hbm>>
        %dma_start3A_234 = tpu.memref_squeeze %dma_start3A_233 : memref<1x128xi32, #tpu.memory_space<hbm>> -> memref<128xi32, #tpu.memory_space<hbm>>
        %dma_start3A_235 = arith.constant 0 : i32
        %dma_start3A_236 = tpu.memref_slice %arg4[%add3A_225, %dma_start3A_235] : memref<2560x128xi32, #tpu.memory_space<hbm>> -> memref<1x128xi32, #tpu.memory_space<hbm>>
        %dma_start3A_237 = tpu.memref_squeeze %dma_start3A_236 : memref<1x128xi32, #tpu.memory_space<hbm>> -> memref<128xi32, #tpu.memory_space<hbm>>
        tpu.enqueue_dma source(%dma_start3A_237 : memref<128xi32, #tpu.memory_space<hbm>>) target(%arg11 : memref<128xi32, #tpu.memory_space<vmem>>) target_semaphore(%arg21 : memref<!tpu.dma_semaphore, #tpu.memory_space<semaphore_mem>>)
        %add3A_238 = arith.constant 1 : i32
        %add3A_239 = arith.addi %add3A_225, %add3A_238 : i32
        %dma_start3A_240 = arith.constant 0 : i32
        %dma_start3A_241 = tpu.memref_slice %arg3[%add3A_239, %dma_start3A_240] : memref<2560x128xi32, #tpu.memory_space<hbm>> -> memref<1x128xi32, #tpu.memory_space<hbm>>
        %dma_start3A_242 = tpu.memref_squeeze %dma_start3A_241 : memref<1x128xi32, #tpu.memory_space<hbm>> -> memref<128xi32, #tpu.memory_space<hbm>>
        %dma_start3A_243 = arith.constant 0 : i32
        %dma_start3A_244 = tpu.memref_slice %arg3[%add3A_239, %dma_start3A_243] : memref<2560x128xi32, #tpu.memory_space<hbm>> -> memref<1x128xi32, #tpu.memory_space<hbm>>
        %dma_start3A_245 = tpu.memref_squeeze %dma_start3A_244 : memref<1x128xi32, #tpu.memory_space<hbm>> -> memref<128xi32, #tpu.memory_space<hbm>>
        tpu.enqueue_dma source(%dma_start3A_245 : memref<128xi32, #tpu.memory_space<hbm>>) target(%arg10 : memref<128xi32, #tpu.memory_space<vmem>>) target_semaphore(%arg21 : memref<!tpu.dma_semaphore, #tpu.memory_space<semaphore_mem>>)
        %add3A_246 = arith.constant 1 : i32
        %add3A_247 = arith.addi %add3A_225, %add3A_246 : i32
        %dma_start3A_248 = arith.constant 0 : i32
        %dma_start3A_249 = tpu.memref_slice %arg4[%add3A_247, %dma_start3A_248] : memref<2560x128xi32, #tpu.memory_space<hbm>> -> memref<1x128xi32, #tpu.memory_space<hbm>>
        %dma_start3A_250 = tpu.memref_squeeze %dma_start3A_249 : memref<1x128xi32, #tpu.memory_space<hbm>> -> memref<128xi32, #tpu.memory_space<hbm>>
        %dma_start3A_251 = arith.constant 0 : i32
        %dma_start3A_252 = tpu.memref_slice %arg4[%add3A_247, %dma_start3A_251] : memref<2560x128xi32, #tpu.memory_space<hbm>> -> memref<1x128xi32, #tpu.memory_space<hbm>>
        %dma_start3A_253 = tpu.memref_squeeze %dma_start3A_252 : memref<1x128xi32, #tpu.memory_space<hbm>> -> memref<128xi32, #tpu.memory_space<hbm>>
        tpu.enqueue_dma source(%dma_start3A_253 : memref<128xi32, #tpu.memory_space<hbm>>) target(%arg12 : memref<128xi32, #tpu.memory_space<vmem>>) target_semaphore(%arg21 : memref<!tpu.dma_semaphore, #tpu.memory_space<semaphore_mem>>)
      } else {
      }
      %dma_wait3A_199 = arith.constant 0 : i32
      %dma_wait3A_200 = arith.constant 0 : i32
      %dma_wait3A_201 = tpu.memref_slice %arg2[%dma_wait3A_199, %dma_wait3A_200] : memref<10000x128xf32, #tpu.memory_space<hbm>> -> memref<10000x128xf32, #tpu.memory_space<hbm>>
      tpu.wait_indirect_dma semaphore(%arg17 : memref<!tpu.dma_semaphore, #tpu.memory_space<semaphore_mem>>) src(%dma_wait3A_201 : memref<10000x128xf32, #tpu.memory_space<hbm>>) dst(%arg7 : memref<128x128xf32, #tpu.memory_space<vmem>>)
      %dma_start3A_202 = arith.constant 0 : i32
      %dma_start3A_203 = arith.constant 0 : i32
      %dma_start3A_204 = tpu.memref_slice %arg6[%dma_start3A_202, %dma_start3A_203] : memref<10128x128xf32, #tpu.memory_space<vmem_shared>> -> memref<10128x128xf32, #tpu.memory_space<vmem_shared>>
      tpu.enqueue_indirect_dma source(%arg7 : memref<128x128xf32, #tpu.memory_space<vmem>>) target(%dma_start3A_204 : memref<10128x128xf32, #tpu.memory_space<vmem_shared>>) offsets(%arg15 : memref<128xi32, #tpu.memory_space<vmem>>) semaphore(%arg19 : memref<!tpu.dma_semaphore, #tpu.memory_space<semaphore_mem>>) {add = true}
      %dma_start3A_205 = arith.constant 0 : i32
      %dma_start3A_206 = arith.constant 0 : i32
      %dma_start3A_207 = tpu.memref_slice %arg2[%dma_start3A_205, %dma_start3A_206] : memref<10000x128xf32, #tpu.memory_space<hbm>> -> memref<10000x128xf32, #tpu.memory_space<hbm>>
      tpu.enqueue_indirect_dma source(%dma_start3A_207 : memref<10000x128xf32, #tpu.memory_space<hbm>>) target(%arg8 : memref<128x128xf32, #tpu.memory_space<vmem>>) offsets(%arg14 : memref<128xi32, #tpu.memory_space<vmem>>) semaphore(%arg18 : memref<!tpu.dma_semaphore, #tpu.memory_space<semaphore_mem>>)
      %dma_wait3A_208 = arith.constant 0 : i32
      %dma_wait3A_209 = arith.constant 0 : i32
      %dma_wait3A_210 = tpu.memref_slice %arg2[%dma_wait3A_208, %dma_wait3A_209] : memref<10000x128xf32, #tpu.memory_space<hbm>> -> memref<10000x128xf32, #tpu.memory_space<hbm>>
      tpu.wait_indirect_dma semaphore(%arg18 : memref<!tpu.dma_semaphore, #tpu.memory_space<semaphore_mem>>) src(%dma_wait3A_210 : memref<10000x128xf32, #tpu.memory_space<hbm>>) dst(%arg8 : memref<128x128xf32, #tpu.memory_space<vmem>>)
      %dma_start3A_211 = arith.constant 0 : i32
      %dma_start3A_212 = arith.constant 0 : i32
      %dma_start3A_213 = tpu.memref_slice %arg6[%dma_start3A_211, %dma_start3A_212] : memref<10128x128xf32, #tpu.memory_space<vmem_shared>> -> memref<10128x128xf32, #tpu.memory_space<vmem_shared>>
      tpu.enqueue_indirect_dma source(%arg8 : memref<128x128xf32, #tpu.memory_space<vmem>>) target(%dma_start3A_213 : memref<10128x128xf32, #tpu.memory_space<vmem_shared>>) offsets(%arg16 : memref<128xi32, #tpu.memory_space<vmem>>) semaphore(%arg20 : memref<!tpu.dma_semaphore, #tpu.memory_space<semaphore_mem>>) {add = true}
      %dma_wait3A_214 = arith.constant 0 : i32
      %dma_wait3A_215 = arith.constant 0 : i32
      %dma_wait3A_216 = tpu.memref_slice %arg6[%dma_wait3A_214, %dma_wait3A_215] : memref<10128x128xf32, #tpu.memory_space<vmem_shared>> -> memref<10128x128xf32, #tpu.memory_space<vmem_shared>>
      tpu.wait_indirect_dma semaphore(%arg19 : memref<!tpu.dma_semaphore, #tpu.memory_space<semaphore_mem>>) src(%arg7 : memref<128x128xf32, #tpu.memory_space<vmem>>) dst(%dma_wait3A_216 : memref<10128x128xf32, #tpu.memory_space<vmem_shared>>)
      %add3A_217 = arith.constant 1 : i32
      %add3A_218 = arith.addi %add3A_185, %add3A_217 : i32
      %lt3A_219 = arith.constant 40 : i32
      %lt3A_220 = arith.cmpi slt, %add3A_218, %lt3A_219 : i32
      %convert_element_type3A_221 = arith.extui %lt3A_220 : i1 to i32
      %cond3A_222 = arith.constant 0 : i32
      %cond3A_223 = arith.cmpi ne, %convert_element_type3A_221, %cond3A_222 : i32
      scf.if %cond3A_223 {
        %dma_wait3A_224 = arith.constant 0 : i32
        %dma_wait3A_225 = tpu.memref_slice %arg3[%mul3A_23, %dma_wait3A_224] : memref<2560x128xi32, #tpu.memory_space<hbm>> -> memref<1x128xi32, #tpu.memory_space<hbm>>
        %dma_wait3A_226 = tpu.memref_squeeze %dma_wait3A_225 : memref<1x128xi32, #tpu.memory_space<hbm>> -> memref<128xi32, #tpu.memory_space<hbm>>
        %dma_wait3A_227 = arith.constant 0 : i32
        %dma_wait3A_228 = tpu.memref_slice %arg3[%mul3A_23, %dma_wait3A_227] : memref<2560x128xi32, #tpu.memory_space<hbm>> -> memref<1x128xi32, #tpu.memory_space<hbm>>
        %dma_wait3A_229 = tpu.memref_squeeze %dma_wait3A_228 : memref<1x128xi32, #tpu.memory_space<hbm>> -> memref<128xi32, #tpu.memory_space<hbm>>
        tpu.wait_dma2 semaphore(%arg21 : memref<!tpu.dma_semaphore, #tpu.memory_space<semaphore_mem>>) src(%dma_wait3A_229 : memref<128xi32, #tpu.memory_space<hbm>>) dst(%arg9 : memref<128xi32, #tpu.memory_space<vmem>>)
        %dma_wait3A_230 = arith.constant 0 : i32
        %dma_wait3A_231 = tpu.memref_slice %arg4[%mul3A_23, %dma_wait3A_230] : memref<2560x128xi32, #tpu.memory_space<hbm>> -> memref<1x128xi32, #tpu.memory_space<hbm>>
        %dma_wait3A_232 = tpu.memref_squeeze %dma_wait3A_231 : memref<1x128xi32, #tpu.memory_space<hbm>> -> memref<128xi32, #tpu.memory_space<hbm>>
        %dma_wait3A_233 = arith.constant 0 : i32
        %dma_wait3A_234 = tpu.memref_slice %arg4[%mul3A_23, %dma_wait3A_233] : memref<2560x128xi32, #tpu.memory_space<hbm>> -> memref<1x128xi32, #tpu.memory_space<hbm>>
        %dma_wait3A_235 = tpu.memref_squeeze %dma_wait3A_234 : memref<1x128xi32, #tpu.memory_space<hbm>> -> memref<128xi32, #tpu.memory_space<hbm>>
        tpu.wait_dma2 semaphore(%arg21 : memref<!tpu.dma_semaphore, #tpu.memory_space<semaphore_mem>>) src(%dma_wait3A_235 : memref<128xi32, #tpu.memory_space<hbm>>) dst(%arg11 : memref<128xi32, #tpu.memory_space<vmem>>)
        %dma_wait3A_236 = arith.constant 0 : i32
        %dma_wait3A_237 = tpu.memref_slice %arg3[%mul3A_23, %dma_wait3A_236] : memref<2560x128xi32, #tpu.memory_space<hbm>> -> memref<1x128xi32, #tpu.memory_space<hbm>>
        %dma_wait3A_238 = tpu.memref_squeeze %dma_wait3A_237 : memref<1x128xi32, #tpu.memory_space<hbm>> -> memref<128xi32, #tpu.memory_space<hbm>>
        %dma_wait3A_239 = arith.constant 0 : i32
        %dma_wait3A_240 = tpu.memref_slice %arg3[%mul3A_23, %dma_wait3A_239] : memref<2560x128xi32, #tpu.memory_space<hbm>> -> memref<1x128xi32, #tpu.memory_space<hbm>>
        %dma_wait3A_241 = tpu.memref_squeeze %dma_wait3A_240 : memref<1x128xi32, #tpu.memory_space<hbm>> -> memref<128xi32, #tpu.memory_space<hbm>>
        tpu.wait_dma2 semaphore(%arg21 : memref<!tpu.dma_semaphore, #tpu.memory_space<semaphore_mem>>) src(%dma_wait3A_241 : memref<128xi32, #tpu.memory_space<hbm>>) dst(%arg10 : memref<128xi32, #tpu.memory_space<vmem>>)
        %dma_wait3A_242 = arith.constant 0 : i32
        %dma_wait3A_243 = tpu.memref_slice %arg4[%mul3A_23, %dma_wait3A_242] : memref<2560x128xi32, #tpu.memory_space<hbm>> -> memref<1x128xi32, #tpu.memory_space<hbm>>
        %dma_wait3A_244 = tpu.memref_squeeze %dma_wait3A_243 : memref<1x128xi32, #tpu.memory_space<hbm>> -> memref<128xi32, #tpu.memory_space<hbm>>
        %dma_wait3A_245 = arith.constant 0 : i32
        %dma_wait3A_246 = tpu.memref_slice %arg4[%mul3A_23, %dma_wait3A_245] : memref<2560x128xi32, #tpu.memory_space<hbm>> -> memref<1x128xi32, #tpu.memory_space<hbm>>
        %dma_wait3A_247 = tpu.memref_squeeze %dma_wait3A_246 : memref<1x128xi32, #tpu.memory_space<hbm>> -> memref<128xi32, #tpu.memory_space<hbm>>
        tpu.wait_dma2 semaphore(%arg21 : memref<!tpu.dma_semaphore, #tpu.memory_space<semaphore_mem>>) src(%dma_wait3A_247 : memref<128xi32, #tpu.memory_space<hbm>>) dst(%arg12 : memref<128xi32, #tpu.memory_space<vmem>>)
        %dma_start3A_248 = arith.constant 0 : i32
        %dma_start3A_249 = arith.constant 0 : i32
        %dma_start3A_250 = tpu.memref_slice %arg2[%dma_start3A_248, %dma_start3A_249] : memref<10000x128xf32, #tpu.memory_space<hbm>> -> memref<10000x128xf32, #tpu.memory_space<hbm>>
        tpu.enqueue_indirect_dma source(%dma_start3A_250 : memref<10000x128xf32, #tpu.memory_space<hbm>>) target(%arg7 : memref<128x128xf32, #tpu.memory_space<vmem>>) offsets(%arg9 : memref<128xi32, #tpu.memory_space<vmem>>) semaphore(%arg17 : memref<!tpu.dma_semaphore, #tpu.memory_space<semaphore_mem>>)
      } else {
      }
    }
    %scan3A_82 = arith.constant 20 : i32
    %dma_wait3A_83 = arith.constant 0 : i32
    %dma_wait3A_84 = arith.constant 0 : i32
    %dma_wait3A_85 = tpu.memref_slice %arg6[%dma_wait3A_83, %dma_wait3A_84] : memref<10128x128xf32, #tpu.memory_space<vmem_shared>> -> memref<10128x128xf32, #tpu.memory_space<vmem_shared>>
    tpu.wait_indirect_dma semaphore(%arg20 : memref<!tpu.dma_semaphore, #tpu.memory_space<semaphore_mem>>) src(%arg8 : memref<128x128xf32, #tpu.memory_space<vmem>>) dst(%dma_wait3A_85 : memref<10128x128xf32, #tpu.memory_space<vmem_shared>>)
    %barrier3A_86 = arith.constant 0 : index
    tpu.barrier barrier_id(%barrier3A_86)
    %lt3A_87 = arith.constant 15 : i32
    %lt3A_88 = arith.cmpi slt, %arg1, %lt3A_87 : i32
    %convert_element_type3A_89 = arith.extui %lt3A_88 : i1 to i32
    %cond3A_90 = arith.constant 0 : i32
    %cond3A_91 = arith.cmpi ne, %convert_element_type3A_89, %cond3A_90 : i32
    scf.if %cond3A_91 {
      %mul3A_97 = arith.constant 640 : i32
      %mul3A_98 = arith.muli %arg1, %mul3A_97 : i32
      %multiple_of3A = tpu.assume_multiple %mul3A_98, 128 : i32
      %add3A_99 = arith.constant 0 : i32
      %add3A_100 = arith.addi %multiple_of3A, %add3A_99 : i32
      %add3A_101 = arith.constant 128 : i32
      %add3A_102 = arith.addi %multiple_of3A, %add3A_101 : i32
      %add3A_103 = arith.constant 256 : i32
      %add3A_104 = arith.addi %multiple_of3A, %add3A_103 : i32
      %add3A_105 = arith.constant 384 : i32
      %add3A_106 = arith.addi %multiple_of3A, %add3A_105 : i32
      %add3A_107 = arith.constant 512 : i32
      %add3A_108 = arith.addi %multiple_of3A, %add3A_107 : i32
      %dma_start3A_109 = arith.constant 0 : i32
      %dma_start3A_110 = arith.constant 0 : i32
      %dma_start3A_111 = tpu.memref_slice %arg7[%dma_start3A_109, %dma_start3A_110] : memref<128x128xf32, #tpu.memory_space<vmem>> -> memref<128x128xf32, #tpu.memory_space<vmem>>
      %dma_start3A_112 = arith.constant 0 : i32
      %dma_start3A_113 = tpu.memref_slice %arg6[%add3A_100, %dma_start3A_112] : memref<10128x128xf32, #tpu.memory_space<vmem_shared>> -> memref<128x128xf32, #tpu.memory_space<vmem_shared>>
      %dma_start3A_114 = arith.constant 0 : i32
      %dma_start3A_115 = arith.constant 0 : i32
      %dma_start3A_116 = tpu.memref_slice %arg7[%dma_start3A_114, %dma_start3A_115] : memref<128x128xf32, #tpu.memory_space<vmem>> -> memref<128x128xf32, #tpu.memory_space<vmem>>
      %dma_start3A_117 = arith.constant 0 : i32
      %dma_start3A_118 = tpu.memref_slice %arg6[%add3A_100, %dma_start3A_117] : memref<10128x128xf32, #tpu.memory_space<vmem_shared>> -> memref<128x128xf32, #tpu.memory_space<vmem_shared>>
      tpu.enqueue_dma source(%dma_start3A_118 : memref<128x128xf32, #tpu.memory_space<vmem_shared>>) target(%dma_start3A_116 : memref<128x128xf32, #tpu.memory_space<vmem>>) target_semaphore(%arg17 : memref<!tpu.dma_semaphore, #tpu.memory_space<semaphore_mem>>)
      %dma_wait3A_119 = arith.constant 0 : i32
      %dma_wait3A_120 = arith.constant 0 : i32
      %dma_wait3A_121 = tpu.memref_slice %arg7[%dma_wait3A_119, %dma_wait3A_120] : memref<128x128xf32, #tpu.memory_space<vmem>> -> memref<128x128xf32, #tpu.memory_space<vmem>>
      %dma_wait3A_122 = arith.constant 0 : i32
      %dma_wait3A_123 = tpu.memref_slice %arg6[%add3A_100, %dma_wait3A_122] : memref<10128x128xf32, #tpu.memory_space<vmem_shared>> -> memref<128x128xf32, #tpu.memory_space<vmem_shared>>
      %dma_wait3A_124 = arith.constant 0 : i32
      %dma_wait3A_125 = arith.constant 0 : i32
      %dma_wait3A_126 = tpu.memref_slice %arg7[%dma_wait3A_124, %dma_wait3A_125] : memref<128x128xf32, #tpu.memory_space<vmem>> -> memref<128x128xf32, #tpu.memory_space<vmem>>
      %dma_wait3A_127 = arith.constant 0 : i32
      %dma_wait3A_128 = tpu.memref_slice %arg6[%add3A_100, %dma_wait3A_127] : memref<10128x128xf32, #tpu.memory_space<vmem_shared>> -> memref<128x128xf32, #tpu.memory_space<vmem_shared>>
      tpu.wait_dma2 semaphore(%arg17 : memref<!tpu.dma_semaphore, #tpu.memory_space<semaphore_mem>>) src(%dma_wait3A_128 : memref<128x128xf32, #tpu.memory_space<vmem_shared>>) dst(%dma_wait3A_126 : memref<128x128xf32, #tpu.memory_space<vmem>>)
      %dma_start3A_129 = arith.constant 0 : i32
      %dma_start3A_130 = arith.constant 0 : i32
      %dma_start3A_131 = tpu.memref_slice %arg7[%dma_start3A_129, %dma_start3A_130] : memref<128x128xf32, #tpu.memory_space<vmem>> -> memref<128x128xf32, #tpu.memory_space<vmem>>
      %dma_start3A_132 = arith.constant 0 : i32
      %dma_start3A_133 = arith.constant 0 : i32
      %dma_start3A_134 = tpu.memref_slice %arg5[%arg0, %dma_start3A_132, %dma_start3A_133] : memref<2x10000x128xf32, #tpu.memory_space<hbm>> -> memref<1x10000x128xf32, #tpu.memory_space<hbm>>
      %dma_start3A_135 = tpu.memref_squeeze %dma_start3A_134 : memref<1x10000x128xf32, #tpu.memory_space<hbm>> -> memref<10000x128xf32, #tpu.memory_space<hbm>>
      %dma_start3A_136 = arith.constant 0 : i32
      %dma_start3A_137 = tpu.memref_slice %dma_start3A_135[%add3A_100, %dma_start3A_136] : memref<10000x128xf32, #tpu.memory_space<hbm>> -> memref<128x128xf32, #tpu.memory_space<hbm>>
      %dma_start3A_138 = arith.constant 0 : i32
      %dma_start3A_139 = arith.constant 0 : i32
      %dma_start3A_140 = tpu.memref_slice %arg5[%arg0, %dma_start3A_138, %dma_start3A_139] : memref<2x10000x128xf32, #tpu.memory_space<hbm>> -> memref<1x10000x128xf32, #tpu.memory_space<hbm>>
      %dma_start3A_141 = tpu.memref_squeeze %dma_start3A_140 : memref<1x10000x128xf32, #tpu.memory_space<hbm>> -> memref<10000x128xf32, #tpu.memory_space<hbm>>
      %dma_start3A_142 = arith.constant 0 : i32
      %dma_start3A_143 = tpu.memref_slice %dma_start3A_141[%add3A_100, %dma_start3A_142] : memref<10000x128xf32, #tpu.memory_space<hbm>> -> memref<128x128xf32, #tpu.memory_space<hbm>>
      %dma_start3A_144 = arith.constant 0 : i32
      %dma_start3A_145 = arith.constant 0 : i32
      %dma_start3A_146 = tpu.memref_slice %arg7[%dma_start3A_144, %dma_start3A_145] : memref<128x128xf32, #tpu.memory_space<vmem>> -> memref<128x128xf32, #tpu.memory_space<vmem>>
      tpu.enqueue_dma source(%dma_start3A_146 : memref<128x128xf32, #tpu.memory_space<vmem>>) target(%dma_start3A_143 : memref<128x128xf32, #tpu.memory_space<hbm>>) target_semaphore(%arg19 : memref<!tpu.dma_semaphore, #tpu.memory_space<semaphore_mem>>)
      %dma_start3A_147 = arith.constant 0 : i32
      %dma_start3A_148 = arith.constant 0 : i32
      %dma_start3A_149 = tpu.memref_slice %arg8[%dma_start3A_147, %dma_start3A_148] : memref<128x128xf32, #tpu.memory_space<vmem>> -> memref<128x128xf32, #tpu.memory_space<vmem>>
      %dma_start3A_150 = arith.constant 0 : i32
      %dma_start3A_151 = tpu.memref_slice %arg6[%add3A_102, %dma_start3A_150] : memref<10128x128xf32, #tpu.memory_space<vmem_shared>> -> memref<128x128xf32, #tpu.memory_space<vmem_shared>>
      %dma_start3A_152 = arith.constant 0 : i32
      %dma_start3A_153 = arith.constant 0 : i32
      %dma_start3A_154 = tpu.memref_slice %arg8[%dma_start3A_152, %dma_start3A_153] : memref<128x128xf32, #tpu.memory_space<vmem>> -> memref<128x128xf32, #tpu.memory_space<vmem>>
      %dma_start3A_155 = arith.constant 0 : i32
      %dma_start3A_156 = tpu.memref_slice %arg6[%add3A_102, %dma_start3A_155] : memref<10128x128xf32, #tpu.memory_space<vmem_shared>> -> memref<128x128xf32, #tpu.memory_space<vmem_shared>>
      tpu.enqueue_dma source(%dma_start3A_156 : memref<128x128xf32, #tpu.memory_space<vmem_shared>>) target(%dma_start3A_154 : memref<128x128xf32, #tpu.memory_space<vmem>>) target_semaphore(%arg18 : memref<!tpu.dma_semaphore, #tpu.memory_space<semaphore_mem>>)
      %dma_wait3A_157 = arith.constant 0 : i32
      %dma_wait3A_158 = arith.constant 0 : i32
      %dma_wait3A_159 = tpu.memref_slice %arg8[%dma_wait3A_157, %dma_wait3A_158] : memref<128x128xf32, #tpu.memory_space<vmem>> -> memref<128x128xf32, #tpu.memory_space<vmem>>
      %dma_wait3A_160 = arith.constant 0 : i32
      %dma_wait3A_161 = tpu.memref_slice %arg6[%add3A_102, %dma_wait3A_160] : memref<10128x128xf32, #tpu.memory_space<vmem_shared>> -> memref<128x128xf32, #tpu.memory_space<vmem_shared>>
      %dma_wait3A_162 = arith.constant 0 : i32
      %dma_wait3A_163 = arith.constant 0 : i32
      %dma_wait3A_164 = tpu.memref_slice %arg8[%dma_wait3A_162, %dma_wait3A_163] : memref<128x128xf32, #tpu.memory_space<vmem>> -> memref<128x128xf32, #tpu.memory_space<vmem>>
      %dma_wait3A_165 = arith.constant 0 : i32
      %dma_wait3A_166 = tpu.memref_slice %arg6[%add3A_102, %dma_wait3A_165] : memref<10128x128xf32, #tpu.memory_space<vmem_shared>> -> memref<128x128xf32, #tpu.memory_space<vmem_shared>>
      tpu.wait_dma2 semaphore(%arg18 : memref<!tpu.dma_semaphore, #tpu.memory_space<semaphore_mem>>) src(%dma_wait3A_166 : memref<128x128xf32, #tpu.memory_space<vmem_shared>>) dst(%dma_wait3A_164 : memref<128x128xf32, #tpu.memory_space<vmem>>)
      %dma_start3A_167 = arith.constant 0 : i32
      %dma_start3A_168 = arith.constant 0 : i32
      %dma_start3A_169 = tpu.memref_slice %arg8[%dma_start3A_167, %dma_start3A_168] : memref<128x128xf32, #tpu.memory_space<vmem>> -> memref<128x128xf32, #tpu.memory_space<vmem>>
      %dma_start3A_170 = arith.constant 0 : i32
      %dma_start3A_171 = arith.constant 0 : i32
      %dma_start3A_172 = tpu.memref_slice %arg5[%arg0, %dma_start3A_170, %dma_start3A_171] : memref<2x10000x128xf32, #tpu.memory_space<hbm>> -> memref<1x10000x128xf32, #tpu.memory_space<hbm>>
      %dma_start3A_173 = tpu.memref_squeeze %dma_start3A_172 : memref<1x10000x128xf32, #tpu.memory_space<hbm>> -> memref<10000x128xf32, #tpu.memory_space<hbm>>
      %dma_start3A_174 = arith.constant 0 : i32
      %dma_start3A_175 = tpu.memref_slice %dma_start3A_173[%add3A_102, %dma_start3A_174] : memref<10000x128xf32, #tpu.memory_space<hbm>> -> memref<128x128xf32, #tpu.memory_space<hbm>>
      %dma_start3A_176 = arith.constant 0 : i32
      %dma_start3A_177 = arith.constant 0 : i32
      %dma_start3A_178 = tpu.memref_slice %arg5[%arg0, %dma_start3A_176, %dma_start3A_177] : memref<2x10000x128xf32, #tpu.memory_space<hbm>> -> memref<1x10000x128xf32, #tpu.memory_space<hbm>>
      %dma_start3A_179 = tpu.memref_squeeze %dma_start3A_178 : memref<1x10000x128xf32, #tpu.memory_space<hbm>> -> memref<10000x128xf32, #tpu.memory_space<hbm>>
      %dma_start3A_180 = arith.constant 0 : i32
      %dma_start3A_181 = tpu.memref_slice %dma_start3A_179[%add3A_102, %dma_start3A_180] : memref<10000x128xf32, #tpu.memory_space<hbm>> -> memref<128x128xf32, #tpu.memory_space<hbm>>
      %dma_start3A_182 = arith.constant 0 : i32
      %dma_start3A_183 = arith.constant 0 : i32
      %dma_start3A_184 = tpu.memref_slice %arg8[%dma_start3A_182, %dma_start3A_183] : memref<128x128xf32, #tpu.memory_space<vmem>> -> memref<128x128xf32, #tpu.memory_space<vmem>>
      tpu.enqueue_dma source(%dma_start3A_184 : memref<128x128xf32, #tpu.memory_space<vmem>>) target(%dma_start3A_181 : memref<128x128xf32, #tpu.memory_space<hbm>>) target_semaphore(%arg20 : memref<!tpu.dma_semaphore, #tpu.memory_space<semaphore_mem>>)
      %dma_wait3A_185 = arith.constant 0 : i32
      %dma_wait3A_186 = arith.constant 0 : i32
      %dma_wait3A_187 = tpu.memref_slice %arg7[%dma_wait3A_185, %dma_wait3A_186] : memref<128x128xf32, #tpu.memory_space<vmem>> -> memref<128x128xf32, #tpu.memory_space<vmem>>
      %dma_wait3A_188 = arith.constant 0 : i32
      %dma_wait3A_189 = arith.constant 0 : i32
      %dma_wait3A_190 = tpu.memref_slice %arg5[%arg0, %dma_wait3A_188, %dma_wait3A_189] : memref<2x10000x128xf32, #tpu.memory_space<hbm>> -> memref<1x10000x128xf32, #tpu.memory_space<hbm>>
      %dma_wait3A_191 = tpu.memref_squeeze %dma_wait3A_190 : memref<1x10000x128xf32, #tpu.memory_space<hbm>> -> memref<10000x128xf32, #tpu.memory_space<hbm>>
      %dma_wait3A_192 = arith.constant 0 : i32
      %dma_wait3A_193 = tpu.memref_slice %dma_wait3A_191[%add3A_100, %dma_wait3A_192] : memref<10000x128xf32, #tpu.memory_space<hbm>> -> memref<128x128xf32, #tpu.memory_space<hbm>>
      %dma_wait3A_194 = arith.constant 0 : i32
      %dma_wait3A_195 = arith.constant 0 : i32
      %dma_wait3A_196 = tpu.memref_slice %arg5[%arg0, %dma_wait3A_194, %dma_wait3A_195] : memref<2x10000x128xf32, #tpu.memory_space<hbm>> -> memref<1x10000x128xf32, #tpu.memory_space<hbm>>
      %dma_wait3A_197 = tpu.memref_squeeze %dma_wait3A_196 : memref<1x10000x128xf32, #tpu.memory_space<hbm>> -> memref<10000x128xf32, #tpu.memory_space<hbm>>
      %dma_wait3A_198 = arith.constant 0 : i32
      %dma_wait3A_199 = tpu.memref_slice %dma_wait3A_197[%add3A_100, %dma_wait3A_198] : memref<10000x128xf32, #tpu.memory_space<hbm>> -> memref<128x128xf32, #tpu.memory_space<hbm>>
      %dma_wait3A_200 = arith.constant 0 : i32
      %dma_wait3A_201 = arith.constant 0 : i32
      %dma_wait3A_202 = tpu.memref_slice %arg7[%dma_wait3A_200, %dma_wait3A_201] : memref<128x128xf32, #tpu.memory_space<vmem>> -> memref<128x128xf32, #tpu.memory_space<vmem>>
      tpu.wait_dma2 semaphore(%arg19 : memref<!tpu.dma_semaphore, #tpu.memory_space<semaphore_mem>>) src(%dma_wait3A_202 : memref<128x128xf32, #tpu.memory_space<vmem>>) dst(%dma_wait3A_199 : memref<128x128xf32, #tpu.memory_space<hbm>>)
      %dma_start3A_203 = arith.constant 0 : i32
      %dma_start3A_204 = arith.constant 0 : i32
      %dma_start3A_205 = tpu.memref_slice %arg7[%dma_start3A_203, %dma_start3A_204] : memref<128x128xf32, #tpu.memory_space<vmem>> -> memref<128x128xf32, #tpu.memory_space<vmem>>
      %dma_start3A_206 = arith.constant 0 : i32
      %dma_start3A_207 = tpu.memref_slice %arg6[%add3A_104, %dma_start3A_206] : memref<10128x128xf32, #tpu.memory_space<vmem_shared>> -> memref<128x128xf32, #tpu.memory_space<vmem_shared>>
      %dma_start3A_208 = arith.constant 0 : i32
      %dma_start3A_209 = arith.constant 0 : i32
      %dma_start3A_210 = tpu.memref_slice %arg7[%dma_start3A_208, %dma_start3A_209] : memref<128x128xf32, #tpu.memory_space<vmem>> -> memref<128x128xf32, #tpu.memory_space<vmem>>
      %dma_start3A_211 = arith.constant 0 : i32
      %dma_start3A_212 = tpu.memref_slice %arg6[%add3A_104, %dma_start3A_211] : memref<10128x128xf32, #tpu.memory_space<vmem_shared>> -> memref<128x128xf32, #tpu.memory_space<vmem_shared>>
      tpu.enqueue_dma source(%dma_start3A_212 : memref<128x128xf32, #tpu.memory_space<vmem_shared>>) target(%dma_start3A_210 : memref<128x128xf32, #tpu.memory_space<vmem>>) target_semaphore(%arg17 : memref<!tpu.dma_semaphore, #tpu.memory_space<semaphore_mem>>)
      %dma_wait3A_213 = arith.constant 0 : i32
      %dma_wait3A_214 = arith.constant 0 : i32
      %dma_wait3A_215 = tpu.memref_slice %arg7[%dma_wait3A_213, %dma_wait3A_214] : memref<128x128xf32, #tpu.memory_space<vmem>> -> memref<128x128xf32, #tpu.memory_space<vmem>>
      %dma_wait3A_216 = arith.constant 0 : i32
      %dma_wait3A_217 = tpu.memref_slice %arg6[%add3A_104, %dma_wait3A_216] : memref<10128x128xf32, #tpu.memory_space<vmem_shared>> -> memref<128x128xf32, #tpu.memory_space<vmem_shared>>
      %dma_wait3A_218 = arith.constant 0 : i32
      %dma_wait3A_219 = arith.constant 0 : i32
      %dma_wait3A_220 = tpu.memref_slice %arg7[%dma_wait3A_218, %dma_wait3A_219] : memref<128x128xf32, #tpu.memory_space<vmem>> -> memref<128x128xf32, #tpu.memory_space<vmem>>
      %dma_wait3A_221 = arith.constant 0 : i32
      %dma_wait3A_222 = tpu.memref_slice %arg6[%add3A_104, %dma_wait3A_221] : memref<10128x128xf32, #tpu.memory_space<vmem_shared>> -> memref<128x128xf32, #tpu.memory_space<vmem_shared>>
      tpu.wait_dma2 semaphore(%arg17 : memref<!tpu.dma_semaphore, #tpu.memory_space<semaphore_mem>>) src(%dma_wait3A_222 : memref<128x128xf32, #tpu.memory_space<vmem_shared>>) dst(%dma_wait3A_220 : memref<128x128xf32, #tpu.memory_space<vmem>>)
      %dma_start3A_223 = arith.constant 0 : i32
      %dma_start3A_224 = arith.constant 0 : i32
      %dma_start3A_225 = tpu.memref_slice %arg7[%dma_start3A_223, %dma_start3A_224] : memref<128x128xf32, #tpu.memory_space<vmem>> -> memref<128x128xf32, #tpu.memory_space<vmem>>
      %dma_start3A_226 = arith.constant 0 : i32
      %dma_start3A_227 = arith.constant 0 : i32
      %dma_start3A_228 = tpu.memref_slice %arg5[%arg0, %dma_start3A_226, %dma_start3A_227] : memref<2x10000x128xf32, #tpu.memory_space<hbm>> -> memref<1x10000x128xf32, #tpu.memory_space<hbm>>
      %dma_start3A_229 = tpu.memref_squeeze %dma_start3A_228 : memref<1x10000x128xf32, #tpu.memory_space<hbm>> -> memref<10000x128xf32, #tpu.memory_space<hbm>>
      %dma_start3A_230 = arith.constant 0 : i32
      %dma_start3A_231 = tpu.memref_slice %dma_start3A_229[%add3A_104, %dma_start3A_230] : memref<10000x128xf32, #tpu.memory_space<hbm>> -> memref<128x128xf32, #tpu.memory_space<hbm>>
      %dma_start3A_232 = arith.constant 0 : i32
      %dma_start3A_233 = arith.constant 0 : i32
      %dma_start3A_234 = tpu.memref_slice %arg5[%arg0, %dma_start3A_232, %dma_start3A_233] : memref<2x10000x128xf32, #tpu.memory_space<hbm>> -> memref<1x10000x128xf32, #tpu.memory_space<hbm>>
      %dma_start3A_235 = tpu.memref_squeeze %dma_start3A_234 : memref<1x10000x128xf32, #tpu.memory_space<hbm>> -> memref<10000x128xf32, #tpu.memory_space<hbm>>
      %dma_start3A_236 = arith.constant 0 : i32
      %dma_start3A_237 = tpu.memref_slice %dma_start3A_235[%add3A_104, %dma_start3A_236] : memref<10000x128xf32, #tpu.memory_space<hbm>> -> memref<128x128xf32, #tpu.memory_space<hbm>>
      %dma_start3A_238 = arith.constant 0 : i32
      %dma_start3A_239 = arith.constant 0 : i32
      %dma_start3A_240 = tpu.memref_slice %arg7[%dma_start3A_238, %dma_start3A_239] : memref<128x128xf32, #tpu.memory_space<vmem>> -> memref<128x128xf32, #tpu.memory_space<vmem>>
      tpu.enqueue_dma source(%dma_start3A_240 : memref<128x128xf32, #tpu.memory_space<vmem>>) target(%dma_start3A_237 : memref<128x128xf32, #tpu.memory_space<hbm>>) target_semaphore(%arg19 : memref<!tpu.dma_semaphore, #tpu.memory_space<semaphore_mem>>)
      %dma_wait3A_241 = arith.constant 0 : i32
      %dma_wait3A_242 = arith.constant 0 : i32
      %dma_wait3A_243 = tpu.memref_slice %arg8[%dma_wait3A_241, %dma_wait3A_242] : memref<128x128xf32, #tpu.memory_space<vmem>> -> memref<128x128xf32, #tpu.memory_space<vmem>>
      %dma_wait3A_244 = arith.constant 0 : i32
      %dma_wait3A_245 = arith.constant 0 : i32
      %dma_wait3A_246 = tpu.memref_slice %arg5[%arg0, %dma_wait3A_244, %dma_wait3A_245] : memref<2x10000x128xf32, #tpu.memory_space<hbm>> -> memref<1x10000x128xf32, #tpu.memory_space<hbm>>
      %dma_wait3A_247 = tpu.memref_squeeze %dma_wait3A_246 : memref<1x10000x128xf32, #tpu.memory_space<hbm>> -> memref<10000x128xf32, #tpu.memory_space<hbm>>
      %dma_wait3A_248 = arith.constant 0 : i32
      %dma_wait3A_249 = tpu.memref_slice %dma_wait3A_247[%add3A_102, %dma_wait3A_248] : memref<10000x128xf32, #tpu.memory_space<hbm>> -> memref<128x128xf32, #tpu.memory_space<hbm>>
      %dma_wait3A_250 = arith.constant 0 : i32
      %dma_wait3A_251 = arith.constant 0 : i32
      %dma_wait3A_252 = tpu.memref_slice %arg5[%arg0, %dma_wait3A_250, %dma_wait3A_251] : memref<2x10000x128xf32, #tpu.memory_space<hbm>> -> memref<1x10000x128xf32, #tpu.memory_space<hbm>>
      %dma_wait3A_253 = tpu.memref_squeeze %dma_wait3A_252 : memref<1x10000x128xf32, #tpu.memory_space<hbm>> -> memref<10000x128xf32, #tpu.memory_space<hbm>>
      %dma_wait3A_254 = arith.constant 0 : i32
      %dma_wait3A_255 = tpu.memref_slice %dma_wait3A_253[%add3A_102, %dma_wait3A_254] : memref<10000x128xf32, #tpu.memory_space<hbm>> -> memref<128x128xf32, #tpu.memory_space<hbm>>
      %dma_wait3A_256 = arith.constant 0 : i32
      %dma_wait3A_257 = arith.constant 0 : i32
      %dma_wait3A_258 = tpu.memref_slice %arg8[%dma_wait3A_256, %dma_wait3A_257] : memref<128x128xf32, #tpu.memory_space<vmem>> -> memref<128x128xf32, #tpu.memory_space<vmem>>
      tpu.wait_dma2 semaphore(%arg20 : memref<!tpu.dma_semaphore, #tpu.memory_space<semaphore_mem>>) src(%dma_wait3A_258 : memref<128x128xf32, #tpu.memory_space<vmem>>) dst(%dma_wait3A_255 : memref<128x128xf32, #tpu.memory_space<hbm>>)
      %dma_start3A_259 = arith.constant 0 : i32
      %dma_start3A_260 = arith.constant 0 : i32
      %dma_start3A_261 = tpu.memref_slice %arg8[%dma_start3A_259, %dma_start3A_260] : memref<128x128xf32, #tpu.memory_space<vmem>> -> memref<128x128xf32, #tpu.memory_space<vmem>>
      %dma_start3A_262 = arith.constant 0 : i32
      %dma_start3A_263 = tpu.memref_slice %arg6[%add3A_106, %dma_start3A_262] : memref<10128x128xf32, #tpu.memory_space<vmem_shared>> -> memref<128x128xf32, #tpu.memory_space<vmem_shared>>
      %dma_start3A_264 = arith.constant 0 : i32
      %dma_start3A_265 = arith.constant 0 : i32
      %dma_start3A_266 = tpu.memref_slice %arg8[%dma_start3A_264, %dma_start3A_265] : memref<128x128xf32, #tpu.memory_space<vmem>> -> memref<128x128xf32, #tpu.memory_space<vmem>>
      %dma_start3A_267 = arith.constant 0 : i32
      %dma_start3A_268 = tpu.memref_slice %arg6[%add3A_106, %dma_start3A_267] : memref<10128x128xf32, #tpu.memory_space<vmem_shared>> -> memref<128x128xf32, #tpu.memory_space<vmem_shared>>
      tpu.enqueue_dma source(%dma_start3A_268 : memref<128x128xf32, #tpu.memory_space<vmem_shared>>) target(%dma_start3A_266 : memref<128x128xf32, #tpu.memory_space<vmem>>) target_semaphore(%arg18 : memref<!tpu.dma_semaphore, #tpu.memory_space<semaphore_mem>>)
      %dma_wait3A_269 = arith.constant 0 : i32
      %dma_wait3A_270 = arith.constant 0 : i32
      %dma_wait3A_271 = tpu.memref_slice %arg8[%dma_wait3A_269, %dma_wait3A_270] : memref<128x128xf32, #tpu.memory_space<vmem>> -> memref<128x128xf32, #tpu.memory_space<vmem>>
      %dma_wait3A_272 = arith.constant 0 : i32
      %dma_wait3A_273 = tpu.memref_slice %arg6[%add3A_106, %dma_wait3A_272] : memref<10128x128xf32, #tpu.memory_space<vmem_shared>> -> memref<128x128xf32, #tpu.memory_space<vmem_shared>>
      %dma_wait3A_274 = arith.constant 0 : i32
      %dma_wait3A_275 = arith.constant 0 : i32
      %dma_wait3A_276 = tpu.memref_slice %arg8[%dma_wait3A_274, %dma_wait3A_275] : memref<128x128xf32, #tpu.memory_space<vmem>> -> memref<128x128xf32, #tpu.memory_space<vmem>>
      %dma_wait3A_277 = arith.constant 0 : i32
      %dma_wait3A_278 = tpu.memref_slice %arg6[%add3A_106, %dma_wait3A_277] : memref<10128x128xf32, #tpu.memory_space<vmem_shared>> -> memref<128x128xf32, #tpu.memory_space<vmem_shared>>
      tpu.wait_dma2 semaphore(%arg18 : memref<!tpu.dma_semaphore, #tpu.memory_space<semaphore_mem>>) src(%dma_wait3A_278 : memref<128x128xf32, #tpu.memory_space<vmem_shared>>) dst(%dma_wait3A_276 : memref<128x128xf32, #tpu.memory_space<vmem>>)
      %dma_start3A_279 = arith.constant 0 : i32
      %dma_start3A_280 = arith.constant 0 : i32
      %dma_start3A_281 = tpu.memref_slice %arg8[%dma_start3A_279, %dma_start3A_280] : memref<128x128xf32, #tpu.memory_space<vmem>> -> memref<128x128xf32, #tpu.memory_space<vmem>>
      %dma_start3A_282 = arith.constant 0 : i32
      %dma_start3A_283 = arith.constant 0 : i32
      %dma_start3A_284 = tpu.memref_slice %arg5[%arg0, %dma_start3A_282, %dma_start3A_283] : memref<2x10000x128xf32, #tpu.memory_space<hbm>> -> memref<1x10000x128xf32, #tpu.memory_space<hbm>>
      %dma_start3A_285 = tpu.memref_squeeze %dma_start3A_284 : memref<1x10000x128xf32, #tpu.memory_space<hbm>> -> memref<10000x128xf32, #tpu.memory_space<hbm>>
      %dma_start3A_286 = arith.constant 0 : i32
      %dma_start3A_287 = tpu.memref_slice %dma_start3A_285[%add3A_106, %dma_start3A_286] : memref<10000x128xf32, #tpu.memory_space<hbm>> -> memref<128x128xf32, #tpu.memory_space<hbm>>
      %dma_start3A_288 = arith.constant 0 : i32
      %dma_start3A_289 = arith.constant 0 : i32
      %dma_start3A_290 = tpu.memref_slice %arg5[%arg0, %dma_start3A_288, %dma_start3A_289] : memref<2x10000x128xf32, #tpu.memory_space<hbm>> -> memref<1x10000x128xf32, #tpu.memory_space<hbm>>
      %dma_start3A_291 = tpu.memref_squeeze %dma_start3A_290 : memref<1x10000x128xf32, #tpu.memory_space<hbm>> -> memref<10000x128xf32, #tpu.memory_space<hbm>>
      %dma_start3A_292 = arith.constant 0 : i32
      %dma_start3A_293 = tpu.memref_slice %dma_start3A_291[%add3A_106, %dma_start3A_292] : memref<10000x128xf32, #tpu.memory_space<hbm>> -> memref<128x128xf32, #tpu.memory_space<hbm>>
      %dma_start3A_294 = arith.constant 0 : i32
      %dma_start3A_295 = arith.constant 0 : i32
      %dma_start3A_296 = tpu.memref_slice %arg8[%dma_start3A_294, %dma_start3A_295] : memref<128x128xf32, #tpu.memory_space<vmem>> -> memref<128x128xf32, #tpu.memory_space<vmem>>
      tpu.enqueue_dma source(%dma_start3A_296 : memref<128x128xf32, #tpu.memory_space<vmem>>) target(%dma_start3A_293 : memref<128x128xf32, #tpu.memory_space<hbm>>) target_semaphore(%arg20 : memref<!tpu.dma_semaphore, #tpu.memory_space<semaphore_mem>>)
      %dma_wait3A_297 = arith.constant 0 : i32
      %dma_wait3A_298 = arith.constant 0 : i32
      %dma_wait3A_299 = tpu.memref_slice %arg7[%dma_wait3A_297, %dma_wait3A_298] : memref<128x128xf32, #tpu.memory_space<vmem>> -> memref<128x128xf32, #tpu.memory_space<vmem>>
      %dma_wait3A_300 = arith.constant 0 : i32
      %dma_wait3A_301 = arith.constant 0 : i32
      %dma_wait3A_302 = tpu.memref_slice %arg5[%arg0, %dma_wait3A_300, %dma_wait3A_301] : memref<2x10000x128xf32, #tpu.memory_space<hbm>> -> memref<1x10000x128xf32, #tpu.memory_space<hbm>>
      %dma_wait3A_303 = tpu.memref_squeeze %dma_wait3A_302 : memref<1x10000x128xf32, #tpu.memory_space<hbm>> -> memref<10000x128xf32, #tpu.memory_space<hbm>>
      %dma_wait3A_304 = arith.constant 0 : i32
      %dma_wait3A_305 = tpu.memref_slice %dma_wait3A_303[%add3A_104, %dma_wait3A_304] : memref<10000x128xf32, #tpu.memory_space<hbm>> -> memref<128x128xf32, #tpu.memory_space<hbm>>
      %dma_wait3A_306 = arith.constant 0 : i32
      %dma_wait3A_307 = arith.constant 0 : i32
      %dma_wait3A_308 = tpu.memref_slice %arg5[%arg0, %dma_wait3A_306, %dma_wait3A_307] : memref<2x10000x128xf32, #tpu.memory_space<hbm>> -> memref<1x10000x128xf32, #tpu.memory_space<hbm>>
      %dma_wait3A_309 = tpu.memref_squeeze %dma_wait3A_308 : memref<1x10000x128xf32, #tpu.memory_space<hbm>> -> memref<10000x128xf32, #tpu.memory_space<hbm>>
      %dma_wait3A_310 = arith.constant 0 : i32
      %dma_wait3A_311 = tpu.memref_slice %dma_wait3A_309[%add3A_104, %dma_wait3A_310] : memref<10000x128xf32, #tpu.memory_space<hbm>> -> memref<128x128xf32, #tpu.memory_space<hbm>>
      %dma_wait3A_312 = arith.constant 0 : i32
      %dma_wait3A_313 = arith.constant 0 : i32
      %dma_wait3A_314 = tpu.memref_slice %arg7[%dma_wait3A_312, %dma_wait3A_313] : memref<128x128xf32, #tpu.memory_space<vmem>> -> memref<128x128xf32, #tpu.memory_space<vmem>>
      tpu.wait_dma2 semaphore(%arg19 : memref<!tpu.dma_semaphore, #tpu.memory_space<semaphore_mem>>) src(%dma_wait3A_314 : memref<128x128xf32, #tpu.memory_space<vmem>>) dst(%dma_wait3A_311 : memref<128x128xf32, #tpu.memory_space<hbm>>)
      %dma_start3A_315 = arith.constant 0 : i32
      %dma_start3A_316 = arith.constant 0 : i32
      %dma_start3A_317 = tpu.memref_slice %arg7[%dma_start3A_315, %dma_start3A_316] : memref<128x128xf32, #tpu.memory_space<vmem>> -> memref<128x128xf32, #tpu.memory_space<vmem>>
      %dma_start3A_318 = arith.constant 0 : i32
      %dma_start3A_319 = tpu.memref_slice %arg6[%add3A_108, %dma_start3A_318] : memref<10128x128xf32, #tpu.memory_space<vmem_shared>> -> memref<128x128xf32, #tpu.memory_space<vmem_shared>>
      %dma_start3A_320 = arith.constant 0 : i32
      %dma_start3A_321 = arith.constant 0 : i32
      %dma_start3A_322 = tpu.memref_slice %arg7[%dma_start3A_320, %dma_start3A_321] : memref<128x128xf32, #tpu.memory_space<vmem>> -> memref<128x128xf32, #tpu.memory_space<vmem>>
      %dma_start3A_323 = arith.constant 0 : i32
      %dma_start3A_324 = tpu.memref_slice %arg6[%add3A_108, %dma_start3A_323] : memref<10128x128xf32, #tpu.memory_space<vmem_shared>> -> memref<128x128xf32, #tpu.memory_space<vmem_shared>>
      tpu.enqueue_dma source(%dma_start3A_324 : memref<128x128xf32, #tpu.memory_space<vmem_shared>>) target(%dma_start3A_322 : memref<128x128xf32, #tpu.memory_space<vmem>>) target_semaphore(%arg17 : memref<!tpu.dma_semaphore, #tpu.memory_space<semaphore_mem>>)
      %dma_wait3A_325 = arith.constant 0 : i32
      %dma_wait3A_326 = arith.constant 0 : i32
      %dma_wait3A_327 = tpu.memref_slice %arg7[%dma_wait3A_325, %dma_wait3A_326] : memref<128x128xf32, #tpu.memory_space<vmem>> -> memref<128x128xf32, #tpu.memory_space<vmem>>
      %dma_wait3A_328 = arith.constant 0 : i32
      %dma_wait3A_329 = tpu.memref_slice %arg6[%add3A_108, %dma_wait3A_328] : memref<10128x128xf32, #tpu.memory_space<vmem_shared>> -> memref<128x128xf32, #tpu.memory_space<vmem_shared>>
      %dma_wait3A_330 = arith.constant 0 : i32
      %dma_wait3A_331 = arith.constant 0 : i32
      %dma_wait3A_332 = tpu.memref_slice %arg7[%dma_wait3A_330, %dma_wait3A_331] : memref<128x128xf32, #tpu.memory_space<vmem>> -> memref<128x128xf32, #tpu.memory_space<vmem>>
      %dma_wait3A_333 = arith.constant 0 : i32
      %dma_wait3A_334 = tpu.memref_slice %arg6[%add3A_108, %dma_wait3A_333] : memref<10128x128xf32, #tpu.memory_space<vmem_shared>> -> memref<128x128xf32, #tpu.memory_space<vmem_shared>>
      tpu.wait_dma2 semaphore(%arg17 : memref<!tpu.dma_semaphore, #tpu.memory_space<semaphore_mem>>) src(%dma_wait3A_334 : memref<128x128xf32, #tpu.memory_space<vmem_shared>>) dst(%dma_wait3A_332 : memref<128x128xf32, #tpu.memory_space<vmem>>)
      %dma_start3A_335 = arith.constant 0 : i32
      %dma_start3A_336 = arith.constant 0 : i32
      %dma_start3A_337 = tpu.memref_slice %arg7[%dma_start3A_335, %dma_start3A_336] : memref<128x128xf32, #tpu.memory_space<vmem>> -> memref<128x128xf32, #tpu.memory_space<vmem>>
      %dma_start3A_338 = arith.constant 0 : i32
      %dma_start3A_339 = arith.constant 0 : i32
      %dma_start3A_340 = tpu.memref_slice %arg5[%arg0, %dma_start3A_338, %dma_start3A_339] : memref<2x10000x128xf32, #tpu.memory_space<hbm>> -> memref<1x10000x128xf32, #tpu.memory_space<hbm>>
      %dma_start3A_341 = tpu.memref_squeeze %dma_start3A_340 : memref<1x10000x128xf32, #tpu.memory_space<hbm>> -> memref<10000x128xf32, #tpu.memory_space<hbm>>
      %dma_start3A_342 = arith.constant 0 : i32
      %dma_start3A_343 = tpu.memref_slice %dma_start3A_341[%add3A_108, %dma_start3A_342] : memref<10000x128xf32, #tpu.memory_space<hbm>> -> memref<128x128xf32, #tpu.memory_space<hbm>>
      %dma_start3A_344 = arith.constant 0 : i32
      %dma_start3A_345 = arith.constant 0 : i32
      %dma_start3A_346 = tpu.memref_slice %arg5[%arg0, %dma_start3A_344, %dma_start3A_345] : memref<2x10000x128xf32, #tpu.memory_space<hbm>> -> memref<1x10000x128xf32, #tpu.memory_space<hbm>>
      %dma_start3A_347 = tpu.memref_squeeze %dma_start3A_346 : memref<1x10000x128xf32, #tpu.memory_space<hbm>> -> memref<10000x128xf32, #tpu.memory_space<hbm>>
      %dma_start3A_348 = arith.constant 0 : i32
      %dma_start3A_349 = tpu.memref_slice %dma_start3A_347[%add3A_108, %dma_start3A_348] : memref<10000x128xf32, #tpu.memory_space<hbm>> -> memref<128x128xf32, #tpu.memory_space<hbm>>
      %dma_start3A_350 = arith.constant 0 : i32
      %dma_start3A_351 = arith.constant 0 : i32
      %dma_start3A_352 = tpu.memref_slice %arg7[%dma_start3A_350, %dma_start3A_351] : memref<128x128xf32, #tpu.memory_space<vmem>> -> memref<128x128xf32, #tpu.memory_space<vmem>>
      tpu.enqueue_dma source(%dma_start3A_352 : memref<128x128xf32, #tpu.memory_space<vmem>>) target(%dma_start3A_349 : memref<128x128xf32, #tpu.memory_space<hbm>>) target_semaphore(%arg19 : memref<!tpu.dma_semaphore, #tpu.memory_space<semaphore_mem>>)
      %dma_wait3A_353 = arith.constant 0 : i32
      %dma_wait3A_354 = arith.constant 0 : i32
      %dma_wait3A_355 = tpu.memref_slice %arg8[%dma_wait3A_353, %dma_wait3A_354] : memref<128x128xf32, #tpu.memory_space<vmem>> -> memref<128x128xf32, #tpu.memory_space<vmem>>
      %dma_wait3A_356 = arith.constant 0 : i32
      %dma_wait3A_357 = arith.constant 0 : i32
      %dma_wait3A_358 = tpu.memref_slice %arg5[%arg0, %dma_wait3A_356, %dma_wait3A_357] : memref<2x10000x128xf32, #tpu.memory_space<hbm>> -> memref<1x10000x128xf32, #tpu.memory_space<hbm>>
      %dma_wait3A_359 = tpu.memref_squeeze %dma_wait3A_358 : memref<1x10000x128xf32, #tpu.memory_space<hbm>> -> memref<10000x128xf32, #tpu.memory_space<hbm>>
      %dma_wait3A_360 = arith.constant 0 : i32
      %dma_wait3A_361 = tpu.memref_slice %dma_wait3A_359[%add3A_106, %dma_wait3A_360] : memref<10000x128xf32, #tpu.memory_space<hbm>> -> memref<128x128xf32, #tpu.memory_space<hbm>>
      %dma_wait3A_362 = arith.constant 0 : i32
      %dma_wait3A_363 = arith.constant 0 : i32
      %dma_wait3A_364 = tpu.memref_slice %arg5[%arg0, %dma_wait3A_362, %dma_wait3A_363] : memref<2x10000x128xf32, #tpu.memory_space<hbm>> -> memref<1x10000x128xf32, #tpu.memory_space<hbm>>
      %dma_wait3A_365 = tpu.memref_squeeze %dma_wait3A_364 : memref<1x10000x128xf32, #tpu.memory_space<hbm>> -> memref<10000x128xf32, #tpu.memory_space<hbm>>
      %dma_wait3A_366 = arith.constant 0 : i32
      %dma_wait3A_367 = tpu.memref_slice %dma_wait3A_365[%add3A_106, %dma_wait3A_366] : memref<10000x128xf32, #tpu.memory_space<hbm>> -> memref<128x128xf32, #tpu.memory_space<hbm>>
      %dma_wait3A_368 = arith.constant 0 : i32
      %dma_wait3A_369 = arith.constant 0 : i32
      %dma_wait3A_370 = tpu.memref_slice %arg8[%dma_wait3A_368, %dma_wait3A_369] : memref<128x128xf32, #tpu.memory_space<vmem>> -> memref<128x128xf32, #tpu.memory_space<vmem>>
      tpu.wait_dma2 semaphore(%arg20 : memref<!tpu.dma_semaphore, #tpu.memory_space<semaphore_mem>>) src(%dma_wait3A_370 : memref<128x128xf32, #tpu.memory_space<vmem>>) dst(%dma_wait3A_367 : memref<128x128xf32, #tpu.memory_space<hbm>>)
      %dma_wait3A_371 = arith.constant 0 : i32
      %dma_wait3A_372 = arith.constant 0 : i32
      %dma_wait3A_373 = tpu.memref_slice %arg7[%dma_wait3A_371, %dma_wait3A_372] : memref<128x128xf32, #tpu.memory_space<vmem>> -> memref<128x128xf32, #tpu.memory_space<vmem>>
      %dma_wait3A_374 = arith.constant 0 : i32
      %dma_wait3A_375 = arith.constant 0 : i32
      %dma_wait3A_376 = tpu.memref_slice %arg5[%arg0, %dma_wait3A_374, %dma_wait3A_375] : memref<2x10000x128xf32, #tpu.memory_space<hbm>> -> memref<1x10000x128xf32, #tpu.memory_space<hbm>>
      %dma_wait3A_377 = tpu.memref_squeeze %dma_wait3A_376 : memref<1x10000x128xf32, #tpu.memory_space<hbm>> -> memref<10000x128xf32, #tpu.memory_space<hbm>>
      %dma_wait3A_378 = arith.constant 0 : i32
      %dma_wait3A_379 = tpu.memref_slice %dma_wait3A_377[%add3A_108, %dma_wait3A_378] : memref<10000x128xf32, #tpu.memory_space<hbm>> -> memref<128x128xf32, #tpu.memory_space<hbm>>
      %dma_wait3A_380 = arith.constant 0 : i32
      %dma_wait3A_381 = arith.constant 0 : i32
      %dma_wait3A_382 = tpu.memref_slice %arg5[%arg0, %dma_wait3A_380, %dma_wait3A_381] : memref<2x10000x128xf32, #tpu.memory_space<hbm>> -> memref<1x10000x128xf32, #tpu.memory_space<hbm>>
      %dma_wait3A_383 = tpu.memref_squeeze %dma_wait3A_382 : memref<1x10000x128xf32, #tpu.memory_space<hbm>> -> memref<10000x128xf32, #tpu.memory_space<hbm>>
      %dma_wait3A_384 = arith.constant 0 : i32
      %dma_wait3A_385 = tpu.memref_slice %dma_wait3A_383[%add3A_108, %dma_wait3A_384] : memref<10000x128xf32, #tpu.memory_space<hbm>> -> memref<128x128xf32, #tpu.memory_space<hbm>>
      %dma_wait3A_386 = arith.constant 0 : i32
      %dma_wait3A_387 = arith.constant 0 : i32
      %dma_wait3A_388 = tpu.memref_slice %arg7[%dma_wait3A_386, %dma_wait3A_387] : memref<128x128xf32, #tpu.memory_space<vmem>> -> memref<128x128xf32, #tpu.memory_space<vmem>>
      tpu.wait_dma2 semaphore(%arg19 : memref<!tpu.dma_semaphore, #tpu.memory_space<semaphore_mem>>) src(%dma_wait3A_388 : memref<128x128xf32, #tpu.memory_space<vmem>>) dst(%dma_wait3A_385 : memref<128x128xf32, #tpu.memory_space<hbm>>)
    } else {
    }
    %eq3A_92 = arith.constant 15 : i32
    %eq3A_93 = arith.cmpi eq, %arg1, %eq3A_92 : i32
    %convert_element_type3A_94 = arith.extui %eq3A_93 : i1 to i32
    %cond3A_95 = arith.constant 0 : i32
    %cond3A_96 = arith.cmpi ne, %convert_element_type3A_94, %cond3A_95 : i32
    scf.if %cond3A_96 {
      %dma_start3A_97 = arith.constant 0 : i32
      %dma_start3A_98 = arith.constant 0 : i32
      %dma_start3A_99 = tpu.memref_slice %arg7[%dma_start3A_97, %dma_start3A_98] : memref<128x128xf32, #tpu.memory_space<vmem>> -> memref<128x128xf32, #tpu.memory_space<vmem>>
      %dma_start3A_100 = arith.constant 9600 : i32
      %dma_start3A_101 = arith.constant 0 : i32
      %dma_start3A_102 = tpu.memref_slice %arg6[%dma_start3A_100, %dma_start3A_101] : memref<10128x128xf32, #tpu.memory_space<vmem_shared>> -> memref<128x128xf32, #tpu.memory_space<vmem_shared>>
      %dma_start3A_103 = arith.constant 0 : i32
      %dma_start3A_104 = arith.constant 0 : i32
      %dma_start3A_105 = tpu.memref_slice %arg7[%dma_start3A_103, %dma_start3A_104] : memref<128x128xf32, #tpu.memory_space<vmem>> -> memref<128x128xf32, #tpu.memory_space<vmem>>
      %dma_start3A_106 = arith.constant 9600 : i32
      %dma_start3A_107 = arith.constant 0 : i32
      %dma_start3A_108 = tpu.memref_slice %arg6[%dma_start3A_106, %dma_start3A_107] : memref<10128x128xf32, #tpu.memory_space<vmem_shared>> -> memref<128x128xf32, #tpu.memory_space<vmem_shared>>
      tpu.enqueue_dma source(%dma_start3A_108 : memref<128x128xf32, #tpu.memory_space<vmem_shared>>) target(%dma_start3A_105 : memref<128x128xf32, #tpu.memory_space<vmem>>) target_semaphore(%arg17 : memref<!tpu.dma_semaphore, #tpu.memory_space<semaphore_mem>>)
      %dma_wait3A_109 = arith.constant 0 : i32
      %dma_wait3A_110 = arith.constant 0 : i32
      %dma_wait3A_111 = tpu.memref_slice %arg7[%dma_wait3A_109, %dma_wait3A_110] : memref<128x128xf32, #tpu.memory_space<vmem>> -> memref<128x128xf32, #tpu.memory_space<vmem>>
      %dma_wait3A_112 = arith.constant 9600 : i32
      %dma_wait3A_113 = arith.constant 0 : i32
      %dma_wait3A_114 = tpu.memref_slice %arg6[%dma_wait3A_112, %dma_wait3A_113] : memref<10128x128xf32, #tpu.memory_space<vmem_shared>> -> memref<128x128xf32, #tpu.memory_space<vmem_shared>>
      %dma_wait3A_115 = arith.constant 0 : i32
      %dma_wait3A_116 = arith.constant 0 : i32
      %dma_wait3A_117 = tpu.memref_slice %arg7[%dma_wait3A_115, %dma_wait3A_116] : memref<128x128xf32, #tpu.memory_space<vmem>> -> memref<128x128xf32, #tpu.memory_space<vmem>>
      %dma_wait3A_118 = arith.constant 9600 : i32
      %dma_wait3A_119 = arith.constant 0 : i32
      %dma_wait3A_120 = tpu.memref_slice %arg6[%dma_wait3A_118, %dma_wait3A_119] : memref<10128x128xf32, #tpu.memory_space<vmem_shared>> -> memref<128x128xf32, #tpu.memory_space<vmem_shared>>
      tpu.wait_dma2 semaphore(%arg17 : memref<!tpu.dma_semaphore, #tpu.memory_space<semaphore_mem>>) src(%dma_wait3A_120 : memref<128x128xf32, #tpu.memory_space<vmem_shared>>) dst(%dma_wait3A_117 : memref<128x128xf32, #tpu.memory_space<vmem>>)
      %dma_start3A_121 = arith.constant 0 : i32
      %dma_start3A_122 = arith.constant 0 : i32
      %dma_start3A_123 = tpu.memref_slice %arg7[%dma_start3A_121, %dma_start3A_122] : memref<128x128xf32, #tpu.memory_space<vmem>> -> memref<128x128xf32, #tpu.memory_space<vmem>>
      %dma_start3A_124 = arith.constant 0 : i32
      %dma_start3A_125 = arith.constant 0 : i32
      %dma_start3A_126 = tpu.memref_slice %arg5[%arg0, %dma_start3A_124, %dma_start3A_125] : memref<2x10000x128xf32, #tpu.memory_space<hbm>> -> memref<1x10000x128xf32, #tpu.memory_space<hbm>>
      %dma_start3A_127 = tpu.memref_squeeze %dma_start3A_126 : memref<1x10000x128xf32, #tpu.memory_space<hbm>> -> memref<10000x128xf32, #tpu.memory_space<hbm>>
      %dma_start3A_128 = arith.constant 9600 : i32
      %dma_start3A_129 = arith.constant 0 : i32
      %dma_start3A_130 = tpu.memref_slice %dma_start3A_127[%dma_start3A_128, %dma_start3A_129] : memref<10000x128xf32, #tpu.memory_space<hbm>> -> memref<128x128xf32, #tpu.memory_space<hbm>>
      %dma_start3A_131 = arith.constant 0 : i32
      %dma_start3A_132 = arith.constant 0 : i32
      %dma_start3A_133 = tpu.memref_slice %arg5[%arg0, %dma_start3A_131, %dma_start3A_132] : memref<2x10000x128xf32, #tpu.memory_space<hbm>> -> memref<1x10000x128xf32, #tpu.memory_space<hbm>>
      %dma_start3A_134 = tpu.memref_squeeze %dma_start3A_133 : memref<1x10000x128xf32, #tpu.memory_space<hbm>> -> memref<10000x128xf32, #tpu.memory_space<hbm>>
      %dma_start3A_135 = arith.constant 9600 : i32
      %dma_start3A_136 = arith.constant 0 : i32
      %dma_start3A_137 = tpu.memref_slice %dma_start3A_134[%dma_start3A_135, %dma_start3A_136] : memref<10000x128xf32, #tpu.memory_space<hbm>> -> memref<128x128xf32, #tpu.memory_space<hbm>>
      %dma_start3A_138 = arith.constant 0 : i32
      %dma_start3A_139 = arith.constant 0 : i32
      %dma_start3A_140 = tpu.memref_slice %arg7[%dma_start3A_138, %dma_start3A_139] : memref<128x128xf32, #tpu.memory_space<vmem>> -> memref<128x128xf32, #tpu.memory_space<vmem>>
      tpu.enqueue_dma source(%dma_start3A_140 : memref<128x128xf32, #tpu.memory_space<vmem>>) target(%dma_start3A_137 : memref<128x128xf32, #tpu.memory_space<hbm>>) target_semaphore(%arg19 : memref<!tpu.dma_semaphore, #tpu.memory_space<semaphore_mem>>)
      %dma_start3A_141 = arith.constant 0 : i32
      %dma_start3A_142 = arith.constant 0 : i32
      %dma_start3A_143 = tpu.memref_slice %arg8[%dma_start3A_141, %dma_start3A_142] : memref<128x128xf32, #tpu.memory_space<vmem>> -> memref<128x128xf32, #tpu.memory_space<vmem>>
      %dma_start3A_144 = arith.constant 9728 : i32
      %dma_start3A_145 = arith.constant 0 : i32
      %dma_start3A_146 = tpu.memref_slice %arg6[%dma_start3A_144, %dma_start3A_145] : memref<10128x128xf32, #tpu.memory_space<vmem_shared>> -> memref<128x128xf32, #tpu.memory_space<vmem_shared>>
      %dma_start3A_147 = arith.constant 0 : i32
      %dma_start3A_148 = arith.constant 0 : i32
      %dma_start3A_149 = tpu.memref_slice %arg8[%dma_start3A_147, %dma_start3A_148] : memref<128x128xf32, #tpu.memory_space<vmem>> -> memref<128x128xf32, #tpu.memory_space<vmem>>
      %dma_start3A_150 = arith.constant 9728 : i32
      %dma_start3A_151 = arith.constant 0 : i32
      %dma_start3A_152 = tpu.memref_slice %arg6[%dma_start3A_150, %dma_start3A_151] : memref<10128x128xf32, #tpu.memory_space<vmem_shared>> -> memref<128x128xf32, #tpu.memory_space<vmem_shared>>
      tpu.enqueue_dma source(%dma_start3A_152 : memref<128x128xf32, #tpu.memory_space<vmem_shared>>) target(%dma_start3A_149 : memref<128x128xf32, #tpu.memory_space<vmem>>) target_semaphore(%arg18 : memref<!tpu.dma_semaphore, #tpu.memory_space<semaphore_mem>>)
      %dma_wait3A_153 = arith.constant 0 : i32
      %dma_wait3A_154 = arith.constant 0 : i32
      %dma_wait3A_155 = tpu.memref_slice %arg8[%dma_wait3A_153, %dma_wait3A_154] : memref<128x128xf32, #tpu.memory_space<vmem>> -> memref<128x128xf32, #tpu.memory_space<vmem>>
      %dma_wait3A_156 = arith.constant 9728 : i32
      %dma_wait3A_157 = arith.constant 0 : i32
      %dma_wait3A_158 = tpu.memref_slice %arg6[%dma_wait3A_156, %dma_wait3A_157] : memref<10128x128xf32, #tpu.memory_space<vmem_shared>> -> memref<128x128xf32, #tpu.memory_space<vmem_shared>>
      %dma_wait3A_159 = arith.constant 0 : i32
      %dma_wait3A_160 = arith.constant 0 : i32
      %dma_wait3A_161 = tpu.memref_slice %arg8[%dma_wait3A_159, %dma_wait3A_160] : memref<128x128xf32, #tpu.memory_space<vmem>> -> memref<128x128xf32, #tpu.memory_space<vmem>>
      %dma_wait3A_162 = arith.constant 9728 : i32
      %dma_wait3A_163 = arith.constant 0 : i32
      %dma_wait3A_164 = tpu.memref_slice %arg6[%dma_wait3A_162, %dma_wait3A_163] : memref<10128x128xf32, #tpu.memory_space<vmem_shared>> -> memref<128x128xf32, #tpu.memory_space<vmem_shared>>
      tpu.wait_dma2 semaphore(%arg18 : memref<!tpu.dma_semaphore, #tpu.memory_space<semaphore_mem>>) src(%dma_wait3A_164 : memref<128x128xf32, #tpu.memory_space<vmem_shared>>) dst(%dma_wait3A_161 : memref<128x128xf32, #tpu.memory_space<vmem>>)
      %dma_start3A_165 = arith.constant 0 : i32
      %dma_start3A_166 = arith.constant 0 : i32
      %dma_start3A_167 = tpu.memref_slice %arg8[%dma_start3A_165, %dma_start3A_166] : memref<128x128xf32, #tpu.memory_space<vmem>> -> memref<128x128xf32, #tpu.memory_space<vmem>>
      %dma_start3A_168 = arith.constant 0 : i32
      %dma_start3A_169 = arith.constant 0 : i32
      %dma_start3A_170 = tpu.memref_slice %arg5[%arg0, %dma_start3A_168, %dma_start3A_169] : memref<2x10000x128xf32, #tpu.memory_space<hbm>> -> memref<1x10000x128xf32, #tpu.memory_space<hbm>>
      %dma_start3A_171 = tpu.memref_squeeze %dma_start3A_170 : memref<1x10000x128xf32, #tpu.memory_space<hbm>> -> memref<10000x128xf32, #tpu.memory_space<hbm>>
      %dma_start3A_172 = arith.constant 9728 : i32
      %dma_start3A_173 = arith.constant 0 : i32
      %dma_start3A_174 = tpu.memref_slice %dma_start3A_171[%dma_start3A_172, %dma_start3A_173] : memref<10000x128xf32, #tpu.memory_space<hbm>> -> memref<128x128xf32, #tpu.memory_space<hbm>>
      %dma_start3A_175 = arith.constant 0 : i32
      %dma_start3A_176 = arith.constant 0 : i32
      %dma_start3A_177 = tpu.memref_slice %arg5[%arg0, %dma_start3A_175, %dma_start3A_176] : memref<2x10000x128xf32, #tpu.memory_space<hbm>> -> memref<1x10000x128xf32, #tpu.memory_space<hbm>>
      %dma_start3A_178 = tpu.memref_squeeze %dma_start3A_177 : memref<1x10000x128xf32, #tpu.memory_space<hbm>> -> memref<10000x128xf32, #tpu.memory_space<hbm>>
      %dma_start3A_179 = arith.constant 9728 : i32
      %dma_start3A_180 = arith.constant 0 : i32
      %dma_start3A_181 = tpu.memref_slice %dma_start3A_178[%dma_start3A_179, %dma_start3A_180] : memref<10000x128xf32, #tpu.memory_space<hbm>> -> memref<128x128xf32, #tpu.memory_space<hbm>>
      %dma_start3A_182 = arith.constant 0 : i32
      %dma_start3A_183 = arith.constant 0 : i32
      %dma_start3A_184 = tpu.memref_slice %arg8[%dma_start3A_182, %dma_start3A_183] : memref<128x128xf32, #tpu.memory_space<vmem>> -> memref<128x128xf32, #tpu.memory_space<vmem>>
      tpu.enqueue_dma source(%dma_start3A_184 : memref<128x128xf32, #tpu.memory_space<vmem>>) target(%dma_start3A_181 : memref<128x128xf32, #tpu.memory_space<hbm>>) target_semaphore(%arg20 : memref<!tpu.dma_semaphore, #tpu.memory_space<semaphore_mem>>)
      %dma_wait3A_185 = arith.constant 0 : i32
      %dma_wait3A_186 = arith.constant 0 : i32
      %dma_wait3A_187 = tpu.memref_slice %arg7[%dma_wait3A_185, %dma_wait3A_186] : memref<128x128xf32, #tpu.memory_space<vmem>> -> memref<128x128xf32, #tpu.memory_space<vmem>>
      %dma_wait3A_188 = arith.constant 0 : i32
      %dma_wait3A_189 = arith.constant 0 : i32
      %dma_wait3A_190 = tpu.memref_slice %arg5[%arg0, %dma_wait3A_188, %dma_wait3A_189] : memref<2x10000x128xf32, #tpu.memory_space<hbm>> -> memref<1x10000x128xf32, #tpu.memory_space<hbm>>
      %dma_wait3A_191 = tpu.memref_squeeze %dma_wait3A_190 : memref<1x10000x128xf32, #tpu.memory_space<hbm>> -> memref<10000x128xf32, #tpu.memory_space<hbm>>
      %dma_wait3A_192 = arith.constant 9600 : i32
      %dma_wait3A_193 = arith.constant 0 : i32
      %dma_wait3A_194 = tpu.memref_slice %dma_wait3A_191[%dma_wait3A_192, %dma_wait3A_193] : memref<10000x128xf32, #tpu.memory_space<hbm>> -> memref<128x128xf32, #tpu.memory_space<hbm>>
      %dma_wait3A_195 = arith.constant 0 : i32
      %dma_wait3A_196 = arith.constant 0 : i32
      %dma_wait3A_197 = tpu.memref_slice %arg5[%arg0, %dma_wait3A_195, %dma_wait3A_196] : memref<2x10000x128xf32, #tpu.memory_space<hbm>> -> memref<1x10000x128xf32, #tpu.memory_space<hbm>>
      %dma_wait3A_198 = tpu.memref_squeeze %dma_wait3A_197 : memref<1x10000x128xf32, #tpu.memory_space<hbm>> -> memref<10000x128xf32, #tpu.memory_space<hbm>>
      %dma_wait3A_199 = arith.constant 9600 : i32
      %dma_wait3A_200 = arith.constant 0 : i32
      %dma_wait3A_201 = tpu.memref_slice %dma_wait3A_198[%dma_wait3A_199, %dma_wait3A_200] : memref<10000x128xf32, #tpu.memory_space<hbm>> -> memref<128x128xf32, #tpu.memory_space<hbm>>
      %dma_wait3A_202 = arith.constant 0 : i32
      %dma_wait3A_203 = arith.constant 0 : i32
      %dma_wait3A_204 = tpu.memref_slice %arg7[%dma_wait3A_202, %dma_wait3A_203] : memref<128x128xf32, #tpu.memory_space<vmem>> -> memref<128x128xf32, #tpu.memory_space<vmem>>
      tpu.wait_dma2 semaphore(%arg19 : memref<!tpu.dma_semaphore, #tpu.memory_space<semaphore_mem>>) src(%dma_wait3A_204 : memref<128x128xf32, #tpu.memory_space<vmem>>) dst(%dma_wait3A_201 : memref<128x128xf32, #tpu.memory_space<hbm>>)
      %dma_start3A_205 = arith.constant 0 : i32
      %dma_start3A_206 = arith.constant 0 : i32
      %dma_start3A_207 = tpu.memref_slice %arg7[%dma_start3A_205, %dma_start3A_206] : memref<128x128xf32, #tpu.memory_space<vmem>> -> memref<128x128xf32, #tpu.memory_space<vmem>>
      %dma_start3A_208 = arith.constant 9856 : i32
      %dma_start3A_209 = arith.constant 0 : i32
      %dma_start3A_210 = tpu.memref_slice %arg6[%dma_start3A_208, %dma_start3A_209] : memref<10128x128xf32, #tpu.memory_space<vmem_shared>> -> memref<128x128xf32, #tpu.memory_space<vmem_shared>>
      %dma_start3A_211 = arith.constant 0 : i32
      %dma_start3A_212 = arith.constant 0 : i32
      %dma_start3A_213 = tpu.memref_slice %arg7[%dma_start3A_211, %dma_start3A_212] : memref<128x128xf32, #tpu.memory_space<vmem>> -> memref<128x128xf32, #tpu.memory_space<vmem>>
      %dma_start3A_214 = arith.constant 9856 : i32
      %dma_start3A_215 = arith.constant 0 : i32
      %dma_start3A_216 = tpu.memref_slice %arg6[%dma_start3A_214, %dma_start3A_215] : memref<10128x128xf32, #tpu.memory_space<vmem_shared>> -> memref<128x128xf32, #tpu.memory_space<vmem_shared>>
      tpu.enqueue_dma source(%dma_start3A_216 : memref<128x128xf32, #tpu.memory_space<vmem_shared>>) target(%dma_start3A_213 : memref<128x128xf32, #tpu.memory_space<vmem>>) target_semaphore(%arg17 : memref<!tpu.dma_semaphore, #tpu.memory_space<semaphore_mem>>)
      %dma_wait3A_217 = arith.constant 0 : i32
      %dma_wait3A_218 = arith.constant 0 : i32
      %dma_wait3A_219 = tpu.memref_slice %arg7[%dma_wait3A_217, %dma_wait3A_218] : memref<128x128xf32, #tpu.memory_space<vmem>> -> memref<128x128xf32, #tpu.memory_space<vmem>>
      %dma_wait3A_220 = arith.constant 9856 : i32
      %dma_wait3A_221 = arith.constant 0 : i32
      %dma_wait3A_222 = tpu.memref_slice %arg6[%dma_wait3A_220, %dma_wait3A_221] : memref<10128x128xf32, #tpu.memory_space<vmem_shared>> -> memref<128x128xf32, #tpu.memory_space<vmem_shared>>
      %dma_wait3A_223 = arith.constant 0 : i32
      %dma_wait3A_224 = arith.constant 0 : i32
      %dma_wait3A_225 = tpu.memref_slice %arg7[%dma_wait3A_223, %dma_wait3A_224] : memref<128x128xf32, #tpu.memory_space<vmem>> -> memref<128x128xf32, #tpu.memory_space<vmem>>
      %dma_wait3A_226 = arith.constant 9856 : i32
      %dma_wait3A_227 = arith.constant 0 : i32
      %dma_wait3A_228 = tpu.memref_slice %arg6[%dma_wait3A_226, %dma_wait3A_227] : memref<10128x128xf32, #tpu.memory_space<vmem_shared>> -> memref<128x128xf32, #tpu.memory_space<vmem_shared>>
      tpu.wait_dma2 semaphore(%arg17 : memref<!tpu.dma_semaphore, #tpu.memory_space<semaphore_mem>>) src(%dma_wait3A_228 : memref<128x128xf32, #tpu.memory_space<vmem_shared>>) dst(%dma_wait3A_225 : memref<128x128xf32, #tpu.memory_space<vmem>>)
      %dma_start3A_229 = arith.constant 0 : i32
      %dma_start3A_230 = arith.constant 0 : i32
      %dma_start3A_231 = tpu.memref_slice %arg7[%dma_start3A_229, %dma_start3A_230] : memref<128x128xf32, #tpu.memory_space<vmem>> -> memref<128x128xf32, #tpu.memory_space<vmem>>
      %dma_start3A_232 = arith.constant 0 : i32
      %dma_start3A_233 = arith.constant 0 : i32
      %dma_start3A_234 = tpu.memref_slice %arg5[%arg0, %dma_start3A_232, %dma_start3A_233] : memref<2x10000x128xf32, #tpu.memory_space<hbm>> -> memref<1x10000x128xf32, #tpu.memory_space<hbm>>
      %dma_start3A_235 = tpu.memref_squeeze %dma_start3A_234 : memref<1x10000x128xf32, #tpu.memory_space<hbm>> -> memref<10000x128xf32, #tpu.memory_space<hbm>>
      %dma_start3A_236 = arith.constant 9856 : i32
      %dma_start3A_237 = arith.constant 0 : i32
      %dma_start3A_238 = tpu.memref_slice %dma_start3A_235[%dma_start3A_236, %dma_start3A_237] : memref<10000x128xf32, #tpu.memory_space<hbm>> -> memref<128x128xf32, #tpu.memory_space<hbm>>
      %dma_start3A_239 = arith.constant 0 : i32
      %dma_start3A_240 = arith.constant 0 : i32
      %dma_start3A_241 = tpu.memref_slice %arg5[%arg0, %dma_start3A_239, %dma_start3A_240] : memref<2x10000x128xf32, #tpu.memory_space<hbm>> -> memref<1x10000x128xf32, #tpu.memory_space<hbm>>
      %dma_start3A_242 = tpu.memref_squeeze %dma_start3A_241 : memref<1x10000x128xf32, #tpu.memory_space<hbm>> -> memref<10000x128xf32, #tpu.memory_space<hbm>>
      %dma_start3A_243 = arith.constant 9856 : i32
      %dma_start3A_244 = arith.constant 0 : i32
      %dma_start3A_245 = tpu.memref_slice %dma_start3A_242[%dma_start3A_243, %dma_start3A_244] : memref<10000x128xf32, #tpu.memory_space<hbm>> -> memref<128x128xf32, #tpu.memory_space<hbm>>
      %dma_start3A_246 = arith.constant 0 : i32
      %dma_start3A_247 = arith.constant 0 : i32
      %dma_start3A_248 = tpu.memref_slice %arg7[%dma_start3A_246, %dma_start3A_247] : memref<128x128xf32, #tpu.memory_space<vmem>> -> memref<128x128xf32, #tpu.memory_space<vmem>>
      tpu.enqueue_dma source(%dma_start3A_248 : memref<128x128xf32, #tpu.memory_space<vmem>>) target(%dma_start3A_245 : memref<128x128xf32, #tpu.memory_space<hbm>>) target_semaphore(%arg19 : memref<!tpu.dma_semaphore, #tpu.memory_space<semaphore_mem>>)
      %dma_wait3A_249 = arith.constant 0 : i32
      %dma_wait3A_250 = arith.constant 0 : i32
      %dma_wait3A_251 = tpu.memref_slice %arg8[%dma_wait3A_249, %dma_wait3A_250] : memref<128x128xf32, #tpu.memory_space<vmem>> -> memref<128x128xf32, #tpu.memory_space<vmem>>
      %dma_wait3A_252 = arith.constant 0 : i32
      %dma_wait3A_253 = arith.constant 0 : i32
      %dma_wait3A_254 = tpu.memref_slice %arg5[%arg0, %dma_wait3A_252, %dma_wait3A_253] : memref<2x10000x128xf32, #tpu.memory_space<hbm>> -> memref<1x10000x128xf32, #tpu.memory_space<hbm>>
      %dma_wait3A_255 = tpu.memref_squeeze %dma_wait3A_254 : memref<1x10000x128xf32, #tpu.memory_space<hbm>> -> memref<10000x128xf32, #tpu.memory_space<hbm>>
      %dma_wait3A_256 = arith.constant 9728 : i32
      %dma_wait3A_257 = arith.constant 0 : i32
      %dma_wait3A_258 = tpu.memref_slice %dma_wait3A_255[%dma_wait3A_256, %dma_wait3A_257] : memref<10000x128xf32, #tpu.memory_space<hbm>> -> memref<128x128xf32, #tpu.memory_space<hbm>>
      %dma_wait3A_259 = arith.constant 0 : i32
      %dma_wait3A_260 = arith.constant 0 : i32
      %dma_wait3A_261 = tpu.memref_slice %arg5[%arg0, %dma_wait3A_259, %dma_wait3A_260] : memref<2x10000x128xf32, #tpu.memory_space<hbm>> -> memref<1x10000x128xf32, #tpu.memory_space<hbm>>
      %dma_wait3A_262 = tpu.memref_squeeze %dma_wait3A_261 : memref<1x10000x128xf32, #tpu.memory_space<hbm>> -> memref<10000x128xf32, #tpu.memory_space<hbm>>
      %dma_wait3A_263 = arith.constant 9728 : i32
      %dma_wait3A_264 = arith.constant 0 : i32
      %dma_wait3A_265 = tpu.memref_slice %dma_wait3A_262[%dma_wait3A_263, %dma_wait3A_264] : memref<10000x128xf32, #tpu.memory_space<hbm>> -> memref<128x128xf32, #tpu.memory_space<hbm>>
      %dma_wait3A_266 = arith.constant 0 : i32
      %dma_wait3A_267 = arith.constant 0 : i32
      %dma_wait3A_268 = tpu.memref_slice %arg8[%dma_wait3A_266, %dma_wait3A_267] : memref<128x128xf32, #tpu.memory_space<vmem>> -> memref<128x128xf32, #tpu.memory_space<vmem>>
      tpu.wait_dma2 semaphore(%arg20 : memref<!tpu.dma_semaphore, #tpu.memory_space<semaphore_mem>>) src(%dma_wait3A_268 : memref<128x128xf32, #tpu.memory_space<vmem>>) dst(%dma_wait3A_265 : memref<128x128xf32, #tpu.memory_space<hbm>>)
      %dma_start3A_269 = arith.constant 0 : i32
      %dma_start3A_270 = arith.constant 0 : i32
      %dma_start3A_271 = tpu.memref_slice %arg8[%dma_start3A_269, %dma_start3A_270] : memref<128x128xf32, #tpu.memory_space<vmem>> -> memref<16x128xf32, #tpu.memory_space<vmem>>
      %dma_start3A_272 = arith.constant 9984 : i32
      %dma_start3A_273 = arith.constant 0 : i32
      %dma_start3A_274 = tpu.memref_slice %arg6[%dma_start3A_272, %dma_start3A_273] : memref<10128x128xf32, #tpu.memory_space<vmem_shared>> -> memref<16x128xf32, #tpu.memory_space<vmem_shared>>
      %dma_start3A_275 = arith.constant 0 : i32
      %dma_start3A_276 = arith.constant 0 : i32
      %dma_start3A_277 = tpu.memref_slice %arg8[%dma_start3A_275, %dma_start3A_276] : memref<128x128xf32, #tpu.memory_space<vmem>> -> memref<16x128xf32, #tpu.memory_space<vmem>>
      %dma_start3A_278 = arith.constant 9984 : i32
      %dma_start3A_279 = arith.constant 0 : i32
      %dma_start3A_280 = tpu.memref_slice %arg6[%dma_start3A_278, %dma_start3A_279] : memref<10128x128xf32, #tpu.memory_space<vmem_shared>> -> memref<16x128xf32, #tpu.memory_space<vmem_shared>>
      tpu.enqueue_dma source(%dma_start3A_280 : memref<16x128xf32, #tpu.memory_space<vmem_shared>>) target(%dma_start3A_277 : memref<16x128xf32, #tpu.memory_space<vmem>>) target_semaphore(%arg18 : memref<!tpu.dma_semaphore, #tpu.memory_space<semaphore_mem>>)
      %dma_wait3A_281 = arith.constant 0 : i32
      %dma_wait3A_282 = arith.constant 0 : i32
      %dma_wait3A_283 = tpu.memref_slice %arg8[%dma_wait3A_281, %dma_wait3A_282] : memref<128x128xf32, #tpu.memory_space<vmem>> -> memref<16x128xf32, #tpu.memory_space<vmem>>
      %dma_wait3A_284 = arith.constant 9984 : i32
      %dma_wait3A_285 = arith.constant 0 : i32
      %dma_wait3A_286 = tpu.memref_slice %arg6[%dma_wait3A_284, %dma_wait3A_285] : memref<10128x128xf32, #tpu.memory_space<vmem_shared>> -> memref<16x128xf32, #tpu.memory_space<vmem_shared>>
      %dma_wait3A_287 = arith.constant 0 : i32
      %dma_wait3A_288 = arith.constant 0 : i32
      %dma_wait3A_289 = tpu.memref_slice %arg8[%dma_wait3A_287, %dma_wait3A_288] : memref<128x128xf32, #tpu.memory_space<vmem>> -> memref<16x128xf32, #tpu.memory_space<vmem>>
      %dma_wait3A_290 = arith.constant 9984 : i32
      %dma_wait3A_291 = arith.constant 0 : i32
      %dma_wait3A_292 = tpu.memref_slice %arg6[%dma_wait3A_290, %dma_wait3A_291] : memref<10128x128xf32, #tpu.memory_space<vmem_shared>> -> memref<16x128xf32, #tpu.memory_space<vmem_shared>>
      tpu.wait_dma2 semaphore(%arg18 : memref<!tpu.dma_semaphore, #tpu.memory_space<semaphore_mem>>) src(%dma_wait3A_292 : memref<16x128xf32, #tpu.memory_space<vmem_shared>>) dst(%dma_wait3A_289 : memref<16x128xf32, #tpu.memory_space<vmem>>)
      %dma_start3A_293 = arith.constant 0 : i32
      %dma_start3A_294 = arith.constant 0 : i32
      %dma_start3A_295 = tpu.memref_slice %arg8[%dma_start3A_293, %dma_start3A_294] : memref<128x128xf32, #tpu.memory_space<vmem>> -> memref<16x128xf32, #tpu.memory_space<vmem>>
      %dma_start3A_296 = arith.constant 0 : i32
      %dma_start3A_297 = arith.constant 0 : i32
      %dma_start3A_298 = tpu.memref_slice %arg5[%arg0, %dma_start3A_296, %dma_start3A_297] : memref<2x10000x128xf32, #tpu.memory_space<hbm>> -> memref<1x10000x128xf32, #tpu.memory_space<hbm>>
      %dma_start3A_299 = tpu.memref_squeeze %dma_start3A_298 : memref<1x10000x128xf32, #tpu.memory_space<hbm>> -> memref<10000x128xf32, #tpu.memory_space<hbm>>
      %dma_start3A_300 = arith.constant 9984 : i32
      %dma_start3A_301 = arith.constant 0 : i32
      %dma_start3A_302 = tpu.memref_slice %dma_start3A_299[%dma_start3A_300, %dma_start3A_301] : memref<10000x128xf32, #tpu.memory_space<hbm>> -> memref<16x128xf32, #tpu.memory_space<hbm>>
      %dma_start3A_303 = arith.constant 0 : i32
      %dma_start3A_304 = arith.constant 0 : i32
      %dma_start3A_305 = tpu.memref_slice %arg5[%arg0, %dma_start3A_303, %dma_start3A_304] : memref<2x10000x128xf32, #tpu.memory_space<hbm>> -> memref<1x10000x128xf32, #tpu.memory_space<hbm>>
      %dma_start3A_306 = tpu.memref_squeeze %dma_start3A_305 : memref<1x10000x128xf32, #tpu.memory_space<hbm>> -> memref<10000x128xf32, #tpu.memory_space<hbm>>
      %dma_start3A_307 = arith.constant 9984 : i32
      %dma_start3A_308 = arith.constant 0 : i32
      %dma_start3A_309 = tpu.memref_slice %dma_start3A_306[%dma_start3A_307, %dma_start3A_308] : memref<10000x128xf32, #tpu.memory_space<hbm>> -> memref<16x128xf32, #tpu.memory_space<hbm>>
      %dma_start3A_310 = arith.constant 0 : i32
      %dma_start3A_311 = arith.constant 0 : i32
      %dma_start3A_312 = tpu.memref_slice %arg8[%dma_start3A_310, %dma_start3A_311] : memref<128x128xf32, #tpu.memory_space<vmem>> -> memref<16x128xf32, #tpu.memory_space<vmem>>
      tpu.enqueue_dma source(%dma_start3A_312 : memref<16x128xf32, #tpu.memory_space<vmem>>) target(%dma_start3A_309 : memref<16x128xf32, #tpu.memory_space<hbm>>) target_semaphore(%arg20 : memref<!tpu.dma_semaphore, #tpu.memory_space<semaphore_mem>>)
      %dma_wait3A_313 = arith.constant 0 : i32
      %dma_wait3A_314 = arith.constant 0 : i32
      %dma_wait3A_315 = tpu.memref_slice %arg7[%dma_wait3A_313, %dma_wait3A_314] : memref<128x128xf32, #tpu.memory_space<vmem>> -> memref<128x128xf32, #tpu.memory_space<vmem>>
      %dma_wait3A_316 = arith.constant 0 : i32
      %dma_wait3A_317 = arith.constant 0 : i32
      %dma_wait3A_318 = tpu.memref_slice %arg5[%arg0, %dma_wait3A_316, %dma_wait3A_317] : memref<2x10000x128xf32, #tpu.memory_space<hbm>> -> memref<1x10000x128xf32, #tpu.memory_space<hbm>>
      %dma_wait3A_319 = tpu.memref_squeeze %dma_wait3A_318 : memref<1x10000x128xf32, #tpu.memory_space<hbm>> -> memref<10000x128xf32, #tpu.memory_space<hbm>>
      %dma_wait3A_320 = arith.constant 9856 : i32
      %dma_wait3A_321 = arith.constant 0 : i32
      %dma_wait3A_322 = tpu.memref_slice %dma_wait3A_319[%dma_wait3A_320, %dma_wait3A_321] : memref<10000x128xf32, #tpu.memory_space<hbm>> -> memref<128x128xf32, #tpu.memory_space<hbm>>
      %dma_wait3A_323 = arith.constant 0 : i32
      %dma_wait3A_324 = arith.constant 0 : i32
      %dma_wait3A_325 = tpu.memref_slice %arg5[%arg0, %dma_wait3A_323, %dma_wait3A_324] : memref<2x10000x128xf32, #tpu.memory_space<hbm>> -> memref<1x10000x128xf32, #tpu.memory_space<hbm>>
      %dma_wait3A_326 = tpu.memref_squeeze %dma_wait3A_325 : memref<1x10000x128xf32, #tpu.memory_space<hbm>> -> memref<10000x128xf32, #tpu.memory_space<hbm>>
      %dma_wait3A_327 = arith.constant 9856 : i32
      %dma_wait3A_328 = arith.constant 0 : i32
      %dma_wait3A_329 = tpu.memref_slice %dma_wait3A_326[%dma_wait3A_327, %dma_wait3A_328] : memref<10000x128xf32, #tpu.memory_space<hbm>> -> memref<128x128xf32, #tpu.memory_space<hbm>>
      %dma_wait3A_330 = arith.constant 0 : i32
      %dma_wait3A_331 = arith.constant 0 : i32
      %dma_wait3A_332 = tpu.memref_slice %arg7[%dma_wait3A_330, %dma_wait3A_331] : memref<128x128xf32, #tpu.memory_space<vmem>> -> memref<128x128xf32, #tpu.memory_space<vmem>>
      tpu.wait_dma2 semaphore(%arg19 : memref<!tpu.dma_semaphore, #tpu.memory_space<semaphore_mem>>) src(%dma_wait3A_332 : memref<128x128xf32, #tpu.memory_space<vmem>>) dst(%dma_wait3A_329 : memref<128x128xf32, #tpu.memory_space<hbm>>)
      %dma_wait3A_333 = arith.constant 0 : i32
      %dma_wait3A_334 = arith.constant 0 : i32
      %dma_wait3A_335 = tpu.memref_slice %arg8[%dma_wait3A_333, %dma_wait3A_334] : memref<128x128xf32, #tpu.memory_space<vmem>> -> memref<16x128xf32, #tpu.memory_space<vmem>>
      %dma_wait3A_336 = arith.constant 0 : i32
      %dma_wait3A_337 = arith.constant 0 : i32
      %dma_wait3A_338 = tpu.memref_slice %arg5[%arg0, %dma_wait3A_336, %dma_wait3A_337] : memref<2x10000x128xf32, #tpu.memory_space<hbm>> -> memref<1x10000x128xf32, #tpu.memory_space<hbm>>
      %dma_wait3A_339 = tpu.memref_squeeze %dma_wait3A_338 : memref<1x10000x128xf32, #tpu.memory_space<hbm>> -> memref<10000x128xf32, #tpu.memory_space<hbm>>
      %dma_wait3A_340 = arith.constant 9984 : i32
      %dma_wait3A_341 = arith.constant 0 : i32
      %dma_wait3A_342 = tpu.memref_slice %dma_wait3A_339[%dma_wait3A_340, %dma_wait3A_341] : memref<10000x128xf32, #tpu.memory_space<hbm>> -> memref<16x128xf32, #tpu.memory_space<hbm>>
      %dma_wait3A_343 = arith.constant 0 : i32
      %dma_wait3A_344 = arith.constant 0 : i32
      %dma_wait3A_345 = tpu.memref_slice %arg5[%arg0, %dma_wait3A_343, %dma_wait3A_344] : memref<2x10000x128xf32, #tpu.memory_space<hbm>> -> memref<1x10000x128xf32, #tpu.memory_space<hbm>>
      %dma_wait3A_346 = tpu.memref_squeeze %dma_wait3A_345 : memref<1x10000x128xf32, #tpu.memory_space<hbm>> -> memref<10000x128xf32, #tpu.memory_space<hbm>>
      %dma_wait3A_347 = arith.constant 9984 : i32
      %dma_wait3A_348 = arith.constant 0 : i32
      %dma_wait3A_349 = tpu.memref_slice %dma_wait3A_346[%dma_wait3A_347, %dma_wait3A_348] : memref<10000x128xf32, #tpu.memory_space<hbm>> -> memref<16x128xf32, #tpu.memory_space<hbm>>
      %dma_wait3A_350 = arith.constant 0 : i32
      %dma_wait3A_351 = arith.constant 0 : i32
      %dma_wait3A_352 = tpu.memref_slice %arg8[%dma_wait3A_350, %dma_wait3A_351] : memref<128x128xf32, #tpu.memory_space<vmem>> -> memref<16x128xf32, #tpu.memory_space<vmem>>
      tpu.wait_dma2 semaphore(%arg20 : memref<!tpu.dma_semaphore, #tpu.memory_space<semaphore_mem>>) src(%dma_wait3A_352 : memref<16x128xf32, #tpu.memory_space<vmem>>) dst(%dma_wait3A_349 : memref<16x128xf32, #tpu.memory_space<hbm>>)
    } else {
    }
    return
  }
}

module attributes {stable_mosaic.version = 14 : i64} {
  func.func @_mm_scale_body(%arg0: i32, %arg1: memref<1000x128xf32, #tpu.memory_space<vmem>>, %arg2: memref<128x128xf32, #tpu.memory_space<vmem>>, %arg3: memref<1000x2xf32, #tpu.memory_space<vmem>>, %arg4: memref<1000x128xf32, #tpu.memory_space<vmem>>) attributes {dimension_semantics = [#tpu.dimension_semantics<arbitrary>], iteration_bounds = array<i64: 10>, scalar_prefetch = 0 : i64, scratch_operands = 0 : i64, tpu.core_type = #tpu.core_type<tc>, window_params = [{transform_indices = @transform_0, window_bounds = array<i64: 1000, 128>}, {pipeline_mode = #tpu.pipeline_mode<synchronous>, transform_indices = @transform_1, window_bounds = array<i64: 128, 128>}, {transform_indices = @transform_2, window_bounds = array<i64: 1000, 2>}, {transform_indices = @transform_3, window_bounds = array<i64: 1000, 128>}]} {
    %get3A = arith.constant 0 : index
    %get3A_0 = arith.constant 0 : index
    %get3A_1 = vector.load %arg3[%get3A, %get3A_0] : memref<1000x2xf32, #tpu.memory_space<vmem>>, vector<1000x1xf32>
    %get3A_2 = vector.shape_cast %get3A_1 : vector<1000x1xf32> to vector<1000xf32>
    %get3A_3 = arith.constant 0 : index
    %get3A_4 = arith.constant 1 : index
    %get3A_5 = vector.load %arg3[%get3A_3, %get3A_4] : memref<1000x2xf32, #tpu.memory_space<vmem>>, vector<1000x1xf32>
    %get3A_6 = vector.shape_cast %get3A_5 : vector<1000x1xf32> to vector<1000xf32>
    %add3A = arith.addf %get3A_2, %get3A_6 : vector<1000xf32>
    %add3A_7 = arith.constant 1.000000e+00 : f32
    %add3A_8 = vector.broadcast %add3A_7 : f32 to vector<1000xf32>
    %add3A_9 = arith.addf %add3A, %add3A_8 : vector<1000xf32>
    %rsqrt3A = math.rsqrt %add3A_9 : vector<1000xf32>
    %get3A_10 = arith.constant 0 : index
    %get3A_11 = arith.constant 0 : index
    %get3A_12 = vector.load %arg1[%get3A_10, %get3A_11] : memref<1000x128xf32, #tpu.memory_space<vmem>>, vector<1000x128xf32>
    %get3A_13 = arith.constant 0 : index
    %get3A_14 = arith.constant 0 : index
    %get3A_15 = vector.load %arg2[%get3A_13, %get3A_14] : memref<128x128xf32, #tpu.memory_space<vmem>>, vector<128x128xf32>
    %dot_general3A = arith.constant dense<0.000000e+00> : vector<1000x128xf32>
    %dot_general3A_16 = tpu.matmul %get3A_12, %get3A_15, %dot_general3A {dimension_numbers = #tpu.dot_dimension_numbers<[1], [0], [0], [1], [0, 0, 1, 1], [], []>, transpose_lhs_hint = false} : vector<1000x128xf32>, vector<128x128xf32>, vector<1000x128xf32> -> vector<1000x128xf32>
    %broadcast_in_dim3A = vector.shape_cast %rsqrt3A : vector<1000xf32> to vector<1000x1xf32>
    %mul3A = vector.broadcast %broadcast_in_dim3A : vector<1000x1xf32> to vector<1000x128xf32>
    %mul3A_17 = arith.mulf %mul3A, %dot_general3A_16 : vector<1000x128xf32>
    %swap3A = arith.constant 0 : index
    %swap3A_18 = arith.constant 0 : index
    %swap3A_19 = vector.load %arg4[%swap3A, %swap3A_18] : memref<1000x128xf32, #tpu.memory_space<vmem>>, vector<1000x128xf32>
    tpu.vector_store %arg4[%swap3A, %swap3A_18], %mul3A_17 {strides = array<i32>} : memref<1000x128xf32, #tpu.memory_space<vmem>>, vector<1000x128xf32>,
    return
  }
  func.func @transform_0(%arg0: i32) -> (i32, i32) {
    %c0_i32 = arith.constant 0 : i32
    %c0_i32_0 = arith.constant 0 : i32
    return %arg0, %c0_i32 : i32, i32
  }
  func.func @transform_1(%arg0: i32) -> (i32, i32) {
    %c0_i32 = arith.constant 0 : i32
    %c0_i32_0 = arith.constant 0 : i32
    %c0_i32_1 = arith.constant 0 : i32
    return %c0_i32, %c0_i32_0 : i32, i32
  }
  func.func @transform_2(%arg0: i32) -> (i32, i32) {
    %c0_i32 = arith.constant 0 : i32
    %c0_i32_0 = arith.constant 0 : i32
    return %arg0, %c0_i32 : i32, i32
  }
  func.func @transform_3(%arg0: i32) -> (i32, i32) {
    %c0_i32 = arith.constant 0 : i32
    %c0_i32_0 = arith.constant 0 : i32
    return %arg0, %c0_i32 : i32, i32
  }
}

module attributes {stable_mosaic.version = 14 : i64} {
  func.func @_mid_body(%arg0: i32, %arg1: memref<2x1000x128xf32, #tpu.memory_space<vmem>>, %arg2: memref<1000x128xf32, #tpu.memory_space<vmem>>, %arg3: memref<1000x2xf32, #tpu.memory_space<vmem>>, %arg4: memref<1x128xf32, #tpu.memory_space<vmem>>, %arg5: memref<128x128xf32, #tpu.memory_space<vmem>>, %arg6: memref<1000x128xf32, #tpu.memory_space<vmem>>) attributes {dimension_semantics = [#tpu.dimension_semantics<arbitrary>], iteration_bounds = array<i64: 10>, scalar_prefetch = 0 : i64, scratch_operands = 0 : i64, tpu.core_type = #tpu.core_type<tc>, window_params = [{transform_indices = @transform_0, window_bounds = array<i64: 2, 1000, 128>}, {transform_indices = @transform_1, window_bounds = array<i64: 1000, 128>}, {transform_indices = @transform_2, window_bounds = array<i64: 1000, 2>}, {pipeline_mode = #tpu.pipeline_mode<synchronous>, transform_indices = @transform_3, window_bounds = array<i64: 1, 128>}, {pipeline_mode = #tpu.pipeline_mode<synchronous>, transform_indices = @transform_4, window_bounds = array<i64: 128, 128>}, {transform_indices = @transform_5, window_bounds = array<i64: 1000, 128>}]} {
    %get3A = arith.constant 0 : index
    %get3A_0 = arith.constant 0 : index
    %get3A_1 = vector.load %arg3[%get3A, %get3A_0] : memref<1000x2xf32, #tpu.memory_space<vmem>>, vector<1000x1xf32>
    %get3A_2 = vector.shape_cast %get3A_1 : vector<1000x1xf32> to vector<1000xf32>
    %get3A_3 = arith.constant 0 : index
    %get3A_4 = arith.constant 1 : index
    %get3A_5 = vector.load %arg3[%get3A_3, %get3A_4] : memref<1000x2xf32, #tpu.memory_space<vmem>>, vector<1000x1xf32>
    %get3A_6 = vector.shape_cast %get3A_5 : vector<1000x1xf32> to vector<1000xf32>
    %add3A = arith.addf %get3A_2, %get3A_6 : vector<1000xf32>
    %add3A_7 = arith.constant 1.000000e+00 : f32
    %add3A_8 = vector.broadcast %add3A_7 : f32 to vector<1000xf32>
    %add3A_9 = arith.addf %add3A, %add3A_8 : vector<1000xf32>
    %rsqrt3A = math.rsqrt %add3A_9 : vector<1000xf32>
    %get3A_10 = arith.constant 0 : index
    %get3A_11 = arith.constant 0 : index
    %get3A_12 = arith.constant 0 : index
    %get3A_13 = vector.load %arg1[%get3A_10, %get3A_11, %get3A_12] : memref<2x1000x128xf32, #tpu.memory_space<vmem>>, vector<1x1000x128xf32>
    %get3A_14 = vector.shape_cast %get3A_13 : vector<1x1000x128xf32> to vector<1000x128xf32>
    %get3A_15 = arith.constant 1 : index
    %get3A_16 = arith.constant 0 : index
    %get3A_17 = arith.constant 0 : index
    %get3A_18 = vector.load %arg1[%get3A_15, %get3A_16, %get3A_17] : memref<2x1000x128xf32, #tpu.memory_space<vmem>>, vector<1x1000x128xf32>
    %get3A_19 = vector.shape_cast %get3A_18 : vector<1x1000x128xf32> to vector<1000x128xf32>
    %add3A_20 = arith.addf %get3A_14, %get3A_19 : vector<1000x128xf32>
    %get3A_21 = arith.constant 0 : index
    %get3A_22 = arith.constant 0 : index
    %get3A_23 = vector.load %arg2[%get3A_21, %get3A_22] : memref<1000x128xf32, #tpu.memory_space<vmem>>, vector<1000x128xf32>
    %add3A_24 = arith.addf %add3A_20, %get3A_23 : vector<1000x128xf32>
    %broadcast_in_dim3A = vector.shape_cast %rsqrt3A : vector<1000xf32> to vector<1000x1xf32>
    %mul3A = vector.broadcast %broadcast_in_dim3A : vector<1000x1xf32> to vector<1000x128xf32>
    %mul3A_25 = arith.mulf %mul3A, %add3A_24 : vector<1000x128xf32>
    %get3A_26 = arith.constant 0 : index
    %get3A_27 = arith.constant 0 : index
    %get3A_28 = vector.load %arg4[%get3A_26, %get3A_27] : memref<1x128xf32, #tpu.memory_space<vmem>>, vector<1x128xf32>
    %get3A_29 = vector.shape_cast %get3A_28 : vector<1x128xf32> to vector<128xf32>
    %broadcast_in_dim3A_30 = vector.shape_cast %get3A_29 : vector<128xf32> to vector<1x128xf32>
    %add3A_31 = vector.broadcast %broadcast_in_dim3A_30 : vector<1x128xf32> to vector<1000x128xf32>
    %add3A_32 = arith.addf %mul3A_25, %add3A_31 : vector<1000x128xf32>
    %max3A = arith.constant 0.000000e+00 : f32
    %max3A_33 = vector.broadcast %max3A : f32 to vector<1000x128xf32>
    %max3A_34 = arith.maximumf %add3A_32, %max3A_33 : vector<1000x128xf32>
    %get3A_35 = arith.constant 0 : index
    %get3A_36 = arith.constant 0 : index
    %get3A_37 = vector.load %arg5[%get3A_35, %get3A_36] : memref<128x128xf32, #tpu.memory_space<vmem>>, vector<128x128xf32>
    %dot_general3A = arith.constant dense<0.000000e+00> : vector<1000x128xf32>
    %dot_general3A_38 = tpu.matmul %max3A_34, %get3A_37, %dot_general3A {dimension_numbers = #tpu.dot_dimension_numbers<[1], [0], [0], [1], [0, 0, 1, 1], [], []>, transpose_lhs_hint = false} : vector<1000x128xf32>, vector<128x128xf32>, vector<1000x128xf32> -> vector<1000x128xf32>
    %broadcast_in_dim3A_39 = vector.shape_cast %rsqrt3A : vector<1000xf32> to vector<1000x1xf32>
    %mul3A_40 = vector.broadcast %broadcast_in_dim3A_39 : vector<1000x1xf32> to vector<1000x128xf32>
    %mul3A_41 = arith.mulf %mul3A_40, %dot_general3A_38 : vector<1000x128xf32>
    %swap3A = arith.constant 0 : index
    %swap3A_42 = arith.constant 0 : index
    %swap3A_43 = vector.load %arg6[%swap3A, %swap3A_42] : memref<1000x128xf32, #tpu.memory_space<vmem>>, vector<1000x128xf32>
    tpu.vector_store %arg6[%swap3A, %swap3A_42], %mul3A_41 {strides = array<i32>} : memref<1000x128xf32, #tpu.memory_space<vmem>>, vector<1000x128xf32>,
    return
  }
  func.func @transform_0(%arg0: i32) -> (i32, i32, i32) {
    %c0_i32 = arith.constant 0 : i32
    %c0_i32_0 = arith.constant 0 : i32
    %c0_i32_1 = arith.constant 0 : i32
    return %c0_i32, %arg0, %c0_i32_0 : i32, i32, i32
  }
  func.func @transform_1(%arg0: i32) -> (i32, i32) {
    %c0_i32 = arith.constant 0 : i32
    %c0_i32_0 = arith.constant 0 : i32
    return %arg0, %c0_i32 : i32, i32
  }
  func.func @transform_2(%arg0: i32) -> (i32, i32) {
    %c0_i32 = arith.constant 0 : i32
    %c0_i32_0 = arith.constant 0 : i32
    return %arg0, %c0_i32 : i32, i32
  }
  func.func @transform_3(%arg0: i32) -> (i32, i32) {
    %c0_i32 = arith.constant 0 : i32
    %c0_i32_0 = arith.constant 0 : i32
    %c0_i32_1 = arith.constant 0 : i32
    return %c0_i32, %c0_i32_0 : i32, i32
  }
  func.func @transform_4(%arg0: i32) -> (i32, i32) {
    %c0_i32 = arith.constant 0 : i32
    %c0_i32_0 = arith.constant 0 : i32
    %c0_i32_1 = arith.constant 0 : i32
    return %c0_i32, %c0_i32_0 : i32, i32
  }
  func.func @transform_5(%arg0: i32) -> (i32, i32) {
    %c0_i32 = arith.constant 0 : i32
    %c0_i32_0 = arith.constant 0 : i32
    return %arg0, %c0_i32 : i32, i32
  }
}

module attributes {stable_mosaic.version = 14 : i64} {
  func.func @_final_body(%arg0: i32, %arg1: memref<2x1000x128xf32, #tpu.memory_space<vmem>>, %arg2: memref<1000x128xf32, #tpu.memory_space<vmem>>, %arg3: memref<1000x2xf32, #tpu.memory_space<vmem>>, %arg4: memref<1x128xf32, #tpu.memory_space<vmem>>, %arg5: memref<1000x128xf32, #tpu.memory_space<vmem>>) attributes {dimension_semantics = [#tpu.dimension_semantics<arbitrary>], iteration_bounds = array<i64: 10>, scalar_prefetch = 0 : i64, scratch_operands = 0 : i64, tpu.core_type = #tpu.core_type<tc>, window_params = [{transform_indices = @transform_0, window_bounds = array<i64: 2, 1000, 128>}, {transform_indices = @transform_1, window_bounds = array<i64: 1000, 128>}, {transform_indices = @transform_2, window_bounds = array<i64: 1000, 2>}, {pipeline_mode = #tpu.pipeline_mode<synchronous>, transform_indices = @transform_3, window_bounds = array<i64: 1, 128>}, {transform_indices = @transform_4, window_bounds = array<i64: 1000, 128>}]} {
    %get3A = arith.constant 0 : index
    %get3A_0 = arith.constant 0 : index
    %get3A_1 = vector.load %arg3[%get3A, %get3A_0] : memref<1000x2xf32, #tpu.memory_space<vmem>>, vector<1000x1xf32>
    %get3A_2 = vector.shape_cast %get3A_1 : vector<1000x1xf32> to vector<1000xf32>
    %get3A_3 = arith.constant 0 : index
    %get3A_4 = arith.constant 1 : index
    %get3A_5 = vector.load %arg3[%get3A_3, %get3A_4] : memref<1000x2xf32, #tpu.memory_space<vmem>>, vector<1000x1xf32>
    %get3A_6 = vector.shape_cast %get3A_5 : vector<1000x1xf32> to vector<1000xf32>
    %add3A = arith.addf %get3A_2, %get3A_6 : vector<1000xf32>
    %add3A_7 = arith.constant 1.000000e+00 : f32
    %add3A_8 = vector.broadcast %add3A_7 : f32 to vector<1000xf32>
    %add3A_9 = arith.addf %add3A, %add3A_8 : vector<1000xf32>
    %rsqrt3A = math.rsqrt %add3A_9 : vector<1000xf32>
    %get3A_10 = arith.constant 0 : index
    %get3A_11 = arith.constant 0 : index
    %get3A_12 = arith.constant 0 : index
    %get3A_13 = vector.load %arg1[%get3A_10, %get3A_11, %get3A_12] : memref<2x1000x128xf32, #tpu.memory_space<vmem>>, vector<1x1000x128xf32>
    %get3A_14 = vector.shape_cast %get3A_13 : vector<1x1000x128xf32> to vector<1000x128xf32>
    %get3A_15 = arith.constant 1 : index
    %get3A_16 = arith.constant 0 : index
    %get3A_17 = arith.constant 0 : index
    %get3A_18 = vector.load %arg1[%get3A_15, %get3A_16, %get3A_17] : memref<2x1000x128xf32, #tpu.memory_space<vmem>>, vector<1x1000x128xf32>
    %get3A_19 = vector.shape_cast %get3A_18 : vector<1x1000x128xf32> to vector<1000x128xf32>
    %add3A_20 = arith.addf %get3A_14, %get3A_19 : vector<1000x128xf32>
    %get3A_21 = arith.constant 0 : index
    %get3A_22 = arith.constant 0 : index
    %get3A_23 = vector.load %arg2[%get3A_21, %get3A_22] : memref<1000x128xf32, #tpu.memory_space<vmem>>, vector<1000x128xf32>
    %add3A_24 = arith.addf %add3A_20, %get3A_23 : vector<1000x128xf32>
    %broadcast_in_dim3A = vector.shape_cast %rsqrt3A : vector<1000xf32> to vector<1000x1xf32>
    %mul3A = vector.broadcast %broadcast_in_dim3A : vector<1000x1xf32> to vector<1000x128xf32>
    %mul3A_25 = arith.mulf %mul3A, %add3A_24 : vector<1000x128xf32>
    %get3A_26 = arith.constant 0 : index
    %get3A_27 = arith.constant 0 : index
    %get3A_28 = vector.load %arg4[%get3A_26, %get3A_27] : memref<1x128xf32, #tpu.memory_space<vmem>>, vector<1x128xf32>
    %get3A_29 = vector.shape_cast %get3A_28 : vector<1x128xf32> to vector<128xf32>
    %broadcast_in_dim3A_30 = vector.shape_cast %get3A_29 : vector<128xf32> to vector<1x128xf32>
    %add3A_31 = vector.broadcast %broadcast_in_dim3A_30 : vector<1x128xf32> to vector<1000x128xf32>
    %add3A_32 = arith.addf %mul3A_25, %add3A_31 : vector<1000x128xf32>
    %max3A = arith.constant 0.000000e+00 : f32
    %max3A_33 = vector.broadcast %max3A : f32 to vector<1000x128xf32>
    %max3A_34 = arith.maximumf %add3A_32, %max3A_33 : vector<1000x128xf32>
    %swap3A = arith.constant 0 : index
    %swap3A_35 = arith.constant 0 : index
    %swap3A_36 = vector.load %arg5[%swap3A, %swap3A_35] : memref<1000x128xf32, #tpu.memory_space<vmem>>, vector<1000x128xf32>
    tpu.vector_store %arg5[%swap3A, %swap3A_35], %max3A_34 {strides = array<i32>} : memref<1000x128xf32, #tpu.memory_space<vmem>>, vector<1000x128xf32>,
    return
  }
  func.func @transform_0(%arg0: i32) -> (i32, i32, i32) {
    %c0_i32 = arith.constant 0 : i32
    %c0_i32_0 = arith.constant 0 : i32
    %c0_i32_1 = arith.constant 0 : i32
    return %c0_i32, %arg0, %c0_i32_0 : i32, i32, i32
  }
  func.func @transform_1(%arg0: i32) -> (i32, i32) {
    %c0_i32 = arith.constant 0 : i32
    %c0_i32_0 = arith.constant 0 : i32
    return %arg0, %c0_i32 : i32, i32
  }
  func.func @transform_2(%arg0: i32) -> (i32, i32) {
    %c0_i32 = arith.constant 0 : i32
    %c0_i32_0 = arith.constant 0 : i32
    return %arg0, %c0_i32 : i32, i32
  }
  func.func @transform_3(%arg0: i32) -> (i32, i32) {
    %c0_i32 = arith.constant 0 : i32
    %c0_i32_0 = arith.constant 0 : i32
    %c0_i32_1 = arith.constant 0 : i32
    return %c0_i32, %c0_i32_0 : i32, i32
  }
  func.func @transform_4(%arg0: i32) -> (i32, i32) {
    %c0_i32 = arith.constant 0 : i32
    %c0_i32_0 = arith.constant 0 : i32
    return %arg0, %c0_i32 : i32, i32
  }
}

</mosaic_0001>

<sc_bundles>
// kernel: kernel.11.cloned.1.call-start
scs
__scs_entry_jumppad:
0x0: {  	(pc) =	sbr.rel $0x88, $3  }
0x1: {  	(tag) =	ssettag $0x0;
	lr =	simm.s32 $0x1  }
0x2: {  	[smem:$0x3F9B] =	sst lr;
	_ =	strace $0xD0000000  }
0x3: {  	_ = 	snop  }
0x4: {  	_ = 	snop  }
0x5: {  	_ = 	snop  }
0x6: {  	_ = 	snop  }
0x7: {  	_ = 	snop  }
__scs_overlays_trampoline_lowered:
0x8: {  	[smem:$0x3FAA] =	sst s0  }
0x9: {  	[smem:$0x3FAB] =	sst s1  }
0xa: {  	[smem:$0x3FAC] =	sst s2  }
0xb: {  	[smem:$0x3FAD] =	sst s3  }
0xc: {  	[smem:$0x3FAE] =	sst s4  }
0xd: {  	[smem:$0x3FAF] =	sst s5  }
0xe: {  	[smem:$0x3FB0] =	sst s6  }
0xf: {  	[smem:$0x3FB1] =	sst s7  }
0x10: {  	[smem:$0x3FB2] =	sst s8  }
0x11: {  	[smem:$0x3FB3] =	sst s9;
	s0 =	simm.s32 @!p0 $0x0  }
0x12: {  	s1 =	sld [smem:$0x3F99];
	s0 =	simm.s32 @p0 $0x1  }
0x13: {  	[smem:$0x3FB4] =	sst s0;
	s0 =	simm.s32 @!p1 $0x0  }
0x14: {  	s2 =	sld [smem:$0x3F98];
	s0 =	simm.s32 @p1 $0x1  }
0x15: {  	[smem:$0x3FB5] =	sst s0;
	s0 =	simm.s32 @!p2 $0x0  }
0x16: {  	s3 =	sld [smem:$0x3FDB];
	s0 =	simm.s32 @p2 $0x1  }
0x17: {  	s4 =	simm.s32 $0x1BF5;
	[smem:$0x3FB7] =	sst s0  }
0x18: {  	s0 =	sld [smem:$0x3F9A];
	_ =	swait.ge [sflag:s4], $0x0  }
0x19: {  	s7 =	sld [smem:$0x3F9B]  }
0x1a: {  	s8 =	sadd.s32 $0xFFFFE003, lr  }
0x1b: {  	s9 =	sadd.s32 $0xFFFFFEF7, lr;
	s5 =	simm.s32 $0xFFFFFFFF;
	p2 =	slt.u32 s8, $0xFFFFF086  }
0x1c: {  	p1 =	slt.u32 s9, $0xF7A;
	s5 =	simm.s32 @!p2 $0x0  }
0x1d: {  	s5 =	simm.s32 @p1 $0x1;
	p0 =	seq.s32 s7, s2  }
0x1e: {  	s7 =	smul.u32 @!p0 $0xF7A, s2;
	p2 =	seq.s32 @!p0 s5, $0x0  }
0x1f: {  	s9 =	smul.u32 $0xF7A, s1;
	s8 =	simm.s32 @!p0 $0x1BF5;
	p2 =	por !p2, p0  }
0x20: {  	[sflag:s8] =	ssyncset.s32 @!p0 $0xFFFFF086;
	s6 =	sadd.s32 @!p0 s3, s7;
	s7 =	simm.s32 @!p0 $0x108  }
0x21: {  	s3 =	sadd.s32 s3, s9;
	s6 =	sadd.s32 @!p0 $0x88, s6;
	s7 =	simm.s32 @p2 $0x1082  }
0x22: {  	[simem:s7], [sflag:s8] =	dma.local @!p0 [hbm:s6], $0xF7A  }
0x23: {  	s9 =	sor.u32 $0xD0000000, s2;
	s6 =	simm.s32 $0x108;
	_ =	swait.ge @!p0 [sflag:s8], $0x0  }
0x24: {  	s3 =	sadd.s32 $0x88, s3;
	s6 =	simm.s32 @!p1 $0x1082;
	[sflag:s4] =	ssyncset.s32 $0xFFFFF086  }
0x25: {  	[simem:s6], [sflag:s4] =	dma.local [hbm:s3], $0xF7A  }
0x26: {  	[smem:$0x3F9B] =	sst s1;
	(tag) =	ssettag s2;
	_ =	strace s9  }
0x27: {  	s1 =	sld [smem:$0x3FAB]  }
0x28: {  	s2 =	sld [smem:$0x3FAC]  }
0x29: {  	s4 =	sld [smem:$0x3FAE]  }
0x2a: {  	p0 =	seq.s32 s5, $0x0;
	s5 =	sld [smem:$0x3FAF]  }
0x2b: {  	s6 =	sld [smem:$0x3FB0]  }
0x2c: {  	s7 =	sld [smem:$0x3FB1]  }
0x2d: {  	s3 =	simm.s32 $0x108;
	s8 =	sld [smem:$0x3FB2]  }
0x2e: {  	s3 =	simm.s32 @!p0 $0x1082;
	s9 =	sld [smem:$0x3FB3]  }
0x2f: {  	lr =	sadd.s32 s0, s3;
	s0 =	sld [smem:$0x3FAA]  }
0x30: {  	s3 =	sld [smem:$0x3FAD]  }
0x31: {  	[smem:$0x3FB6] =	sst s10  }
0x32: {  	s10 =	sld [smem:$0x3FB4];
	_ =	sdelay $0x3  }
0x33: {  	p0 =	seq.s32 s10, $0x1;
	s10 =	sld [smem:$0x3FB6];
	_ =	sdelay $0x3  }
0x34: {  	[smem:$0x3FB6] =	sst s10  }
0x35: {  	s10 =	sld [smem:$0x3FB5];
	_ =	sdelay $0x3  }
0x36: {  	p1 =	seq.s32 s10, $0x1;
	s10 =	sld [smem:$0x3FB6];
	_ =	sdelay $0x3  }
0x37: {  	[smem:$0x3FB6] =	sst s10  }
0x38: {  	s10 =	sld [smem:$0x3FB7]  }
0x39: {  	_ = 	snop;
	(pc) =	sbr.ind lr, $3  }
0x3a: {  	_ = 	snop  }
0x3b: {  	_ = 	snop  }
0x3c: {  	p2 =	seq.s32 s10, $0x1;
	s10 =	sld [smem:$0x3FB6]  }
0x3d: {  	_ =	shalt  }
0x3e: {  	_ =	shalt  }
0x3f: {  	_ =	shalt  }
0x40: {  	_ =	shalt  }
0x41: {  	_ =	shalt  }
0x42: {  	_ =	shalt  }
0x43: {  	_ =	shalt  }
0x44: {  	_ =	shalt  }
0x45: {  	_ =	shalt  }
0x46: {  	_ =	shalt  }
0x47: {  	_ =	shalt  }
0x48: {  	_ =	shalt  }
0x49: {  	_ =	shalt  }
0x4a: {  	_ =	shalt  }
0x4b: {  	_ =	shalt  }
0x4c: {  	_ =	shalt  }
0x4d: {  	_ =	shalt  }
0x4e: {  	_ =	shalt  }
0x4f: {  	_ =	shalt  }
0x50: {  	_ =	shalt  }
0x51: {  	_ =	shalt  }
0x52: {  	_ =	shalt  }
0x53: {  	_ =	shalt  }
0x54: {  	_ =	shalt  }
0x55: {  	_ =	shalt  }
0x56: {  	_ =	shalt  }
0x57: {  	_ =	shalt  }
0x58: {  	_ =	shalt  }
0x59: {  	_ =	shalt  }
0x5a: {  	_ =	shalt  }
0x5b: {  	_ =	shalt  }
0x5c: {  	_ =	shalt  }
0x5d: {  	_ =	shalt  }
0x5e: {  	_ =	shalt  }
0x5f: {  	_ =	shalt  }
0x60: {  	_ =	shalt  }
0x61: {  	_ =	shalt  }
0x62: {  	_ =	shalt  }
0x63: {  	_ =	shalt  }
0x64: {  	_ =	shalt  }
0x65: {  	_ =	shalt  }
0x66: {  	_ =	shalt  }
0x67: {  	_ =	shalt  }
0x68: {  	_ =	shalt  }
0x69: {  	_ =	shalt  }
0x6a: {  	_ =	shalt  }
0x6b: {  	_ =	shalt  }
0x6c: {  	_ =	shalt  }
0x6d: {  	_ =	shalt  }
0x6e: {  	_ =	shalt  }
0x6f: {  	_ =	shalt  }
0x70: {  	_ =	shalt  }
0x71: {  	_ =	shalt  }
0x72: {  	_ =	shalt  }
0x73: {  	_ =	shalt  }
0x74: {  	_ =	shalt  }
0x75: {  	_ =	shalt  }
0x76: {  	_ =	shalt  }
0x77: {  	_ =	shalt  }
0x78: {  	_ =	shalt  }
0x79: {  	_ =	shalt  }
0x7a: {  	_ =	shalt  }
0x7b: {  	_ =	shalt  }
0x7c: {  	_ =	shalt  }
0x7d: {  	_ =	shalt  }
0x7e: {  	_ =	shalt  }
0x7f: {  	_ =	shalt  }
0x80: {  	_ =	shalt  }
0x81: {  	_ =	shalt  }
0x82: {  	_ =	shalt  }
0x83: {  	_ =	shalt  }
0x84: {  	_ =	shalt  }
0x85: {  	_ =	shalt  }
0x86: {  	_ =	shalt  }
0x87: {  	_ =	shalt  }
.Lfunc_end0:
.L_simem_size_0:
called_computation.1_lowered:
.L_overlay_start_0:
0x88: {  	s2 =	sld [smem:$0x3FD9]  }
0x89: {  	s3 =	sld [smem:$0x3FFE];
	_ =	sdelay $0x1  }
0x8a: {  	s1 =	srdreg.scid  }
0x8b: {  	s0 =	sand.u32 $0x1, s1  }
0x8c: {  	s17 =	sshll.u32 s0, $0xA;
	s2 =	sadd.s32 s3, s2  }
0x8d: {  	s2 =	sadd.s32 s2, s17  }
0x8e: {  	[smem:$0x3FC2] =	sst s2  }
0x8f: {  	_ = 	snop  }
0x90: {  	s2 =	sld [smem:$0x3FD0];
	(tm) =	ssettm $0x1  }
0x91: {  	s18 =	sld [smem:$0x3FFB];
	_ =	sdelay $0x3  }
0x92: {  	_ =	strace s18  }
0x93: {  	s3 =	sld [smem:$0x3FFC];
	_ =	sdelay $0x3  }
0x94: {  	_ =	strace s3  }
0x95: {  	s3 =	sld [smem:$0x3FFD];
	_ =	sdelay $0x3  }
0x96: {  	_ =	strace s3  }
0x97: {  	_ =	strace $0x8FFFFFFF  }
0x98: {  	s19 =	sld [smem:$0x3FDB];
	_ =	sdelay $0x1  }
0x99: {  	s4 =	simm.s32 $_scs_section_size  }
0x9a: {  	s5 =	simm.s32 $_size__tile_overlayer_lowered;
	s6 =	simm.s32 $_tile_overlayer_lowered  }
0x9b: {  	s22 =	simm.s32 $0x1BFF;
	s21 =	sshll.u32 s6, $0x1;
	s3 =	sadd.s32 s4, s19  }
0x9c: {  	s7 =	simm.s32 $0x0;
	s20 =	sshll.u32 s5, $0x1;
	s5 =	sadd.s32 s21, s3  }
0x9d: {  	[timem:s7], [sflag:s22] =	dma.local [hbm:s5], s20  }
0x9e: {  	_ =	swait.ge [sflag:s22], s20  }
0x9f: {  	s4 =	ssub.s32 $0x0, s20;
	[sflag:s22] =	ssyncset.done $0x0  }
0xa0: {  	[sflag:s22] =	ssyncadd.s32 s4;
	_ =	sdelay $0x1  }
0xa1: {  	s23 =	simm.s32 $0x1B8B  }
0xa2: {  	_ =	swait.ge [sflag:s23], $0x1  }
0xa3: {  	[sflag:s23] =	ssyncset.done $0x0  }
0xa4: {  	s25 =	simm.s32 $0x1B8E;
	s24 =	sld [smem:$0x3FFE];
	[sflag:s23] =	ssyncadd.s32 $0xFFFFFFFF  }
0xa5: {  	s26 =	simm.s32 $execute0_lowered;
	[smem:$0x3FD2] =	sst s25  }
0xa6: {  	s5 =	sshll.u32 s26, $0x1;
	_ =	strace $0x80000049;
	[dreg:$0x1] =	wrdreg $0xFFFFFFFF  }
0xa7: {  	s28 =	simm.s32 $_size_execute0_lowered;
	s3 =	sadd.s32 s3, s5;
	[dreg:$0x0] =	wrdreg $0x0  }
0xa8: {  	s5 =	sshll.u32 s28, $0x1;
	[dreg:$0x2] =	wrdreg s3  }
0xa9: {  	[dreg:$0x3] =	wrdreg s5  }
0xaa: {  	[dreg:$0x4] =	wrdreg $0xC0  }
0xab: {  	_ =	task [dreg:s7], $0x5FFFF  }
0xac: {  	[dreg:$0x1] =	wrdreg $0xFFFFFFFF  }
0xad: {  	[dreg:$0x0] =	wrdreg $0x60  }
0xae: {  	[dreg:$0x2] =	wrdreg s2  }
0xaf: {  	[dreg:$0x3] =	wrdreg s24  }
0xb0: {  	[dreg:$0x4] =	wrdreg $0x0  }
0xb1: {  	[dreg:$0x5] =	wrdreg $0x9  }
0xb2: {  	_ =	task.clear_ibuf [dreg:s7], $0x6FFFF;
	_ =	strace $0x90000049  }
0xb3: {  	s29 =	simm.s32 $0x9;
	_ =	strace $0x8000004B  }
0xb4: {  	_ =	swait.ge [sflag:s29], $0x1  }
0xb5: {  	[sflag:s29] =	ssyncadd.s32 $0xFFFFFFFF  }
0xb6: {  	_ =	strace $0x9000004B  }
0xb7: {  	_ =	sfence  }
0xb8: {  	s30 =	sld [smem:$0x0];
	_ =	sdelay $0x2  }
0xb9: {  	s31 =	sshll.u32 s1, $0xD;
	s1 =	sshrl.u32 s1, $0x2  }
0xba: {  	s3 =	sand.u32 $0x4000, s31;
	s1 =	sadd.s32 s1, s30  }
0xbb: {  	s0 =	sor.u32 s3, s0;
	s1 =	sshll.u32 s1, $0x11  }
0xbc: {  	s0 =	sor.u32 s1, s0  }
0xbd: {  	s0 =	sadd.s32 $0x8F2B, s0  }
0xbe: {  	[sflag:s0] =	ssyncadd.remote.s32 $0x1  }
0xbf: {  	_ =	sfence.sel $0xFFFF  }
0xc0: {  	[dreg:$0x0] =	wrdreg $0xFFFFFFFF;
	(pc) =	sbr.abs _section_cstart, $3  }
0xc1: {  	[dreg:$0x1] =	wrdreg $0xFFFFFFFF  }
0xc2: {  	_ =	task.clear_ibuf [dreg:s7], $0x2FFFF;
	_ =	strace $0x9FFFFFFF  }
0xc3: {  	(tm) =	ssettm $0x7FFFFFFF  }
tec
execute0_lowered:
.L_overlay_start_1:
0x0: {  	(tag) =	ssettag $0x1  }
0x1: {  	s1 =	rddreg [dreg:$0x0]  }
0x2: {  	s0 =	rddreg [dreg:$0x1]  }
0x3: {  	s2 =	rddreg [dreg:$0x2];
	s3 =	simm.s32 $0x0  }
0x4: {  	s4 =	srdreg.scid;
	s14 =	stileid.u32;
	s29 =	simm.s32 $0x2  }
0x5: {  	s30 =	simm.s32 $0x3;
	s31 =	simm.s32 $0x6;
	[smem:$0x7FF] =	sst s3  }
0x6: {  	s5 =	sadd.s32 $0xC600, s0;
	s4 =	sand.u32 $0x1, s4;
	s10 =	smul.u32 $0x50000, s14  }
0x7: {  	s6 =	sadd.s32 $0x2600, s0;
	s9 =	sshll.u32 s14, $0x1;
	s24 =	smul.u32 $0x280, s14  }
0x8: {  	s20 =	sadd.s32 $0x12C000, s2;
	s21 =	sadd.s32 $0x130000, s2;
	s12 =	smul.u32 $0x2800, s14  }
0x9: {  	p0 =	seq.s32 s14, $0xF;
	_ =	strace $0x8000004A;
	s7 =	smul.u32 $0x27100, s4  }
0xa: {  	s8 =	ssub.s32 $0x2, s4;
	s9 =	sor.u32 s4, s9;
	[dreg:$0x5] =	wrdreg s20  }
0xb: {  	[dreg:$0x6] =	wrdreg s21;
	s4 =	smul.u32 $0x500, s4;
	s18 =	sshrl.u32 s8, $0x1  }
0xc: {  	s19 =	sshrl.u32 s10, $0x2;
	s9 =	smul.u32 $0x500, s9;
	s26 =	sadd.s32 $0x80, s24  }
0xd: {  	s28 =	sadd.s32 $0x100, s24;
	s11 =	sadd.s32 $0x180, s24;
	s10 =	sadd.s32 $0x200, s24  }
0xe: {  	s0 =	sadd.s32 s7, s0;
	s7 =	ssub.s32 s8, s18;
	s15 =	sadd.s32 s19, s2  }
0xf: {  	s13 =	sshll.u32 s26, $0x7;
	s18 =	smul.u32 $0xA00, s14;
	s19 =	sshll.u32 s28, $0x7  }
0x10: {  	s20 =	sshll.u32 s11, $0x7;
	s21 =	sshll.u32 s10, $0x7;
	s22 =	sadd.s32 s5, s9  }
0x11: {  	s23 =	sor.u32 $0x10, s9;
	s9 =	sadd.s32 s6, s9;
	[dreg:$0x4] =	wrdreg s15  }
0x12: {  	s16 =	sadd.s32 $0x16600, s0;
	s17 =	sadd.s32 s13, s2;
	[dreg:$0x7] =	wrdreg s22  }
0x13: {  	s13 =	sadd.s32 s19, s2;
	s0 =	sadd.s32 s21, s2;
	[dreg:$0x8] =	wrdreg s9  }
0x14: {  	s7 =	smax.u32 s7, $0x1;
	s24 =	sadd.s32 $0x4000, s15;
	[dreg:$0xc] =	wrdreg s17  }
0x15: {  	s19 =	simm.s32 $0x13C80;
	s21 =	simm.s32 $0x1BF80;
	[dreg:$0xd] =	wrdreg s13  }
0x16: {  	s25 =	sadd.s32 s5, s23;
	s8 =	sadd.s32 s6, s23;
	[dreg:$0xf] =	wrdreg s0  }
0x17: {  	s9 =	sshll.u32 s28, $0x4;
	s13 =	sadd.s32 s20, s2;
	[dreg:$0x10] =	wrdreg s7  }
0x18: {  	s18 =	sadd.s32 s4, s18;
	s4 =	sshll.u32 s11, $0x4;
	[dreg:$0xb] =	wrdreg s16  }
0x19: {  	s0 =	sshll.u32 s10, $0x4;
	s7 =	sadd.s32 @!p0 s12, s16;
	[dreg:$0x18] =	wrdreg s24  }
0x1a: {  	s22 =	sadd.s32 $0x134000, s2;
	s23 =	sadd.s32 $0x138000, s2;
	[dreg:$0x9] =	wrdreg s25  }
0x1b: {  	s28 =	sadd.s32 $0x10000, s15;
	s11 =	simm.s32 $0x1BC80;
	[dreg:$0xa] =	wrdreg s8  }
0x1c: {  	s12 =	simm.s32 $0x1BD80;
	s17 =	simm.s32 $0x80;
	[dreg:$0xe] =	wrdreg s13  }
0x1d: {  	s20 =	simm.s32 $0x1BE80;
	s24 =	simm.s32 $0x1;
	[dreg:$0x11] =	wrdreg s7  }
0x1e: {  	s8 =	sshll.u32 s26, $0x4;
	s4 =	sadd.s32 @!p0 s4, s16;
	[dreg:$0x16] =	wrdreg s22  }
0x1f: {  	s0 =	sadd.s32 @!p0 s0, s16;
	[dreg:$0x17] =	wrdreg s23;
	s25 =	sadd.s32 $0x8000, s15  }
0x20: {  	s26 =	sadd.s32 $0xC000, s15;
	[dreg:$0x1b] =	wrdreg s28;
	s10 =	sadd.s32 s6, s18  }
0x21: {  	s13 =	simm.s32 $0x1BD00;
	s15 =	simm.s32 $0x1BE00;
	[dreg:$0x14] =	wrdreg s4  }
.Ltmp0:
0x22: {  	s22 =	simm.s32 $0x1BF00;
	[dreg:$0x15] =	wrdreg s0;
	(pc) =	sbr.rel .LBB2_1-.Ltmp0, $4  }
0x23: {  	s23 =	simm.s32 $0x1C000;
	s7 =	sadd.s32 @!p0 s8, s16;
	[dreg:$0x19] =	wrdreg s25  }
0x24: {  	[dreg:$0x1a] =	wrdreg s26;
	s4 =	sadd.s32 s5, s18;
	s25 =	simm.s32 $0x17C80  }
0x25: {  	s0 =	simm.s32 $0x4;
	[dreg:$0x12] =	wrdreg s7;
	s7 =	sadd.s32 @!p0 s9, s16  }
0x26: {  	v0 =	vimm.f32 $0.0e+00;
	s8 =	simm.s32 $0x0;
	s16 =	simm.s32 $0x5;
	[dreg:$0x13] =	wrdreg s7  }
.LBB2_6:
0x27: {  	_ =	swait.ge [sflag:s0], $0x4000  }
0x28: {  	[sflag:s0] =	ssyncset.done $0x0  }
0x29: {  	[sflag:s0] =	ssyncadd.s32 $0xFFFFC000  }
0x2a: {  	[bflag:$0x0] =	sbarrier.arrive $0xFFFF  }
0x2b: {  	s7 =	simm.s32 @p0 $0x13C80;
	s8 =	rddreg [dreg:$0x5]  }
0x2c: {  	[tilespmem:s7], [sflag:$0x1] =	stream.linear.gather @p0 [spmem:s8], $0x4000, $0x38;
	[tilespmem:$0x1C080] =	vst v63  }
0x2d: {  	s8 =	simm.s32 @p0 $0x1  }
0x2e: {  	_ =	swait.ge @p0 [sflag:s8], $0x4000  }
0x2f: {  	[sflag:s8] =	ssyncset.done @p0 $0x0;
	s12 =	rddreg [dreg:$0xb]  }
0x30: {  	s14 =	simm.s32 @p0 $0x0;
	[sflag:s8] =	ssyncadd.s32 @p0 $0xFFFFC000;
	s9 =	sadd.s32 @p0 $0x25800, s12  }
0x31: {  	[hbm4b:s9+s14] =	stream.linear.scatter @p0 [tilespmem:s7], [sflag:$0x3], $0x4000, $0x38;
	[tilespmem:$0x1C080] =	vst v63  }
0x32: {  	s26 =	simm.s32 @p0 $0x2;
	s11 =	rddreg [dreg:$0x6];
	s9 =	simm.s32 @p0 $0x17C80  }
0x33: {  	[tilespmem:s9], [sflag:$0x2] =	stream.linear.gather @p0 [spmem:s11], $0x4000, $0x38;
	[tilespmem:$0x1C080] =	vst v63  }
0x34: {  	_ =	swait.ge @p0 [sflag:s26], $0x4000  }
0x35: {  	[sflag:s26] =	ssyncset.done @p0 $0x0  }
0x36: {  	s28 =	sadd.s32 @p0 $0x26000, s12;
	[sflag:s26] =	ssyncadd.s32 @p0 $0xFFFFC000  }
0x37: {  	[hbm4b:s28+s14] =	stream.linear.scatter @p0 [tilespmem:s9], [sflag:$0x4], $0x4000, $0x38;
	[tilespmem:$0x1C080] =	vst v63  }
0x38: {  	s28 =	simm.s32 @p0 $0x3  }
0x39: {  	_ =	swait.ge @p0 [sflag:s28], $0x4000  }
0x3a: {  	[sflag:s28] =	ssyncset.done @p0 $0x0  }
0x3b: {  	s11 =	rddreg [dreg:$0x16];
	[sflag:s28] =	ssyncadd.s32 @p0 $0xFFFFC000  }
0x3c: {  	[tilespmem:s7], [sflag:$0x1] =	stream.linear.gather @p0 [spmem:s11], $0x4000, $0x38;
	[tilespmem:$0x1C080] =	vst v63  }
0x3d: {  	_ =	swait.ge @p0 [sflag:s8], $0x4000  }
0x3e: {  	[sflag:s8] =	ssyncset.done @p0 $0x0  }
0x3f: {  	[sflag:s8] =	ssyncadd.s32 @p0 $0xFFFFC000;
	s8 =	sadd.s32 @p0 $0x26800, s12  }
0x40: {  	[hbm4b:s8+s14] =	stream.linear.scatter @p0 [tilespmem:s7], [sflag:$0x3], $0x4000, $0x38;
	[tilespmem:$0x1C080] =	vst v63  }
0x41: {  	s7 =	simm.s32 @p0 $0x4  }
0x42: {  	_ =	swait.ge @p0 [sflag:s7], $0x4000  }
0x43: {  	[sflag:s7] =	ssyncset.done @p0 $0x0  }
0x44: {  	s8 =	rddreg [dreg:$0x17];
	[sflag:s7] =	ssyncadd.s32 @p0 $0xFFFFC000  }
0x45: {  	[tilespmem:s9], [sflag:$0x2] =	stream.linear.gather @p0 [spmem:s8], $0x800, $0x38;
	[tilespmem:$0x1C080] =	vst v63  }
0x46: {  	_ =	swait.ge @p0 [sflag:s26], $0x800  }
0x47: {  	[sflag:s26] =	ssyncset.done @p0 $0x0  }
0x48: {  	s8 =	sadd.s32 @p0 $0x27000, s12;
	[sflag:s26] =	ssyncadd.s32 @p0 $0xFFFFF800  }
0x49: {  	[hbm4b:s8+s14] =	stream.linear.scatter @p0 [tilespmem:s9], [sflag:$0x4], $0x800, $0x38;
	[tilespmem:$0x1C080] =	vst v63  }
0x4a: {  	_ =	swait.ge @p0 [sflag:s28], $0x4000  }
0x4b: {  	[sflag:s28] =	ssyncset.done @p0 $0x0  }
0x4c: {  	[sflag:s28] =	ssyncadd.s32 @p0 $0xFFFFC000  }
0x4d: {  	_ =	swait.ge @p0 [sflag:s7], $0x800  }
0x4e: {  	[sflag:s7] =	ssyncset.done @p0 $0x0  }
0x4f: {  	s8 =	rddreg [dreg:$0x4];
	[sflag:s7] =	ssyncadd.s32 @p0 $0xFFFFF800;
	s7 =	simm.s32 @!p0 $0x13C80  }
0x50: {  	[tilespmem:s7], [sflag:$0x1] =	stream.linear.gather @!p0 [spmem:s8], $0x4000, $0x38;
	[tilespmem:$0x1C080] =	vst v63  }
0x51: {  	s8 =	simm.s32 @!p0 $0x1  }
0x52: {  	_ =	swait.ge @!p0 [sflag:s8], $0x4000  }
0x53: {  	[sflag:s8] =	ssyncset.done @!p0 $0x0  }
0x54: {  	s9 =	simm.s32 @!p0 $0x0;
	s11 =	rddreg [dreg:$0x11];
	[sflag:s8] =	ssyncadd.s32 @!p0 $0xFFFFC000  }
0x55: {  	[hbm4b:s11+s9] =	stream.linear.scatter @!p0 [tilespmem:s7], [sflag:$0x3], $0x4000, $0x38;
	[tilespmem:$0x1C080] =	vst v63  }
0x56: {  	s26 =	simm.s32 @!p0 $0x2;
	s14 =	simm.s32 @!p0 $0x17C80;
	s11 =	rddreg [dreg:$0xc]  }
0x57: {  	[tilespmem:s14], [sflag:$0x2] =	stream.linear.gather @!p0 [spmem:s11], $0x4000, $0x38;
	[tilespmem:$0x1C080] =	vst v63  }
0x58: {  	_ =	swait.ge @!p0 [sflag:s26], $0x4000  }
0x59: {  	[sflag:s26] =	ssyncset.done @!p0 $0x0  }
0x5a: {  	s28 =	simm.s32 @!p0 $0x3;
	s11 =	rddreg [dreg:$0x12];
	[sflag:s26] =	ssyncadd.s32 @!p0 $0xFFFFC000  }
0x5b: {  	[hbm4b:s11+s9] =	stream.linear.scatter @!p0 [tilespmem:s14], [sflag:$0x4], $0x4000, $0x38;
	[tilespmem:$0x1C080] =	vst v63  }
0x5c: {  	_ =	swait.ge @!p0 [sflag:s28], $0x4000  }
0x5d: {  	[sflag:s28] =	ssyncset.done @!p0 $0x0  }
0x5e: {  	s11 =	rddreg [dreg:$0xd];
	[sflag:s28] =	ssyncadd.s32 @!p0 $0xFFFFC000  }
0x5f: {  	[tilespmem:s7], [sflag:$0x1] =	stream.linear.gather @!p0 [spmem:s11], $0x4000, $0x38;
	[tilespmem:$0x1C080] =	vst v63  }
0x60: {  	_ =	swait.ge @!p0 [sflag:s8], $0x4000  }
0x61: {  	[sflag:s8] =	ssyncset.done @!p0 $0x0  }
0x62: {  	s11 =	rddreg [dreg:$0x13];
	[sflag:s8] =	ssyncadd.s32 @!p0 $0xFFFFC000  }
0x63: {  	[hbm4b:s11+s9] =	stream.linear.scatter @!p0 [tilespmem:s7], [sflag:$0x3], $0x4000, $0x38;
	[tilespmem:$0x1C080] =	vst v63  }
0x64: {  	s11 =	simm.s32 @!p0 $0x4  }
0x65: {  	_ =	swait.ge @!p0 [sflag:s11], $0x4000  }
0x66: {  	[sflag:s11] =	ssyncset.done @!p0 $0x0  }
0x67: {  	s12 =	rddreg [dreg:$0xe];
	[sflag:s11] =	ssyncadd.s32 @!p0 $0xFFFFC000  }
0x68: {  	[tilespmem:s14], [sflag:$0x2] =	stream.linear.gather @!p0 [spmem:s12], $0x4000, $0x38;
	[tilespmem:$0x1C080] =	vst v63  }
0x69: {  	_ =	swait.ge @!p0 [sflag:s26], $0x4000  }
0x6a: {  	[sflag:s26] =	ssyncset.done @!p0 $0x0  }
0x6b: {  	s12 =	rddreg [dreg:$0x14];
	[sflag:s26] =	ssyncadd.s32 @!p0 $0xFFFFC000  }
0x6c: {  	[hbm4b:s12+s9] =	stream.linear.scatter @!p0 [tilespmem:s14], [sflag:$0x4], $0x4000, $0x38;
	[tilespmem:$0x1C080] =	vst v63  }
0x6d: {  	_ =	swait.ge @!p0 [sflag:s28], $0x4000  }
0x6e: {  	[sflag:s28] =	ssyncset.done @!p0 $0x0  }
0x6f: {  	s12 =	rddreg [dreg:$0xf];
	[sflag:s28] =	ssyncadd.s32 @!p0 $0xFFFFC000  }
0x70: {  	[tilespmem:s7], [sflag:$0x1] =	stream.linear.gather @!p0 [spmem:s12], $0x4000, $0x38;
	[tilespmem:$0x1C080] =	vst v63  }
0x71: {  	_ =	swait.ge @!p0 [sflag:s8], $0x4000  }
0x72: {  	[sflag:s8] =	ssyncset.done @!p0 $0x0  }
0x73: {  	[sflag:s8] =	ssyncadd.s32 @!p0 $0xFFFFC000;
	s8 =	rddreg [dreg:$0x15]  }
0x74: {  	[hbm4b:s8+s9] =	stream.linear.scatter @!p0 [tilespmem:s7], [sflag:$0x3], $0x4000, $0x38;
	[tilespmem:$0x1C080] =	vst v63  }
0x75: {  	_ =	swait.ge @!p0 [sflag:s11], $0x4000  }
0x76: {  	[sflag:s11] =	ssyncset.done @!p0 $0x0  }
0x77: {  	[sflag:s11] =	ssyncadd.s32 @!p0 $0xFFFFC000  }
0x78: {  	_ =	swait.ge @!p0 [sflag:s28], $0x4000  }
0x79: {  	s14 =	rddreg [dreg:$0x1c]  }
0x7a: {  	s26 =	rddreg [dreg:$0x10];
	s8 =	sadd.s32 $0x1, s14  }
0x7b: {  	p1 =	sne.s32 s8, s26  }
.Ltmp1:
0x7c: {  	_ = 	snop;
	(pc) =	sbr.rel @!p1 .LBB2_7-.Ltmp1, $3  }
0x7d: {  	_ =	sdelay $0x1  }
0x7e: {  	[sflag:s28] =	ssyncset.done @!p0 $0x0  }
0x7f: {  	s12 =	simm.s32 $0x1BD80;
	s11 =	simm.s32 $0x1BC80;
	[sflag:s28] =	ssyncadd.s32 @!p0 $0xFFFFC000  }
.LBB2_1:
0x80: {  	[dreg:$0x1c] =	wrdreg s8;
	s9 =	simm.s32 $0x0;
	s7 =	simm.s32 $0x200  }
.LBB2_2:
0x81: {  	p1 =	sne.s32 s7, $0xFE00;
	[tilespmem:s9+$0x13CF0] =	vst v0  }
0x82: {  	[tilespmem:s9+$0x13C80] =	vst v0  }
0x83: {  	[tilespmem:s9+$0x13C90] =	vst v0  }
.Ltmp2:
0x84: {  	[tilespmem:s9+$0x13CA0] =	vst v0;
	(pc) =	sbr.rel @p1 .LBB2_2-.Ltmp2, $4  }
0x85: {  	[tilespmem:s9+$0x13CB0] =	vst v0  }
0x86: {  	[tilespmem:s9+$0x13CC0] =	vst v0  }
0x87: {  	[tilespmem:s9+$0x13CD0] =	vst v0  }
0x88: {  	[tilespmem:s9+$0x13CE0] =	vst v0;
	s9 =	sshra.s32 s7, $0x2;
	s7 =	sadd.s32 $0x200, s7  }
0x89: {  	[tilespmem:s9+$0x13CF0] =	vst v0  }
0x8a: {  	[tilespmem:s9+$0x13C80] =	vst v0  }
0x8b: {  	[tilespmem:s9+$0x13C90] =	vst v0  }
0x8c: {  	[tilespmem:s9+$0x13CA0] =	vst v0  }
0x8d: {  	[tilespmem:s9+$0x13CB0] =	vst v0  }
0x8e: {  	[tilespmem:s9+$0x13CC0] =	vst v0  }
0x8f: {  	[tilespmem:s9+$0x13CD0] =	vst v0  }
0x90: {  	[tilespmem:s9+$0x13CE0] =	vst v0;
	s7 =	simm.s32 @p0 $0x13C80;
	s8 =	rddreg [dreg:$0x5]  }
0x91: {  	[spmem:s8] =	stream.linear.scatter @p0 [tilespmem:s7], [sflag:$0x5], $0x4000, $0x38;
	[tilespmem:$0x1C080] =	vst v63  }
0x92: {  	s8 =	rddreg [dreg:$0x6]  }
0x93: {  	[spmem:s8] =	stream.linear.scatter @p0 [tilespmem:s7], [sflag:$0x5], $0x4000, $0x38;
	[tilespmem:$0x1C080] =	vst v63  }
0x94: {  	s8 =	rddreg [dreg:$0x16]  }
0x95: {  	[spmem:s8] =	stream.linear.scatter @p0 [tilespmem:s7], [sflag:$0x5], $0x4000, $0x38;
	[tilespmem:$0x1C080] =	vst v63  }
0x96: {  	s8 =	rddreg [dreg:$0x17]  }
0x97: {  	[spmem:s8] =	stream.linear.scatter @p0 [tilespmem:s7], [sflag:$0x5], $0x800, $0x38;
	[tilespmem:$0x1C080] =	vst v63  }
0x98: {  	s7 =	simm.s32 @p0 $0x5  }
0x99: {  	_ =	swait.ge @p0 [sflag:s7], $0x4000  }
0x9a: {  	[sflag:s7] =	ssyncset.done @p0 $0x0  }
0x9b: {  	[sflag:s7] =	ssyncadd.s32 @p0 $0xFFFFC000  }
0x9c: {  	_ =	swait.ge @p0 [sflag:s7], $0x4000  }
0x9d: {  	[sflag:s7] =	ssyncset.done @p0 $0x0  }
0x9e: {  	[sflag:s7] =	ssyncadd.s32 @p0 $0xFFFFC000  }
0x9f: {  	_ =	swait.ge @p0 [sflag:s7], $0x4000  }
0xa0: {  	[sflag:s7] =	ssyncset.done @p0 $0x0  }
0xa1: {  	[sflag:s7] =	ssyncadd.s32 @p0 $0xFFFFC000  }
0xa2: {  	_ =	swait.ge @p0 [sflag:s7], $0x800  }
0xa3: {  	[sflag:s7] =	ssyncset.done @p0 $0x0  }
0xa4: {  	s8 =	rddreg [dreg:$0x4];
	[sflag:s7] =	ssyncadd.s32 @p0 $0xFFFFF800;
	s7 =	simm.s32 @!p0 $0x13C80  }
0xa5: {  	[spmem:s8] =	stream.linear.scatter @!p0 [tilespmem:s7], [sflag:$0x5], $0x4000, $0x38;
	[tilespmem:$0x1C080] =	vst v63  }
0xa6: {  	s8 =	rddreg [dreg:$0x18]  }
0xa7: {  	[spmem:s8] =	stream.linear.scatter @!p0 [tilespmem:s7], [sflag:$0x5], $0x4000, $0x38;
	[tilespmem:$0x1C080] =	vst v63  }
0xa8: {  	s8 =	rddreg [dreg:$0x19]  }
0xa9: {  	[spmem:s8] =	stream.linear.scatter @!p0 [tilespmem:s7], [sflag:$0x5], $0x4000, $0x38;
	[tilespmem:$0x1C080] =	vst v63  }
0xaa: {  	s8 =	rddreg [dreg:$0x1a]  }
0xab: {  	[spmem:s8] =	stream.linear.scatter @!p0 [tilespmem:s7], [sflag:$0x5], $0x4000, $0x38;
	[tilespmem:$0x1C080] =	vst v63  }
0xac: {  	s8 =	rddreg [dreg:$0x1b]  }
0xad: {  	[spmem:s8] =	stream.linear.scatter @!p0 [tilespmem:s7], [sflag:$0x5], $0x4000, $0x38;
	[tilespmem:$0x1C080] =	vst v63  }
0xae: {  	s7 =	simm.s32 @!p0 $0x5  }
0xaf: {  	_ =	swait.ge @!p0 [sflag:s7], $0x4000  }
0xb0: {  	[sflag:s7] =	ssyncset.done @!p0 $0x0  }
0xb1: {  	[sflag:s7] =	ssyncadd.s32 @!p0 $0xFFFFC000  }
0xb2: {  	_ =	swait.ge @!p0 [sflag:s7], $0x4000  }
0xb3: {  	[sflag:s7] =	ssyncset.done @!p0 $0x0  }
0xb4: {  	[sflag:s7] =	ssyncadd.s32 @!p0 $0xFFFFC000  }
0xb5: {  	_ =	swait.ge @!p0 [sflag:s7], $0x4000  }
0xb6: {  	[sflag:s7] =	ssyncset.done @!p0 $0x0  }
0xb7: {  	[sflag:s7] =	ssyncadd.s32 @!p0 $0xFFFFC000  }
0xb8: {  	_ =	swait.ge @!p0 [sflag:s7], $0x4000  }
0xb9: {  	[sflag:s7] =	ssyncset.done @!p0 $0x0  }
0xba: {  	[sflag:s7] =	ssyncadd.s32 @!p0 $0xFFFFC000  }
0xbb: {  	_ =	swait.ge @!p0 [sflag:s7], $0x4000  }
0xbc: {  	[sflag:s7] =	ssyncset.done @!p0 $0x0  }
0xbd: {  	[sflag:s7] =	ssyncadd.s32 @!p0 $0xFFFFC000  }
0xbe: {  	[bflag:$0x0] =	sbarrier.arrive $0xFFFF  }
0xbf: {  	s9 =	simm.s32 $0x0;
	s8 =	rddreg [dreg:$0x7]  }
0xc0: {  	[tilespmem:s11], [sflag:$0x5] =	stream.linear.gather [hbm4b:s8+s9], $0x80, $0x38;
	[tilespmem:$0x1C080] =	vst v63  }
0xc1: {  	s14 =	rddreg [dreg:$0x8]  }
0xc2: {  	[tilespmem:s12], [sflag:$0x5] =	stream.linear.gather [hbm4b:s14+s9], $0x80, $0x38;
	[tilespmem:$0x1C080] =	vst v63  }
0xc3: {  	s26 =	rddreg [dreg:$0x9]  }
0xc4: {  	[tilespmem:s13], [sflag:$0x5] =	stream.linear.gather [hbm4b:s26+s9], $0x80, $0x38;
	[tilespmem:$0x1C080] =	vst v63  }
0xc5: {  	s28 =	rddreg [dreg:$0xa]  }
0xc6: {  	[tilespmem:s15], [sflag:$0x5] =	stream.linear.gather [hbm4b:s28+s9], $0x80, $0x38;
	[tilespmem:$0x1C080] =	vst v63  }
0xc7: {  	_ =	swait.ge [sflag:s16], $0x80  }
0xc8: {  	[sflag:s16] =	ssyncset.done $0x0  }
0xc9: {  	[sflag:s16] =	ssyncadd.s32 $0xFFFFFF80  }
0xca: {  	_ =	swait.ge [sflag:s16], $0x80  }
0xcb: {  	[sflag:s16] =	ssyncset.done $0x0  }
0xcc: {  	[sflag:s16] =	ssyncadd.s32 $0xFFFFFF80  }
0xcd: {  	_ =	swait.ge [sflag:s16], $0x80  }
0xce: {  	[sflag:s16] =	ssyncset.done $0x0  }
0xcf: {  	[sflag:s16] =	ssyncadd.s32 $0xFFFFFF80  }
0xd0: {  	_ =	swait.ge [sflag:s16], $0x80  }
0xd1: {  	[sflag:s16] =	ssyncset.done $0x0  }
0xd2: {  	[sflag:s16] =	ssyncadd.s32 $0xFFFFFF80  }
0xd3: {  	[tilespmem:s19], [sflag:$0x1] =	stream.indirect.gather [hbm4b:s1+s17], $0x80, s11, s17, $0xb8;
	[tilespmem:$0x1C080] =	vst v63  }
.LBB2_4:
0xd4: {  	p1 =	seq.s32 s9, $0x0;
	s7 =	sadd.s32 s9, s18  }
0xd5: {  	s28 =	sand.u32 $0x40, s9;
	s26 =	simm.s32 @!p1 $0x4;
	s7 =	sand.u32 $0xFFFFF80, s7  }
0xd6: {  	_ =	swait.ge @!p1 [sflag:s26], $0x4000;
	s7 =	sor.u32 s28, s7  }
0xd7: {  	[sflag:s26] =	ssyncset.done @!p1 $0x0;
	s28 =	sor.u32 $0x20, s7  }
0xd8: {  	[sflag:s26] =	ssyncadd.s32 @!p1 $0xFFFFC000;
	s8 =	sadd.s32 s5, s28  }
0xd9: {  	[tilespmem:s20], [sflag:$0x6] =	stream.linear.gather [hbm4b:s8+s3], $0x80, $0x38;
	[tilespmem:$0x1C080] =	vst v63  }
0xda: {  	s7 =	sor.u32 $0x30, s7;
	s14 =	sadd.s32 s6, s28  }
0xdb: {  	[tilespmem:s21], [sflag:$0x6] =	stream.linear.gather [hbm4b:s14+s3], $0x80, $0x38;
	[tilespmem:$0x1C080] =	vst v63  }
0xdc: {  	s28 =	sadd.s32 s5, s7  }
0xdd: {  	[tilespmem:s22], [sflag:$0x6] =	stream.linear.gather [hbm4b:s28+s3], $0x80, $0x38;
	[tilespmem:$0x1C080] =	vst v63  }
0xde: {  	s7 =	sadd.s32 s6, s7  }
0xdf: {  	[tilespmem:s23], [sflag:$0x6] =	stream.linear.gather [hbm4b:s7+s3], $0x80, $0x38;
	[tilespmem:$0x1C080] =	vst v63  }
0xe0: {  	_ =	swait.ge [sflag:s24], $0x4000  }
0xe1: {  	[sflag:s24] =	ssyncset.done $0x0  }
0xe2: {  	[sflag:s24] =	ssyncadd.s32 $0xFFFFC000  }
0xe3: {  	[spmem:s2] =	stream.indirect.scatter.add.f32 [tilespmem:s19], [sflag:$0x3], $0x80, s12, s17, $0xb8;
	[tilespmem:$0x1C080] =	vst v63  }
0xe4: {  	_ = 	snop  }
0xe5: {  	[tilespmem:s25], [sflag:$0x2] =	stream.indirect.gather [hbm4b:s1+s17], $0x80, s13, s17, $0xb8;
	[tilespmem:$0x1C080] =	vst v63  }
0xe6: {  	_ =	swait.ge [sflag:s29], $0x4000  }
0xe7: {  	[sflag:s29] =	ssyncset.done $0x0  }
0xe8: {  	[sflag:s29] =	ssyncadd.s32 $0xFFFFC000  }
0xe9: {  	[spmem:s2] =	stream.indirect.scatter.add.f32 [tilespmem:s25], [sflag:$0x4], $0x80, s15, s17, $0xb8;
	[tilespmem:$0x1C080] =	vst v63  }
0xea: {  	_ =	swait.ge [sflag:s30], $0x4000  }
0xeb: {  	[sflag:s30] =	ssyncset.done $0x0  }
0xec: {  	[sflag:s30] =	ssyncadd.s32 $0xFFFFC000  }
0xed: {  	_ =	swait.ge [sflag:s31], $0x80  }
0xee: {  	[sflag:s31] =	ssyncset.done $0x0  }
0xef: {  	[sflag:s31] =	ssyncadd.s32 $0xFFFFFF80  }
0xf0: {  	_ =	swait.ge [sflag:s31], $0x80  }
0xf1: {  	[sflag:s31] =	ssyncset.done $0x0  }
0xf2: {  	[sflag:s31] =	ssyncadd.s32 $0xFFFFFF80  }
0xf3: {  	_ =	swait.ge [sflag:s31], $0x80  }
0xf4: {  	[sflag:s31] =	ssyncset.done $0x0  }
0xf5: {  	[sflag:s31] =	ssyncadd.s32 $0xFFFFFF80  }
0xf6: {  	_ =	swait.ge [sflag:s31], $0x80  }
0xf7: {  	[sflag:s31] =	ssyncset.done $0x0  }
0xf8: {  	[sflag:s31] =	ssyncadd.s32 $0xFFFFFF80  }
0xf9: {  	[tilespmem:s19], [sflag:$0x1] =	stream.indirect.gather [hbm4b:s1+s17], $0x80, s20, s17, $0xb8;
	[tilespmem:$0x1C080] =	vst v63  }
0xfa: {  	p1 =	seq.s32 s9, $0x4C0;
	_ =	swait.ge [sflag:s0], $0x4000  }
0xfb: {  	s14 =	simm.s32 @!p1 $0x1BC80;
	s7 =	sadd.s32 @!p1 s9, s4;
	[sflag:s0] =	ssyncset.done $0x0  }
0xfc: {  	s28 =	simm.s32 @!p1 $0x0;
	s26 =	sadd.s32 @!p1 $0x40, s7;
	[sflag:s0] =	ssyncadd.s32 $0xFFFFC000  }
0xfd: {  	[tilespmem:s14], [sflag:$0x5] =	stream.linear.gather @!p1 [hbm4b:s26+s28], $0x80, $0x38;
	[tilespmem:$0x1C080] =	vst v63  }
0xfe: {  	s14 =	sadd.s32 @!p1 s9, s10  }
0xff: {  	s8 =	simm.s32 @!p1 $0x1BD80;
	s26 =	sadd.s32 @!p1 $0x40, s14  }
0x100: {  	[tilespmem:s8], [sflag:$0x5] =	stream.linear.gather @!p1 [hbm4b:s26+s28], $0x80, $0x38;
	[tilespmem:$0x1C080] =	vst v63  }
0x101: {  	s7 =	sadd.s32 @!p1 $0x50, s7;
	s8 =	simm.s32 @!p1 $0x1BD00  }
0x102: {  	[tilespmem:s8], [sflag:$0x5] =	stream.linear.gather @!p1 [hbm4b:s7+s28], $0x80, $0x38;
	[tilespmem:$0x1C080] =	vst v63  }
0x103: {  	s7 =	sadd.s32 @!p1 $0x50, s14;
	s8 =	simm.s32 @!p1 $0x1BE00  }
0x104: {  	[tilespmem:s8], [sflag:$0x5] =	stream.linear.gather @!p1 [hbm4b:s7+s28], $0x80, $0x38;
	[tilespmem:$0x1C080] =	vst v63  }
0x105: {  	_ =	swait.ge [sflag:s24], $0x4000  }
0x106: {  	[sflag:s24] =	ssyncset.done $0x0  }
0x107: {  	[sflag:s24] =	ssyncadd.s32 $0xFFFFC000  }
0x108: {  	[spmem:s2] =	stream.indirect.scatter.add.f32 [tilespmem:s19], [sflag:$0x3], $0x80, s21, s17, $0xb8;
	[tilespmem:$0x1C080] =	vst v63  }
0x109: {  	_ = 	snop  }
0x10a: {  	[tilespmem:s25], [sflag:$0x2] =	stream.indirect.gather [hbm4b:s1+s17], $0x80, s22, s17, $0xb8;
	[tilespmem:$0x1C080] =	vst v63  }
0x10b: {  	_ =	swait.ge [sflag:s29], $0x4000  }
0x10c: {  	[sflag:s29] =	ssyncset.done $0x0  }
.Ltmp3:
0x10d: {  	[sflag:s29] =	ssyncadd.s32 $0xFFFFC000;
	(pc) =	sbr.rel @p1 .LBB2_6-.Ltmp3, $4  }
0x10e: {  	[spmem:s2] =	stream.indirect.scatter.add.f32 [tilespmem:s25], [sflag:$0x4], $0x80, s23, s17, $0xb8;
	[tilespmem:$0x1C080] =	vst v63  }
0x10f: {  	_ =	swait.ge [sflag:s30], $0x4000  }
0x110: {  	[sflag:s30] =	ssyncset.done $0x0  }
0x111: {  	[sflag:s30] =	ssyncadd.s32 $0xFFFFC000  }
0x112: {  	_ =	swait.ge [sflag:s16], $0x80  }
0x113: {  	[sflag:s16] =	ssyncset.done $0x0  }
0x114: {  	[sflag:s16] =	ssyncadd.s32 $0xFFFFFF80  }
0x115: {  	_ =	swait.ge [sflag:s16], $0x80  }
0x116: {  	[sflag:s16] =	ssyncset.done $0x0  }
0x117: {  	[sflag:s16] =	ssyncadd.s32 $0xFFFFFF80  }
0x118: {  	_ =	swait.ge [sflag:s16], $0x80  }
0x119: {  	[sflag:s16] =	ssyncset.done $0x0  }
.Ltmp4:
0x11a: {  	[sflag:s16] =	ssyncadd.s32 $0xFFFFFF80;
	(pc) =	sbr.rel .LBB2_4-.Ltmp4, $4  }
0x11b: {  	_ =	swait.ge [sflag:s16], $0x80  }
0x11c: {  	[sflag:s16] =	ssyncset.done $0x0  }
0x11d: {  	s9 =	sadd.s32 $0x40, s9;
	[sflag:s16] =	ssyncadd.s32 $0xFFFFFF80  }
0x11e: {  	[tilespmem:s19], [sflag:$0x1] =	stream.indirect.gather [hbm4b:s1+s17], $0x80, s11, s17, $0xb8;
	[tilespmem:$0x1C080] =	vst v63  }
.LBB2_7:
0x11f: {  	_ =	sfence.sel $0x180000  }
0x120: {  	[bflag:$0x0] =	sbarrier.arrive $0xFFFF  }
0x121: {  	_ =	strace $0x9000004A  }
0x122: {  	s0 =	stileid.u32;
	[bflag:$0x2] =	sbarrier.arrive $0xFFFF  }
0x123: {  	p0 =	sne.s32 s0, $0x0;
	s0 =	rddreg [dreg:$0x3]  }
0x124: {  	s0 =	sadd.s32 @!p0 $0x100000, s0  }
0x125: {  	[sflag:s0] =	ssyncadd.tile.s32 @!p0 $0x1;
	_ =	shalt  }
.Lfunc_end2:
_tile_overlayer_lowered:
.L_overlay_start_2:
0x126: {  	(tag) =	ssettag $0x2  }
0x127: {  	s0 =	rddreg [dreg:$0x0];
	s2 =	stileid.u32  }
0x128: {  	s1 =	rddreg [dreg:$0x1];
	p0 =	sne.s32 s2, $0x0  }
0x129: {  	s3 =	rddreg [dreg:$0x2];
	[bflag:$0x3] =	sbarrier.arrive $0xFFFF;
	s2 =	simm.s32 @!p0 $0x1C07  }
0x12a: {  	[timem:s3], [sflag:s2] =	dma.local @!p0 [hbm:s0], s1  }
0x12b: {  	s0 =	simm.s32 @!p0 $0x7  }
0x12c: {  	_ =	swait.ge @!p0 [sflag:s0], s1  }
0x12d: {  	s1 =	ssub.s32 @!p0 $0x0, s1;
	[sflag:s0] =	ssyncset.done @!p0 $0x0  }
0x12e: {  	[sflag:s0] =	ssyncadd.s32 @!p0 s1  }
0x12f: {  	[bflag:$0x3] =	sbarrier.arrive $0xFFFF  }
0x130: {  	_ =	shalt  }

// kernel: kernel.14.cloned.1.call-start
scs
__scs_entry_jumppad:
0x0: {  	(pc) =	sbr.rel $0x88, $3  }
0x1: {  	(tag) =	ssettag $0x0;
	lr =	simm.s32 $0x1  }
0x2: {  	[smem:$0x3F9B] =	sst lr;
	_ =	strace $0xD0000000  }
0x3: {  	_ = 	snop  }
0x4: {  	_ = 	snop  }
0x5: {  	_ = 	snop  }
0x6: {  	_ = 	snop  }
0x7: {  	_ = 	snop  }
__scs_overlays_trampoline_lowered:
0x8: {  	[smem:$0x3FAA] =	sst s0  }
0x9: {  	[smem:$0x3FAB] =	sst s1  }
0xa: {  	[smem:$0x3FAC] =	sst s2  }
0xb: {  	[smem:$0x3FAD] =	sst s3  }
0xc: {  	[smem:$0x3FAE] =	sst s4  }
0xd: {  	[smem:$0x3FAF] =	sst s5  }
0xe: {  	[smem:$0x3FB0] =	sst s6  }
0xf: {  	[smem:$0x3FB1] =	sst s7  }
0x10: {  	[smem:$0x3FB2] =	sst s8  }
0x11: {  	[smem:$0x3FB3] =	sst s9;
	s0 =	simm.s32 @!p0 $0x0  }
0x12: {  	s1 =	sld [smem:$0x3F99];
	s0 =	simm.s32 @p0 $0x1  }
0x13: {  	[smem:$0x3FB4] =	sst s0;
	s0 =	simm.s32 @!p1 $0x0  }
0x14: {  	s2 =	sld [smem:$0x3F98];
	s0 =	simm.s32 @p1 $0x1  }
0x15: {  	[smem:$0x3FB5] =	sst s0;
	s0 =	simm.s32 @!p2 $0x0  }
0x16: {  	s3 =	sld [smem:$0x3FDB];
	s0 =	simm.s32 @p2 $0x1  }
0x17: {  	s4 =	simm.s32 $0x1BF5;
	[smem:$0x3FB7] =	sst s0  }
0x18: {  	s0 =	sld [smem:$0x3F9A];
	_ =	swait.ge [sflag:s4], $0x0  }
0x19: {  	s7 =	sld [smem:$0x3F9B]  }
0x1a: {  	s8 =	sadd.s32 $0xFFFFE003, lr  }
0x1b: {  	s9 =	sadd.s32 $0xFFFFFEF7, lr;
	s5 =	simm.s32 $0xFFFFFFFF;
	p2 =	slt.u32 s8, $0xFFFFF086  }
0x1c: {  	p1 =	slt.u32 s9, $0xF7A;
	s5 =	simm.s32 @!p2 $0x0  }
0x1d: {  	s5 =	simm.s32 @p1 $0x1;
	p0 =	seq.s32 s7, s2  }
0x1e: {  	s7 =	smul.u32 @!p0 $0xF7A, s2;
	p2 =	seq.s32 @!p0 s5, $0x0  }
0x1f: {  	s9 =	smul.u32 $0xF7A, s1;
	s8 =	simm.s32 @!p0 $0x1BF5;
	p2 =	por !p2, p0  }
0x20: {  	[sflag:s8] =	ssyncset.s32 @!p0 $0xFFFFF086;
	s6 =	sadd.s32 @!p0 s3, s7;
	s7 =	simm.s32 @!p0 $0x108  }
0x21: {  	s3 =	sadd.s32 s3, s9;
	s6 =	sadd.s32 @!p0 $0x88, s6;
	s7 =	simm.s32 @p2 $0x1082  }
0x22: {  	[simem:s7], [sflag:s8] =	dma.local @!p0 [hbm:s6], $0xF7A  }
0x23: {  	s9 =	sor.u32 $0xD0000000, s2;
	s6 =	simm.s32 $0x108;
	_ =	swait.ge @!p0 [sflag:s8], $0x0  }
0x24: {  	s3 =	sadd.s32 $0x88, s3;
	s6 =	simm.s32 @!p1 $0x1082;
	[sflag:s4] =	ssyncset.s32 $0xFFFFF086  }
0x25: {  	[simem:s6], [sflag:s4] =	dma.local [hbm:s3], $0xF7A  }
0x26: {  	[smem:$0x3F9B] =	sst s1;
	(tag) =	ssettag s2;
	_ =	strace s9  }
0x27: {  	s1 =	sld [smem:$0x3FAB]  }
0x28: {  	s2 =	sld [smem:$0x3FAC]  }
0x29: {  	s4 =	sld [smem:$0x3FAE]  }
0x2a: {  	p0 =	seq.s32 s5, $0x0;
	s5 =	sld [smem:$0x3FAF]  }
0x2b: {  	s6 =	sld [smem:$0x3FB0]  }
0x2c: {  	s7 =	sld [smem:$0x3FB1]  }
0x2d: {  	s3 =	simm.s32 $0x108;
	s8 =	sld [smem:$0x3FB2]  }
0x2e: {  	s3 =	simm.s32 @!p0 $0x1082;
	s9 =	sld [smem:$0x3FB3]  }
0x2f: {  	lr =	sadd.s32 s0, s3;
	s0 =	sld [smem:$0x3FAA]  }
0x30: {  	s3 =	sld [smem:$0x3FAD]  }
0x31: {  	[smem:$0x3FB6] =	sst s10  }
0x32: {  	s10 =	sld [smem:$0x3FB4];
	_ =	sdelay $0x3  }
0x33: {  	p0 =	seq.s32 s10, $0x1;
	s10 =	sld [smem:$0x3FB6];
	_ =	sdelay $0x3  }
0x34: {  	[smem:$0x3FB6] =	sst s10  }
0x35: {  	s10 =	sld [smem:$0x3FB5];
	_ =	sdelay $0x3  }
0x36: {  	p1 =	seq.s32 s10, $0x1;
	s10 =	sld [smem:$0x3FB6];
	_ =	sdelay $0x3  }
0x37: {  	[smem:$0x3FB6] =	sst s10  }
0x38: {  	s10 =	sld [smem:$0x3FB7]  }
0x39: {  	_ = 	snop;
	(pc) =	sbr.ind lr, $3  }
0x3a: {  	_ = 	snop  }
0x3b: {  	_ = 	snop  }
0x3c: {  	p2 =	seq.s32 s10, $0x1;
	s10 =	sld [smem:$0x3FB6]  }
0x3d: {  	_ =	shalt  }
0x3e: {  	_ =	shalt  }
0x3f: {  	_ =	shalt  }
0x40: {  	_ =	shalt  }
0x41: {  	_ =	shalt  }
0x42: {  	_ =	shalt  }
0x43: {  	_ =	shalt  }
0x44: {  	_ =	shalt  }
0x45: {  	_ =	shalt  }
0x46: {  	_ =	shalt  }
0x47: {  	_ =	shalt  }
0x48: {  	_ =	shalt  }
0x49: {  	_ =	shalt  }
0x4a: {  	_ =	shalt  }
0x4b: {  	_ =	shalt  }
0x4c: {  	_ =	shalt  }
0x4d: {  	_ =	shalt  }
0x4e: {  	_ =	shalt  }
0x4f: {  	_ =	shalt  }
0x50: {  	_ =	shalt  }
0x51: {  	_ =	shalt  }
0x52: {  	_ =	shalt  }
0x53: {  	_ =	shalt  }
0x54: {  	_ =	shalt  }
0x55: {  	_ =	shalt  }
0x56: {  	_ =	shalt  }
0x57: {  	_ =	shalt  }
0x58: {  	_ =	shalt  }
0x59: {  	_ =	shalt  }
0x5a: {  	_ =	shalt  }
0x5b: {  	_ =	shalt  }
0x5c: {  	_ =	shalt  }
0x5d: {  	_ =	shalt  }
0x5e: {  	_ =	shalt  }
0x5f: {  	_ =	shalt  }
0x60: {  	_ =	shalt  }
0x61: {  	_ =	shalt  }
0x62: {  	_ =	shalt  }
0x63: {  	_ =	shalt  }
0x64: {  	_ =	shalt  }
0x65: {  	_ =	shalt  }
0x66: {  	_ =	shalt  }
0x67: {  	_ =	shalt  }
0x68: {  	_ =	shalt  }
0x69: {  	_ =	shalt  }
0x6a: {  	_ =	shalt  }
0x6b: {  	_ =	shalt  }
0x6c: {  	_ =	shalt  }
0x6d: {  	_ =	shalt  }
0x6e: {  	_ =	shalt  }
0x6f: {  	_ =	shalt  }
0x70: {  	_ =	shalt  }
0x71: {  	_ =	shalt  }
0x72: {  	_ =	shalt  }
0x73: {  	_ =	shalt  }
0x74: {  	_ =	shalt  }
0x75: {  	_ =	shalt  }
0x76: {  	_ =	shalt  }
0x77: {  	_ =	shalt  }
0x78: {  	_ =	shalt  }
0x79: {  	_ =	shalt  }
0x7a: {  	_ =	shalt  }
0x7b: {  	_ =	shalt  }
0x7c: {  	_ =	shalt  }
0x7d: {  	_ =	shalt  }
0x7e: {  	_ =	shalt  }
0x7f: {  	_ =	shalt  }
0x80: {  	_ =	shalt  }
0x81: {  	_ =	shalt  }
0x82: {  	_ =	shalt  }
0x83: {  	_ =	shalt  }
0x84: {  	_ =	shalt  }
0x85: {  	_ =	shalt  }
0x86: {  	_ =	shalt  }
0x87: {  	_ =	shalt  }
.Lfunc_end0:
.L_simem_size_0:
called_computation.2_lowered:
.L_overlay_start_0:
0x88: {  	s2 =	sld [smem:$0x3FD9]  }
0x89: {  	s3 =	sld [smem:$0x3FFE];
	_ =	sdelay $0x1  }
0x8a: {  	s1 =	srdreg.scid  }
0x8b: {  	s0 =	sand.u32 $0x1, s1  }
0x8c: {  	s17 =	sshll.u32 s0, $0xA;
	s2 =	sadd.s32 s3, s2  }
0x8d: {  	s2 =	sadd.s32 s2, s17  }
0x8e: {  	[smem:$0x3FC2] =	sst s2  }
0x8f: {  	_ = 	snop  }
0x90: {  	s2 =	sld [smem:$0x3FD0];
	(tm) =	ssettm $0x1  }
0x91: {  	s18 =	sld [smem:$0x3FFB];
	_ =	sdelay $0x3  }
0x92: {  	_ =	strace s18  }
0x93: {  	s3 =	sld [smem:$0x3FFC];
	_ =	sdelay $0x3  }
0x94: {  	_ =	strace s3  }
0x95: {  	s3 =	sld [smem:$0x3FFD];
	_ =	sdelay $0x3  }
0x96: {  	_ =	strace s3  }
0x97: {  	_ =	strace $0x8FFFFFFF  }
0x98: {  	s19 =	sld [smem:$0x3FDB];
	_ =	sdelay $0x1  }
0x99: {  	s4 =	simm.s32 $_scs_section_size  }
0x9a: {  	s5 =	simm.s32 $_size__tile_overlayer_lowered;
	s6 =	simm.s32 $_tile_overlayer_lowered  }
0x9b: {  	s22 =	simm.s32 $0x1BFF;
	s21 =	sshll.u32 s6, $0x1;
	s3 =	sadd.s32 s4, s19  }
0x9c: {  	s7 =	simm.s32 $0x0;
	s20 =	sshll.u32 s5, $0x1;
	s5 =	sadd.s32 s21, s3  }
0x9d: {  	[timem:s7], [sflag:s22] =	dma.local [hbm:s5], s20  }
0x9e: {  	_ =	swait.ge [sflag:s22], s20  }
0x9f: {  	s4 =	ssub.s32 $0x0, s20;
	[sflag:s22] =	ssyncset.done $0x0  }
0xa0: {  	[sflag:s22] =	ssyncadd.s32 s4;
	_ =	sdelay $0x1  }
0xa1: {  	s23 =	simm.s32 $0x1B8B  }
0xa2: {  	_ =	swait.ge [sflag:s23], $0x1  }
0xa3: {  	[sflag:s23] =	ssyncset.done $0x0  }
0xa4: {  	s25 =	simm.s32 $0x1B8E;
	s24 =	sld [smem:$0x3FFE];
	[sflag:s23] =	ssyncadd.s32 $0xFFFFFFFF  }
0xa5: {  	s26 =	simm.s32 $execute0_lowered;
	[smem:$0x3FD2] =	sst s25  }
0xa6: {  	s5 =	sshll.u32 s26, $0x1;
	_ =	strace $0x8000004C;
	[dreg:$0x1] =	wrdreg $0xFFFFFFFF  }
0xa7: {  	s28 =	simm.s32 $_size_execute0_lowered;
	s3 =	sadd.s32 s3, s5;
	[dreg:$0x0] =	wrdreg $0x0  }
0xa8: {  	s5 =	sshll.u32 s28, $0x1;
	[dreg:$0x2] =	wrdreg s3  }
0xa9: {  	[dreg:$0x3] =	wrdreg s5  }
0xaa: {  	[dreg:$0x4] =	wrdreg $0xC0  }
0xab: {  	_ =	task [dreg:s7], $0x5FFFF  }
0xac: {  	[dreg:$0x1] =	wrdreg $0xFFFFFFFF  }
0xad: {  	[dreg:$0x0] =	wrdreg $0x60  }
0xae: {  	[dreg:$0x2] =	wrdreg s2  }
0xaf: {  	[dreg:$0x3] =	wrdreg s24  }
0xb0: {  	[dreg:$0x4] =	wrdreg $0x0  }
0xb1: {  	[dreg:$0x5] =	wrdreg $0x9  }
0xb2: {  	_ =	task.clear_ibuf [dreg:s7], $0x6FFFF;
	_ =	strace $0x9000004C  }
0xb3: {  	s29 =	simm.s32 $0x9;
	_ =	strace $0x8000004E  }
0xb4: {  	_ =	swait.ge [sflag:s29], $0x1  }
0xb5: {  	[sflag:s29] =	ssyncadd.s32 $0xFFFFFFFF  }
0xb6: {  	_ =	strace $0x9000004E  }
0xb7: {  	_ =	sfence  }
0xb8: {  	s30 =	sld [smem:$0x0];
	_ =	sdelay $0x2  }
0xb9: {  	s31 =	sshll.u32 s1, $0xD;
	s1 =	sshrl.u32 s1, $0x2  }
0xba: {  	s3 =	sand.u32 $0x4000, s31;
	s1 =	sadd.s32 s1, s30  }
0xbb: {  	s0 =	sor.u32 s3, s0;
	s1 =	sshll.u32 s1, $0x11  }
0xbc: {  	s0 =	sor.u32 s1, s0  }
0xbd: {  	s0 =	sadd.s32 $0x8F2B, s0  }
0xbe: {  	[sflag:s0] =	ssyncadd.remote.s32 $0x1  }
0xbf: {  	_ =	sfence.sel $0xFFFF  }
0xc0: {  	[dreg:$0x0] =	wrdreg $0xFFFFFFFF;
	(pc) =	sbr.abs _section_cstart, $3  }
0xc1: {  	[dreg:$0x1] =	wrdreg $0xFFFFFFFF  }
0xc2: {  	_ =	task.clear_ibuf [dreg:s7], $0x2FFFF;
	_ =	strace $0x9FFFFFFF  }
0xc3: {  	(tm) =	ssettm $0x7FFFFFFF  }
tec
execute0_lowered:
.L_overlay_start_1:
0x0: {  	(tag) =	ssettag $0x1  }
0x1: {  	s1 =	rddreg [dreg:$0x0]  }
0x2: {  	s0 =	rddreg [dreg:$0x1]  }
0x3: {  	s2 =	rddreg [dreg:$0x2];
	s3 =	simm.s32 $0x0  }
0x4: {  	s4 =	srdreg.scid;
	s14 =	stileid.u32;
	s29 =	simm.s32 $0x2  }
0x5: {  	s30 =	simm.s32 $0x3;
	s31 =	simm.s32 $0x6;
	[smem:$0x7FF] =	sst s3  }
0x6: {  	s5 =	sadd.s32 $0xC600, s0;
	s4 =	sand.u32 $0x1, s4;
	s10 =	smul.u32 $0x50000, s14  }
0x7: {  	s6 =	sadd.s32 $0x2600, s0;
	s9 =	sshll.u32 s14, $0x1;
	s24 =	smul.u32 $0x280, s14  }
0x8: {  	s20 =	sadd.s32 $0x12C000, s2;
	s21 =	sadd.s32 $0x130000, s2;
	s12 =	smul.u32 $0x2800, s14  }
0x9: {  	p0 =	seq.s32 s14, $0xF;
	_ =	strace $0x8000004D;
	s7 =	smul.u32 $0x27100, s4  }
0xa: {  	s8 =	ssub.s32 $0x2, s4;
	s9 =	sor.u32 s4, s9;
	[dreg:$0x5] =	wrdreg s20  }
0xb: {  	[dreg:$0x6] =	wrdreg s21;
	s4 =	smul.u32 $0x500, s4;
	s18 =	sshrl.u32 s8, $0x1  }
0xc: {  	s19 =	sshrl.u32 s10, $0x2;
	s9 =	smul.u32 $0x500, s9;
	s26 =	sadd.s32 $0x80, s24  }
0xd: {  	s28 =	sadd.s32 $0x100, s24;
	s11 =	sadd.s32 $0x180, s24;
	s10 =	sadd.s32 $0x200, s24  }
0xe: {  	s0 =	sadd.s32 s7, s0;
	s7 =	ssub.s32 s8, s18;
	s15 =	sadd.s32 s19, s2  }
0xf: {  	s13 =	sshll.u32 s26, $0x7;
	s18 =	smul.u32 $0xA00, s14;
	s19 =	sshll.u32 s28, $0x7  }
0x10: {  	s20 =	sshll.u32 s11, $0x7;
	s21 =	sshll.u32 s10, $0x7;
	s22 =	sadd.s32 s5, s9  }
0x11: {  	s23 =	sor.u32 $0x10, s9;
	s9 =	sadd.s32 s6, s9;
	[dreg:$0x4] =	wrdreg s15  }
0x12: {  	s16 =	sadd.s32 $0x16600, s0;
	s17 =	sadd.s32 s13, s2;
	[dreg:$0x7] =	wrdreg s22  }
0x13: {  	s13 =	sadd.s32 s19, s2;
	s0 =	sadd.s32 s21, s2;
	[dreg:$0x8] =	wrdreg s9  }
0x14: {  	s7 =	smax.u32 s7, $0x1;
	s24 =	sadd.s32 $0x4000, s15;
	[dreg:$0xc] =	wrdreg s17  }
0x15: {  	s19 =	simm.s32 $0x13C80;
	s21 =	simm.s32 $0x1BF80;
	[dreg:$0xd] =	wrdreg s13  }
0x16: {  	s25 =	sadd.s32 s5, s23;
	s8 =	sadd.s32 s6, s23;
	[dreg:$0xf] =	wrdreg s0  }
0x17: {  	s9 =	sshll.u32 s28, $0x4;
	s13 =	sadd.s32 s20, s2;
	[dreg:$0x10] =	wrdreg s7  }
0x18: {  	s18 =	sadd.s32 s4, s18;
	s4 =	sshll.u32 s11, $0x4;
	[dreg:$0xb] =	wrdreg s16  }
0x19: {  	s0 =	sshll.u32 s10, $0x4;
	s7 =	sadd.s32 @!p0 s12, s16;
	[dreg:$0x18] =	wrdreg s24  }
0x1a: {  	s22 =	sadd.s32 $0x134000, s2;
	s23 =	sadd.s32 $0x138000, s2;
	[dreg:$0x9] =	wrdreg s25  }
0x1b: {  	s28 =	sadd.s32 $0x10000, s15;
	s11 =	simm.s32 $0x1BC80;
	[dreg:$0xa] =	wrdreg s8  }
0x1c: {  	s12 =	simm.s32 $0x1BD80;
	s17 =	simm.s32 $0x80;
	[dreg:$0xe] =	wrdreg s13  }
0x1d: {  	s20 =	simm.s32 $0x1BE80;
	s24 =	simm.s32 $0x1;
	[dreg:$0x11] =	wrdreg s7  }
0x1e: {  	s8 =	sshll.u32 s26, $0x4;
	s4 =	sadd.s32 @!p0 s4, s16;
	[dreg:$0x16] =	wrdreg s22  }
0x1f: {  	s0 =	sadd.s32 @!p0 s0, s16;
	[dreg:$0x17] =	wrdreg s23;
	s25 =	sadd.s32 $0x8000, s15  }
0x20: {  	s26 =	sadd.s32 $0xC000, s15;
	[dreg:$0x1b] =	wrdreg s28;
	s10 =	sadd.s32 s6, s18  }
0x21: {  	s13 =	simm.s32 $0x1BD00;
	s15 =	simm.s32 $0x1BE00;
	[dreg:$0x14] =	wrdreg s4  }
.Ltmp0:
0x22: {  	s22 =	simm.s32 $0x1BF00;
	[dreg:$0x15] =	wrdreg s0;
	(pc) =	sbr.rel .LBB2_1-.Ltmp0, $4  }
0x23: {  	s23 =	simm.s32 $0x1C000;
	s7 =	sadd.s32 @!p0 s8, s16;
	[dreg:$0x19] =	wrdreg s25  }
0x24: {  	[dreg:$0x1a] =	wrdreg s26;
	s4 =	sadd.s32 s5, s18;
	s25 =	simm.s32 $0x17C80  }
0x25: {  	s0 =	simm.s32 $0x4;
	[dreg:$0x12] =	wrdreg s7;
	s7 =	sadd.s32 @!p0 s9, s16  }
0x26: {  	v0 =	vimm.f32 $0.0e+00;
	s8 =	simm.s32 $0x0;
	s16 =	simm.s32 $0x5;
	[dreg:$0x13] =	wrdreg s7  }
.LBB2_6:
0x27: {  	_ =	swait.ge [sflag:s0], $0x4000  }
0x28: {  	[sflag:s0] =	ssyncset.done $0x0  }
0x29: {  	[sflag:s0] =	ssyncadd.s32 $0xFFFFC000  }
0x2a: {  	[bflag:$0x0] =	sbarrier.arrive $0xFFFF  }
0x2b: {  	s7 =	simm.s32 @p0 $0x13C80;
	s8 =	rddreg [dreg:$0x5]  }
0x2c: {  	[tilespmem:s7], [sflag:$0x1] =	stream.linear.gather @p0 [spmem:s8], $0x4000, $0x38;
	[tilespmem:$0x1C080] =	vst v63  }
0x2d: {  	s8 =	simm.s32 @p0 $0x1  }
0x2e: {  	_ =	swait.ge @p0 [sflag:s8], $0x4000  }
0x2f: {  	[sflag:s8] =	ssyncset.done @p0 $0x0;
	s12 =	rddreg [dreg:$0xb]  }
0x30: {  	s14 =	simm.s32 @p0 $0x0;
	[sflag:s8] =	ssyncadd.s32 @p0 $0xFFFFC000;
	s9 =	sadd.s32 @p0 $0x25800, s12  }
0x31: {  	[hbm4b:s9+s14] =	stream.linear.scatter @p0 [tilespmem:s7], [sflag:$0x3], $0x4000, $0x38;
	[tilespmem:$0x1C080] =	vst v63  }
0x32: {  	s26 =	simm.s32 @p0 $0x2;
	s11 =	rddreg [dreg:$0x6];
	s9 =	simm.s32 @p0 $0x17C80  }
0x33: {  	[tilespmem:s9], [sflag:$0x2] =	stream.linear.gather @p0 [spmem:s11], $0x4000, $0x38;
	[tilespmem:$0x1C080] =	vst v63  }
0x34: {  	_ =	swait.ge @p0 [sflag:s26], $0x4000  }
0x35: {  	[sflag:s26] =	ssyncset.done @p0 $0x0  }
0x36: {  	s28 =	sadd.s32 @p0 $0x26000, s12;
	[sflag:s26] =	ssyncadd.s32 @p0 $0xFFFFC000  }
0x37: {  	[hbm4b:s28+s14] =	stream.linear.scatter @p0 [tilespmem:s9], [sflag:$0x4], $0x4000, $0x38;
	[tilespmem:$0x1C080] =	vst v63  }
0x38: {  	s28 =	simm.s32 @p0 $0x3  }
0x39: {  	_ =	swait.ge @p0 [sflag:s28], $0x4000  }
0x3a: {  	[sflag:s28] =	ssyncset.done @p0 $0x0  }
0x3b: {  	s11 =	rddreg [dreg:$0x16];
	[sflag:s28] =	ssyncadd.s32 @p0 $0xFFFFC000  }
0x3c: {  	[tilespmem:s7], [sflag:$0x1] =	stream.linear.gather @p0 [spmem:s11], $0x4000, $0x38;
	[tilespmem:$0x1C080] =	vst v63  }
0x3d: {  	_ =	swait.ge @p0 [sflag:s8], $0x4000  }
0x3e: {  	[sflag:s8] =	ssyncset.done @p0 $0x0  }
0x3f: {  	[sflag:s8] =	ssyncadd.s32 @p0 $0xFFFFC000;
	s8 =	sadd.s32 @p0 $0x26800, s12  }
0x40: {  	[hbm4b:s8+s14] =	stream.linear.scatter @p0 [tilespmem:s7], [sflag:$0x3], $0x4000, $0x38;
	[tilespmem:$0x1C080] =	vst v63  }
0x41: {  	s7 =	simm.s32 @p0 $0x4  }
0x42: {  	_ =	swait.ge @p0 [sflag:s7], $0x4000  }
0x43: {  	[sflag:s7] =	ssyncset.done @p0 $0x0  }
0x44: {  	s8 =	rddreg [dreg:$0x17];
	[sflag:s7] =	ssyncadd.s32 @p0 $0xFFFFC000  }
0x45: {  	[tilespmem:s9], [sflag:$0x2] =	stream.linear.gather @p0 [spmem:s8], $0x800, $0x38;
	[tilespmem:$0x1C080] =	vst v63  }
0x46: {  	_ =	swait.ge @p0 [sflag:s26], $0x800  }
0x47: {  	[sflag:s26] =	ssyncset.done @p0 $0x0  }
0x48: {  	s8 =	sadd.s32 @p0 $0x27000, s12;
	[sflag:s26] =	ssyncadd.s32 @p0 $0xFFFFF800  }
0x49: {  	[hbm4b:s8+s14] =	stream.linear.scatter @p0 [tilespmem:s9], [sflag:$0x4], $0x800, $0x38;
	[tilespmem:$0x1C080] =	vst v63  }
0x4a: {  	_ =	swait.ge @p0 [sflag:s28], $0x4000  }
0x4b: {  	[sflag:s28] =	ssyncset.done @p0 $0x0  }
0x4c: {  	[sflag:s28] =	ssyncadd.s32 @p0 $0xFFFFC000  }
0x4d: {  	_ =	swait.ge @p0 [sflag:s7], $0x800  }
0x4e: {  	[sflag:s7] =	ssyncset.done @p0 $0x0  }
0x4f: {  	s8 =	rddreg [dreg:$0x4];
	[sflag:s7] =	ssyncadd.s32 @p0 $0xFFFFF800;
	s7 =	simm.s32 @!p0 $0x13C80  }
0x50: {  	[tilespmem:s7], [sflag:$0x1] =	stream.linear.gather @!p0 [spmem:s8], $0x4000, $0x38;
	[tilespmem:$0x1C080] =	vst v63  }
0x51: {  	s8 =	simm.s32 @!p0 $0x1  }
0x52: {  	_ =	swait.ge @!p0 [sflag:s8], $0x4000  }
0x53: {  	[sflag:s8] =	ssyncset.done @!p0 $0x0  }
0x54: {  	s9 =	simm.s32 @!p0 $0x0;
	s11 =	rddreg [dreg:$0x11];
	[sflag:s8] =	ssyncadd.s32 @!p0 $0xFFFFC000  }
0x55: {  	[hbm4b:s11+s9] =	stream.linear.scatter @!p0 [tilespmem:s7], [sflag:$0x3], $0x4000, $0x38;
	[tilespmem:$0x1C080] =	vst v63  }
0x56: {  	s26 =	simm.s32 @!p0 $0x2;
	s14 =	simm.s32 @!p0 $0x17C80;
	s11 =	rddreg [dreg:$0xc]  }
0x57: {  	[tilespmem:s14], [sflag:$0x2] =	stream.linear.gather @!p0 [spmem:s11], $0x4000, $0x38;
	[tilespmem:$0x1C080] =	vst v63  }
0x58: {  	_ =	swait.ge @!p0 [sflag:s26], $0x4000  }
0x59: {  	[sflag:s26] =	ssyncset.done @!p0 $0x0  }
0x5a: {  	s28 =	simm.s32 @!p0 $0x3;
	s11 =	rddreg [dreg:$0x12];
	[sflag:s26] =	ssyncadd.s32 @!p0 $0xFFFFC000  }
0x5b: {  	[hbm4b:s11+s9] =	stream.linear.scatter @!p0 [tilespmem:s14], [sflag:$0x4], $0x4000, $0x38;
	[tilespmem:$0x1C080] =	vst v63  }
0x5c: {  	_ =	swait.ge @!p0 [sflag:s28], $0x4000  }
0x5d: {  	[sflag:s28] =	ssyncset.done @!p0 $0x0  }
0x5e: {  	s11 =	rddreg [dreg:$0xd];
	[sflag:s28] =	ssyncadd.s32 @!p0 $0xFFFFC000  }
0x5f: {  	[tilespmem:s7], [sflag:$0x1] =	stream.linear.gather @!p0 [spmem:s11], $0x4000, $0x38;
	[tilespmem:$0x1C080] =	vst v63  }
0x60: {  	_ =	swait.ge @!p0 [sflag:s8], $0x4000  }
0x61: {  	[sflag:s8] =	ssyncset.done @!p0 $0x0  }
0x62: {  	s11 =	rddreg [dreg:$0x13];
	[sflag:s8] =	ssyncadd.s32 @!p0 $0xFFFFC000  }
0x63: {  	[hbm4b:s11+s9] =	stream.linear.scatter @!p0 [tilespmem:s7], [sflag:$0x3], $0x4000, $0x38;
	[tilespmem:$0x1C080] =	vst v63  }
0x64: {  	s11 =	simm.s32 @!p0 $0x4  }
0x65: {  	_ =	swait.ge @!p0 [sflag:s11], $0x4000  }
0x66: {  	[sflag:s11] =	ssyncset.done @!p0 $0x0  }
0x67: {  	s12 =	rddreg [dreg:$0xe];
	[sflag:s11] =	ssyncadd.s32 @!p0 $0xFFFFC000  }
0x68: {  	[tilespmem:s14], [sflag:$0x2] =	stream.linear.gather @!p0 [spmem:s12], $0x4000, $0x38;
	[tilespmem:$0x1C080] =	vst v63  }
0x69: {  	_ =	swait.ge @!p0 [sflag:s26], $0x4000  }
0x6a: {  	[sflag:s26] =	ssyncset.done @!p0 $0x0  }
0x6b: {  	s12 =	rddreg [dreg:$0x14];
	[sflag:s26] =	ssyncadd.s32 @!p0 $0xFFFFC000  }
0x6c: {  	[hbm4b:s12+s9] =	stream.linear.scatter @!p0 [tilespmem:s14], [sflag:$0x4], $0x4000, $0x38;
	[tilespmem:$0x1C080] =	vst v63  }
0x6d: {  	_ =	swait.ge @!p0 [sflag:s28], $0x4000  }
0x6e: {  	[sflag:s28] =	ssyncset.done @!p0 $0x0  }
0x6f: {  	s12 =	rddreg [dreg:$0xf];
	[sflag:s28] =	ssyncadd.s32 @!p0 $0xFFFFC000  }
0x70: {  	[tilespmem:s7], [sflag:$0x1] =	stream.linear.gather @!p0 [spmem:s12], $0x4000, $0x38;
	[tilespmem:$0x1C080] =	vst v63  }
0x71: {  	_ =	swait.ge @!p0 [sflag:s8], $0x4000  }
0x72: {  	[sflag:s8] =	ssyncset.done @!p0 $0x0  }
0x73: {  	[sflag:s8] =	ssyncadd.s32 @!p0 $0xFFFFC000;
	s8 =	rddreg [dreg:$0x15]  }
0x74: {  	[hbm4b:s8+s9] =	stream.linear.scatter @!p0 [tilespmem:s7], [sflag:$0x3], $0x4000, $0x38;
	[tilespmem:$0x1C080] =	vst v63  }
0x75: {  	_ =	swait.ge @!p0 [sflag:s11], $0x4000  }
0x76: {  	[sflag:s11] =	ssyncset.done @!p0 $0x0  }
0x77: {  	[sflag:s11] =	ssyncadd.s32 @!p0 $0xFFFFC000  }
0x78: {  	_ =	swait.ge @!p0 [sflag:s28], $0x4000  }
0x79: {  	s14 =	rddreg [dreg:$0x1c]  }
0x7a: {  	s26 =	rddreg [dreg:$0x10];
	s8 =	sadd.s32 $0x1, s14  }
0x7b: {  	p1 =	sne.s32 s8, s26  }
.Ltmp1:
0x7c: {  	_ = 	snop;
	(pc) =	sbr.rel @!p1 .LBB2_7-.Ltmp1, $3  }
0x7d: {  	_ =	sdelay $0x1  }
0x7e: {  	[sflag:s28] =	ssyncset.done @!p0 $0x0  }
0x7f: {  	s12 =	simm.s32 $0x1BD80;
	s11 =	simm.s32 $0x1BC80;
	[sflag:s28] =	ssyncadd.s32 @!p0 $0xFFFFC000  }
.LBB2_1:
0x80: {  	[dreg:$0x1c] =	wrdreg s8;
	s9 =	simm.s32 $0x0;
	s7 =	simm.s32 $0x200  }
.LBB2_2:
0x81: {  	p1 =	sne.s32 s7, $0xFE00;
	[tilespmem:s9+$0x13CF0] =	vst v0  }
0x82: {  	[tilespmem:s9+$0x13C80] =	vst v0  }
0x83: {  	[tilespmem:s9+$0x13C90] =	vst v0  }
.Ltmp2:
0x84: {  	[tilespmem:s9+$0x13CA0] =	vst v0;
	(pc) =	sbr.rel @p1 .LBB2_2-.Ltmp2, $4  }
0x85: {  	[tilespmem:s9+$0x13CB0] =	vst v0  }
0x86: {  	[tilespmem:s9+$0x13CC0] =	vst v0  }
0x87: {  	[tilespmem:s9+$0x13CD0] =	vst v0  }
0x88: {  	[tilespmem:s9+$0x13CE0] =	vst v0;
	s9 =	sshra.s32 s7, $0x2;
	s7 =	sadd.s32 $0x200, s7  }
0x89: {  	[tilespmem:s9+$0x13CF0] =	vst v0  }
0x8a: {  	[tilespmem:s9+$0x13C80] =	vst v0  }
0x8b: {  	[tilespmem:s9+$0x13C90] =	vst v0  }
0x8c: {  	[tilespmem:s9+$0x13CA0] =	vst v0  }
0x8d: {  	[tilespmem:s9+$0x13CB0] =	vst v0  }
0x8e: {  	[tilespmem:s9+$0x13CC0] =	vst v0  }
0x8f: {  	[tilespmem:s9+$0x13CD0] =	vst v0  }
0x90: {  	[tilespmem:s9+$0x13CE0] =	vst v0;
	s7 =	simm.s32 @p0 $0x13C80;
	s8 =	rddreg [dreg:$0x5]  }
0x91: {  	[spmem:s8] =	stream.linear.scatter @p0 [tilespmem:s7], [sflag:$0x5], $0x4000, $0x38;
	[tilespmem:$0x1C080] =	vst v63  }
0x92: {  	s8 =	rddreg [dreg:$0x6]  }
0x93: {  	[spmem:s8] =	stream.linear.scatter @p0 [tilespmem:s7], [sflag:$0x5], $0x4000, $0x38;
	[tilespmem:$0x1C080] =	vst v63  }
0x94: {  	s8 =	rddreg [dreg:$0x16]  }
0x95: {  	[spmem:s8] =	stream.linear.scatter @p0 [tilespmem:s7], [sflag:$0x5], $0x4000, $0x38;
	[tilespmem:$0x1C080] =	vst v63  }
0x96: {  	s8 =	rddreg [dreg:$0x17]  }
0x97: {  	[spmem:s8] =	stream.linear.scatter @p0 [tilespmem:s7], [sflag:$0x5], $0x800, $0x38;
	[tilespmem:$0x1C080] =	vst v63  }
0x98: {  	s7 =	simm.s32 @p0 $0x5  }
0x99: {  	_ =	swait.ge @p0 [sflag:s7], $0x4000  }
0x9a: {  	[sflag:s7] =	ssyncset.done @p0 $0x0  }
0x9b: {  	[sflag:s7] =	ssyncadd.s32 @p0 $0xFFFFC000  }
0x9c: {  	_ =	swait.ge @p0 [sflag:s7], $0x4000  }
0x9d: {  	[sflag:s7] =	ssyncset.done @p0 $0x0  }
0x9e: {  	[sflag:s7] =	ssyncadd.s32 @p0 $0xFFFFC000  }
0x9f: {  	_ =	swait.ge @p0 [sflag:s7], $0x4000  }
0xa0: {  	[sflag:s7] =	ssyncset.done @p0 $0x0  }
0xa1: {  	[sflag:s7] =	ssyncadd.s32 @p0 $0xFFFFC000  }
0xa2: {  	_ =	swait.ge @p0 [sflag:s7], $0x800  }
0xa3: {  	[sflag:s7] =	ssyncset.done @p0 $0x0  }
0xa4: {  	s8 =	rddreg [dreg:$0x4];
	[sflag:s7] =	ssyncadd.s32 @p0 $0xFFFFF800;
	s7 =	simm.s32 @!p0 $0x13C80  }
0xa5: {  	[spmem:s8] =	stream.linear.scatter @!p0 [tilespmem:s7], [sflag:$0x5], $0x4000, $0x38;
	[tilespmem:$0x1C080] =	vst v63  }
0xa6: {  	s8 =	rddreg [dreg:$0x18]  }
0xa7: {  	[spmem:s8] =	stream.linear.scatter @!p0 [tilespmem:s7], [sflag:$0x5], $0x4000, $0x38;
	[tilespmem:$0x1C080] =	vst v63  }
0xa8: {  	s8 =	rddreg [dreg:$0x19]  }
0xa9: {  	[spmem:s8] =	stream.linear.scatter @!p0 [tilespmem:s7], [sflag:$0x5], $0x4000, $0x38;
	[tilespmem:$0x1C080] =	vst v63  }
0xaa: {  	s8 =	rddreg [dreg:$0x1a]  }
0xab: {  	[spmem:s8] =	stream.linear.scatter @!p0 [tilespmem:s7], [sflag:$0x5], $0x4000, $0x38;
	[tilespmem:$0x1C080] =	vst v63  }
0xac: {  	s8 =	rddreg [dreg:$0x1b]  }
0xad: {  	[spmem:s8] =	stream.linear.scatter @!p0 [tilespmem:s7], [sflag:$0x5], $0x4000, $0x38;
	[tilespmem:$0x1C080] =	vst v63  }
0xae: {  	s7 =	simm.s32 @!p0 $0x5  }
0xaf: {  	_ =	swait.ge @!p0 [sflag:s7], $0x4000  }
0xb0: {  	[sflag:s7] =	ssyncset.done @!p0 $0x0  }
0xb1: {  	[sflag:s7] =	ssyncadd.s32 @!p0 $0xFFFFC000  }
0xb2: {  	_ =	swait.ge @!p0 [sflag:s7], $0x4000  }
0xb3: {  	[sflag:s7] =	ssyncset.done @!p0 $0x0  }
0xb4: {  	[sflag:s7] =	ssyncadd.s32 @!p0 $0xFFFFC000  }
0xb5: {  	_ =	swait.ge @!p0 [sflag:s7], $0x4000  }
0xb6: {  	[sflag:s7] =	ssyncset.done @!p0 $0x0  }
0xb7: {  	[sflag:s7] =	ssyncadd.s32 @!p0 $0xFFFFC000  }
0xb8: {  	_ =	swait.ge @!p0 [sflag:s7], $0x4000  }
0xb9: {  	[sflag:s7] =	ssyncset.done @!p0 $0x0  }
0xba: {  	[sflag:s7] =	ssyncadd.s32 @!p0 $0xFFFFC000  }
0xbb: {  	_ =	swait.ge @!p0 [sflag:s7], $0x4000  }
0xbc: {  	[sflag:s7] =	ssyncset.done @!p0 $0x0  }
0xbd: {  	[sflag:s7] =	ssyncadd.s32 @!p0 $0xFFFFC000  }
0xbe: {  	[bflag:$0x0] =	sbarrier.arrive $0xFFFF  }
0xbf: {  	s9 =	simm.s32 $0x0;
	s8 =	rddreg [dreg:$0x7]  }
0xc0: {  	[tilespmem:s11], [sflag:$0x5] =	stream.linear.gather [hbm4b:s8+s9], $0x80, $0x38;
	[tilespmem:$0x1C080] =	vst v63  }
0xc1: {  	s14 =	rddreg [dreg:$0x8]  }
0xc2: {  	[tilespmem:s12], [sflag:$0x5] =	stream.linear.gather [hbm4b:s14+s9], $0x80, $0x38;
	[tilespmem:$0x1C080] =	vst v63  }
0xc3: {  	s26 =	rddreg [dreg:$0x9]  }
0xc4: {  	[tilespmem:s13], [sflag:$0x5] =	stream.linear.gather [hbm4b:s26+s9], $0x80, $0x38;
	[tilespmem:$0x1C080] =	vst v63  }
0xc5: {  	s28 =	rddreg [dreg:$0xa]  }
0xc6: {  	[tilespmem:s15], [sflag:$0x5] =	stream.linear.gather [hbm4b:s28+s9], $0x80, $0x38;
	[tilespmem:$0x1C080] =	vst v63  }
0xc7: {  	_ =	swait.ge [sflag:s16], $0x80  }
0xc8: {  	[sflag:s16] =	ssyncset.done $0x0  }
0xc9: {  	[sflag:s16] =	ssyncadd.s32 $0xFFFFFF80  }
0xca: {  	_ =	swait.ge [sflag:s16], $0x80  }
0xcb: {  	[sflag:s16] =	ssyncset.done $0x0  }
0xcc: {  	[sflag:s16] =	ssyncadd.s32 $0xFFFFFF80  }
0xcd: {  	_ =	swait.ge [sflag:s16], $0x80  }
0xce: {  	[sflag:s16] =	ssyncset.done $0x0  }
0xcf: {  	[sflag:s16] =	ssyncadd.s32 $0xFFFFFF80  }
0xd0: {  	_ =	swait.ge [sflag:s16], $0x80  }
0xd1: {  	[sflag:s16] =	ssyncset.done $0x0  }
0xd2: {  	[sflag:s16] =	ssyncadd.s32 $0xFFFFFF80  }
0xd3: {  	[tilespmem:s19], [sflag:$0x1] =	stream.indirect.gather [hbm4b:s1+s17], $0x80, s11, s17, $0xb8;
	[tilespmem:$0x1C080] =	vst v63  }
.LBB2_4:
0xd4: {  	p1 =	seq.s32 s9, $0x0;
	s7 =	sadd.s32 s9, s18  }
0xd5: {  	s28 =	sand.u32 $0x40, s9;
	s26 =	simm.s32 @!p1 $0x4;
	s7 =	sand.u32 $0xFFFFF80, s7  }
0xd6: {  	_ =	swait.ge @!p1 [sflag:s26], $0x4000;
	s7 =	sor.u32 s28, s7  }
0xd7: {  	[sflag:s26] =	ssyncset.done @!p1 $0x0;
	s28 =	sor.u32 $0x20, s7  }
0xd8: {  	[sflag:s26] =	ssyncadd.s32 @!p1 $0xFFFFC000;
	s8 =	sadd.s32 s5, s28  }
0xd9: {  	[tilespmem:s20], [sflag:$0x6] =	stream.linear.gather [hbm4b:s8+s3], $0x80, $0x38;
	[tilespmem:$0x1C080] =	vst v63  }
0xda: {  	s7 =	sor.u32 $0x30, s7;
	s14 =	sadd.s32 s6, s28  }
0xdb: {  	[tilespmem:s21], [sflag:$0x6] =	stream.linear.gather [hbm4b:s14+s3], $0x80, $0x38;
	[tilespmem:$0x1C080] =	vst v63  }
0xdc: {  	s28 =	sadd.s32 s5, s7  }
0xdd: {  	[tilespmem:s22], [sflag:$0x6] =	stream.linear.gather [hbm4b:s28+s3], $0x80, $0x38;
	[tilespmem:$0x1C080] =	vst v63  }
0xde: {  	s7 =	sadd.s32 s6, s7  }
0xdf: {  	[tilespmem:s23], [sflag:$0x6] =	stream.linear.gather [hbm4b:s7+s3], $0x80, $0x38;
	[tilespmem:$0x1C080] =	vst v63  }
0xe0: {  	_ =	swait.ge [sflag:s24], $0x4000  }
0xe1: {  	[sflag:s24] =	ssyncset.done $0x0  }
0xe2: {  	[sflag:s24] =	ssyncadd.s32 $0xFFFFC000  }
0xe3: {  	[spmem:s2] =	stream.indirect.scatter.add.f32 [tilespmem:s19], [sflag:$0x3], $0x80, s12, s17, $0xb8;
	[tilespmem:$0x1C080] =	vst v63  }
0xe4: {  	_ = 	snop  }
0xe5: {  	[tilespmem:s25], [sflag:$0x2] =	stream.indirect.gather [hbm4b:s1+s17], $0x80, s13, s17, $0xb8;
	[tilespmem:$0x1C080] =	vst v63  }
0xe6: {  	_ =	swait.ge [sflag:s29], $0x4000  }
0xe7: {  	[sflag:s29] =	ssyncset.done $0x0  }
0xe8: {  	[sflag:s29] =	ssyncadd.s32 $0xFFFFC000  }
0xe9: {  	[spmem:s2] =	stream.indirect.scatter.add.f32 [tilespmem:s25], [sflag:$0x4], $0x80, s15, s17, $0xb8;
	[tilespmem:$0x1C080] =	vst v63  }
0xea: {  	_ =	swait.ge [sflag:s30], $0x4000  }
0xeb: {  	[sflag:s30] =	ssyncset.done $0x0  }
0xec: {  	[sflag:s30] =	ssyncadd.s32 $0xFFFFC000  }
0xed: {  	_ =	swait.ge [sflag:s31], $0x80  }
0xee: {  	[sflag:s31] =	ssyncset.done $0x0  }
0xef: {  	[sflag:s31] =	ssyncadd.s32 $0xFFFFFF80  }
0xf0: {  	_ =	swait.ge [sflag:s31], $0x80  }
0xf1: {  	[sflag:s31] =	ssyncset.done $0x0  }
0xf2: {  	[sflag:s31] =	ssyncadd.s32 $0xFFFFFF80  }
0xf3: {  	_ =	swait.ge [sflag:s31], $0x80  }
0xf4: {  	[sflag:s31] =	ssyncset.done $0x0  }
0xf5: {  	[sflag:s31] =	ssyncadd.s32 $0xFFFFFF80  }
0xf6: {  	_ =	swait.ge [sflag:s31], $0x80  }
0xf7: {  	[sflag:s31] =	ssyncset.done $0x0  }
0xf8: {  	[sflag:s31] =	ssyncadd.s32 $0xFFFFFF80  }
0xf9: {  	[tilespmem:s19], [sflag:$0x1] =	stream.indirect.gather [hbm4b:s1+s17], $0x80, s20, s17, $0xb8;
	[tilespmem:$0x1C080] =	vst v63  }
0xfa: {  	p1 =	seq.s32 s9, $0x4C0;
	_ =	swait.ge [sflag:s0], $0x4000  }
0xfb: {  	s14 =	simm.s32 @!p1 $0x1BC80;
	s7 =	sadd.s32 @!p1 s9, s4;
	[sflag:s0] =	ssyncset.done $0x0  }
0xfc: {  	s28 =	simm.s32 @!p1 $0x0;
	s26 =	sadd.s32 @!p1 $0x40, s7;
	[sflag:s0] =	ssyncadd.s32 $0xFFFFC000  }
0xfd: {  	[tilespmem:s14], [sflag:$0x5] =	stream.linear.gather @!p1 [hbm4b:s26+s28], $0x80, $0x38;
	[tilespmem:$0x1C080] =	vst v63  }
0xfe: {  	s14 =	sadd.s32 @!p1 s9, s10  }
0xff: {  	s8 =	simm.s32 @!p1 $0x1BD80;
	s26 =	sadd.s32 @!p1 $0x40, s14  }
0x100: {  	[tilespmem:s8], [sflag:$0x5] =	stream.linear.gather @!p1 [hbm4b:s26+s28], $0x80, $0x38;
	[tilespmem:$0x1C080] =	vst v63  }
0x101: {  	s7 =	sadd.s32 @!p1 $0x50, s7;
	s8 =	simm.s32 @!p1 $0x1BD00  }
0x102: {  	[tilespmem:s8], [sflag:$0x5] =	stream.linear.gather @!p1 [hbm4b:s7+s28], $0x80, $0x38;
	[tilespmem:$0x1C080] =	vst v63  }
0x103: {  	s7 =	sadd.s32 @!p1 $0x50, s14;
	s8 =	simm.s32 @!p1 $0x1BE00  }
0x104: {  	[tilespmem:s8], [sflag:$0x5] =	stream.linear.gather @!p1 [hbm4b:s7+s28], $0x80, $0x38;
	[tilespmem:$0x1C080] =	vst v63  }
0x105: {  	_ =	swait.ge [sflag:s24], $0x4000  }
0x106: {  	[sflag:s24] =	ssyncset.done $0x0  }
0x107: {  	[sflag:s24] =	ssyncadd.s32 $0xFFFFC000  }
0x108: {  	[spmem:s2] =	stream.indirect.scatter.add.f32 [tilespmem:s19], [sflag:$0x3], $0x80, s21, s17, $0xb8;
	[tilespmem:$0x1C080] =	vst v63  }
0x109: {  	_ = 	snop  }
0x10a: {  	[tilespmem:s25], [sflag:$0x2] =	stream.indirect.gather [hbm4b:s1+s17], $0x80, s22, s17, $0xb8;
	[tilespmem:$0x1C080] =	vst v63  }
0x10b: {  	_ =	swait.ge [sflag:s29], $0x4000  }
0x10c: {  	[sflag:s29] =	ssyncset.done $0x0  }
.Ltmp3:
0x10d: {  	[sflag:s29] =	ssyncadd.s32 $0xFFFFC000;
	(pc) =	sbr.rel @p1 .LBB2_6-.Ltmp3, $4  }
0x10e: {  	[spmem:s2] =	stream.indirect.scatter.add.f32 [tilespmem:s25], [sflag:$0x4], $0x80, s23, s17, $0xb8;
	[tilespmem:$0x1C080] =	vst v63  }
0x10f: {  	_ =	swait.ge [sflag:s30], $0x4000  }
0x110: {  	[sflag:s30] =	ssyncset.done $0x0  }
0x111: {  	[sflag:s30] =	ssyncadd.s32 $0xFFFFC000  }
0x112: {  	_ =	swait.ge [sflag:s16], $0x80  }
0x113: {  	[sflag:s16] =	ssyncset.done $0x0  }
0x114: {  	[sflag:s16] =	ssyncadd.s32 $0xFFFFFF80  }
0x115: {  	_ =	swait.ge [sflag:s16], $0x80  }
0x116: {  	[sflag:s16] =	ssyncset.done $0x0  }
0x117: {  	[sflag:s16] =	ssyncadd.s32 $0xFFFFFF80  }
0x118: {  	_ =	swait.ge [sflag:s16], $0x80  }
0x119: {  	[sflag:s16] =	ssyncset.done $0x0  }
.Ltmp4:
0x11a: {  	[sflag:s16] =	ssyncadd.s32 $0xFFFFFF80;
	(pc) =	sbr.rel .LBB2_4-.Ltmp4, $4  }
0x11b: {  	_ =	swait.ge [sflag:s16], $0x80  }
0x11c: {  	[sflag:s16] =	ssyncset.done $0x0  }
0x11d: {  	s9 =	sadd.s32 $0x40, s9;
	[sflag:s16] =	ssyncadd.s32 $0xFFFFFF80  }
0x11e: {  	[tilespmem:s19], [sflag:$0x1] =	stream.indirect.gather [hbm4b:s1+s17], $0x80, s11, s17, $0xb8;
	[tilespmem:$0x1C080] =	vst v63  }
.LBB2_7:
0x11f: {  	_ =	sfence.sel $0x180000  }
0x120: {  	[bflag:$0x0] =	sbarrier.arrive $0xFFFF  }
0x121: {  	_ =	strace $0x9000004D  }
0x122: {  	s0 =	stileid.u32;
	[bflag:$0x2] =	sbarrier.arrive $0xFFFF  }
0x123: {  	p0 =	sne.s32 s0, $0x0;
	s0 =	rddreg [dreg:$0x3]  }
0x124: {  	s0 =	sadd.s32 @!p0 $0x100000, s0  }
0x125: {  	[sflag:s0] =	ssyncadd.tile.s32 @!p0 $0x1;
	_ =	shalt  }
.Lfunc_end2:
_tile_overlayer_lowered:
.L_overlay_start_2:
0x126: {  	(tag) =	ssettag $0x2  }
0x127: {  	s0 =	rddreg [dreg:$0x0];
	s2 =	stileid.u32  }
0x128: {  	s1 =	rddreg [dreg:$0x1];
	p0 =	sne.s32 s2, $0x0  }
0x129: {  	s3 =	rddreg [dreg:$0x2];
	[bflag:$0x3] =	sbarrier.arrive $0xFFFF;
	s2 =	simm.s32 @!p0 $0x1C07  }
0x12a: {  	[timem:s3], [sflag:s2] =	dma.local @!p0 [hbm:s0], s1  }
0x12b: {  	s0 =	simm.s32 @!p0 $0x7  }
0x12c: {  	_ =	swait.ge @!p0 [sflag:s0], s1  }
0x12d: {  	s1 =	ssub.s32 @!p0 $0x0, s1;
	[sflag:s0] =	ssyncset.done @!p0 $0x0  }
0x12e: {  	[sflag:s0] =	ssyncadd.s32 @!p0 s1  }
0x12f: {  	[bflag:$0x3] =	sbarrier.arrive $0xFFFF  }
0x130: {  	_ =	shalt  }

// kernel: kernel.8.cloned.1.call-start
scs
__scs_entry_jumppad:
0x0: {  	(pc) =	sbr.rel $0x88, $3  }
0x1: {  	(tag) =	ssettag $0x0;
	lr =	simm.s32 $0x1  }
0x2: {  	[smem:$0x3F9B] =	sst lr;
	_ =	strace $0xD0000000  }
0x3: {  	_ = 	snop  }
0x4: {  	_ = 	snop  }
0x5: {  	_ = 	snop  }
0x6: {  	_ = 	snop  }
0x7: {  	_ = 	snop  }
__scs_overlays_trampoline_lowered:
0x8: {  	[smem:$0x3FAA] =	sst s0  }
0x9: {  	[smem:$0x3FAB] =	sst s1  }
0xa: {  	[smem:$0x3FAC] =	sst s2  }
0xb: {  	[smem:$0x3FAD] =	sst s3  }
0xc: {  	[smem:$0x3FAE] =	sst s4  }
0xd: {  	[smem:$0x3FAF] =	sst s5  }
0xe: {  	[smem:$0x3FB0] =	sst s6  }
0xf: {  	[smem:$0x3FB1] =	sst s7  }
0x10: {  	[smem:$0x3FB2] =	sst s8  }
0x11: {  	[smem:$0x3FB3] =	sst s9;
	s0 =	simm.s32 @!p0 $0x0  }
0x12: {  	s1 =	sld [smem:$0x3F99];
	s0 =	simm.s32 @p0 $0x1  }
0x13: {  	[smem:$0x3FB4] =	sst s0;
	s0 =	simm.s32 @!p1 $0x0  }
0x14: {  	s2 =	sld [smem:$0x3F98];
	s0 =	simm.s32 @p1 $0x1  }
0x15: {  	[smem:$0x3FB5] =	sst s0;
	s0 =	simm.s32 @!p2 $0x0  }
0x16: {  	s3 =	sld [smem:$0x3FDB];
	s0 =	simm.s32 @p2 $0x1  }
0x17: {  	s4 =	simm.s32 $0x1BF5;
	[smem:$0x3FB7] =	sst s0  }
0x18: {  	s0 =	sld [smem:$0x3F9A];
	_ =	swait.ge [sflag:s4], $0x0  }
0x19: {  	s7 =	sld [smem:$0x3F9B]  }
0x1a: {  	s8 =	sadd.s32 $0xFFFFE003, lr  }
0x1b: {  	s9 =	sadd.s32 $0xFFFFFEF7, lr;
	s5 =	simm.s32 $0xFFFFFFFF;
	p2 =	slt.u32 s8, $0xFFFFF086  }
0x1c: {  	p1 =	slt.u32 s9, $0xF7A;
	s5 =	simm.s32 @!p2 $0x0  }
0x1d: {  	s5 =	simm.s32 @p1 $0x1;
	p0 =	seq.s32 s7, s2  }
0x1e: {  	s7 =	smul.u32 @!p0 $0xF7A, s2;
	p2 =	seq.s32 @!p0 s5, $0x0  }
0x1f: {  	s9 =	smul.u32 $0xF7A, s1;
	s8 =	simm.s32 @!p0 $0x1BF5;
	p2 =	por !p2, p0  }
0x20: {  	[sflag:s8] =	ssyncset.s32 @!p0 $0xFFFFF086;
	s6 =	sadd.s32 @!p0 s3, s7;
	s7 =	simm.s32 @!p0 $0x108  }
0x21: {  	s3 =	sadd.s32 s3, s9;
	s6 =	sadd.s32 @!p0 $0x88, s6;
	s7 =	simm.s32 @p2 $0x1082  }
0x22: {  	[simem:s7], [sflag:s8] =	dma.local @!p0 [hbm:s6], $0xF7A  }
0x23: {  	s9 =	sor.u32 $0xD0000000, s2;
	s6 =	simm.s32 $0x108;
	_ =	swait.ge @!p0 [sflag:s8], $0x0  }
0x24: {  	s3 =	sadd.s32 $0x88, s3;
	s6 =	simm.s32 @!p1 $0x1082;
	[sflag:s4] =	ssyncset.s32 $0xFFFFF086  }
0x25: {  	[simem:s6], [sflag:s4] =	dma.local [hbm:s3], $0xF7A  }
0x26: {  	[smem:$0x3F9B] =	sst s1;
	(tag) =	ssettag s2;
	_ =	strace s9  }
0x27: {  	s1 =	sld [smem:$0x3FAB]  }
0x28: {  	s2 =	sld [smem:$0x3FAC]  }
0x29: {  	s4 =	sld [smem:$0x3FAE]  }
0x2a: {  	p0 =	seq.s32 s5, $0x0;
	s5 =	sld [smem:$0x3FAF]  }
0x2b: {  	s6 =	sld [smem:$0x3FB0]  }
0x2c: {  	s7 =	sld [smem:$0x3FB1]  }
0x2d: {  	s3 =	simm.s32 $0x108;
	s8 =	sld [smem:$0x3FB2]  }
0x2e: {  	s3 =	simm.s32 @!p0 $0x1082;
	s9 =	sld [smem:$0x3FB3]  }
0x2f: {  	lr =	sadd.s32 s0, s3;
	s0 =	sld [smem:$0x3FAA]  }
0x30: {  	s3 =	sld [smem:$0x3FAD]  }
0x31: {  	[smem:$0x3FB6] =	sst s10  }
0x32: {  	s10 =	sld [smem:$0x3FB4];
	_ =	sdelay $0x3  }
0x33: {  	p0 =	seq.s32 s10, $0x1;
	s10 =	sld [smem:$0x3FB6];
	_ =	sdelay $0x3  }
0x34: {  	[smem:$0x3FB6] =	sst s10  }
0x35: {  	s10 =	sld [smem:$0x3FB5];
	_ =	sdelay $0x3  }
0x36: {  	p1 =	seq.s32 s10, $0x1;
	s10 =	sld [smem:$0x3FB6];
	_ =	sdelay $0x3  }
0x37: {  	[smem:$0x3FB6] =	sst s10  }
0x38: {  	s10 =	sld [smem:$0x3FB7]  }
0x39: {  	_ = 	snop;
	(pc) =	sbr.ind lr, $3  }
0x3a: {  	_ = 	snop  }
0x3b: {  	_ = 	snop  }
0x3c: {  	p2 =	seq.s32 s10, $0x1;
	s10 =	sld [smem:$0x3FB6]  }
0x3d: {  	_ =	shalt  }
0x3e: {  	_ =	shalt  }
0x3f: {  	_ =	shalt  }
0x40: {  	_ =	shalt  }
0x41: {  	_ =	shalt  }
0x42: {  	_ =	shalt  }
0x43: {  	_ =	shalt  }
0x44: {  	_ =	shalt  }
0x45: {  	_ =	shalt  }
0x46: {  	_ =	shalt  }
0x47: {  	_ =	shalt  }
0x48: {  	_ =	shalt  }
0x49: {  	_ =	shalt  }
0x4a: {  	_ =	shalt  }
0x4b: {  	_ =	shalt  }
0x4c: {  	_ =	shalt  }
0x4d: {  	_ =	shalt  }
0x4e: {  	_ =	shalt  }
0x4f: {  	_ =	shalt  }
0x50: {  	_ =	shalt  }
0x51: {  	_ =	shalt  }
0x52: {  	_ =	shalt  }
0x53: {  	_ =	shalt  }
0x54: {  	_ =	shalt  }
0x55: {  	_ =	shalt  }
0x56: {  	_ =	shalt  }
0x57: {  	_ =	shalt  }
0x58: {  	_ =	shalt  }
0x59: {  	_ =	shalt  }
0x5a: {  	_ =	shalt  }
0x5b: {  	_ =	shalt  }
0x5c: {  	_ =	shalt  }
0x5d: {  	_ =	shalt  }
0x5e: {  	_ =	shalt  }
0x5f: {  	_ =	shalt  }
0x60: {  	_ =	shalt  }
0x61: {  	_ =	shalt  }
0x62: {  	_ =	shalt  }
0x63: {  	_ =	shalt  }
0x64: {  	_ =	shalt  }
0x65: {  	_ =	shalt  }
0x66: {  	_ =	shalt  }
0x67: {  	_ =	shalt  }
0x68: {  	_ =	shalt  }
0x69: {  	_ =	shalt  }
0x6a: {  	_ =	shalt  }
0x6b: {  	_ =	shalt  }
0x6c: {  	_ =	shalt  }
0x6d: {  	_ =	shalt  }
0x6e: {  	_ =	shalt  }
0x6f: {  	_ =	shalt  }
0x70: {  	_ =	shalt  }
0x71: {  	_ =	shalt  }
0x72: {  	_ =	shalt  }
0x73: {  	_ =	shalt  }
0x74: {  	_ =	shalt  }
0x75: {  	_ =	shalt  }
0x76: {  	_ =	shalt  }
0x77: {  	_ =	shalt  }
0x78: {  	_ =	shalt  }
0x79: {  	_ =	shalt  }
0x7a: {  	_ =	shalt  }
0x7b: {  	_ =	shalt  }
0x7c: {  	_ =	shalt  }
0x7d: {  	_ =	shalt  }
0x7e: {  	_ =	shalt  }
0x7f: {  	_ =	shalt  }
0x80: {  	_ =	shalt  }
0x81: {  	_ =	shalt  }
0x82: {  	_ =	shalt  }
0x83: {  	_ =	shalt  }
0x84: {  	_ =	shalt  }
0x85: {  	_ =	shalt  }
0x86: {  	_ =	shalt  }
0x87: {  	_ =	shalt  }
.Lfunc_end0:
.L_simem_size_0:
called_computation_lowered:
.L_overlay_start_0:
0x88: {  	s2 =	sld [smem:$0x3FD9]  }
0x89: {  	s3 =	sld [smem:$0x3FFE];
	_ =	sdelay $0x1  }
0x8a: {  	s1 =	srdreg.scid  }
0x8b: {  	s0 =	sand.u32 $0x1, s1  }
0x8c: {  	s17 =	sshll.u32 s0, $0xA;
	s2 =	sadd.s32 s3, s2  }
0x8d: {  	s2 =	sadd.s32 s2, s17  }
0x8e: {  	[smem:$0x3FC2] =	sst s2  }
0x8f: {  	_ = 	snop  }
0x90: {  	s2 =	sld [smem:$0x3FD0];
	(tm) =	ssettm $0x1  }
0x91: {  	s18 =	sld [smem:$0x3FFB];
	_ =	sdelay $0x3  }
0x92: {  	_ =	strace s18  }
0x93: {  	s3 =	sld [smem:$0x3FFC];
	_ =	sdelay $0x3  }
0x94: {  	_ =	strace s3  }
0x95: {  	s3 =	sld [smem:$0x3FFD];
	_ =	sdelay $0x3  }
0x96: {  	_ =	strace s3  }
0x97: {  	_ =	strace $0x8FFFFFFF  }
0x98: {  	s19 =	sld [smem:$0x3FDB];
	_ =	sdelay $0x1  }
0x99: {  	s4 =	simm.s32 $_scs_section_size  }
0x9a: {  	s5 =	simm.s32 $_size__tile_overlayer_lowered;
	s6 =	simm.s32 $_tile_overlayer_lowered  }
0x9b: {  	s22 =	simm.s32 $0x1BFF;
	s21 =	sshll.u32 s6, $0x1;
	s3 =	sadd.s32 s4, s19  }
0x9c: {  	s7 =	simm.s32 $0x0;
	s20 =	sshll.u32 s5, $0x1;
	s5 =	sadd.s32 s21, s3  }
0x9d: {  	[timem:s7], [sflag:s22] =	dma.local [hbm:s5], s20  }
0x9e: {  	_ =	swait.ge [sflag:s22], s20  }
0x9f: {  	s4 =	ssub.s32 $0x0, s20;
	[sflag:s22] =	ssyncset.done $0x0  }
0xa0: {  	[sflag:s22] =	ssyncadd.s32 s4;
	_ =	sdelay $0x1  }
0xa1: {  	s23 =	simm.s32 $0x1B8B  }
0xa2: {  	_ =	swait.ge [sflag:s23], $0x1  }
0xa3: {  	[sflag:s23] =	ssyncset.done $0x0  }
0xa4: {  	s25 =	simm.s32 $0x1B8E;
	s24 =	sld [smem:$0x3FFE];
	[sflag:s23] =	ssyncadd.s32 $0xFFFFFFFF  }
0xa5: {  	s26 =	simm.s32 $execute0_lowered;
	[smem:$0x3FD2] =	sst s25  }
0xa6: {  	s5 =	sshll.u32 s26, $0x1;
	_ =	strace $0x80000046;
	[dreg:$0x1] =	wrdreg $0xFFFFFFFF  }
0xa7: {  	s28 =	simm.s32 $_size_execute0_lowered;
	s3 =	sadd.s32 s3, s5;
	[dreg:$0x0] =	wrdreg $0x0  }
0xa8: {  	s5 =	sshll.u32 s28, $0x1;
	[dreg:$0x2] =	wrdreg s3  }
0xa9: {  	[dreg:$0x3] =	wrdreg s5  }
0xaa: {  	[dreg:$0x4] =	wrdreg $0xC0  }
0xab: {  	_ =	task [dreg:s7], $0x5FFFF  }
0xac: {  	[dreg:$0x1] =	wrdreg $0xFFFFFFFF  }
0xad: {  	[dreg:$0x0] =	wrdreg $0x60  }
0xae: {  	[dreg:$0x2] =	wrdreg s24  }
0xaf: {  	[dreg:$0x3] =	wrdreg s2  }
0xb0: {  	[dreg:$0x4] =	wrdreg $0x0  }
0xb1: {  	[dreg:$0x5] =	wrdreg $0x9  }
0xb2: {  	_ =	task.clear_ibuf [dreg:s7], $0x6FFFF;
	_ =	strace $0x90000046  }
0xb3: {  	s29 =	simm.s32 $0x9;
	_ =	strace $0x80000048  }
0xb4: {  	_ =	swait.ge [sflag:s29], $0x1  }
0xb5: {  	[sflag:s29] =	ssyncadd.s32 $0xFFFFFFFF  }
0xb6: {  	_ =	strace $0x90000048  }
0xb7: {  	_ =	sfence  }
0xb8: {  	s30 =	sld [smem:$0x0];
	_ =	sdelay $0x2  }
0xb9: {  	s31 =	sshll.u32 s1, $0xD;
	s1 =	sshrl.u32 s1, $0x2  }
0xba: {  	s3 =	sand.u32 $0x4000, s31;
	s1 =	sadd.s32 s1, s30  }
0xbb: {  	s0 =	sor.u32 s3, s0;
	s1 =	sshll.u32 s1, $0x11  }
0xbc: {  	s0 =	sor.u32 s1, s0  }
0xbd: {  	s0 =	sadd.s32 $0x8F2B, s0  }
0xbe: {  	[sflag:s0] =	ssyncadd.remote.s32 $0x1  }
0xbf: {  	_ =	sfence.sel $0xFFFF  }
0xc0: {  	[dreg:$0x0] =	wrdreg $0xFFFFFFFF;
	(pc) =	sbr.abs _section_cstart, $3  }
0xc1: {  	[dreg:$0x1] =	wrdreg $0xFFFFFFFF  }
0xc2: {  	_ =	task.clear_ibuf [dreg:s7], $0x2FFFF;
	_ =	strace $0x9FFFFFFF  }
0xc3: {  	(tm) =	ssettm $0x7FFFFFFF  }
tec
execute0_lowered:
.L_overlay_start_1:
0x0: {  	(tag) =	ssettag $0x1  }
0x1: {  	s1 =	rddreg [dreg:$0x0]  }
0x2: {  	s9 =	rddreg [dreg:$0x1];
	s3 =	srdreg.scid  }
0x3: {  	s0 =	stileid.u32;
	s2 =	rddreg [dreg:$0x2];
	s22 =	simm.s32 $0x0  }
0x4: {  	s28 =	simm.s32 $0x80;
	s29 =	simm.s32 $0x2A80;
	s30 =	simm.s32 $0x1  }
0x5: {  	s31 =	simm.s32 $0x0;
	s7 =	sand.u32 $0x1, s3;
	s18 =	smul.u32 $0x5, s0  }
0x6: {  	s4 =	sshll.u32 s0, $0x1;
	[smem:$0x7FF] =	sst s22;
	s11 =	smul.u32 $0xA00, s0  }
0x7: {  	s6 =	sadd.s32 $0x2680, s2;
	s21 =	smul.u32 $0x50, s0;
	p0 =	seq.s32 s0, $0xF  }
0x8: {  	s4 =	sor.u32 s7, s4;
	_ =	strace $0x80000047;
	s12 =	smul.u32 $0x4F0, s7  }
0x9: {  	s5 =	ssub.s32 $0x2, s7;
	s7 =	sadd.s32 $0x2700, s2;
	s4 =	smul.u32 $0x500, s4  }
0xa: {  	s23 =	sshrl.u32 s5, $0x1;
	s24 =	sshrl.u32 s11, $0x2;
	s25 =	sadd.s32 $0x1, s18  }
0xb: {  	s19 =	sadd.s32 $0x2, s18;
	s20 =	sadd.s32 $0x3, s18;
	s10 =	ssub.s32 s5, s23  }
0xc: {  	s5 =	sadd.s32 $0x2600, s2;
	s9 =	sadd.s32 s9, s12;
	s11 =	sadd.s32 s24, s2  }
0xd: {  	s16 =	sshll.u32 s25, $0x7;
	s17 =	sshll.u32 s19, $0x7;
	s22 =	sshll.u32 s20, $0x7  }
0xe: {  	s23 =	sadd.s32 $0x4, s18;
	s24 =	sshll.u32 s19, $0x4;
	s1 =	sadd.s32 s4, s1  }
0xf: {  	s4 =	sadd.s32 $0x2580, s2;
	s10 =	smax.u32 s10, $0x1;
	s12 =	sadd.s32 $0x80, s11  }
0x10: {  	s13 =	sadd.s32 $0x100, s11;
	s14 =	sadd.s32 $0x180, s11;
	s15 =	sadd.s32 $0x200, s11  }
0x11: {  	s16 =	sadd.s32 s16, s2;
	s17 =	sadd.s32 s17, s2;
	s18 =	sadd.s32 s22, s2  }
0x12: {  	s26 =	sshll.u32 s23, $0x7;
	s21 =	sadd.s32 @!p0 s21, s9;
	s8 =	sadd.s32 $0x2600, s1  }
0x13: {  	s1 =	sshll.u32 s25, $0x4;
	s25 =	sshll.u32 s20, $0x4;
	s19 =	sadd.s32 s26, s2  }
0x14: {  	s26 =	sshll.u32 s23, $0x4;
	s23 =	sadd.s32 @!p0 s24, s9;
	s22 =	sadd.s32 @!p0 s1, s9  }
0x15: {  	v0 =	vimm.f32 $1.000000000e+00;
	v1 =	vimm.f32 $0.0e+00;
	s24 =	sadd.s32 @!p0 s25, s9;
	s25 =	sadd.s32 @!p0 s26, s9;
	s26 =	simm.s32 $0x2  }
.LBB2_1:
0x16: {  	[tilespmem:$0x2A80] =	vst v0  }
0x17: {  	[tilespmem:$0x2B00] =	vst v1  }
0x18: {  	[tilespmem:$0x2A90] =	vst v0  }
0x19: {  	[tilespmem:$0x2B10] =	vst v1  }
0x1a: {  	[tilespmem:$0x2AA0] =	vst v0  }
0x1b: {  	[tilespmem:$0x2B20] =	vst v1  }
0x1c: {  	[tilespmem:$0x2AB0] =	vst v0  }
0x1d: {  	[tilespmem:$0x2B30] =	vst v1  }
0x1e: {  	[tilespmem:$0x2AC0] =	vst v0  }
0x1f: {  	[tilespmem:$0x2B40] =	vst v1  }
0x20: {  	[tilespmem:$0x2AD0] =	vst v0  }
0x21: {  	[tilespmem:$0x2B50] =	vst v1  }
0x22: {  	[tilespmem:$0x2AE0] =	vst v0  }
0x23: {  	[tilespmem:$0x2B60] =	vst v1  }
0x24: {  	[tilespmem:$0x2AF0] =	vst v0  }
0x25: {  	[tilespmem:$0x2B70] =	vst v1;
	s1 =	simm.s32 @p0 $0x2B00;
	s0 =	simm.s32 @p0 $0x2  }
0x26: {  	[spmem:s4] =	stream.linear.scatter @p0 [tilespmem:s1], [sflag:$0x2], $0x80, $0x38;
	[tilespmem:$0x2B80] =	vst v63  }
0x27: {  	_ =	swait.ge @p0 [sflag:s0], $0x80  }
0x28: {  	[sflag:s0] =	ssyncset.done @p0 $0x0  }
0x29: {  	[sflag:s0] =	ssyncadd.s32 @p0 $0xFFFFFF80  }
0x2a: {  	[spmem:s5] =	stream.linear.scatter @p0 [tilespmem:s1], [sflag:$0x2], $0x80, $0x38;
	[tilespmem:$0x2B80] =	vst v63  }
0x2b: {  	_ =	swait.ge @p0 [sflag:s0], $0x80  }
0x2c: {  	[sflag:s0] =	ssyncset.done @p0 $0x0  }
0x2d: {  	[sflag:s0] =	ssyncadd.s32 @p0 $0xFFFFFF80  }
0x2e: {  	[spmem:s6] =	stream.linear.scatter @p0 [tilespmem:s1], [sflag:$0x2], $0x80, $0x38;
	[tilespmem:$0x2B80] =	vst v63  }
0x2f: {  	_ =	swait.ge @p0 [sflag:s0], $0x80  }
0x30: {  	[sflag:s0] =	ssyncset.done @p0 $0x0  }
0x31: {  	[sflag:s0] =	ssyncadd.s32 @p0 $0xFFFFFF80  }
0x32: {  	[spmem:s7] =	stream.linear.scatter @p0 [tilespmem:s1], [sflag:$0x2], $0x10, $0x38;
	[tilespmem:$0x2B80] =	vst v63  }
0x33: {  	_ =	swait.ge @p0 [sflag:s0], $0x10  }
0x34: {  	[sflag:s0] =	ssyncset.done @p0 $0x0  }
0x35: {  	s1 =	simm.s32 @!p0 $0x2;
	[sflag:s0] =	ssyncadd.s32 @p0 $0xFFFFFFF0;
	s0 =	simm.s32 @!p0 $0x2B00  }
0x36: {  	[spmem:s11] =	stream.linear.scatter @!p0 [tilespmem:s0], [sflag:$0x2], $0x80, $0x38;
	[tilespmem:$0x2B80] =	vst v63  }
0x37: {  	_ =	swait.ge @!p0 [sflag:s1], $0x80  }
0x38: {  	[sflag:s1] =	ssyncset.done @!p0 $0x0  }
0x39: {  	[sflag:s1] =	ssyncadd.s32 @!p0 $0xFFFFFF80  }
0x3a: {  	[spmem:s12] =	stream.linear.scatter @!p0 [tilespmem:s0], [sflag:$0x2], $0x80, $0x38;
	[tilespmem:$0x2B80] =	vst v63  }
0x3b: {  	_ =	swait.ge @!p0 [sflag:s1], $0x80  }
0x3c: {  	[sflag:s1] =	ssyncset.done @!p0 $0x0  }
0x3d: {  	[sflag:s1] =	ssyncadd.s32 @!p0 $0xFFFFFF80  }
0x3e: {  	[spmem:s13] =	stream.linear.scatter @!p0 [tilespmem:s0], [sflag:$0x2], $0x80, $0x38;
	[tilespmem:$0x2B80] =	vst v63  }
0x3f: {  	_ =	swait.ge @!p0 [sflag:s1], $0x80  }
0x40: {  	[sflag:s1] =	ssyncset.done @!p0 $0x0  }
0x41: {  	[sflag:s1] =	ssyncadd.s32 @!p0 $0xFFFFFF80  }
0x42: {  	[spmem:s14] =	stream.linear.scatter @!p0 [tilespmem:s0], [sflag:$0x2], $0x80, $0x38;
	[tilespmem:$0x2B80] =	vst v63  }
0x43: {  	_ =	swait.ge @!p0 [sflag:s1], $0x80  }
0x44: {  	[sflag:s1] =	ssyncset.done @!p0 $0x0  }
0x45: {  	[sflag:s1] =	ssyncadd.s32 @!p0 $0xFFFFFF80  }
0x46: {  	[spmem:s15] =	stream.linear.scatter @!p0 [tilespmem:s0], [sflag:$0x2], $0x80, $0x38;
	[tilespmem:$0x2B80] =	vst v63  }
0x47: {  	_ =	swait.ge @!p0 [sflag:s1], $0x80  }
0x48: {  	[sflag:s1] =	ssyncset.done @!p0 $0x0  }
0x49: {  	[sflag:s1] =	ssyncadd.s32 @!p0 $0xFFFFFF80  }
0x4a: {  	s3 =	simm.s32 $0x0;
	s20 =	simm.s32 $0x280;
	[bflag:$0x0] =	sbarrier.arrive $0xFFFF  }
0x4b: {  	[tilespmem:s20], [sflag:$0x2] =	stream.linear.gather [hbm4b:s8+s3], $0x2800, $0x38;
	[tilespmem:$0x2B80] =	vst v63  }
0x4c: {  	_ =	swait.ge [sflag:s26], $0x2800  }
0x4d: {  	[sflag:s26] =	ssyncset.done $0x0  }
0x4e: {  	s1 =	simm.s32 $0x0;
	[sflag:s26] =	ssyncadd.s32 $0xFFFFD800  }
.LBB2_2:
0x4f: {  	p1 =	sne.s32 s1, $0x9E00  }
.Ltmp0:
0x50: {  	_ = 	snop;
	(pc) =	sbr.rel @p1 .LBB2_2-.Ltmp0, $4  }
0x51: {  	_ = 	snop  }
0x52: {  	s0 =	sshra.s32 s1, $0x2  }
0x53: {  	s1 =	sadd.s32 $0x200, s1;
	s0 =	sadd.s32 $0x280, s0  }
0x54: {  	[spmem:s2] =	stream.indirect.scatter.add.f32 [tilespmem:s29], [sflag:$0x1], $0x1, s0, s28, $0xb8;
	[tilespmem:$0x2B80] =	vst v63  }
0x55: {  	_ =	swait.ge [sflag:s30], $0x80  }
0x56: {  	s1 =	simm.s32 $0x4F;
	[sflag:s30] =	ssyncset.done $0x0  }
.LBB2_4:
0x57: {  	p1 =	sne.s32 s1, $0x1;
	s1 =	sadd.s32 $0xFFFFFFFF, s1;
	[sflag:s30] =	ssyncadd.s32 $0xFFFFFF80  }
.Ltmp1:
0x58: {  	(pc) =	sbr.rel @p1 .LBB2_4-.Ltmp1, $3  }
0x59: {  	_ =	sdelay $0x1  }
0x5a: {  	_ =	swait.ge [sflag:s30], $0x80  }
0x5b: {  	[sflag:s30] =	ssyncset.done $0x0  }
0x5c: {  	[sflag:s30] =	ssyncadd.s32 $0xFFFFFF80  }
0x5d: {  	s0 =	simm.s32 @p0 $0x2B00;
	s1 =	simm.s32 @p0 $0x2;
	[bflag:$0x0] =	sbarrier.arrive $0xFFFF  }
0x5e: {  	[tilespmem:s0], [sflag:$0x2] =	stream.linear.gather @p0 [spmem:s4], $0x80, $0x38;
	[tilespmem:$0x2B80] =	vst v63  }
0x5f: {  	_ =	swait.ge @p0 [sflag:s1], $0x80  }
0x60: {  	[sflag:s1] =	ssyncset.done @p0 $0x0  }
0x61: {  	s3 =	sadd.s32 @p0 $0x4B0, s9;
	s20 =	simm.s32 @p0 $0x0;
	[sflag:s1] =	ssyncadd.s32 @p0 $0xFFFFFF80  }
0x62: {  	[hbm4b:s3+s20] =	stream.linear.scatter @p0 [tilespmem:s0], [sflag:$0x2], $0x80, $0x38;
	[tilespmem:$0x2B80] =	vst v63  }
0x63: {  	_ =	swait.ge @p0 [sflag:s1], $0x80  }
0x64: {  	[sflag:s1] =	ssyncset.done @p0 $0x0  }
0x65: {  	[sflag:s1] =	ssyncadd.s32 @p0 $0xFFFFFF80  }
0x66: {  	[tilespmem:s0], [sflag:$0x2] =	stream.linear.gather @p0 [spmem:s5], $0x80, $0x38;
	[tilespmem:$0x2B80] =	vst v63  }
0x67: {  	_ =	swait.ge @p0 [sflag:s1], $0x80  }
0x68: {  	[sflag:s1] =	ssyncset.done @p0 $0x0  }
0x69: {  	s3 =	sadd.s32 @p0 $0x4C0, s9;
	[sflag:s1] =	ssyncadd.s32 @p0 $0xFFFFFF80  }
0x6a: {  	[hbm4b:s3+s20] =	stream.linear.scatter @p0 [tilespmem:s0], [sflag:$0x2], $0x80, $0x38;
	[tilespmem:$0x2B80] =	vst v63  }
0x6b: {  	_ =	swait.ge @p0 [sflag:s1], $0x80  }
0x6c: {  	[sflag:s1] =	ssyncset.done @p0 $0x0  }
0x6d: {  	[sflag:s1] =	ssyncadd.s32 @p0 $0xFFFFFF80  }
0x6e: {  	[tilespmem:s0], [sflag:$0x2] =	stream.linear.gather @p0 [spmem:s6], $0x80, $0x38;
	[tilespmem:$0x2B80] =	vst v63  }
0x6f: {  	_ =	swait.ge @p0 [sflag:s1], $0x80  }
0x70: {  	[sflag:s1] =	ssyncset.done @p0 $0x0  }
0x71: {  	s3 =	sadd.s32 @p0 $0x4D0, s9;
	[sflag:s1] =	ssyncadd.s32 @p0 $0xFFFFFF80  }
0x72: {  	[hbm4b:s3+s20] =	stream.linear.scatter @p0 [tilespmem:s0], [sflag:$0x2], $0x80, $0x38;
	[tilespmem:$0x2B80] =	vst v63  }
0x73: {  	_ =	swait.ge @p0 [sflag:s1], $0x80  }
0x74: {  	[sflag:s1] =	ssyncset.done @p0 $0x0  }
0x75: {  	[sflag:s1] =	ssyncadd.s32 @p0 $0xFFFFFF80  }
0x76: {  	[tilespmem:s0], [sflag:$0x2] =	stream.linear.gather @p0 [spmem:s7], $0x10, $0x38;
	[tilespmem:$0x2B80] =	vst v63  }
0x77: {  	_ =	swait.ge @p0 [sflag:s1], $0x10  }
0x78: {  	[sflag:s1] =	ssyncset.done @p0 $0x0  }
0x79: {  	s3 =	sadd.s32 @p0 $0x4E0, s9;
	[sflag:s1] =	ssyncadd.s32 @p0 $0xFFFFFFF0  }
0x7a: {  	[hbm4b:s3+s20] =	stream.linear.scatter @p0 [tilespmem:s0], [sflag:$0x2], $0x10, $0x38;
	[tilespmem:$0x2B80] =	vst v63  }
0x7b: {  	_ =	swait.ge @p0 [sflag:s1], $0x10  }
0x7c: {  	[sflag:s1] =	ssyncset.done @p0 $0x0  }
0x7d: {  	s0 =	simm.s32 @!p0 $0x2B00;
	[sflag:s1] =	ssyncadd.s32 @p0 $0xFFFFFFF0;
	s1 =	simm.s32 @!p0 $0x2  }
0x7e: {  	[tilespmem:s0], [sflag:$0x2] =	stream.linear.gather @!p0 [spmem:s11], $0x80, $0x38;
	[tilespmem:$0x2B80] =	vst v63  }
0x7f: {  	_ =	swait.ge @!p0 [sflag:s1], $0x80  }
0x80: {  	[sflag:s1] =	ssyncset.done @!p0 $0x0  }
0x81: {  	s3 =	simm.s32 @!p0 $0x0;
	[sflag:s1] =	ssyncadd.s32 @!p0 $0xFFFFFF80  }
0x82: {  	[hbm4b:s21+s3] =	stream.linear.scatter @!p0 [tilespmem:s0], [sflag:$0x2], $0x80, $0x38;
	[tilespmem:$0x2B80] =	vst v63  }
0x83: {  	_ =	swait.ge @!p0 [sflag:s1], $0x80  }
0x84: {  	[sflag:s1] =	ssyncset.done @!p0 $0x0  }
0x85: {  	[sflag:s1] =	ssyncadd.s32 @!p0 $0xFFFFFF80  }
0x86: {  	[tilespmem:s0], [sflag:$0x2] =	stream.linear.gather @!p0 [spmem:s16], $0x80, $0x38;
	[tilespmem:$0x2B80] =	vst v63  }
0x87: {  	_ =	swait.ge @!p0 [sflag:s1], $0x80  }
0x88: {  	[sflag:s1] =	ssyncset.done @!p0 $0x0  }
0x89: {  	[sflag:s1] =	ssyncadd.s32 @!p0 $0xFFFFFF80  }
0x8a: {  	[hbm4b:s22+s3] =	stream.linear.scatter @!p0 [tilespmem:s0], [sflag:$0x2], $0x80, $0x38;
	[tilespmem:$0x2B80] =	vst v63  }
0x8b: {  	_ =	swait.ge @!p0 [sflag:s1], $0x80  }
0x8c: {  	[sflag:s1] =	ssyncset.done @!p0 $0x0  }
0x8d: {  	[sflag:s1] =	ssyncadd.s32 @!p0 $0xFFFFFF80  }
0x8e: {  	[tilespmem:s0], [sflag:$0x2] =	stream.linear.gather @!p0 [spmem:s17], $0x80, $0x38;
	[tilespmem:$0x2B80] =	vst v63  }
0x8f: {  	_ =	swait.ge @!p0 [sflag:s1], $0x80  }
0x90: {  	[sflag:s1] =	ssyncset.done @!p0 $0x0  }
0x91: {  	[sflag:s1] =	ssyncadd.s32 @!p0 $0xFFFFFF80  }
0x92: {  	[hbm4b:s23+s3] =	stream.linear.scatter @!p0 [tilespmem:s0], [sflag:$0x2], $0x80, $0x38;
	[tilespmem:$0x2B80] =	vst v63  }
0x93: {  	_ =	swait.ge @!p0 [sflag:s1], $0x80  }
0x94: {  	[sflag:s1] =	ssyncset.done @!p0 $0x0  }
0x95: {  	[sflag:s1] =	ssyncadd.s32 @!p0 $0xFFFFFF80  }
0x96: {  	[tilespmem:s0], [sflag:$0x2] =	stream.linear.gather @!p0 [spmem:s18], $0x80, $0x38;
	[tilespmem:$0x2B80] =	vst v63  }
0x97: {  	_ =	swait.ge @!p0 [sflag:s1], $0x80  }
0x98: {  	[sflag:s1] =	ssyncset.done @!p0 $0x0  }
0x99: {  	[sflag:s1] =	ssyncadd.s32 @!p0 $0xFFFFFF80  }
0x9a: {  	[hbm4b:s24+s3] =	stream.linear.scatter @!p0 [tilespmem:s0], [sflag:$0x2], $0x80, $0x38;
	[tilespmem:$0x2B80] =	vst v63  }
0x9b: {  	_ =	swait.ge @!p0 [sflag:s1], $0x80  }
0x9c: {  	[sflag:s1] =	ssyncset.done @!p0 $0x0  }
0x9d: {  	[sflag:s1] =	ssyncadd.s32 @!p0 $0xFFFFFF80  }
0x9e: {  	[tilespmem:s0], [sflag:$0x2] =	stream.linear.gather @!p0 [spmem:s19], $0x80, $0x38;
	[tilespmem:$0x2B80] =	vst v63  }
0x9f: {  	s31 =	sadd.s32 $0x1, s31;
	_ =	swait.ge @!p0 [sflag:s1], $0x80  }
0xa0: {  	p1 =	sne.s32 s31, s10;
	[sflag:s1] =	ssyncset.done @!p0 $0x0  }
.Ltmp2:
0xa1: {  	[sflag:s1] =	ssyncadd.s32 @!p0 $0xFFFFFF80;
	(pc) =	sbr.rel @p1 .LBB2_1-.Ltmp2, $4  }
0xa2: {  	[hbm4b:s25+s3] =	stream.linear.scatter @!p0 [tilespmem:s0], [sflag:$0x2], $0x80, $0x38;
	[tilespmem:$0x2B80] =	vst v63  }
0xa3: {  	_ =	swait.ge @!p0 [sflag:s1], $0x80  }
0xa4: {  	[sflag:s1] =	ssyncset.done @!p0 $0x0  }
0xa5: {  	[sflag:s1] =	ssyncadd.s32 @!p0 $0xFFFFFF80  }
0xa6: {  	_ =	sfence.sel $0x180000  }
0xa7: {  	[bflag:$0x0] =	sbarrier.arrive $0xFFFF  }
0xa8: {  	_ =	strace $0x90000047  }
0xa9: {  	s0 =	stileid.u32;
	[bflag:$0x2] =	sbarrier.arrive $0xFFFF  }
0xaa: {  	p0 =	sne.s32 s0, $0x0;
	s0 =	rddreg [dreg:$0x3]  }
0xab: {  	s0 =	sadd.s32 @!p0 $0x100000, s0  }
0xac: {  	[sflag:s0] =	ssyncadd.tile.s32 @!p0 $0x1;
	_ =	shalt  }
.Lfunc_end2:
_tile_overlayer_lowered:
.L_overlay_start_2:
0xad: {  	(tag) =	ssettag $0x2  }
0xae: {  	s0 =	rddreg [dreg:$0x0];
	s2 =	stileid.u32  }
0xaf: {  	s1 =	rddreg [dreg:$0x1];
	p0 =	sne.s32 s2, $0x0  }
0xb0: {  	s3 =	rddreg [dreg:$0x2];
	[bflag:$0x3] =	sbarrier.arrive $0xFFFF;
	s2 =	simm.s32 @!p0 $0x1C02  }
0xb1: {  	[timem:s3], [sflag:s2] =	dma.local @!p0 [hbm:s0], s1  }
0xb2: {  	s0 =	simm.s32 @!p0 $0x2  }
0xb3: {  	_ =	swait.ge @!p0 [sflag:s0], s1  }
0xb4: {  	s1 =	ssub.s32 @!p0 $0x0, s1;
	[sflag:s0] =	ssyncset.done @!p0 $0x0  }
0xb5: {  	[sflag:s0] =	ssyncadd.s32 @!p0 s1  }
0xb6: {  	[bflag:$0x3] =	sbarrier.arrive $0xFFFF  }
0xb7: {  	_ =	shalt  }

</sc_bundles>
